<compile_context>
chip_gen: v7x
topology: tpu7x:2x2x1
jax: 0.10.2.dev20260603
libtpu: 0.0.44.dev20260713+nightly
codegen_flags: <defaults>
</compile_context>

<pallas_src>
import functools

import jax
import jax.numpy as jnp
from jax import lax
from jax.experimental import pallas as pl
from jax.experimental.pallas import tpu as pltpu
from jax.experimental.pallas import tpu_sc as plsc

_NC = 2
_NS = 16
_NW = _NC * _NS
_LANES = 16
_RPE = 4


def _pool_stage(x2, table, Wt, b, inv_seq, DP):
  V, E = table.shape
  C = Wt.shape[0]
  BR, H = x2.shape
  B = BR // _RPE
  KC = E // _LANES
  per_w = B // _NW
  NSLOT = 2 * _RPE
  DIST = NSLOT - 2

  mesh = plsc.VectorSubcoreMesh(core_axis_name="c", subcore_axis_name="s")

  @functools.partial(
      pl.kernel,
      out_type=jax.ShapeDtypeStruct((B, DP), jnp.float32),
      mesh=mesh,
      scratch_types=[
          pltpu.VMEM((_RPE * per_w, H), jnp.int32),
          pltpu.VMEM((NSLOT, H, E), jnp.float32),
          pltpu.VMEM((2, 8, DP), jnp.float32),
          pltpu.VMEM((C, E), jnp.float32),
          pltpu.VMEM((_LANES,), jnp.float32),
          [pltpu.SemaphoreType.DMA] * NSLOT,
          pltpu.SemaphoreType.DMA,
      ],
  )
  def body(
      x2_hbm, tab_hbm, wt_hbm, b_hbm, out_hbm,
      idx_v, rows_v, out_v, w_v, b_v, sems, sem_out,
  ):
    wid = lax.axis_index("s") * _NC + lax.axis_index("c")
    NJ = _RPE * per_w
    pltpu.sync_copy(
        x2_hbm.at[pl.ds(pl.multiple_of(wid * NJ, 8), NJ)],
        idx_v,
    )
    pltpu.sync_copy(wt_hbm, w_v)
    pltpu.sync_copy(b_hbm, b_v)
    bvals = b_v[...]
    wvec = [
        [w_v[c, pl.ds(k * _LANES, _LANES)] for k in range(KC)]
        for c in range(C)
    ]

    def fire(j, slot):
      pltpu.async_copy(tab_hbm.at[idx_v.at[j]], rows_v.at[slot], sems[slot])

    def drain(slot):
      pltpu.make_async_copy(
          tab_hbm.at[idx_v.at[0]], rows_v.at[slot], sems[slot]
      ).wait()

    def drain_out():
      pltpu.make_async_copy(
          out_v.at[0],
          out_hbm.at[pl.ds(pl.multiple_of(wid * per_w, 8), 8)],
          sem_out,
      ).wait()

    def partial_reduce(slot, acc):
      def g_body(g, acc):
        out = list(acc)
        for u in range(5):
          t = 5 * g + u
          for k in range(KC):
            out[k] = out[k] + rows_v[slot, t, pl.ds(k * _LANES, _LANES)]
        return tuple(out)
      return lax.fori_loop(0, H // 5, g_body, acc)

    def finalize_elem(e, acc):
      @pl.when((e % 8 == 0) & (e >= 16))
      def _():
        drain_out()
      buf = (e // 8) % 2
      row = e % 8
      lanes = lax.iota(jnp.int32, _LANES)
      logit_vec = jnp.zeros((_LANES,), jnp.float32)
      for c in range(C):
        m = acc[0] * wvec[c][0]
        for k in range(1, KC):
          m = m + acc[k] * wvec[c][k]
        for fold in (8, 4, 2, 1):
          perm = jnp.bitwise_xor(lanes, fold)
          m = m + m.at[perm].get(mode="promise_in_bounds")
        o = m * inv_seq + bvals[c]
        logit_vec = jnp.where(lanes == c, o, logit_vec)
      out_v[buf, row, :] = logit_vec
      @pl.when(e % 8 == 7)
      def _():
        pltpu.async_copy(
            out_v.at[buf],
            out_hbm.at[pl.ds(pl.multiple_of(wid * per_w + e - 7, 8), 8)],
            sem_out,
        )

    def run(j0, carry):
      for half in range(2):
        acc = tuple(jnp.zeros((_LANES,), jnp.float32) for _ in range(KC))
        for q in range(_RPE):
          d = _RPE * half + q
          jcur = j0 + d
          @pl.when(jcur + DIST < NJ)
          def _():
            fire(jcur + DIST, (d + DIST) % NSLOT)
          drain(d)
          acc = partial_reduce(d, acc)
        finalize_elem(j0 // _RPE + half, acc)
      return carry

    for j in range(DIST):
      fire(j, j)
    lax.fori_loop(0, NJ // NSLOT, lambda i, c: run(NSLOT * i, c), 0)
    drain_out()
    drain_out()

  return body(x2, table, Wt, b)


def kernel(x, table, W, b):
  B, S = x.shape
  C = W.shape[1]
  DP = _LANES

  x2 = x.astype(jnp.int32).reshape(B * _RPE, S // _RPE)
  b_pad = jnp.concatenate([b, jnp.zeros((_LANES - C,), b.dtype)])
  out_pad = _pool_stage(x2, table, W.T, b_pad, 1.0 / S, DP)
  return out_pad[:, :C]

# --- scband reference (transcript-rebuilt; emitter-appended) ---
"""Pipeline reference for scband-baseline-classifier-23811298689719 (READ-ONLY COPY).

The authoritative reference and input builder live on the scoring server;
editing this copy changes nothing except your own understanding.
"""

import jax, jax.numpy as jnp
import numpy as np

VOCAB = 1000000
EMB = 128
NUM_CLASSES = 2
BATCH = 4096
SEQ = 200

def setup_inputs(seed: int = 0) -> dict:
    key = jax.random.key(seed)
    k_x, k_tab, k_w, k_b = jax.random.split(key, 4)
    x = jax.random.randint(k_x, (BATCH, SEQ), 0, VOCAB, dtype=jnp.int64) if jax.config.jax_enable_x64 else jax.random.randint(k_x, (BATCH, SEQ), 0, VOCAB, dtype=jnp.int32)
    table = jax.random.normal(k_tab, (VOCAB, EMB), dtype=jnp.float32)
    W = jax.random.normal(k_w, (EMB, NUM_CLASSES), dtype=jnp.float32) * (1.0 / np.sqrt(EMB))
    b = jnp.zeros((NUM_CLASSES,), dtype=jnp.float32)
    return {"x": x, "table": table, "W": W, "b": b}

def reference(x, table, W, b):
    # embedding lookup: gather rows from table
    x_emb = jnp.take(table, x, axis=0)           # [B, S, EMB]
    pooled = jnp.mean(x_emb, axis=1)             # [B, EMB] ('mean' pool)
    out = pooled @ W + b                         # [B, NUM_CLASSES]
    return out

if __name__ == "__main__":
    import jax
    _d = setup_inputs()
    print(jax.jit(kernel)(*tuple(_d.values())))

</pallas_src>

<mosaic_0001>
#map = affine_map<(d0, d1) -> (0, 0)>
#map1 = affine_map<(d0, d1) -> (0)>
module attributes {stable_mosaic.version = 14 : i64} {
  func.func @body(%arg0: i32, %arg1: i32, %arg2: memref<16384x50xi32, #tpu.memory_space<hbm>>, %arg3: memref<1000000x128xf32, #tpu.memory_space<hbm>>, %arg4: memref<2x128xf32, #tpu.memory_space<hbm>>, %arg5: memref<16xf32, #tpu.memory_space<hbm>>, %arg6: memref<4096x16xf32, #tpu.memory_space<hbm>>, %arg7: memref<512x50xi32, #tpu.memory_space<vmem>>, %arg8: memref<8x50x128xf32, #tpu.memory_space<vmem>>, %arg9: memref<2x8x16xf32, #tpu.memory_space<vmem>>, %arg10: memref<2x128xf32, #tpu.memory_space<vmem>>, %arg11: memref<16xf32, #tpu.memory_space<vmem>>, %arg12: memref<!tpu.dma_semaphore, #tpu.memory_space<semaphore_mem>>, %arg13: memref<!tpu.dma_semaphore, #tpu.memory_space<semaphore_mem>>, %arg14: memref<!tpu.dma_semaphore, #tpu.memory_space<semaphore_mem>>, %arg15: memref<!tpu.dma_semaphore, #tpu.memory_space<semaphore_mem>>, %arg16: memref<!tpu.dma_semaphore, #tpu.memory_space<semaphore_mem>>, %arg17: memref<!tpu.dma_semaphore, #tpu.memory_space<semaphore_mem>>, %arg18: memref<!tpu.dma_semaphore, #tpu.memory_space<semaphore_mem>>, %arg19: memref<!tpu.dma_semaphore, #tpu.memory_space<semaphore_mem>>, %arg20: memref<!tpu.dma_semaphore, #tpu.memory_space<semaphore_mem>>) attributes {dimension_semantics = [#tpu.dimension_semantics<core_parallel>, #tpu.dimension_semantics<subcore_parallel>], iteration_bounds = array<i64: 2, 16>, scalar_prefetch = 0 : i64, scratch_operands = 14 : i64, tpu.core_type = #tpu.core_type<sc_vector_subcore>, window_params = [{transform_indices = #map}, {transform_indices = #map}, {transform_indices = #map}, {transform_indices = #map1}, {transform_indices = #map}]} {
    %mul3A = arith.constant 2 : i32
    %mul3A_0 = arith.muli %arg1, %mul3A : i32
    %add3A = arith.addi %mul3A_0, %arg0 : i32
    %mul3A_1 = arith.constant 512 : i32
    %mul3A_2 = arith.muli %add3A, %mul3A_1 : i32
    %multiple_of3A = tpu.assume_multiple %mul3A_2, 8 : i32
    "tpu.region"() ({
      %run_scoped3A = tpu.sem_alloc : memref<!tpu.dma_semaphore, #tpu.memory_space<semaphore_mem>>
      %dma_start3A_192 = arith.constant 0 : i32
      %dma_start3A_193 = tpu.memref_slice %arg2[%multiple_of3A, %dma_start3A_192] : memref<16384x50xi32, #tpu.memory_space<hbm>> -> memref<512x50xi32, #tpu.memory_space<hbm>>
      %dma_start3A_194 = arith.constant 0 : i32
      %dma_start3A_195 = tpu.memref_slice %arg2[%multiple_of3A, %dma_start3A_194] : memref<16384x50xi32, #tpu.memory_space<hbm>> -> memref<512x50xi32, #tpu.memory_space<hbm>>
      tpu.enqueue_dma source(%dma_start3A_195 : memref<512x50xi32, #tpu.memory_space<hbm>>) target(%arg7 : memref<512x50xi32, #tpu.memory_space<vmem>>) target_semaphore(%run_scoped3A : memref<!tpu.dma_semaphore, #tpu.memory_space<semaphore_mem>>)
      %dma_wait3A_196 = arith.constant 0 : i32
      %dma_wait3A_197 = tpu.memref_slice %arg2[%multiple_of3A, %dma_wait3A_196] : memref<16384x50xi32, #tpu.memory_space<hbm>> -> memref<512x50xi32, #tpu.memory_space<hbm>>
      %dma_wait3A_198 = arith.constant 0 : i32
      %dma_wait3A_199 = tpu.memref_slice %arg2[%multiple_of3A, %dma_wait3A_198] : memref<16384x50xi32, #tpu.memory_space<hbm>> -> memref<512x50xi32, #tpu.memory_space<hbm>>
      tpu.wait_dma2 semaphore(%run_scoped3A : memref<!tpu.dma_semaphore, #tpu.memory_space<semaphore_mem>>) src(%dma_wait3A_199 : memref<512x50xi32, #tpu.memory_space<hbm>>) dst(%arg7 : memref<512x50xi32, #tpu.memory_space<vmem>>)
      tpu.yield
    }) : () -> ()
    "tpu.region"() ({
      %run_scoped3A = tpu.sem_alloc : memref<!tpu.dma_semaphore, #tpu.memory_space<semaphore_mem>>
      tpu.enqueue_dma source(%arg4 : memref<2x128xf32, #tpu.memory_space<hbm>>) target(%arg10 : memref<2x128xf32, #tpu.memory_space<vmem>>) target_semaphore(%run_scoped3A : memref<!tpu.dma_semaphore, #tpu.memory_space<semaphore_mem>>)
      tpu.wait_dma2 semaphore(%run_scoped3A : memref<!tpu.dma_semaphore, #tpu.memory_space<semaphore_mem>>) src(%arg4 : memref<2x128xf32, #tpu.memory_space<hbm>>) dst(%arg10 : memref<2x128xf32, #tpu.memory_space<vmem>>)
      tpu.yield
    }) : () -> ()
    "tpu.region"() ({
      %run_scoped3A = tpu.sem_alloc : memref<!tpu.dma_semaphore, #tpu.memory_space<semaphore_mem>>
      tpu.enqueue_dma source(%arg5 : memref<16xf32, #tpu.memory_space<hbm>>) target(%arg11 : memref<16xf32, #tpu.memory_space<vmem>>) target_semaphore(%run_scoped3A : memref<!tpu.dma_semaphore, #tpu.memory_space<semaphore_mem>>)
      tpu.wait_dma2 semaphore(%run_scoped3A : memref<!tpu.dma_semaphore, #tpu.memory_space<semaphore_mem>>) src(%arg5 : memref<16xf32, #tpu.memory_space<hbm>>) dst(%arg11 : memref<16xf32, #tpu.memory_space<vmem>>)
      tpu.yield
    }) : () -> ()
    %get3A = arith.constant 0 : index
    %get3A_3 = tpu.vector_load %arg11[%get3A] {strides = array<i32>} : memref<16xf32, #tpu.memory_space<vmem>>, vector<16xf32>,
    %get3A_4 = vector.shape_cast %get3A_3 : vector<16xf32> to vector<16xf32>
    %get3A_5 = arith.constant 0 : i32
    %get3A_6 = arith.index_cast %get3A_5 : i32 to index
    %get3A_7 = arith.constant 0 : index
    %get3A_8 = tpu.vector_load %arg10[%get3A_6, %get3A_7] {strides = array<i32>} : memref<2x128xf32, #tpu.memory_space<vmem>>, vector<1x16xf32>,
    %get3A_9 = vector.shape_cast %get3A_8 : vector<1x16xf32> to vector<16xf32>
    %get3A_10 = arith.constant 0 : i32
    %get3A_11 = arith.index_cast %get3A_10 : i32 to index
    %get3A_12 = arith.constant 16 : index
    %get3A_13 = tpu.vector_load %arg10[%get3A_11, %get3A_12] {strides = array<i32>} : memref<2x128xf32, #tpu.memory_space<vmem>>, vector<1x16xf32>,
    %get3A_14 = vector.shape_cast %get3A_13 : vector<1x16xf32> to vector<16xf32>
    %get3A_15 = arith.constant 0 : i32
    %get3A_16 = arith.index_cast %get3A_15 : i32 to index
    %get3A_17 = arith.constant 32 : index
    %get3A_18 = tpu.vector_load %arg10[%get3A_16, %get3A_17] {strides = array<i32>} : memref<2x128xf32, #tpu.memory_space<vmem>>, vector<1x16xf32>,
    %get3A_19 = vector.shape_cast %get3A_18 : vector<1x16xf32> to vector<16xf32>
    %get3A_20 = arith.constant 0 : i32
    %get3A_21 = arith.index_cast %get3A_20 : i32 to index
    %get3A_22 = arith.constant 48 : index
    %get3A_23 = tpu.vector_load %arg10[%get3A_21, %get3A_22] {strides = array<i32>} : memref<2x128xf32, #tpu.memory_space<vmem>>, vector<1x16xf32>,
    %get3A_24 = vector.shape_cast %get3A_23 : vector<1x16xf32> to vector<16xf32>
    %get3A_25 = arith.constant 0 : i32
    %get3A_26 = arith.index_cast %get3A_25 : i32 to index
    %get3A_27 = arith.constant 64 : index
    %get3A_28 = tpu.vector_load %arg10[%get3A_26, %get3A_27] {strides = array<i32>} : memref<2x128xf32, #tpu.memory_space<vmem>>, vector<1x16xf32>,
    %get3A_29 = vector.shape_cast %get3A_28 : vector<1x16xf32> to vector<16xf32>
    %get3A_30 = arith.constant 0 : i32
    %get3A_31 = arith.index_cast %get3A_30 : i32 to index
    %get3A_32 = arith.constant 80 : index
    %get3A_33 = tpu.vector_load %arg10[%get3A_31, %get3A_32] {strides = array<i32>} : memref<2x128xf32, #tpu.memory_space<vmem>>, vector<1x16xf32>,
    %get3A_34 = vector.shape_cast %get3A_33 : vector<1x16xf32> to vector<16xf32>
    %get3A_35 = arith.constant 0 : i32
    %get3A_36 = arith.index_cast %get3A_35 : i32 to index
    %get3A_37 = arith.constant 96 : index
    %get3A_38 = tpu.vector_load %arg10[%get3A_36, %get3A_37] {strides = array<i32>} : memref<2x128xf32, #tpu.memory_space<vmem>>, vector<1x16xf32>,
    %get3A_39 = vector.shape_cast %get3A_38 : vector<1x16xf32> to vector<16xf32>
    %get3A_40 = arith.constant 0 : i32
    %get3A_41 = arith.index_cast %get3A_40 : i32 to index
    %get3A_42 = arith.constant 112 : index
    %get3A_43 = tpu.vector_load %arg10[%get3A_41, %get3A_42] {strides = array<i32>} : memref<2x128xf32, #tpu.memory_space<vmem>>, vector<1x16xf32>,
    %get3A_44 = vector.shape_cast %get3A_43 : vector<1x16xf32> to vector<16xf32>
    %get3A_45 = arith.constant 1 : i32
    %get3A_46 = arith.index_cast %get3A_45 : i32 to index
    %get3A_47 = arith.constant 0 : index
    %get3A_48 = tpu.vector_load %arg10[%get3A_46, %get3A_47] {strides = array<i32>} : memref<2x128xf32, #tpu.memory_space<vmem>>, vector<1x16xf32>,
    %get3A_49 = vector.shape_cast %get3A_48 : vector<1x16xf32> to vector<16xf32>
    %get3A_50 = arith.constant 1 : i32
    %get3A_51 = arith.index_cast %get3A_50 : i32 to index
    %get3A_52 = arith.constant 16 : index
    %get3A_53 = tpu.vector_load %arg10[%get3A_51, %get3A_52] {strides = array<i32>} : memref<2x128xf32, #tpu.memory_space<vmem>>, vector<1x16xf32>,
    %get3A_54 = vector.shape_cast %get3A_53 : vector<1x16xf32> to vector<16xf32>
    %get3A_55 = arith.constant 1 : i32
    %get3A_56 = arith.index_cast %get3A_55 : i32 to index
    %get3A_57 = arith.constant 32 : index
    %get3A_58 = tpu.vector_load %arg10[%get3A_56, %get3A_57] {strides = array<i32>} : memref<2x128xf32, #tpu.memory_space<vmem>>, vector<1x16xf32>,
    %get3A_59 = vector.shape_cast %get3A_58 : vector<1x16xf32> to vector<16xf32>
    %get3A_60 = arith.constant 1 : i32
    %get3A_61 = arith.index_cast %get3A_60 : i32 to index
    %get3A_62 = arith.constant 48 : index
    %get3A_63 = tpu.vector_load %arg10[%get3A_61, %get3A_62] {strides = array<i32>} : memref<2x128xf32, #tpu.memory_space<vmem>>, vector<1x16xf32>,
    %get3A_64 = vector.shape_cast %get3A_63 : vector<1x16xf32> to vector<16xf32>
    %get3A_65 = arith.constant 1 : i32
    %get3A_66 = arith.index_cast %get3A_65 : i32 to index
    %get3A_67 = arith.constant 64 : index
    %get3A_68 = tpu.vector_load %arg10[%get3A_66, %get3A_67] {strides = array<i32>} : memref<2x128xf32, #tpu.memory_space<vmem>>, vector<1x16xf32>,
    %get3A_69 = vector.shape_cast %get3A_68 : vector<1x16xf32> to vector<16xf32>
    %get3A_70 = arith.constant 1 : i32
    %get3A_71 = arith.index_cast %get3A_70 : i32 to index
    %get3A_72 = arith.constant 80 : index
    %get3A_73 = tpu.vector_load %arg10[%get3A_71, %get3A_72] {strides = array<i32>} : memref<2x128xf32, #tpu.memory_space<vmem>>, vector<1x16xf32>,
    %get3A_74 = vector.shape_cast %get3A_73 : vector<1x16xf32> to vector<16xf32>
    %get3A_75 = arith.constant 1 : i32
    %get3A_76 = arith.index_cast %get3A_75 : i32 to index
    %get3A_77 = arith.constant 96 : index
    %get3A_78 = tpu.vector_load %arg10[%get3A_76, %get3A_77] {strides = array<i32>} : memref<2x128xf32, #tpu.memory_space<vmem>>, vector<1x16xf32>,
    %get3A_79 = vector.shape_cast %get3A_78 : vector<1x16xf32> to vector<16xf32>
    %get3A_80 = arith.constant 1 : i32
    %get3A_81 = arith.index_cast %get3A_80 : i32 to index
    %get3A_82 = arith.constant 112 : index
    %get3A_83 = tpu.vector_load %arg10[%get3A_81, %get3A_82] {strides = array<i32>} : memref<2x128xf32, #tpu.memory_space<vmem>>, vector<1x16xf32>,
    %get3A_84 = vector.shape_cast %get3A_83 : vector<1x16xf32> to vector<16xf32>
    %dma_start3A = arith.constant 0 : i32
    %dma_start3A_85 = arith.constant 0 : i32
    %dma_start3A_86 = arith.constant 0 : i32
    %dma_start3A_87 = arith.constant 0 : i32
    %dma_start3A_88 = tpu.memref_slice %arg8[%dma_start3A_85, %dma_start3A_86, %dma_start3A_87] : memref<8x50x128xf32, #tpu.memory_space<vmem>> -> memref<1x50x128xf32, #tpu.memory_space<vmem>>
    %dma_start3A_89 = tpu.memref_squeeze %dma_start3A_88 : memref<1x50x128xf32, #tpu.memory_space<vmem>> -> memref<50x128xf32, #tpu.memory_space<vmem>>
    %dma_start3A_90 = arith.constant 0 : i32
    %dma_start3A_91 = tpu.memref_slice %arg7[%dma_start3A, %dma_start3A_90] : memref<512x50xi32, #tpu.memory_space<vmem>> -> memref<1x50xi32, #tpu.memory_space<vmem>>
    %dma_start3A_92 = tpu.memref_squeeze %dma_start3A_91 : memref<1x50xi32, #tpu.memory_space<vmem>> -> memref<50xi32, #tpu.memory_space<vmem>>
    %dma_start3A_93 = arith.constant 0 : i32
    %dma_start3A_94 = arith.constant 0 : i32
    %dma_start3A_95 = tpu.memref_slice %arg3[%dma_start3A_93, %dma_start3A_94] : memref<1000000x128xf32, #tpu.memory_space<hbm>> -> memref<1000000x128xf32, #tpu.memory_space<hbm>>
    tpu.enqueue_indirect_dma source(%dma_start3A_95 : memref<1000000x128xf32, #tpu.memory_space<hbm>>) target(%dma_start3A_89 : memref<50x128xf32, #tpu.memory_space<vmem>>) offsets(%dma_start3A_92 : memref<50xi32, #tpu.memory_space<vmem>>) semaphore(%arg12 : memref<!tpu.dma_semaphore, #tpu.memory_space<semaphore_mem>>)
    %dma_start3A_96 = arith.constant 1 : i32
    %dma_start3A_97 = arith.constant 1 : i32
    %dma_start3A_98 = arith.constant 0 : i32
    %dma_start3A_99 = arith.constant 0 : i32
    %dma_start3A_100 = tpu.memref_slice %arg8[%dma_start3A_97, %dma_start3A_98, %dma_start3A_99] : memref<8x50x128xf32, #tpu.memory_space<vmem>> -> memref<1x50x128xf32, #tpu.memory_space<vmem>>
    %dma_start3A_101 = tpu.memref_squeeze %dma_start3A_100 : memref<1x50x128xf32, #tpu.memory_space<vmem>> -> memref<50x128xf32, #tpu.memory_space<vmem>>
    %dma_start3A_102 = arith.constant 0 : i32
    %dma_start3A_103 = tpu.memref_slice %arg7[%dma_start3A_96, %dma_start3A_102] : memref<512x50xi32, #tpu.memory_space<vmem>> -> memref<1x50xi32, #tpu.memory_space<vmem>>
    %dma_start3A_104 = tpu.memref_squeeze %dma_start3A_103 : memref<1x50xi32, #tpu.memory_space<vmem>> -> memref<50xi32, #tpu.memory_space<vmem>>
    %dma_start3A_105 = arith.constant 0 : i32
    %dma_start3A_106 = arith.constant 0 : i32
    %dma_start3A_107 = tpu.memref_slice %arg3[%dma_start3A_105, %dma_start3A_106] : memref<1000000x128xf32, #tpu.memory_space<hbm>> -> memref<1000000x128xf32, #tpu.memory_space<hbm>>
    tpu.enqueue_indirect_dma source(%dma_start3A_107 : memref<1000000x128xf32, #tpu.memory_space<hbm>>) target(%dma_start3A_101 : memref<50x128xf32, #tpu.memory_space<vmem>>) offsets(%dma_start3A_104 : memref<50xi32, #tpu.memory_space<vmem>>) semaphore(%arg13 : memref<!tpu.dma_semaphore, #tpu.memory_space<semaphore_mem>>)
    %dma_start3A_108 = arith.constant 2 : i32
    %dma_start3A_109 = arith.constant 2 : i32
    %dma_start3A_110 = arith.constant 0 : i32
    %dma_start3A_111 = arith.constant 0 : i32
    %dma_start3A_112 = tpu.memref_slice %arg8[%dma_start3A_109, %dma_start3A_110, %dma_start3A_111] : memref<8x50x128xf32, #tpu.memory_space<vmem>> -> memref<1x50x128xf32, #tpu.memory_space<vmem>>
    %dma_start3A_113 = tpu.memref_squeeze %dma_start3A_112 : memref<1x50x128xf32, #tpu.memory_space<vmem>> -> memref<50x128xf32, #tpu.memory_space<vmem>>
    %dma_start3A_114 = arith.constant 0 : i32
    %dma_start3A_115 = tpu.memref_slice %arg7[%dma_start3A_108, %dma_start3A_114] : memref<512x50xi32, #tpu.memory_space<vmem>> -> memref<1x50xi32, #tpu.memory_space<vmem>>
    %dma_start3A_116 = tpu.memref_squeeze %dma_start3A_115 : memref<1x50xi32, #tpu.memory_space<vmem>> -> memref<50xi32, #tpu.memory_space<vmem>>
    %dma_start3A_117 = arith.constant 0 : i32
    %dma_start3A_118 = arith.constant 0 : i32
    %dma_start3A_119 = tpu.memref_slice %arg3[%dma_start3A_117, %dma_start3A_118] : memref<1000000x128xf32, #tpu.memory_space<hbm>> -> memref<1000000x128xf32, #tpu.memory_space<hbm>>
    tpu.enqueue_indirect_dma source(%dma_start3A_119 : memref<1000000x128xf32, #tpu.memory_space<hbm>>) target(%dma_start3A_113 : memref<50x128xf32, #tpu.memory_space<vmem>>) offsets(%dma_start3A_116 : memref<50xi32, #tpu.memory_space<vmem>>) semaphore(%arg14 : memref<!tpu.dma_semaphore, #tpu.memory_space<semaphore_mem>>)
    %dma_start3A_120 = arith.constant 3 : i32
    %dma_start3A_121 = arith.constant 3 : i32
    %dma_start3A_122 = arith.constant 0 : i32
    %dma_start3A_123 = arith.constant 0 : i32
    %dma_start3A_124 = tpu.memref_slice %arg8[%dma_start3A_121, %dma_start3A_122, %dma_start3A_123] : memref<8x50x128xf32, #tpu.memory_space<vmem>> -> memref<1x50x128xf32, #tpu.memory_space<vmem>>
    %dma_start3A_125 = tpu.memref_squeeze %dma_start3A_124 : memref<1x50x128xf32, #tpu.memory_space<vmem>> -> memref<50x128xf32, #tpu.memory_space<vmem>>
    %dma_start3A_126 = arith.constant 0 : i32
    %dma_start3A_127 = tpu.memref_slice %arg7[%dma_start3A_120, %dma_start3A_126] : memref<512x50xi32, #tpu.memory_space<vmem>> -> memref<1x50xi32, #tpu.memory_space<vmem>>
    %dma_start3A_128 = tpu.memref_squeeze %dma_start3A_127 : memref<1x50xi32, #tpu.memory_space<vmem>> -> memref<50xi32, #tpu.memory_space<vmem>>
    %dma_start3A_129 = arith.constant 0 : i32
    %dma_start3A_130 = arith.constant 0 : i32
    %dma_start3A_131 = tpu.memref_slice %arg3[%dma_start3A_129, %dma_start3A_130] : memref<1000000x128xf32, #tpu.memory_space<hbm>> -> memref<1000000x128xf32, #tpu.memory_space<hbm>>
    tpu.enqueue_indirect_dma source(%dma_start3A_131 : memref<1000000x128xf32, #tpu.memory_space<hbm>>) target(%dma_start3A_125 : memref<50x128xf32, #tpu.memory_space<vmem>>) offsets(%dma_start3A_128 : memref<50xi32, #tpu.memory_space<vmem>>) semaphore(%arg15 : memref<!tpu.dma_semaphore, #tpu.memory_space<semaphore_mem>>)
    %dma_start3A_132 = arith.constant 4 : i32
    %dma_start3A_133 = arith.constant 4 : i32
    %dma_start3A_134 = arith.constant 0 : i32
    %dma_start3A_135 = arith.constant 0 : i32
    %dma_start3A_136 = tpu.memref_slice %arg8[%dma_start3A_133, %dma_start3A_134, %dma_start3A_135] : memref<8x50x128xf32, #tpu.memory_space<vmem>> -> memref<1x50x128xf32, #tpu.memory_space<vmem>>
    %dma_start3A_137 = tpu.memref_squeeze %dma_start3A_136 : memref<1x50x128xf32, #tpu.memory_space<vmem>> -> memref<50x128xf32, #tpu.memory_space<vmem>>
    %dma_start3A_138 = arith.constant 0 : i32
    %dma_start3A_139 = tpu.memref_slice %arg7[%dma_start3A_132, %dma_start3A_138] : memref<512x50xi32, #tpu.memory_space<vmem>> -> memref<1x50xi32, #tpu.memory_space<vmem>>
    %dma_start3A_140 = tpu.memref_squeeze %dma_start3A_139 : memref<1x50xi32, #tpu.memory_space<vmem>> -> memref<50xi32, #tpu.memory_space<vmem>>
    %dma_start3A_141 = arith.constant 0 : i32
    %dma_start3A_142 = arith.constant 0 : i32
    %dma_start3A_143 = tpu.memref_slice %arg3[%dma_start3A_141, %dma_start3A_142] : memref<1000000x128xf32, #tpu.memory_space<hbm>> -> memref<1000000x128xf32, #tpu.memory_space<hbm>>
    tpu.enqueue_indirect_dma source(%dma_start3A_143 : memref<1000000x128xf32, #tpu.memory_space<hbm>>) target(%dma_start3A_137 : memref<50x128xf32, #tpu.memory_space<vmem>>) offsets(%dma_start3A_140 : memref<50xi32, #tpu.memory_space<vmem>>) semaphore(%arg16 : memref<!tpu.dma_semaphore, #tpu.memory_space<semaphore_mem>>)
    %dma_start3A_144 = arith.constant 5 : i32
    %dma_start3A_145 = arith.constant 5 : i32
    %dma_start3A_146 = arith.constant 0 : i32
    %dma_start3A_147 = arith.constant 0 : i32
    %dma_start3A_148 = tpu.memref_slice %arg8[%dma_start3A_145, %dma_start3A_146, %dma_start3A_147] : memref<8x50x128xf32, #tpu.memory_space<vmem>> -> memref<1x50x128xf32, #tpu.memory_space<vmem>>
    %dma_start3A_149 = tpu.memref_squeeze %dma_start3A_148 : memref<1x50x128xf32, #tpu.memory_space<vmem>> -> memref<50x128xf32, #tpu.memory_space<vmem>>
    %dma_start3A_150 = arith.constant 0 : i32
    %dma_start3A_151 = tpu.memref_slice %arg7[%dma_start3A_144, %dma_start3A_150] : memref<512x50xi32, #tpu.memory_space<vmem>> -> memref<1x50xi32, #tpu.memory_space<vmem>>
    %dma_start3A_152 = tpu.memref_squeeze %dma_start3A_151 : memref<1x50xi32, #tpu.memory_space<vmem>> -> memref<50xi32, #tpu.memory_space<vmem>>
    %dma_start3A_153 = arith.constant 0 : i32
    %dma_start3A_154 = arith.constant 0 : i32
    %dma_start3A_155 = tpu.memref_slice %arg3[%dma_start3A_153, %dma_start3A_154] : memref<1000000x128xf32, #tpu.memory_space<hbm>> -> memref<1000000x128xf32, #tpu.memory_space<hbm>>
    tpu.enqueue_indirect_dma source(%dma_start3A_155 : memref<1000000x128xf32, #tpu.memory_space<hbm>>) target(%dma_start3A_149 : memref<50x128xf32, #tpu.memory_space<vmem>>) offsets(%dma_start3A_152 : memref<50xi32, #tpu.memory_space<vmem>>) semaphore(%arg17 : memref<!tpu.dma_semaphore, #tpu.memory_space<semaphore_mem>>)
    %scan3A = arith.constant 0 : i32
    %scan3A_156 = arith.constant 0 : i32
    %scan3A_157 = arith.constant 64 : i32
    %scan3A_158 = arith.addi %scan3A_156, %scan3A_157 : i32
    %scan3A_159 = arith.constant 1 : i32
    scf.for %scan3A_192 = %scan3A_156 to %scan3A_158 step %scan3A_159  : i32 {
      %mul3A_193 = arith.constant 8 : i32
      %mul3A_194 = arith.muli %mul3A_193, %scan3A_192 : i32
      %broadcast_in_dim3A = arith.constant 0.000000e+00 : f32
      %broadcast_in_dim3A_195 = vector.broadcast %broadcast_in_dim3A : f32 to vector<16xf32>
      %broadcast_in_dim3A_196 = arith.constant 0.000000e+00 : f32
      %broadcast_in_dim3A_197 = vector.broadcast %broadcast_in_dim3A_196 : f32 to vector<16xf32>
      %broadcast_in_dim3A_198 = arith.constant 0.000000e+00 : f32
      %broadcast_in_dim3A_199 = vector.broadcast %broadcast_in_dim3A_198 : f32 to vector<16xf32>
      %broadcast_in_dim3A_200 = arith.constant 0.000000e+00 : f32
      %broadcast_in_dim3A_201 = vector.broadcast %broadcast_in_dim3A_200 : f32 to vector<16xf32>
      %broadcast_in_dim3A_202 = arith.constant 0.000000e+00 : f32
      %broadcast_in_dim3A_203 = vector.broadcast %broadcast_in_dim3A_202 : f32 to vector<16xf32>
      %broadcast_in_dim3A_204 = arith.constant 0.000000e+00 : f32
      %broadcast_in_dim3A_205 = vector.broadcast %broadcast_in_dim3A_204 : f32 to vector<16xf32>
      %broadcast_in_dim3A_206 = arith.constant 0.000000e+00 : f32
      %broadcast_in_dim3A_207 = vector.broadcast %broadcast_in_dim3A_206 : f32 to vector<16xf32>
      %broadcast_in_dim3A_208 = arith.constant 0.000000e+00 : f32
      %broadcast_in_dim3A_209 = vector.broadcast %broadcast_in_dim3A_208 : f32 to vector<16xf32>
      %add3A_210 = arith.constant 0 : i32
      %add3A_211 = arith.addi %mul3A_194, %add3A_210 : i32
      %add3A_212 = arith.constant 6 : i32
      %add3A_213 = arith.addi %add3A_211, %add3A_212 : i32
      %lt3A = arith.constant 512 : i32
      %lt3A_214 = arith.cmpi slt, %add3A_213, %lt3A : i32
      %convert_element_type3A = arith.extui %lt3A_214 : i1 to i32
      %cond3A = arith.constant 0 : i32
      %cond3A_215 = arith.cmpi ne, %convert_element_type3A, %cond3A : i32
      scf.if %cond3A_215 {
        %add3A_1023 = arith.constant 6 : i32
        %add3A_1024 = arith.addi %add3A_211, %add3A_1023 : i32
        %dma_start3A_1025 = arith.constant 6 : i32
        %dma_start3A_1026 = arith.constant 0 : i32
        %dma_start3A_1027 = arith.constant 0 : i32
        %dma_start3A_1028 = tpu.memref_slice %arg8[%dma_start3A_1025, %dma_start3A_1026, %dma_start3A_1027] : memref<8x50x128xf32, #tpu.memory_space<vmem>> -> memref<1x50x128xf32, #tpu.memory_space<vmem>>
        %dma_start3A_1029 = tpu.memref_squeeze %dma_start3A_1028 : memref<1x50x128xf32, #tpu.memory_space<vmem>> -> memref<50x128xf32, #tpu.memory_space<vmem>>
        %dma_start3A_1030 = arith.constant 0 : i32
        %dma_start3A_1031 = tpu.memref_slice %arg7[%add3A_1024, %dma_start3A_1030] : memref<512x50xi32, #tpu.memory_space<vmem>> -> memref<1x50xi32, #tpu.memory_space<vmem>>
        %dma_start3A_1032 = tpu.memref_squeeze %dma_start3A_1031 : memref<1x50xi32, #tpu.memory_space<vmem>> -> memref<50xi32, #tpu.memory_space<vmem>>
        %dma_start3A_1033 = arith.constant 0 : i32
        %dma_start3A_1034 = arith.constant 0 : i32
        %dma_start3A_1035 = tpu.memref_slice %arg3[%dma_start3A_1033, %dma_start3A_1034] : memref<1000000x128xf32, #tpu.memory_space<hbm>> -> memref<1000000x128xf32, #tpu.memory_space<hbm>>
        tpu.enqueue_indirect_dma source(%dma_start3A_1035 : memref<1000000x128xf32, #tpu.memory_space<hbm>>) target(%dma_start3A_1029 : memref<50x128xf32, #tpu.memory_space<vmem>>) offsets(%dma_start3A_1032 : memref<50xi32, #tpu.memory_space<vmem>>) semaphore(%arg18 : memref<!tpu.dma_semaphore, #tpu.memory_space<semaphore_mem>>)
      } else {
      }
      %dma_wait3A_216 = arith.constant 0 : i32
      %dma_wait3A_217 = arith.constant 0 : i32
      %dma_wait3A_218 = arith.constant 0 : i32
      %dma_wait3A_219 = arith.constant 0 : i32
      %dma_wait3A_220 = tpu.memref_slice %arg8[%dma_wait3A_217, %dma_wait3A_218, %dma_wait3A_219] : memref<8x50x128xf32, #tpu.memory_space<vmem>> -> memref<1x50x128xf32, #tpu.memory_space<vmem>>
      %dma_wait3A_221 = tpu.memref_squeeze %dma_wait3A_220 : memref<1x50x128xf32, #tpu.memory_space<vmem>> -> memref<50x128xf32, #tpu.memory_space<vmem>>
      %dma_wait3A_222 = arith.constant 0 : i32
      %dma_wait3A_223 = tpu.memref_slice %arg7[%dma_wait3A_216, %dma_wait3A_222] : memref<512x50xi32, #tpu.memory_space<vmem>> -> memref<1x50xi32, #tpu.memory_space<vmem>>
      %dma_wait3A_224 = tpu.memref_squeeze %dma_wait3A_223 : memref<1x50xi32, #tpu.memory_space<vmem>> -> memref<50xi32, #tpu.memory_space<vmem>>
      %dma_wait3A_225 = arith.constant 0 : i32
      %dma_wait3A_226 = arith.constant 0 : i32
      %dma_wait3A_227 = tpu.memref_slice %arg3[%dma_wait3A_225, %dma_wait3A_226] : memref<1000000x128xf32, #tpu.memory_space<hbm>> -> memref<1000000x128xf32, #tpu.memory_space<hbm>>
      tpu.wait_indirect_dma semaphore(%arg12 : memref<!tpu.dma_semaphore, #tpu.memory_space<semaphore_mem>>) src(%dma_wait3A_227 : memref<1000000x128xf32, #tpu.memory_space<hbm>>) dst(%dma_wait3A_221 : memref<50x128xf32, #tpu.memory_space<vmem>>)
      %scan3A_228 = arith.constant 0 : i32
      %scan3A_229 = arith.constant 10 : i32
      %scan3A_230 = arith.addi %scan3A_228, %scan3A_229 : i32
      %scan3A_231 = arith.constant 1 : i32
      %scan3A_232:8 = scf.for %scan3A_1023 = %scan3A_228 to %scan3A_230 step %scan3A_231 iter_args(%scan3A_1024 = %broadcast_in_dim3A_195, %scan3A_1025 = %broadcast_in_dim3A_197, %scan3A_1026 = %broadcast_in_dim3A_199, %scan3A_1027 = %broadcast_in_dim3A_201, %scan3A_1028 = %broadcast_in_dim3A_203, %scan3A_1029 = %broadcast_in_dim3A_205, %scan3A_1030 = %broadcast_in_dim3A_207, %scan3A_1031 = %broadcast_in_dim3A_209) -> (vector<16xf32>, vector<16xf32>, vector<16xf32>, vector<16xf32>, vector<16xf32>, vector<16xf32>, vector<16xf32>, vector<16xf32>)  : i32 {
        %mul3A_1032 = arith.constant 5 : i32
        %mul3A_1033 = arith.muli %mul3A_1032, %scan3A_1023 : i32
        %add3A_1034 = arith.constant 0 : i32
        %add3A_1035 = arith.addi %mul3A_1033, %add3A_1034 : i32
        %get3A_1036 = arith.constant 0 : i32
        %get3A_1037 = arith.index_cast %get3A_1036 : i32 to index
        %get3A_1038 = arith.index_cast %add3A_1035 : i32 to index
        %get3A_1039 = arith.constant 0 : index
        %get3A_1040 = tpu.vector_load %arg8[%get3A_1037, %get3A_1038, %get3A_1039] {strides = array<i32>} : memref<8x50x128xf32, #tpu.memory_space<vmem>>, vector<1x1x16xf32>,
        %get3A_1041 = vector.shape_cast %get3A_1040 : vector<1x1x16xf32> to vector<16xf32>
        %add3A_1042 = arith.addf %scan3A_1024, %get3A_1041 : vector<16xf32>
        %get3A_1043 = arith.constant 0 : i32
        %get3A_1044 = arith.index_cast %get3A_1043 : i32 to index
        %get3A_1045 = arith.index_cast %add3A_1035 : i32 to index
        %get3A_1046 = arith.constant 16 : index
        %get3A_1047 = tpu.vector_load %arg8[%get3A_1044, %get3A_1045, %get3A_1046] {strides = array<i32>} : memref<8x50x128xf32, #tpu.memory_space<vmem>>, vector<1x1x16xf32>,
        %get3A_1048 = vector.shape_cast %get3A_1047 : vector<1x1x16xf32> to vector<16xf32>
        %add3A_1049 = arith.addf %scan3A_1025, %get3A_1048 : vector<16xf32>
        %get3A_1050 = arith.constant 0 : i32
        %get3A_1051 = arith.index_cast %get3A_1050 : i32 to index
        %get3A_1052 = arith.index_cast %add3A_1035 : i32 to index
        %get3A_1053 = arith.constant 32 : index
        %get3A_1054 = tpu.vector_load %arg8[%get3A_1051, %get3A_1052, %get3A_1053] {strides = array<i32>} : memref<8x50x128xf32, #tpu.memory_space<vmem>>, vector<1x1x16xf32>,
        %get3A_1055 = vector.shape_cast %get3A_1054 : vector<1x1x16xf32> to vector<16xf32>
        %add3A_1056 = arith.addf %scan3A_1026, %get3A_1055 : vector<16xf32>
        %get3A_1057 = arith.constant 0 : i32
        %get3A_1058 = arith.index_cast %get3A_1057 : i32 to index
        %get3A_1059 = arith.index_cast %add3A_1035 : i32 to index
        %get3A_1060 = arith.constant 48 : index
        %get3A_1061 = tpu.vector_load %arg8[%get3A_1058, %get3A_1059, %get3A_1060] {strides = array<i32>} : memref<8x50x128xf32, #tpu.memory_space<vmem>>, vector<1x1x16xf32>,
        %get3A_1062 = vector.shape_cast %get3A_1061 : vector<1x1x16xf32> to vector<16xf32>
        %add3A_1063 = arith.addf %scan3A_1027, %get3A_1062 : vector<16xf32>
        %get3A_1064 = arith.constant 0 : i32
        %get3A_1065 = arith.index_cast %get3A_1064 : i32 to index
        %get3A_1066 = arith.index_cast %add3A_1035 : i32 to index
        %get3A_1067 = arith.constant 64 : index
        %get3A_1068 = tpu.vector_load %arg8[%get3A_1065, %get3A_1066, %get3A_1067] {strides = array<i32>} : memref<8x50x128xf32, #tpu.memory_space<vmem>>, vector<1x1x16xf32>,
        %get3A_1069 = vector.shape_cast %get3A_1068 : vector<1x1x16xf32> to vector<16xf32>
        %add3A_1070 = arith.addf %scan3A_1028, %get3A_1069 : vector<16xf32>
        %get3A_1071 = arith.constant 0 : i32
        %get3A_1072 = arith.index_cast %get3A_1071 : i32 to index
        %get3A_1073 = arith.index_cast %add3A_1035 : i32 to index
        %get3A_1074 = arith.constant 80 : index
        %get3A_1075 = tpu.vector_load %arg8[%get3A_1072, %get3A_1073, %get3A_1074] {strides = array<i32>} : memref<8x50x128xf32, #tpu.memory_space<vmem>>, vector<1x1x16xf32>,
        %get3A_1076 = vector.shape_cast %get3A_1075 : vector<1x1x16xf32> to vector<16xf32>
        %add3A_1077 = arith.addf %scan3A_1029, %get3A_1076 : vector<16xf32>
        %get3A_1078 = arith.constant 0 : i32
        %get3A_1079 = arith.index_cast %get3A_1078 : i32 to index
        %get3A_1080 = arith.index_cast %add3A_1035 : i32 to index
        %get3A_1081 = arith.constant 96 : index
        %get3A_1082 = tpu.vector_load %arg8[%get3A_1079, %get3A_1080, %get3A_1081] {strides = array<i32>} : memref<8x50x128xf32, #tpu.memory_space<vmem>>, vector<1x1x16xf32>,
        %get3A_1083 = vector.shape_cast %get3A_1082 : vector<1x1x16xf32> to vector<16xf32>
        %add3A_1084 = arith.addf %scan3A_1030, %get3A_1083 : vector<16xf32>
        %get3A_1085 = arith.constant 0 : i32
        %get3A_1086 = arith.index_cast %get3A_1085 : i32 to index
        %get3A_1087 = arith.index_cast %add3A_1035 : i32 to index
        %get3A_1088 = arith.constant 112 : index
        %get3A_1089 = tpu.vector_load %arg8[%get3A_1086, %get3A_1087, %get3A_1088] {strides = array<i32>} : memref<8x50x128xf32, #tpu.memory_space<vmem>>, vector<1x1x16xf32>,
        %get3A_1090 = vector.shape_cast %get3A_1089 : vector<1x1x16xf32> to vector<16xf32>
        %add3A_1091 = arith.addf %scan3A_1031, %get3A_1090 : vector<16xf32>
        %mul3A_1092 = arith.constant 5 : i32
        %mul3A_1093 = arith.muli %mul3A_1092, %scan3A_1023 : i32
        %add3A_1094 = arith.constant 1 : i32
        %add3A_1095 = arith.addi %mul3A_1093, %add3A_1094 : i32
        %get3A_1096 = arith.constant 0 : i32
        %get3A_1097 = arith.index_cast %get3A_1096 : i32 to index
        %get3A_1098 = arith.index_cast %add3A_1095 : i32 to index
        %get3A_1099 = arith.constant 0 : index
        %get3A_1100 = tpu.vector_load %arg8[%get3A_1097, %get3A_1098, %get3A_1099] {strides = array<i32>} : memref<8x50x128xf32, #tpu.memory_space<vmem>>, vector<1x1x16xf32>,
        %get3A_1101 = vector.shape_cast %get3A_1100 : vector<1x1x16xf32> to vector<16xf32>
        %add3A_1102 = arith.addf %add3A_1042, %get3A_1101 : vector<16xf32>
        %get3A_1103 = arith.constant 0 : i32
        %get3A_1104 = arith.index_cast %get3A_1103 : i32 to index
        %get3A_1105 = arith.index_cast %add3A_1095 : i32 to index
        %get3A_1106 = arith.constant 16 : index
        %get3A_1107 = tpu.vector_load %arg8[%get3A_1104, %get3A_1105, %get3A_1106] {strides = array<i32>} : memref<8x50x128xf32, #tpu.memory_space<vmem>>, vector<1x1x16xf32>,
        %get3A_1108 = vector.shape_cast %get3A_1107 : vector<1x1x16xf32> to vector<16xf32>
        %add3A_1109 = arith.addf %add3A_1049, %get3A_1108 : vector<16xf32>
        %get3A_1110 = arith.constant 0 : i32
        %get3A_1111 = arith.index_cast %get3A_1110 : i32 to index
        %get3A_1112 = arith.index_cast %add3A_1095 : i32 to index
        %get3A_1113 = arith.constant 32 : index
        %get3A_1114 = tpu.vector_load %arg8[%get3A_1111, %get3A_1112, %get3A_1113] {strides = array<i32>} : memref<8x50x128xf32, #tpu.memory_space<vmem>>, vector<1x1x16xf32>,
        %get3A_1115 = vector.shape_cast %get3A_1114 : vector<1x1x16xf32> to vector<16xf32>
        %add3A_1116 = arith.addf %add3A_1056, %get3A_1115 : vector<16xf32>
        %get3A_1117 = arith.constant 0 : i32
        %get3A_1118 = arith.index_cast %get3A_1117 : i32 to index
        %get3A_1119 = arith.index_cast %add3A_1095 : i32 to index
        %get3A_1120 = arith.constant 48 : index
        %get3A_1121 = tpu.vector_load %arg8[%get3A_1118, %get3A_1119, %get3A_1120] {strides = array<i32>} : memref<8x50x128xf32, #tpu.memory_space<vmem>>, vector<1x1x16xf32>,
        %get3A_1122 = vector.shape_cast %get3A_1121 : vector<1x1x16xf32> to vector<16xf32>
        %add3A_1123 = arith.addf %add3A_1063, %get3A_1122 : vector<16xf32>
        %get3A_1124 = arith.constant 0 : i32
        %get3A_1125 = arith.index_cast %get3A_1124 : i32 to index
        %get3A_1126 = arith.index_cast %add3A_1095 : i32 to index
        %get3A_1127 = arith.constant 64 : index
        %get3A_1128 = tpu.vector_load %arg8[%get3A_1125, %get3A_1126, %get3A_1127] {strides = array<i32>} : memref<8x50x128xf32, #tpu.memory_space<vmem>>, vector<1x1x16xf32>,
        %get3A_1129 = vector.shape_cast %get3A_1128 : vector<1x1x16xf32> to vector<16xf32>
        %add3A_1130 = arith.addf %add3A_1070, %get3A_1129 : vector<16xf32>
        %get3A_1131 = arith.constant 0 : i32
        %get3A_1132 = arith.index_cast %get3A_1131 : i32 to index
        %get3A_1133 = arith.index_cast %add3A_1095 : i32 to index
        %get3A_1134 = arith.constant 80 : index
        %get3A_1135 = tpu.vector_load %arg8[%get3A_1132, %get3A_1133, %get3A_1134] {strides = array<i32>} : memref<8x50x128xf32, #tpu.memory_space<vmem>>, vector<1x1x16xf32>,
        %get3A_1136 = vector.shape_cast %get3A_1135 : vector<1x1x16xf32> to vector<16xf32>
        %add3A_1137 = arith.addf %add3A_1077, %get3A_1136 : vector<16xf32>
        %get3A_1138 = arith.constant 0 : i32
        %get3A_1139 = arith.index_cast %get3A_1138 : i32 to index
        %get3A_1140 = arith.index_cast %add3A_1095 : i32 to index
        %get3A_1141 = arith.constant 96 : index
        %get3A_1142 = tpu.vector_load %arg8[%get3A_1139, %get3A_1140, %get3A_1141] {strides = array<i32>} : memref<8x50x128xf32, #tpu.memory_space<vmem>>, vector<1x1x16xf32>,
        %get3A_1143 = vector.shape_cast %get3A_1142 : vector<1x1x16xf32> to vector<16xf32>
        %add3A_1144 = arith.addf %add3A_1084, %get3A_1143 : vector<16xf32>
        %get3A_1145 = arith.constant 0 : i32
        %get3A_1146 = arith.index_cast %get3A_1145 : i32 to index
        %get3A_1147 = arith.index_cast %add3A_1095 : i32 to index
        %get3A_1148 = arith.constant 112 : index
        %get3A_1149 = tpu.vector_load %arg8[%get3A_1146, %get3A_1147, %get3A_1148] {strides = array<i32>} : memref<8x50x128xf32, #tpu.memory_space<vmem>>, vector<1x1x16xf32>,
        %get3A_1150 = vector.shape_cast %get3A_1149 : vector<1x1x16xf32> to vector<16xf32>
        %add3A_1151 = arith.addf %add3A_1091, %get3A_1150 : vector<16xf32>
        %mul3A_1152 = arith.constant 5 : i32
        %mul3A_1153 = arith.muli %mul3A_1152, %scan3A_1023 : i32
        %add3A_1154 = arith.constant 2 : i32
        %add3A_1155 = arith.addi %mul3A_1153, %add3A_1154 : i32
        %get3A_1156 = arith.constant 0 : i32
        %get3A_1157 = arith.index_cast %get3A_1156 : i32 to index
        %get3A_1158 = arith.index_cast %add3A_1155 : i32 to index
        %get3A_1159 = arith.constant 0 : index
        %get3A_1160 = tpu.vector_load %arg8[%get3A_1157, %get3A_1158, %get3A_1159] {strides = array<i32>} : memref<8x50x128xf32, #tpu.memory_space<vmem>>, vector<1x1x16xf32>,
        %get3A_1161 = vector.shape_cast %get3A_1160 : vector<1x1x16xf32> to vector<16xf32>
        %add3A_1162 = arith.addf %add3A_1102, %get3A_1161 : vector<16xf32>
        %get3A_1163 = arith.constant 0 : i32
        %get3A_1164 = arith.index_cast %get3A_1163 : i32 to index
        %get3A_1165 = arith.index_cast %add3A_1155 : i32 to index
        %get3A_1166 = arith.constant 16 : index
        %get3A_1167 = tpu.vector_load %arg8[%get3A_1164, %get3A_1165, %get3A_1166] {strides = array<i32>} : memref<8x50x128xf32, #tpu.memory_space<vmem>>, vector<1x1x16xf32>,
        %get3A_1168 = vector.shape_cast %get3A_1167 : vector<1x1x16xf32> to vector<16xf32>
        %add3A_1169 = arith.addf %add3A_1109, %get3A_1168 : vector<16xf32>
        %get3A_1170 = arith.constant 0 : i32
        %get3A_1171 = arith.index_cast %get3A_1170 : i32 to index
        %get3A_1172 = arith.index_cast %add3A_1155 : i32 to index
        %get3A_1173 = arith.constant 32 : index
        %get3A_1174 = tpu.vector_load %arg8[%get3A_1171, %get3A_1172, %get3A_1173] {strides = array<i32>} : memref<8x50x128xf32, #tpu.memory_space<vmem>>, vector<1x1x16xf32>,
        %get3A_1175 = vector.shape_cast %get3A_1174 : vector<1x1x16xf32> to vector<16xf32>
        %add3A_1176 = arith.addf %add3A_1116, %get3A_1175 : vector<16xf32>
        %get3A_1177 = arith.constant 0 : i32
        %get3A_1178 = arith.index_cast %get3A_1177 : i32 to index
        %get3A_1179 = arith.index_cast %add3A_1155 : i32 to index
        %get3A_1180 = arith.constant 48 : index
        %get3A_1181 = tpu.vector_load %arg8[%get3A_1178, %get3A_1179, %get3A_1180] {strides = array<i32>} : memref<8x50x128xf32, #tpu.memory_space<vmem>>, vector<1x1x16xf32>,
        %get3A_1182 = vector.shape_cast %get3A_1181 : vector<1x1x16xf32> to vector<16xf32>
        %add3A_1183 = arith.addf %add3A_1123, %get3A_1182 : vector<16xf32>
        %get3A_1184 = arith.constant 0 : i32
        %get3A_1185 = arith.index_cast %get3A_1184 : i32 to index
        %get3A_1186 = arith.index_cast %add3A_1155 : i32 to index
        %get3A_1187 = arith.constant 64 : index
        %get3A_1188 = tpu.vector_load %arg8[%get3A_1185, %get3A_1186, %get3A_1187] {strides = array<i32>} : memref<8x50x128xf32, #tpu.memory_space<vmem>>, vector<1x1x16xf32>,
        %get3A_1189 = vector.shape_cast %get3A_1188 : vector<1x1x16xf32> to vector<16xf32>
        %add3A_1190 = arith.addf %add3A_1130, %get3A_1189 : vector<16xf32>
        %get3A_1191 = arith.constant 0 : i32
        %get3A_1192 = arith.index_cast %get3A_1191 : i32 to index
        %get3A_1193 = arith.index_cast %add3A_1155 : i32 to index
        %get3A_1194 = arith.constant 80 : index
        %get3A_1195 = tpu.vector_load %arg8[%get3A_1192, %get3A_1193, %get3A_1194] {strides = array<i32>} : memref<8x50x128xf32, #tpu.memory_space<vmem>>, vector<1x1x16xf32>,
        %get3A_1196 = vector.shape_cast %get3A_1195 : vector<1x1x16xf32> to vector<16xf32>
        %add3A_1197 = arith.addf %add3A_1137, %get3A_1196 : vector<16xf32>
        %get3A_1198 = arith.constant 0 : i32
        %get3A_1199 = arith.index_cast %get3A_1198 : i32 to index
        %get3A_1200 = arith.index_cast %add3A_1155 : i32 to index
        %get3A_1201 = arith.constant 96 : index
        %get3A_1202 = tpu.vector_load %arg8[%get3A_1199, %get3A_1200, %get3A_1201] {strides = array<i32>} : memref<8x50x128xf32, #tpu.memory_space<vmem>>, vector<1x1x16xf32>,
        %get3A_1203 = vector.shape_cast %get3A_1202 : vector<1x1x16xf32> to vector<16xf32>
        %add3A_1204 = arith.addf %add3A_1144, %get3A_1203 : vector<16xf32>
        %get3A_1205 = arith.constant 0 : i32
        %get3A_1206 = arith.index_cast %get3A_1205 : i32 to index
        %get3A_1207 = arith.index_cast %add3A_1155 : i32 to index
        %get3A_1208 = arith.constant 112 : index
        %get3A_1209 = tpu.vector_load %arg8[%get3A_1206, %get3A_1207, %get3A_1208] {strides = array<i32>} : memref<8x50x128xf32, #tpu.memory_space<vmem>>, vector<1x1x16xf32>,
        %get3A_1210 = vector.shape_cast %get3A_1209 : vector<1x1x16xf32> to vector<16xf32>
        %add3A_1211 = arith.addf %add3A_1151, %get3A_1210 : vector<16xf32>
        %mul3A_1212 = arith.constant 5 : i32
        %mul3A_1213 = arith.muli %mul3A_1212, %scan3A_1023 : i32
        %add3A_1214 = arith.constant 3 : i32
        %add3A_1215 = arith.addi %mul3A_1213, %add3A_1214 : i32
        %get3A_1216 = arith.constant 0 : i32
        %get3A_1217 = arith.index_cast %get3A_1216 : i32 to index
        %get3A_1218 = arith.index_cast %add3A_1215 : i32 to index
        %get3A_1219 = arith.constant 0 : index
        %get3A_1220 = tpu.vector_load %arg8[%get3A_1217, %get3A_1218, %get3A_1219] {strides = array<i32>} : memref<8x50x128xf32, #tpu.memory_space<vmem>>, vector<1x1x16xf32>,
        %get3A_1221 = vector.shape_cast %get3A_1220 : vector<1x1x16xf32> to vector<16xf32>
        %add3A_1222 = arith.addf %add3A_1162, %get3A_1221 : vector<16xf32>
        %get3A_1223 = arith.constant 0 : i32
        %get3A_1224 = arith.index_cast %get3A_1223 : i32 to index
        %get3A_1225 = arith.index_cast %add3A_1215 : i32 to index
        %get3A_1226 = arith.constant 16 : index
        %get3A_1227 = tpu.vector_load %arg8[%get3A_1224, %get3A_1225, %get3A_1226] {strides = array<i32>} : memref<8x50x128xf32, #tpu.memory_space<vmem>>, vector<1x1x16xf32>,
        %get3A_1228 = vector.shape_cast %get3A_1227 : vector<1x1x16xf32> to vector<16xf32>
        %add3A_1229 = arith.addf %add3A_1169, %get3A_1228 : vector<16xf32>
        %get3A_1230 = arith.constant 0 : i32
        %get3A_1231 = arith.index_cast %get3A_1230 : i32 to index
        %get3A_1232 = arith.index_cast %add3A_1215 : i32 to index
        %get3A_1233 = arith.constant 32 : index
        %get3A_1234 = tpu.vector_load %arg8[%get3A_1231, %get3A_1232, %get3A_1233] {strides = array<i32>} : memref<8x50x128xf32, #tpu.memory_space<vmem>>, vector<1x1x16xf32>,
        %get3A_1235 = vector.shape_cast %get3A_1234 : vector<1x1x16xf32> to vector<16xf32>
        %add3A_1236 = arith.addf %add3A_1176, %get3A_1235 : vector<16xf32>
        %get3A_1237 = arith.constant 0 : i32
        %get3A_1238 = arith.index_cast %get3A_1237 : i32 to index
        %get3A_1239 = arith.index_cast %add3A_1215 : i32 to index
        %get3A_1240 = arith.constant 48 : index
        %get3A_1241 = tpu.vector_load %arg8[%get3A_1238, %get3A_1239, %get3A_1240] {strides = array<i32>} : memref<8x50x128xf32, #tpu.memory_space<vmem>>, vector<1x1x16xf32>,
        %get3A_1242 = vector.shape_cast %get3A_1241 : vector<1x1x16xf32> to vector<16xf32>
        %add3A_1243 = arith.addf %add3A_1183, %get3A_1242 : vector<16xf32>
        %get3A_1244 = arith.constant 0 : i32
        %get3A_1245 = arith.index_cast %get3A_1244 : i32 to index
        %get3A_1246 = arith.index_cast %add3A_1215 : i32 to index
        %get3A_1247 = arith.constant 64 : index
        %get3A_1248 = tpu.vector_load %arg8[%get3A_1245, %get3A_1246, %get3A_1247] {strides = array<i32>} : memref<8x50x128xf32, #tpu.memory_space<vmem>>, vector<1x1x16xf32>,
        %get3A_1249 = vector.shape_cast %get3A_1248 : vector<1x1x16xf32> to vector<16xf32>
        %add3A_1250 = arith.addf %add3A_1190, %get3A_1249 : vector<16xf32>
        %get3A_1251 = arith.constant 0 : i32
        %get3A_1252 = arith.index_cast %get3A_1251 : i32 to index
        %get3A_1253 = arith.index_cast %add3A_1215 : i32 to index
        %get3A_1254 = arith.constant 80 : index
        %get3A_1255 = tpu.vector_load %arg8[%get3A_1252, %get3A_1253, %get3A_1254] {strides = array<i32>} : memref<8x50x128xf32, #tpu.memory_space<vmem>>, vector<1x1x16xf32>,
        %get3A_1256 = vector.shape_cast %get3A_1255 : vector<1x1x16xf32> to vector<16xf32>
        %add3A_1257 = arith.addf %add3A_1197, %get3A_1256 : vector<16xf32>
        %get3A_1258 = arith.constant 0 : i32
        %get3A_1259 = arith.index_cast %get3A_1258 : i32 to index
        %get3A_1260 = arith.index_cast %add3A_1215 : i32 to index
        %get3A_1261 = arith.constant 96 : index
        %get3A_1262 = tpu.vector_load %arg8[%get3A_1259, %get3A_1260, %get3A_1261] {strides = array<i32>} : memref<8x50x128xf32, #tpu.memory_space<vmem>>, vector<1x1x16xf32>,
        %get3A_1263 = vector.shape_cast %get3A_1262 : vector<1x1x16xf32> to vector<16xf32>
        %add3A_1264 = arith.addf %add3A_1204, %get3A_1263 : vector<16xf32>
        %get3A_1265 = arith.constant 0 : i32
        %get3A_1266 = arith.index_cast %get3A_1265 : i32 to index
        %get3A_1267 = arith.index_cast %add3A_1215 : i32 to index
        %get3A_1268 = arith.constant 112 : index
        %get3A_1269 = tpu.vector_load %arg8[%get3A_1266, %get3A_1267, %get3A_1268] {strides = array<i32>} : memref<8x50x128xf32, #tpu.memory_space<vmem>>, vector<1x1x16xf32>,
        %get3A_1270 = vector.shape_cast %get3A_1269 : vector<1x1x16xf32> to vector<16xf32>
        %add3A_1271 = arith.addf %add3A_1211, %get3A_1270 : vector<16xf32>
        %mul3A_1272 = arith.constant 5 : i32
        %mul3A_1273 = arith.muli %mul3A_1272, %scan3A_1023 : i32
        %add3A_1274 = arith.constant 4 : i32
        %add3A_1275 = arith.addi %mul3A_1273, %add3A_1274 : i32
        %get3A_1276 = arith.constant 0 : i32
        %get3A_1277 = arith.index_cast %get3A_1276 : i32 to index
        %get3A_1278 = arith.index_cast %add3A_1275 : i32 to index
        %get3A_1279 = arith.constant 0 : index
        %get3A_1280 = tpu.vector_load %arg8[%get3A_1277, %get3A_1278, %get3A_1279] {strides = array<i32>} : memref<8x50x128xf32, #tpu.memory_space<vmem>>, vector<1x1x16xf32>,
        %get3A_1281 = vector.shape_cast %get3A_1280 : vector<1x1x16xf32> to vector<16xf32>
        %add3A_1282 = arith.addf %add3A_1222, %get3A_1281 : vector<16xf32>
        %get3A_1283 = arith.constant 0 : i32
        %get3A_1284 = arith.index_cast %get3A_1283 : i32 to index
        %get3A_1285 = arith.index_cast %add3A_1275 : i32 to index
        %get3A_1286 = arith.constant 16 : index
        %get3A_1287 = tpu.vector_load %arg8[%get3A_1284, %get3A_1285, %get3A_1286] {strides = array<i32>} : memref<8x50x128xf32, #tpu.memory_space<vmem>>, vector<1x1x16xf32>,
        %get3A_1288 = vector.shape_cast %get3A_1287 : vector<1x1x16xf32> to vector<16xf32>
        %add3A_1289 = arith.addf %add3A_1229, %get3A_1288 : vector<16xf32>
        %get3A_1290 = arith.constant 0 : i32
        %get3A_1291 = arith.index_cast %get3A_1290 : i32 to index
        %get3A_1292 = arith.index_cast %add3A_1275 : i32 to index
        %get3A_1293 = arith.constant 32 : index
        %get3A_1294 = tpu.vector_load %arg8[%get3A_1291, %get3A_1292, %get3A_1293] {strides = array<i32>} : memref<8x50x128xf32, #tpu.memory_space<vmem>>, vector<1x1x16xf32>,
        %get3A_1295 = vector.shape_cast %get3A_1294 : vector<1x1x16xf32> to vector<16xf32>
        %add3A_1296 = arith.addf %add3A_1236, %get3A_1295 : vector<16xf32>
        %get3A_1297 = arith.constant 0 : i32
        %get3A_1298 = arith.index_cast %get3A_1297 : i32 to index
        %get3A_1299 = arith.index_cast %add3A_1275 : i32 to index
        %get3A_1300 = arith.constant 48 : index
        %get3A_1301 = tpu.vector_load %arg8[%get3A_1298, %get3A_1299, %get3A_1300] {strides = array<i32>} : memref<8x50x128xf32, #tpu.memory_space<vmem>>, vector<1x1x16xf32>,
        %get3A_1302 = vector.shape_cast %get3A_1301 : vector<1x1x16xf32> to vector<16xf32>
        %add3A_1303 = arith.addf %add3A_1243, %get3A_1302 : vector<16xf32>
        %get3A_1304 = arith.constant 0 : i32
        %get3A_1305 = arith.index_cast %get3A_1304 : i32 to index
        %get3A_1306 = arith.index_cast %add3A_1275 : i32 to index
        %get3A_1307 = arith.constant 64 : index
        %get3A_1308 = tpu.vector_load %arg8[%get3A_1305, %get3A_1306, %get3A_1307] {strides = array<i32>} : memref<8x50x128xf32, #tpu.memory_space<vmem>>, vector<1x1x16xf32>,
        %get3A_1309 = vector.shape_cast %get3A_1308 : vector<1x1x16xf32> to vector<16xf32>
        %add3A_1310 = arith.addf %add3A_1250, %get3A_1309 : vector<16xf32>
        %get3A_1311 = arith.constant 0 : i32
        %get3A_1312 = arith.index_cast %get3A_1311 : i32 to index
        %get3A_1313 = arith.index_cast %add3A_1275 : i32 to index
        %get3A_1314 = arith.constant 80 : index
        %get3A_1315 = tpu.vector_load %arg8[%get3A_1312, %get3A_1313, %get3A_1314] {strides = array<i32>} : memref<8x50x128xf32, #tpu.memory_space<vmem>>, vector<1x1x16xf32>,
        %get3A_1316 = vector.shape_cast %get3A_1315 : vector<1x1x16xf32> to vector<16xf32>
        %add3A_1317 = arith.addf %add3A_1257, %get3A_1316 : vector<16xf32>
        %get3A_1318 = arith.constant 0 : i32
        %get3A_1319 = arith.index_cast %get3A_1318 : i32 to index
        %get3A_1320 = arith.index_cast %add3A_1275 : i32 to index
        %get3A_1321 = arith.constant 96 : index
        %get3A_1322 = tpu.vector_load %arg8[%get3A_1319, %get3A_1320, %get3A_1321] {strides = array<i32>} : memref<8x50x128xf32, #tpu.memory_space<vmem>>, vector<1x1x16xf32>,
        %get3A_1323 = vector.shape_cast %get3A_1322 : vector<1x1x16xf32> to vector<16xf32>
        %add3A_1324 = arith.addf %add3A_1264, %get3A_1323 : vector<16xf32>
        %get3A_1325 = arith.constant 0 : i32
        %get3A_1326 = arith.index_cast %get3A_1325 : i32 to index
        %get3A_1327 = arith.index_cast %add3A_1275 : i32 to index
        %get3A_1328 = arith.constant 112 : index
        %get3A_1329 = tpu.vector_load %arg8[%get3A_1326, %get3A_1327, %get3A_1328] {strides = array<i32>} : memref<8x50x128xf32, #tpu.memory_space<vmem>>, vector<1x1x16xf32>,
        %get3A_1330 = vector.shape_cast %get3A_1329 : vector<1x1x16xf32> to vector<16xf32>
        %add3A_1331 = arith.addf %add3A_1271, %get3A_1330 : vector<16xf32>
        scf.yield %add3A_1282, %add3A_1289, %add3A_1296, %add3A_1303, %add3A_1310, %add3A_1317, %add3A_1324, %add3A_1331 : vector<16xf32>, vector<16xf32>, vector<16xf32>, vector<16xf32>, vector<16xf32>, vector<16xf32>, vector<16xf32>, vector<16xf32>
      }
      %scan3A_233 = arith.constant 10 : i32
      %add3A_234 = arith.constant 1 : i32
      %add3A_235 = arith.addi %mul3A_194, %add3A_234 : i32
      %add3A_236 = arith.constant 6 : i32
      %add3A_237 = arith.addi %add3A_235, %add3A_236 : i32
      %lt3A_238 = arith.constant 512 : i32
      %lt3A_239 = arith.cmpi slt, %add3A_237, %lt3A_238 : i32
      %convert_element_type3A_240 = arith.extui %lt3A_239 : i1 to i32
      %cond3A_241 = arith.constant 0 : i32
      %cond3A_242 = arith.cmpi ne, %convert_element_type3A_240, %cond3A_241 : i32
      scf.if %cond3A_242 {
        %add3A_1023 = arith.constant 6 : i32
        %add3A_1024 = arith.addi %add3A_235, %add3A_1023 : i32
        %dma_start3A_1025 = arith.constant 7 : i32
        %dma_start3A_1026 = arith.constant 0 : i32
        %dma_start3A_1027 = arith.constant 0 : i32
        %dma_start3A_1028 = tpu.memref_slice %arg8[%dma_start3A_1025, %dma_start3A_1026, %dma_start3A_1027] : memref<8x50x128xf32, #tpu.memory_space<vmem>> -> memref<1x50x128xf32, #tpu.memory_space<vmem>>
        %dma_start3A_1029 = tpu.memref_squeeze %dma_start3A_1028 : memref<1x50x128xf32, #tpu.memory_space<vmem>> -> memref<50x128xf32, #tpu.memory_space<vmem>>
        %dma_start3A_1030 = arith.constant 0 : i32
        %dma_start3A_1031 = tpu.memref_slice %arg7[%add3A_1024, %dma_start3A_1030] : memref<512x50xi32, #tpu.memory_space<vmem>> -> memref<1x50xi32, #tpu.memory_space<vmem>>
        %dma_start3A_1032 = tpu.memref_squeeze %dma_start3A_1031 : memref<1x50xi32, #tpu.memory_space<vmem>> -> memref<50xi32, #tpu.memory_space<vmem>>
        %dma_start3A_1033 = arith.constant 0 : i32
        %dma_start3A_1034 = arith.constant 0 : i32
        %dma_start3A_1035 = tpu.memref_slice %arg3[%dma_start3A_1033, %dma_start3A_1034] : memref<1000000x128xf32, #tpu.memory_space<hbm>> -> memref<1000000x128xf32, #tpu.memory_space<hbm>>
        tpu.enqueue_indirect_dma source(%dma_start3A_1035 : memref<1000000x128xf32, #tpu.memory_space<hbm>>) target(%dma_start3A_1029 : memref<50x128xf32, #tpu.memory_space<vmem>>) offsets(%dma_start3A_1032 : memref<50xi32, #tpu.memory_space<vmem>>) semaphore(%arg19 : memref<!tpu.dma_semaphore, #tpu.memory_space<semaphore_mem>>)
      } else {
      }
      %dma_wait3A_243 = arith.constant 0 : i32
      %dma_wait3A_244 = arith.constant 1 : i32
      %dma_wait3A_245 = arith.constant 0 : i32
      %dma_wait3A_246 = arith.constant 0 : i32
      %dma_wait3A_247 = tpu.memref_slice %arg8[%dma_wait3A_244, %dma_wait3A_245, %dma_wait3A_246] : memref<8x50x128xf32, #tpu.memory_space<vmem>> -> memref<1x50x128xf32, #tpu.memory_space<vmem>>
      %dma_wait3A_248 = tpu.memref_squeeze %dma_wait3A_247 : memref<1x50x128xf32, #tpu.memory_space<vmem>> -> memref<50x128xf32, #tpu.memory_space<vmem>>
      %dma_wait3A_249 = arith.constant 0 : i32
      %dma_wait3A_250 = tpu.memref_slice %arg7[%dma_wait3A_243, %dma_wait3A_249] : memref<512x50xi32, #tpu.memory_space<vmem>> -> memref<1x50xi32, #tpu.memory_space<vmem>>
      %dma_wait3A_251 = tpu.memref_squeeze %dma_wait3A_250 : memref<1x50xi32, #tpu.memory_space<vmem>> -> memref<50xi32, #tpu.memory_space<vmem>>
      %dma_wait3A_252 = arith.constant 0 : i32
      %dma_wait3A_253 = arith.constant 0 : i32
      %dma_wait3A_254 = tpu.memref_slice %arg3[%dma_wait3A_252, %dma_wait3A_253] : memref<1000000x128xf32, #tpu.memory_space<hbm>> -> memref<1000000x128xf32, #tpu.memory_space<hbm>>
      tpu.wait_indirect_dma semaphore(%arg13 : memref<!tpu.dma_semaphore, #tpu.memory_space<semaphore_mem>>) src(%dma_wait3A_254 : memref<1000000x128xf32, #tpu.memory_space<hbm>>) dst(%dma_wait3A_248 : memref<50x128xf32, #tpu.memory_space<vmem>>)
      %scan3A_255 = arith.constant 0 : i32
      %scan3A_256 = arith.constant 10 : i32
      %scan3A_257 = arith.addi %scan3A_255, %scan3A_256 : i32
      %scan3A_258 = arith.constant 1 : i32
      %scan3A_259:8 = scf.for %scan3A_1023 = %scan3A_255 to %scan3A_257 step %scan3A_258 iter_args(%scan3A_1024 = %scan3A_232#0, %scan3A_1025 = %scan3A_232#1, %scan3A_1026 = %scan3A_232#2, %scan3A_1027 = %scan3A_232#3, %scan3A_1028 = %scan3A_232#4, %scan3A_1029 = %scan3A_232#5, %scan3A_1030 = %scan3A_232#6, %scan3A_1031 = %scan3A_232#7) -> (vector<16xf32>, vector<16xf32>, vector<16xf32>, vector<16xf32>, vector<16xf32>, vector<16xf32>, vector<16xf32>, vector<16xf32>)  : i32 {
        %mul3A_1032 = arith.constant 5 : i32
        %mul3A_1033 = arith.muli %mul3A_1032, %scan3A_1023 : i32
        %add3A_1034 = arith.constant 0 : i32
        %add3A_1035 = arith.addi %mul3A_1033, %add3A_1034 : i32
        %get3A_1036 = arith.constant 1 : i32
        %get3A_1037 = arith.index_cast %get3A_1036 : i32 to index
        %get3A_1038 = arith.index_cast %add3A_1035 : i32 to index
        %get3A_1039 = arith.constant 0 : index
        %get3A_1040 = tpu.vector_load %arg8[%get3A_1037, %get3A_1038, %get3A_1039] {strides = array<i32>} : memref<8x50x128xf32, #tpu.memory_space<vmem>>, vector<1x1x16xf32>,
        %get3A_1041 = vector.shape_cast %get3A_1040 : vector<1x1x16xf32> to vector<16xf32>
        %add3A_1042 = arith.addf %scan3A_1024, %get3A_1041 : vector<16xf32>
        %get3A_1043 = arith.constant 1 : i32
        %get3A_1044 = arith.index_cast %get3A_1043 : i32 to index
        %get3A_1045 = arith.index_cast %add3A_1035 : i32 to index
        %get3A_1046 = arith.constant 16 : index
        %get3A_1047 = tpu.vector_load %arg8[%get3A_1044, %get3A_1045, %get3A_1046] {strides = array<i32>} : memref<8x50x128xf32, #tpu.memory_space<vmem>>, vector<1x1x16xf32>,
        %get3A_1048 = vector.shape_cast %get3A_1047 : vector<1x1x16xf32> to vector<16xf32>
        %add3A_1049 = arith.addf %scan3A_1025, %get3A_1048 : vector<16xf32>
        %get3A_1050 = arith.constant 1 : i32
        %get3A_1051 = arith.index_cast %get3A_1050 : i32 to index
        %get3A_1052 = arith.index_cast %add3A_1035 : i32 to index
        %get3A_1053 = arith.constant 32 : index
        %get3A_1054 = tpu.vector_load %arg8[%get3A_1051, %get3A_1052, %get3A_1053] {strides = array<i32>} : memref<8x50x128xf32, #tpu.memory_space<vmem>>, vector<1x1x16xf32>,
        %get3A_1055 = vector.shape_cast %get3A_1054 : vector<1x1x16xf32> to vector<16xf32>
        %add3A_1056 = arith.addf %scan3A_1026, %get3A_1055 : vector<16xf32>
        %get3A_1057 = arith.constant 1 : i32
        %get3A_1058 = arith.index_cast %get3A_1057 : i32 to index
        %get3A_1059 = arith.index_cast %add3A_1035 : i32 to index
        %get3A_1060 = arith.constant 48 : index
        %get3A_1061 = tpu.vector_load %arg8[%get3A_1058, %get3A_1059, %get3A_1060] {strides = array<i32>} : memref<8x50x128xf32, #tpu.memory_space<vmem>>, vector<1x1x16xf32>,
        %get3A_1062 = vector.shape_cast %get3A_1061 : vector<1x1x16xf32> to vector<16xf32>
        %add3A_1063 = arith.addf %scan3A_1027, %get3A_1062 : vector<16xf32>
        %get3A_1064 = arith.constant 1 : i32
        %get3A_1065 = arith.index_cast %get3A_1064 : i32 to index
        %get3A_1066 = arith.index_cast %add3A_1035 : i32 to index
        %get3A_1067 = arith.constant 64 : index
        %get3A_1068 = tpu.vector_load %arg8[%get3A_1065, %get3A_1066, %get3A_1067] {strides = array<i32>} : memref<8x50x128xf32, #tpu.memory_space<vmem>>, vector<1x1x16xf32>,
        %get3A_1069 = vector.shape_cast %get3A_1068 : vector<1x1x16xf32> to vector<16xf32>
        %add3A_1070 = arith.addf %scan3A_1028, %get3A_1069 : vector<16xf32>
        %get3A_1071 = arith.constant 1 : i32
        %get3A_1072 = arith.index_cast %get3A_1071 : i32 to index
        %get3A_1073 = arith.index_cast %add3A_1035 : i32 to index
        %get3A_1074 = arith.constant 80 : index
        %get3A_1075 = tpu.vector_load %arg8[%get3A_1072, %get3A_1073, %get3A_1074] {strides = array<i32>} : memref<8x50x128xf32, #tpu.memory_space<vmem>>, vector<1x1x16xf32>,
        %get3A_1076 = vector.shape_cast %get3A_1075 : vector<1x1x16xf32> to vector<16xf32>
        %add3A_1077 = arith.addf %scan3A_1029, %get3A_1076 : vector<16xf32>
        %get3A_1078 = arith.constant 1 : i32
        %get3A_1079 = arith.index_cast %get3A_1078 : i32 to index
        %get3A_1080 = arith.index_cast %add3A_1035 : i32 to index
        %get3A_1081 = arith.constant 96 : index
        %get3A_1082 = tpu.vector_load %arg8[%get3A_1079, %get3A_1080, %get3A_1081] {strides = array<i32>} : memref<8x50x128xf32, #tpu.memory_space<vmem>>, vector<1x1x16xf32>,
        %get3A_1083 = vector.shape_cast %get3A_1082 : vector<1x1x16xf32> to vector<16xf32>
        %add3A_1084 = arith.addf %scan3A_1030, %get3A_1083 : vector<16xf32>
        %get3A_1085 = arith.constant 1 : i32
        %get3A_1086 = arith.index_cast %get3A_1085 : i32 to index
        %get3A_1087 = arith.index_cast %add3A_1035 : i32 to index
        %get3A_1088 = arith.constant 112 : index
        %get3A_1089 = tpu.vector_load %arg8[%get3A_1086, %get3A_1087, %get3A_1088] {strides = array<i32>} : memref<8x50x128xf32, #tpu.memory_space<vmem>>, vector<1x1x16xf32>,
        %get3A_1090 = vector.shape_cast %get3A_1089 : vector<1x1x16xf32> to vector<16xf32>
        %add3A_1091 = arith.addf %scan3A_1031, %get3A_1090 : vector<16xf32>
        %mul3A_1092 = arith.constant 5 : i32
        %mul3A_1093 = arith.muli %mul3A_1092, %scan3A_1023 : i32
        %add3A_1094 = arith.constant 1 : i32
        %add3A_1095 = arith.addi %mul3A_1093, %add3A_1094 : i32
        %get3A_1096 = arith.constant 1 : i32
        %get3A_1097 = arith.index_cast %get3A_1096 : i32 to index
        %get3A_1098 = arith.index_cast %add3A_1095 : i32 to index
        %get3A_1099 = arith.constant 0 : index
        %get3A_1100 = tpu.vector_load %arg8[%get3A_1097, %get3A_1098, %get3A_1099] {strides = array<i32>} : memref<8x50x128xf32, #tpu.memory_space<vmem>>, vector<1x1x16xf32>,
        %get3A_1101 = vector.shape_cast %get3A_1100 : vector<1x1x16xf32> to vector<16xf32>
        %add3A_1102 = arith.addf %add3A_1042, %get3A_1101 : vector<16xf32>
        %get3A_1103 = arith.constant 1 : i32
        %get3A_1104 = arith.index_cast %get3A_1103 : i32 to index
        %get3A_1105 = arith.index_cast %add3A_1095 : i32 to index
        %get3A_1106 = arith.constant 16 : index
        %get3A_1107 = tpu.vector_load %arg8[%get3A_1104, %get3A_1105, %get3A_1106] {strides = array<i32>} : memref<8x50x128xf32, #tpu.memory_space<vmem>>, vector<1x1x16xf32>,
        %get3A_1108 = vector.shape_cast %get3A_1107 : vector<1x1x16xf32> to vector<16xf32>
        %add3A_1109 = arith.addf %add3A_1049, %get3A_1108 : vector<16xf32>
        %get3A_1110 = arith.constant 1 : i32
        %get3A_1111 = arith.index_cast %get3A_1110 : i32 to index
        %get3A_1112 = arith.index_cast %add3A_1095 : i32 to index
        %get3A_1113 = arith.constant 32 : index
        %get3A_1114 = tpu.vector_load %arg8[%get3A_1111, %get3A_1112, %get3A_1113] {strides = array<i32>} : memref<8x50x128xf32, #tpu.memory_space<vmem>>, vector<1x1x16xf32>,
        %get3A_1115 = vector.shape_cast %get3A_1114 : vector<1x1x16xf32> to vector<16xf32>
        %add3A_1116 = arith.addf %add3A_1056, %get3A_1115 : vector<16xf32>
        %get3A_1117 = arith.constant 1 : i32
        %get3A_1118 = arith.index_cast %get3A_1117 : i32 to index
        %get3A_1119 = arith.index_cast %add3A_1095 : i32 to index
        %get3A_1120 = arith.constant 48 : index
        %get3A_1121 = tpu.vector_load %arg8[%get3A_1118, %get3A_1119, %get3A_1120] {strides = array<i32>} : memref<8x50x128xf32, #tpu.memory_space<vmem>>, vector<1x1x16xf32>,
        %get3A_1122 = vector.shape_cast %get3A_1121 : vector<1x1x16xf32> to vector<16xf32>
        %add3A_1123 = arith.addf %add3A_1063, %get3A_1122 : vector<16xf32>
        %get3A_1124 = arith.constant 1 : i32
        %get3A_1125 = arith.index_cast %get3A_1124 : i32 to index
        %get3A_1126 = arith.index_cast %add3A_1095 : i32 to index
        %get3A_1127 = arith.constant 64 : index
        %get3A_1128 = tpu.vector_load %arg8[%get3A_1125, %get3A_1126, %get3A_1127] {strides = array<i32>} : memref<8x50x128xf32, #tpu.memory_space<vmem>>, vector<1x1x16xf32>,
        %get3A_1129 = vector.shape_cast %get3A_1128 : vector<1x1x16xf32> to vector<16xf32>
        %add3A_1130 = arith.addf %add3A_1070, %get3A_1129 : vector<16xf32>
        %get3A_1131 = arith.constant 1 : i32
        %get3A_1132 = arith.index_cast %get3A_1131 : i32 to index
        %get3A_1133 = arith.index_cast %add3A_1095 : i32 to index
        %get3A_1134 = arith.constant 80 : index
        %get3A_1135 = tpu.vector_load %arg8[%get3A_1132, %get3A_1133, %get3A_1134] {strides = array<i32>} : memref<8x50x128xf32, #tpu.memory_space<vmem>>, vector<1x1x16xf32>,
        %get3A_1136 = vector.shape_cast %get3A_1135 : vector<1x1x16xf32> to vector<16xf32>
        %add3A_1137 = arith.addf %add3A_1077, %get3A_1136 : vector<16xf32>
        %get3A_1138 = arith.constant 1 : i32
        %get3A_1139 = arith.index_cast %get3A_1138 : i32 to index
        %get3A_1140 = arith.index_cast %add3A_1095 : i32 to index
        %get3A_1141 = arith.constant 96 : index
        %get3A_1142 = tpu.vector_load %arg8[%get3A_1139, %get3A_1140, %get3A_1141] {strides = array<i32>} : memref<8x50x128xf32, #tpu.memory_space<vmem>>, vector<1x1x16xf32>,
        %get3A_1143 = vector.shape_cast %get3A_1142 : vector<1x1x16xf32> to vector<16xf32>
        %add3A_1144 = arith.addf %add3A_1084, %get3A_1143 : vector<16xf32>
        %get3A_1145 = arith.constant 1 : i32
        %get3A_1146 = arith.index_cast %get3A_1145 : i32 to index
        %get3A_1147 = arith.index_cast %add3A_1095 : i32 to index
        %get3A_1148 = arith.constant 112 : index
        %get3A_1149 = tpu.vector_load %arg8[%get3A_1146, %get3A_1147, %get3A_1148] {strides = array<i32>} : memref<8x50x128xf32, #tpu.memory_space<vmem>>, vector<1x1x16xf32>,
        %get3A_1150 = vector.shape_cast %get3A_1149 : vector<1x1x16xf32> to vector<16xf32>
        %add3A_1151 = arith.addf %add3A_1091, %get3A_1150 : vector<16xf32>
        %mul3A_1152 = arith.constant 5 : i32
        %mul3A_1153 = arith.muli %mul3A_1152, %scan3A_1023 : i32
        %add3A_1154 = arith.constant 2 : i32
        %add3A_1155 = arith.addi %mul3A_1153, %add3A_1154 : i32
        %get3A_1156 = arith.constant 1 : i32
        %get3A_1157 = arith.index_cast %get3A_1156 : i32 to index
        %get3A_1158 = arith.index_cast %add3A_1155 : i32 to index
        %get3A_1159 = arith.constant 0 : index
        %get3A_1160 = tpu.vector_load %arg8[%get3A_1157, %get3A_1158, %get3A_1159] {strides = array<i32>} : memref<8x50x128xf32, #tpu.memory_space<vmem>>, vector<1x1x16xf32>,
        %get3A_1161 = vector.shape_cast %get3A_1160 : vector<1x1x16xf32> to vector<16xf32>
        %add3A_1162 = arith.addf %add3A_1102, %get3A_1161 : vector<16xf32>
        %get3A_1163 = arith.constant 1 : i32
        %get3A_1164 = arith.index_cast %get3A_1163 : i32 to index
        %get3A_1165 = arith.index_cast %add3A_1155 : i32 to index
        %get3A_1166 = arith.constant 16 : index
        %get3A_1167 = tpu.vector_load %arg8[%get3A_1164, %get3A_1165, %get3A_1166] {strides = array<i32>} : memref<8x50x128xf32, #tpu.memory_space<vmem>>, vector<1x1x16xf32>,
        %get3A_1168 = vector.shape_cast %get3A_1167 : vector<1x1x16xf32> to vector<16xf32>
        %add3A_1169 = arith.addf %add3A_1109, %get3A_1168 : vector<16xf32>
        %get3A_1170 = arith.constant 1 : i32
        %get3A_1171 = arith.index_cast %get3A_1170 : i32 to index
        %get3A_1172 = arith.index_cast %add3A_1155 : i32 to index
        %get3A_1173 = arith.constant 32 : index
        %get3A_1174 = tpu.vector_load %arg8[%get3A_1171, %get3A_1172, %get3A_1173] {strides = array<i32>} : memref<8x50x128xf32, #tpu.memory_space<vmem>>, vector<1x1x16xf32>,
        %get3A_1175 = vector.shape_cast %get3A_1174 : vector<1x1x16xf32> to vector<16xf32>
        %add3A_1176 = arith.addf %add3A_1116, %get3A_1175 : vector<16xf32>
        %get3A_1177 = arith.constant 1 : i32
        %get3A_1178 = arith.index_cast %get3A_1177 : i32 to index
        %get3A_1179 = arith.index_cast %add3A_1155 : i32 to index
        %get3A_1180 = arith.constant 48 : index
        %get3A_1181 = tpu.vector_load %arg8[%get3A_1178, %get3A_1179, %get3A_1180] {strides = array<i32>} : memref<8x50x128xf32, #tpu.memory_space<vmem>>, vector<1x1x16xf32>,
        %get3A_1182 = vector.shape_cast %get3A_1181 : vector<1x1x16xf32> to vector<16xf32>
        %add3A_1183 = arith.addf %add3A_1123, %get3A_1182 : vector<16xf32>
        %get3A_1184 = arith.constant 1 : i32
        %get3A_1185 = arith.index_cast %get3A_1184 : i32 to index
        %get3A_1186 = arith.index_cast %add3A_1155 : i32 to index
        %get3A_1187 = arith.constant 64 : index
        %get3A_1188 = tpu.vector_load %arg8[%get3A_1185, %get3A_1186, %get3A_1187] {strides = array<i32>} : memref<8x50x128xf32, #tpu.memory_space<vmem>>, vector<1x1x16xf32>,
        %get3A_1189 = vector.shape_cast %get3A_1188 : vector<1x1x16xf32> to vector<16xf32>
        %add3A_1190 = arith.addf %add3A_1130, %get3A_1189 : vector<16xf32>
        %get3A_1191 = arith.constant 1 : i32
        %get3A_1192 = arith.index_cast %get3A_1191 : i32 to index
        %get3A_1193 = arith.index_cast %add3A_1155 : i32 to index
        %get3A_1194 = arith.constant 80 : index
        %get3A_1195 = tpu.vector_load %arg8[%get3A_1192, %get3A_1193, %get3A_1194] {strides = array<i32>} : memref<8x50x128xf32, #tpu.memory_space<vmem>>, vector<1x1x16xf32>,
        %get3A_1196 = vector.shape_cast %get3A_1195 : vector<1x1x16xf32> to vector<16xf32>
        %add3A_1197 = arith.addf %add3A_1137, %get3A_1196 : vector<16xf32>
        %get3A_1198 = arith.constant 1 : i32
        %get3A_1199 = arith.index_cast %get3A_1198 : i32 to index
        %get3A_1200 = arith.index_cast %add3A_1155 : i32 to index
        %get3A_1201 = arith.constant 96 : index
        %get3A_1202 = tpu.vector_load %arg8[%get3A_1199, %get3A_1200, %get3A_1201] {strides = array<i32>} : memref<8x50x128xf32, #tpu.memory_space<vmem>>, vector<1x1x16xf32>,
        %get3A_1203 = vector.shape_cast %get3A_1202 : vector<1x1x16xf32> to vector<16xf32>
        %add3A_1204 = arith.addf %add3A_1144, %get3A_1203 : vector<16xf32>
        %get3A_1205 = arith.constant 1 : i32
        %get3A_1206 = arith.index_cast %get3A_1205 : i32 to index
        %get3A_1207 = arith.index_cast %add3A_1155 : i32 to index
        %get3A_1208 = arith.constant 112 : index
        %get3A_1209 = tpu.vector_load %arg8[%get3A_1206, %get3A_1207, %get3A_1208] {strides = array<i32>} : memref<8x50x128xf32, #tpu.memory_space<vmem>>, vector<1x1x16xf32>,
        %get3A_1210 = vector.shape_cast %get3A_1209 : vector<1x1x16xf32> to vector<16xf32>
        %add3A_1211 = arith.addf %add3A_1151, %get3A_1210 : vector<16xf32>
        %mul3A_1212 = arith.constant 5 : i32
        %mul3A_1213 = arith.muli %mul3A_1212, %scan3A_1023 : i32
        %add3A_1214 = arith.constant 3 : i32
        %add3A_1215 = arith.addi %mul3A_1213, %add3A_1214 : i32
        %get3A_1216 = arith.constant 1 : i32
        %get3A_1217 = arith.index_cast %get3A_1216 : i32 to index
        %get3A_1218 = arith.index_cast %add3A_1215 : i32 to index
        %get3A_1219 = arith.constant 0 : index
        %get3A_1220 = tpu.vector_load %arg8[%get3A_1217, %get3A_1218, %get3A_1219] {strides = array<i32>} : memref<8x50x128xf32, #tpu.memory_space<vmem>>, vector<1x1x16xf32>,
        %get3A_1221 = vector.shape_cast %get3A_1220 : vector<1x1x16xf32> to vector<16xf32>
        %add3A_1222 = arith.addf %add3A_1162, %get3A_1221 : vector<16xf32>
        %get3A_1223 = arith.constant 1 : i32
        %get3A_1224 = arith.index_cast %get3A_1223 : i32 to index
        %get3A_1225 = arith.index_cast %add3A_1215 : i32 to index
        %get3A_1226 = arith.constant 16 : index
        %get3A_1227 = tpu.vector_load %arg8[%get3A_1224, %get3A_1225, %get3A_1226] {strides = array<i32>} : memref<8x50x128xf32, #tpu.memory_space<vmem>>, vector<1x1x16xf32>,
        %get3A_1228 = vector.shape_cast %get3A_1227 : vector<1x1x16xf32> to vector<16xf32>
        %add3A_1229 = arith.addf %add3A_1169, %get3A_1228 : vector<16xf32>
        %get3A_1230 = arith.constant 1 : i32
        %get3A_1231 = arith.index_cast %get3A_1230 : i32 to index
        %get3A_1232 = arith.index_cast %add3A_1215 : i32 to index
        %get3A_1233 = arith.constant 32 : index
        %get3A_1234 = tpu.vector_load %arg8[%get3A_1231, %get3A_1232, %get3A_1233] {strides = array<i32>} : memref<8x50x128xf32, #tpu.memory_space<vmem>>, vector<1x1x16xf32>,
        %get3A_1235 = vector.shape_cast %get3A_1234 : vector<1x1x16xf32> to vector<16xf32>
        %add3A_1236 = arith.addf %add3A_1176, %get3A_1235 : vector<16xf32>
        %get3A_1237 = arith.constant 1 : i32
        %get3A_1238 = arith.index_cast %get3A_1237 : i32 to index
        %get3A_1239 = arith.index_cast %add3A_1215 : i32 to index
        %get3A_1240 = arith.constant 48 : index
        %get3A_1241 = tpu.vector_load %arg8[%get3A_1238, %get3A_1239, %get3A_1240] {strides = array<i32>} : memref<8x50x128xf32, #tpu.memory_space<vmem>>, vector<1x1x16xf32>,
        %get3A_1242 = vector.shape_cast %get3A_1241 : vector<1x1x16xf32> to vector<16xf32>
        %add3A_1243 = arith.addf %add3A_1183, %get3A_1242 : vector<16xf32>
        %get3A_1244 = arith.constant 1 : i32
        %get3A_1245 = arith.index_cast %get3A_1244 : i32 to index
        %get3A_1246 = arith.index_cast %add3A_1215 : i32 to index
        %get3A_1247 = arith.constant 64 : index
        %get3A_1248 = tpu.vector_load %arg8[%get3A_1245, %get3A_1246, %get3A_1247] {strides = array<i32>} : memref<8x50x128xf32, #tpu.memory_space<vmem>>, vector<1x1x16xf32>,
        %get3A_1249 = vector.shape_cast %get3A_1248 : vector<1x1x16xf32> to vector<16xf32>
        %add3A_1250 = arith.addf %add3A_1190, %get3A_1249 : vector<16xf32>
        %get3A_1251 = arith.constant 1 : i32
        %get3A_1252 = arith.index_cast %get3A_1251 : i32 to index
        %get3A_1253 = arith.index_cast %add3A_1215 : i32 to index
        %get3A_1254 = arith.constant 80 : index
        %get3A_1255 = tpu.vector_load %arg8[%get3A_1252, %get3A_1253, %get3A_1254] {strides = array<i32>} : memref<8x50x128xf32, #tpu.memory_space<vmem>>, vector<1x1x16xf32>,
        %get3A_1256 = vector.shape_cast %get3A_1255 : vector<1x1x16xf32> to vector<16xf32>
        %add3A_1257 = arith.addf %add3A_1197, %get3A_1256 : vector<16xf32>
        %get3A_1258 = arith.constant 1 : i32
        %get3A_1259 = arith.index_cast %get3A_1258 : i32 to index
        %get3A_1260 = arith.index_cast %add3A_1215 : i32 to index
        %get3A_1261 = arith.constant 96 : index
        %get3A_1262 = tpu.vector_load %arg8[%get3A_1259, %get3A_1260, %get3A_1261] {strides = array<i32>} : memref<8x50x128xf32, #tpu.memory_space<vmem>>, vector<1x1x16xf32>,
        %get3A_1263 = vector.shape_cast %get3A_1262 : vector<1x1x16xf32> to vector<16xf32>
        %add3A_1264 = arith.addf %add3A_1204, %get3A_1263 : vector<16xf32>
        %get3A_1265 = arith.constant 1 : i32
        %get3A_1266 = arith.index_cast %get3A_1265 : i32 to index
        %get3A_1267 = arith.index_cast %add3A_1215 : i32 to index
        %get3A_1268 = arith.constant 112 : index
        %get3A_1269 = tpu.vector_load %arg8[%get3A_1266, %get3A_1267, %get3A_1268] {strides = array<i32>} : memref<8x50x128xf32, #tpu.memory_space<vmem>>, vector<1x1x16xf32>,
        %get3A_1270 = vector.shape_cast %get3A_1269 : vector<1x1x16xf32> to vector<16xf32>
        %add3A_1271 = arith.addf %add3A_1211, %get3A_1270 : vector<16xf32>
        %mul3A_1272 = arith.constant 5 : i32
        %mul3A_1273 = arith.muli %mul3A_1272, %scan3A_1023 : i32
        %add3A_1274 = arith.constant 4 : i32
        %add3A_1275 = arith.addi %mul3A_1273, %add3A_1274 : i32
        %get3A_1276 = arith.constant 1 : i32
        %get3A_1277 = arith.index_cast %get3A_1276 : i32 to index
        %get3A_1278 = arith.index_cast %add3A_1275 : i32 to index
        %get3A_1279 = arith.constant 0 : index
        %get3A_1280 = tpu.vector_load %arg8[%get3A_1277, %get3A_1278, %get3A_1279] {strides = array<i32>} : memref<8x50x128xf32, #tpu.memory_space<vmem>>, vector<1x1x16xf32>,
        %get3A_1281 = vector.shape_cast %get3A_1280 : vector<1x1x16xf32> to vector<16xf32>
        %add3A_1282 = arith.addf %add3A_1222, %get3A_1281 : vector<16xf32>
        %get3A_1283 = arith.constant 1 : i32
        %get3A_1284 = arith.index_cast %get3A_1283 : i32 to index
        %get3A_1285 = arith.index_cast %add3A_1275 : i32 to index
        %get3A_1286 = arith.constant 16 : index
        %get3A_1287 = tpu.vector_load %arg8[%get3A_1284, %get3A_1285, %get3A_1286] {strides = array<i32>} : memref<8x50x128xf32, #tpu.memory_space<vmem>>, vector<1x1x16xf32>,
        %get3A_1288 = vector.shape_cast %get3A_1287 : vector<1x1x16xf32> to vector<16xf32>
        %add3A_1289 = arith.addf %add3A_1229, %get3A_1288 : vector<16xf32>
        %get3A_1290 = arith.constant 1 : i32
        %get3A_1291 = arith.index_cast %get3A_1290 : i32 to index
        %get3A_1292 = arith.index_cast %add3A_1275 : i32 to index
        %get3A_1293 = arith.constant 32 : index
        %get3A_1294 = tpu.vector_load %arg8[%get3A_1291, %get3A_1292, %get3A_1293] {strides = array<i32>} : memref<8x50x128xf32, #tpu.memory_space<vmem>>, vector<1x1x16xf32>,
        %get3A_1295 = vector.shape_cast %get3A_1294 : vector<1x1x16xf32> to vector<16xf32>
        %add3A_1296 = arith.addf %add3A_1236, %get3A_1295 : vector<16xf32>
        %get3A_1297 = arith.constant 1 : i32
        %get3A_1298 = arith.index_cast %get3A_1297 : i32 to index
        %get3A_1299 = arith.index_cast %add3A_1275 : i32 to index
        %get3A_1300 = arith.constant 48 : index
        %get3A_1301 = tpu.vector_load %arg8[%get3A_1298, %get3A_1299, %get3A_1300] {strides = array<i32>} : memref<8x50x128xf32, #tpu.memory_space<vmem>>, vector<1x1x16xf32>,
        %get3A_1302 = vector.shape_cast %get3A_1301 : vector<1x1x16xf32> to vector<16xf32>
        %add3A_1303 = arith.addf %add3A_1243, %get3A_1302 : vector<16xf32>
        %get3A_1304 = arith.constant 1 : i32
        %get3A_1305 = arith.index_cast %get3A_1304 : i32 to index
        %get3A_1306 = arith.index_cast %add3A_1275 : i32 to index
        %get3A_1307 = arith.constant 64 : index
        %get3A_1308 = tpu.vector_load %arg8[%get3A_1305, %get3A_1306, %get3A_1307] {strides = array<i32>} : memref<8x50x128xf32, #tpu.memory_space<vmem>>, vector<1x1x16xf32>,
        %get3A_1309 = vector.shape_cast %get3A_1308 : vector<1x1x16xf32> to vector<16xf32>
        %add3A_1310 = arith.addf %add3A_1250, %get3A_1309 : vector<16xf32>
        %get3A_1311 = arith.constant 1 : i32
        %get3A_1312 = arith.index_cast %get3A_1311 : i32 to index
        %get3A_1313 = arith.index_cast %add3A_1275 : i32 to index
        %get3A_1314 = arith.constant 80 : index
        %get3A_1315 = tpu.vector_load %arg8[%get3A_1312, %get3A_1313, %get3A_1314] {strides = array<i32>} : memref<8x50x128xf32, #tpu.memory_space<vmem>>, vector<1x1x16xf32>,
        %get3A_1316 = vector.shape_cast %get3A_1315 : vector<1x1x16xf32> to vector<16xf32>
        %add3A_1317 = arith.addf %add3A_1257, %get3A_1316 : vector<16xf32>
        %get3A_1318 = arith.constant 1 : i32
        %get3A_1319 = arith.index_cast %get3A_1318 : i32 to index
        %get3A_1320 = arith.index_cast %add3A_1275 : i32 to index
        %get3A_1321 = arith.constant 96 : index
        %get3A_1322 = tpu.vector_load %arg8[%get3A_1319, %get3A_1320, %get3A_1321] {strides = array<i32>} : memref<8x50x128xf32, #tpu.memory_space<vmem>>, vector<1x1x16xf32>,
        %get3A_1323 = vector.shape_cast %get3A_1322 : vector<1x1x16xf32> to vector<16xf32>
        %add3A_1324 = arith.addf %add3A_1264, %get3A_1323 : vector<16xf32>
        %get3A_1325 = arith.constant 1 : i32
        %get3A_1326 = arith.index_cast %get3A_1325 : i32 to index
        %get3A_1327 = arith.index_cast %add3A_1275 : i32 to index
        %get3A_1328 = arith.constant 112 : index
        %get3A_1329 = tpu.vector_load %arg8[%get3A_1326, %get3A_1327, %get3A_1328] {strides = array<i32>} : memref<8x50x128xf32, #tpu.memory_space<vmem>>, vector<1x1x16xf32>,
        %get3A_1330 = vector.shape_cast %get3A_1329 : vector<1x1x16xf32> to vector<16xf32>
        %add3A_1331 = arith.addf %add3A_1271, %get3A_1330 : vector<16xf32>
        scf.yield %add3A_1282, %add3A_1289, %add3A_1296, %add3A_1303, %add3A_1310, %add3A_1317, %add3A_1324, %add3A_1331 : vector<16xf32>, vector<16xf32>, vector<16xf32>, vector<16xf32>, vector<16xf32>, vector<16xf32>, vector<16xf32>, vector<16xf32>
      }
      %scan3A_260 = arith.constant 10 : i32
      %add3A_261 = arith.constant 2 : i32
      %add3A_262 = arith.addi %mul3A_194, %add3A_261 : i32
      %add3A_263 = arith.constant 6 : i32
      %add3A_264 = arith.addi %add3A_262, %add3A_263 : i32
      %lt3A_265 = arith.constant 512 : i32
      %lt3A_266 = arith.cmpi slt, %add3A_264, %lt3A_265 : i32
      %convert_element_type3A_267 = arith.extui %lt3A_266 : i1 to i32
      %cond3A_268 = arith.constant 0 : i32
      %cond3A_269 = arith.cmpi ne, %convert_element_type3A_267, %cond3A_268 : i32
      scf.if %cond3A_269 {
        %add3A_1023 = arith.constant 6 : i32
        %add3A_1024 = arith.addi %add3A_262, %add3A_1023 : i32
        %dma_start3A_1025 = arith.constant 0 : i32
        %dma_start3A_1026 = arith.constant 0 : i32
        %dma_start3A_1027 = arith.constant 0 : i32
        %dma_start3A_1028 = tpu.memref_slice %arg8[%dma_start3A_1025, %dma_start3A_1026, %dma_start3A_1027] : memref<8x50x128xf32, #tpu.memory_space<vmem>> -> memref<1x50x128xf32, #tpu.memory_space<vmem>>
        %dma_start3A_1029 = tpu.memref_squeeze %dma_start3A_1028 : memref<1x50x128xf32, #tpu.memory_space<vmem>> -> memref<50x128xf32, #tpu.memory_space<vmem>>
        %dma_start3A_1030 = arith.constant 0 : i32
        %dma_start3A_1031 = tpu.memref_slice %arg7[%add3A_1024, %dma_start3A_1030] : memref<512x50xi32, #tpu.memory_space<vmem>> -> memref<1x50xi32, #tpu.memory_space<vmem>>
        %dma_start3A_1032 = tpu.memref_squeeze %dma_start3A_1031 : memref<1x50xi32, #tpu.memory_space<vmem>> -> memref<50xi32, #tpu.memory_space<vmem>>
        %dma_start3A_1033 = arith.constant 0 : i32
        %dma_start3A_1034 = arith.constant 0 : i32
        %dma_start3A_1035 = tpu.memref_slice %arg3[%dma_start3A_1033, %dma_start3A_1034] : memref<1000000x128xf32, #tpu.memory_space<hbm>> -> memref<1000000x128xf32, #tpu.memory_space<hbm>>
        tpu.enqueue_indirect_dma source(%dma_start3A_1035 : memref<1000000x128xf32, #tpu.memory_space<hbm>>) target(%dma_start3A_1029 : memref<50x128xf32, #tpu.memory_space<vmem>>) offsets(%dma_start3A_1032 : memref<50xi32, #tpu.memory_space<vmem>>) semaphore(%arg12 : memref<!tpu.dma_semaphore, #tpu.memory_space<semaphore_mem>>)
      } else {
      }
      %dma_wait3A_270 = arith.constant 0 : i32
      %dma_wait3A_271 = arith.constant 2 : i32
      %dma_wait3A_272 = arith.constant 0 : i32
      %dma_wait3A_273 = arith.constant 0 : i32
      %dma_wait3A_274 = tpu.memref_slice %arg8[%dma_wait3A_271, %dma_wait3A_272, %dma_wait3A_273] : memref<8x50x128xf32, #tpu.memory_space<vmem>> -> memref<1x50x128xf32, #tpu.memory_space<vmem>>
      %dma_wait3A_275 = tpu.memref_squeeze %dma_wait3A_274 : memref<1x50x128xf32, #tpu.memory_space<vmem>> -> memref<50x128xf32, #tpu.memory_space<vmem>>
      %dma_wait3A_276 = arith.constant 0 : i32
      %dma_wait3A_277 = tpu.memref_slice %arg7[%dma_wait3A_270, %dma_wait3A_276] : memref<512x50xi32, #tpu.memory_space<vmem>> -> memref<1x50xi32, #tpu.memory_space<vmem>>
      %dma_wait3A_278 = tpu.memref_squeeze %dma_wait3A_277 : memref<1x50xi32, #tpu.memory_space<vmem>> -> memref<50xi32, #tpu.memory_space<vmem>>
      %dma_wait3A_279 = arith.constant 0 : i32
      %dma_wait3A_280 = arith.constant 0 : i32
      %dma_wait3A_281 = tpu.memref_slice %arg3[%dma_wait3A_279, %dma_wait3A_280] : memref<1000000x128xf32, #tpu.memory_space<hbm>> -> memref<1000000x128xf32, #tpu.memory_space<hbm>>
      tpu.wait_indirect_dma semaphore(%arg14 : memref<!tpu.dma_semaphore, #tpu.memory_space<semaphore_mem>>) src(%dma_wait3A_281 : memref<1000000x128xf32, #tpu.memory_space<hbm>>) dst(%dma_wait3A_275 : memref<50x128xf32, #tpu.memory_space<vmem>>)
      %scan3A_282 = arith.constant 0 : i32
      %scan3A_283 = arith.constant 10 : i32
      %scan3A_284 = arith.addi %scan3A_282, %scan3A_283 : i32
      %scan3A_285 = arith.constant 1 : i32
      %scan3A_286:8 = scf.for %scan3A_1023 = %scan3A_282 to %scan3A_284 step %scan3A_285 iter_args(%scan3A_1024 = %scan3A_259#0, %scan3A_1025 = %scan3A_259#1, %scan3A_1026 = %scan3A_259#2, %scan3A_1027 = %scan3A_259#3, %scan3A_1028 = %scan3A_259#4, %scan3A_1029 = %scan3A_259#5, %scan3A_1030 = %scan3A_259#6, %scan3A_1031 = %scan3A_259#7) -> (vector<16xf32>, vector<16xf32>, vector<16xf32>, vector<16xf32>, vector<16xf32>, vector<16xf32>, vector<16xf32>, vector<16xf32>)  : i32 {
        %mul3A_1032 = arith.constant 5 : i32
        %mul3A_1033 = arith.muli %mul3A_1032, %scan3A_1023 : i32
        %add3A_1034 = arith.constant 0 : i32
        %add3A_1035 = arith.addi %mul3A_1033, %add3A_1034 : i32
        %get3A_1036 = arith.constant 2 : i32
        %get3A_1037 = arith.index_cast %get3A_1036 : i32 to index
        %get3A_1038 = arith.index_cast %add3A_1035 : i32 to index
        %get3A_1039 = arith.constant 0 : index
        %get3A_1040 = tpu.vector_load %arg8[%get3A_1037, %get3A_1038, %get3A_1039] {strides = array<i32>} : memref<8x50x128xf32, #tpu.memory_space<vmem>>, vector<1x1x16xf32>,
        %get3A_1041 = vector.shape_cast %get3A_1040 : vector<1x1x16xf32> to vector<16xf32>
        %add3A_1042 = arith.addf %scan3A_1024, %get3A_1041 : vector<16xf32>
        %get3A_1043 = arith.constant 2 : i32
        %get3A_1044 = arith.index_cast %get3A_1043 : i32 to index
        %get3A_1045 = arith.index_cast %add3A_1035 : i32 to index
        %get3A_1046 = arith.constant 16 : index
        %get3A_1047 = tpu.vector_load %arg8[%get3A_1044, %get3A_1045, %get3A_1046] {strides = array<i32>} : memref<8x50x128xf32, #tpu.memory_space<vmem>>, vector<1x1x16xf32>,
        %get3A_1048 = vector.shape_cast %get3A_1047 : vector<1x1x16xf32> to vector<16xf32>
        %add3A_1049 = arith.addf %scan3A_1025, %get3A_1048 : vector<16xf32>
        %get3A_1050 = arith.constant 2 : i32
        %get3A_1051 = arith.index_cast %get3A_1050 : i32 to index
        %get3A_1052 = arith.index_cast %add3A_1035 : i32 to index
        %get3A_1053 = arith.constant 32 : index
        %get3A_1054 = tpu.vector_load %arg8[%get3A_1051, %get3A_1052, %get3A_1053] {strides = array<i32>} : memref<8x50x128xf32, #tpu.memory_space<vmem>>, vector<1x1x16xf32>,
        %get3A_1055 = vector.shape_cast %get3A_1054 : vector<1x1x16xf32> to vector<16xf32>
        %add3A_1056 = arith.addf %scan3A_1026, %get3A_1055 : vector<16xf32>
        %get3A_1057 = arith.constant 2 : i32
        %get3A_1058 = arith.index_cast %get3A_1057 : i32 to index
        %get3A_1059 = arith.index_cast %add3A_1035 : i32 to index
        %get3A_1060 = arith.constant 48 : index
        %get3A_1061 = tpu.vector_load %arg8[%get3A_1058, %get3A_1059, %get3A_1060] {strides = array<i32>} : memref<8x50x128xf32, #tpu.memory_space<vmem>>, vector<1x1x16xf32>,
        %get3A_1062 = vector.shape_cast %get3A_1061 : vector<1x1x16xf32> to vector<16xf32>
        %add3A_1063 = arith.addf %scan3A_1027, %get3A_1062 : vector<16xf32>
        %get3A_1064 = arith.constant 2 : i32
        %get3A_1065 = arith.index_cast %get3A_1064 : i32 to index
        %get3A_1066 = arith.index_cast %add3A_1035 : i32 to index
        %get3A_1067 = arith.constant 64 : index
        %get3A_1068 = tpu.vector_load %arg8[%get3A_1065, %get3A_1066, %get3A_1067] {strides = array<i32>} : memref<8x50x128xf32, #tpu.memory_space<vmem>>, vector<1x1x16xf32>,
        %get3A_1069 = vector.shape_cast %get3A_1068 : vector<1x1x16xf32> to vector<16xf32>
        %add3A_1070 = arith.addf %scan3A_1028, %get3A_1069 : vector<16xf32>
        %get3A_1071 = arith.constant 2 : i32
        %get3A_1072 = arith.index_cast %get3A_1071 : i32 to index
        %get3A_1073 = arith.index_cast %add3A_1035 : i32 to index
        %get3A_1074 = arith.constant 80 : index
        %get3A_1075 = tpu.vector_load %arg8[%get3A_1072, %get3A_1073, %get3A_1074] {strides = array<i32>} : memref<8x50x128xf32, #tpu.memory_space<vmem>>, vector<1x1x16xf32>,
        %get3A_1076 = vector.shape_cast %get3A_1075 : vector<1x1x16xf32> to vector<16xf32>
        %add3A_1077 = arith.addf %scan3A_1029, %get3A_1076 : vector<16xf32>
        %get3A_1078 = arith.constant 2 : i32
        %get3A_1079 = arith.index_cast %get3A_1078 : i32 to index
        %get3A_1080 = arith.index_cast %add3A_1035 : i32 to index
        %get3A_1081 = arith.constant 96 : index
        %get3A_1082 = tpu.vector_load %arg8[%get3A_1079, %get3A_1080, %get3A_1081] {strides = array<i32>} : memref<8x50x128xf32, #tpu.memory_space<vmem>>, vector<1x1x16xf32>,
        %get3A_1083 = vector.shape_cast %get3A_1082 : vector<1x1x16xf32> to vector<16xf32>
        %add3A_1084 = arith.addf %scan3A_1030, %get3A_1083 : vector<16xf32>
        %get3A_1085 = arith.constant 2 : i32
        %get3A_1086 = arith.index_cast %get3A_1085 : i32 to index
        %get3A_1087 = arith.index_cast %add3A_1035 : i32 to index
        %get3A_1088 = arith.constant 112 : index
        %get3A_1089 = tpu.vector_load %arg8[%get3A_1086, %get3A_1087, %get3A_1088] {strides = array<i32>} : memref<8x50x128xf32, #tpu.memory_space<vmem>>, vector<1x1x16xf32>,
        %get3A_1090 = vector.shape_cast %get3A_1089 : vector<1x1x16xf32> to vector<16xf32>
        %add3A_1091 = arith.addf %scan3A_1031, %get3A_1090 : vector<16xf32>
        %mul3A_1092 = arith.constant 5 : i32
        %mul3A_1093 = arith.muli %mul3A_1092, %scan3A_1023 : i32
        %add3A_1094 = arith.constant 1 : i32
        %add3A_1095 = arith.addi %mul3A_1093, %add3A_1094 : i32
        %get3A_1096 = arith.constant 2 : i32
        %get3A_1097 = arith.index_cast %get3A_1096 : i32 to index
        %get3A_1098 = arith.index_cast %add3A_1095 : i32 to index
        %get3A_1099 = arith.constant 0 : index
        %get3A_1100 = tpu.vector_load %arg8[%get3A_1097, %get3A_1098, %get3A_1099] {strides = array<i32>} : memref<8x50x128xf32, #tpu.memory_space<vmem>>, vector<1x1x16xf32>,
        %get3A_1101 = vector.shape_cast %get3A_1100 : vector<1x1x16xf32> to vector<16xf32>
        %add3A_1102 = arith.addf %add3A_1042, %get3A_1101 : vector<16xf32>
        %get3A_1103 = arith.constant 2 : i32
        %get3A_1104 = arith.index_cast %get3A_1103 : i32 to index
        %get3A_1105 = arith.index_cast %add3A_1095 : i32 to index
        %get3A_1106 = arith.constant 16 : index
        %get3A_1107 = tpu.vector_load %arg8[%get3A_1104, %get3A_1105, %get3A_1106] {strides = array<i32>} : memref<8x50x128xf32, #tpu.memory_space<vmem>>, vector<1x1x16xf32>,
        %get3A_1108 = vector.shape_cast %get3A_1107 : vector<1x1x16xf32> to vector<16xf32>
        %add3A_1109 = arith.addf %add3A_1049, %get3A_1108 : vector<16xf32>
        %get3A_1110 = arith.constant 2 : i32
        %get3A_1111 = arith.index_cast %get3A_1110 : i32 to index
        %get3A_1112 = arith.index_cast %add3A_1095 : i32 to index
        %get3A_1113 = arith.constant 32 : index
        %get3A_1114 = tpu.vector_load %arg8[%get3A_1111, %get3A_1112, %get3A_1113] {strides = array<i32>} : memref<8x50x128xf32, #tpu.memory_space<vmem>>, vector<1x1x16xf32>,
        %get3A_1115 = vector.shape_cast %get3A_1114 : vector<1x1x16xf32> to vector<16xf32>
        %add3A_1116 = arith.addf %add3A_1056, %get3A_1115 : vector<16xf32>
        %get3A_1117 = arith.constant 2 : i32
        %get3A_1118 = arith.index_cast %get3A_1117 : i32 to index
        %get3A_1119 = arith.index_cast %add3A_1095 : i32 to index
        %get3A_1120 = arith.constant 48 : index
        %get3A_1121 = tpu.vector_load %arg8[%get3A_1118, %get3A_1119, %get3A_1120] {strides = array<i32>} : memref<8x50x128xf32, #tpu.memory_space<vmem>>, vector<1x1x16xf32>,
        %get3A_1122 = vector.shape_cast %get3A_1121 : vector<1x1x16xf32> to vector<16xf32>
        %add3A_1123 = arith.addf %add3A_1063, %get3A_1122 : vector<16xf32>
        %get3A_1124 = arith.constant 2 : i32
        %get3A_1125 = arith.index_cast %get3A_1124 : i32 to index
        %get3A_1126 = arith.index_cast %add3A_1095 : i32 to index
        %get3A_1127 = arith.constant 64 : index
        %get3A_1128 = tpu.vector_load %arg8[%get3A_1125, %get3A_1126, %get3A_1127] {strides = array<i32>} : memref<8x50x128xf32, #tpu.memory_space<vmem>>, vector<1x1x16xf32>,
        %get3A_1129 = vector.shape_cast %get3A_1128 : vector<1x1x16xf32> to vector<16xf32>
        %add3A_1130 = arith.addf %add3A_1070, %get3A_1129 : vector<16xf32>
        %get3A_1131 = arith.constant 2 : i32
        %get3A_1132 = arith.index_cast %get3A_1131 : i32 to index
        %get3A_1133 = arith.index_cast %add3A_1095 : i32 to index
        %get3A_1134 = arith.constant 80 : index
        %get3A_1135 = tpu.vector_load %arg8[%get3A_1132, %get3A_1133, %get3A_1134] {strides = array<i32>} : memref<8x50x128xf32, #tpu.memory_space<vmem>>, vector<1x1x16xf32>,
        %get3A_1136 = vector.shape_cast %get3A_1135 : vector<1x1x16xf32> to vector<16xf32>
        %add3A_1137 = arith.addf %add3A_1077, %get3A_1136 : vector<16xf32>
        %get3A_1138 = arith.constant 2 : i32
        %get3A_1139 = arith.index_cast %get3A_1138 : i32 to index
        %get3A_1140 = arith.index_cast %add3A_1095 : i32 to index
        %get3A_1141 = arith.constant 96 : index
        %get3A_1142 = tpu.vector_load %arg8[%get3A_1139, %get3A_1140, %get3A_1141] {strides = array<i32>} : memref<8x50x128xf32, #tpu.memory_space<vmem>>, vector<1x1x16xf32>,
        %get3A_1143 = vector.shape_cast %get3A_1142 : vector<1x1x16xf32> to vector<16xf32>
        %add3A_1144 = arith.addf %add3A_1084, %get3A_1143 : vector<16xf32>
        %get3A_1145 = arith.constant 2 : i32
        %get3A_1146 = arith.index_cast %get3A_1145 : i32 to index
        %get3A_1147 = arith.index_cast %add3A_1095 : i32 to index
        %get3A_1148 = arith.constant 112 : index
        %get3A_1149 = tpu.vector_load %arg8[%get3A_1146, %get3A_1147, %get3A_1148] {strides = array<i32>} : memref<8x50x128xf32, #tpu.memory_space<vmem>>, vector<1x1x16xf32>,
        %get3A_1150 = vector.shape_cast %get3A_1149 : vector<1x1x16xf32> to vector<16xf32>
        %add3A_1151 = arith.addf %add3A_1091, %get3A_1150 : vector<16xf32>
        %mul3A_1152 = arith.constant 5 : i32
        %mul3A_1153 = arith.muli %mul3A_1152, %scan3A_1023 : i32
        %add3A_1154 = arith.constant 2 : i32
        %add3A_1155 = arith.addi %mul3A_1153, %add3A_1154 : i32
        %get3A_1156 = arith.constant 2 : i32
        %get3A_1157 = arith.index_cast %get3A_1156 : i32 to index
        %get3A_1158 = arith.index_cast %add3A_1155 : i32 to index
        %get3A_1159 = arith.constant 0 : index
        %get3A_1160 = tpu.vector_load %arg8[%get3A_1157, %get3A_1158, %get3A_1159] {strides = array<i32>} : memref<8x50x128xf32, #tpu.memory_space<vmem>>, vector<1x1x16xf32>,
        %get3A_1161 = vector.shape_cast %get3A_1160 : vector<1x1x16xf32> to vector<16xf32>
        %add3A_1162 = arith.addf %add3A_1102, %get3A_1161 : vector<16xf32>
        %get3A_1163 = arith.constant 2 : i32
        %get3A_1164 = arith.index_cast %get3A_1163 : i32 to index
        %get3A_1165 = arith.index_cast %add3A_1155 : i32 to index
        %get3A_1166 = arith.constant 16 : index
        %get3A_1167 = tpu.vector_load %arg8[%get3A_1164, %get3A_1165, %get3A_1166] {strides = array<i32>} : memref<8x50x128xf32, #tpu.memory_space<vmem>>, vector<1x1x16xf32>,
        %get3A_1168 = vector.shape_cast %get3A_1167 : vector<1x1x16xf32> to vector<16xf32>
        %add3A_1169 = arith.addf %add3A_1109, %get3A_1168 : vector<16xf32>
        %get3A_1170 = arith.constant 2 : i32
        %get3A_1171 = arith.index_cast %get3A_1170 : i32 to index
        %get3A_1172 = arith.index_cast %add3A_1155 : i32 to index
        %get3A_1173 = arith.constant 32 : index
        %get3A_1174 = tpu.vector_load %arg8[%get3A_1171, %get3A_1172, %get3A_1173] {strides = array<i32>} : memref<8x50x128xf32, #tpu.memory_space<vmem>>, vector<1x1x16xf32>,
        %get3A_1175 = vector.shape_cast %get3A_1174 : vector<1x1x16xf32> to vector<16xf32>
        %add3A_1176 = arith.addf %add3A_1116, %get3A_1175 : vector<16xf32>
        %get3A_1177 = arith.constant 2 : i32
        %get3A_1178 = arith.index_cast %get3A_1177 : i32 to index
        %get3A_1179 = arith.index_cast %add3A_1155 : i32 to index
        %get3A_1180 = arith.constant 48 : index
        %get3A_1181 = tpu.vector_load %arg8[%get3A_1178, %get3A_1179, %get3A_1180] {strides = array<i32>} : memref<8x50x128xf32, #tpu.memory_space<vmem>>, vector<1x1x16xf32>,
        %get3A_1182 = vector.shape_cast %get3A_1181 : vector<1x1x16xf32> to vector<16xf32>
        %add3A_1183 = arith.addf %add3A_1123, %get3A_1182 : vector<16xf32>
        %get3A_1184 = arith.constant 2 : i32
        %get3A_1185 = arith.index_cast %get3A_1184 : i32 to index
        %get3A_1186 = arith.index_cast %add3A_1155 : i32 to index
        %get3A_1187 = arith.constant 64 : index
        %get3A_1188 = tpu.vector_load %arg8[%get3A_1185, %get3A_1186, %get3A_1187] {strides = array<i32>} : memref<8x50x128xf32, #tpu.memory_space<vmem>>, vector<1x1x16xf32>,
        %get3A_1189 = vector.shape_cast %get3A_1188 : vector<1x1x16xf32> to vector<16xf32>
        %add3A_1190 = arith.addf %add3A_1130, %get3A_1189 : vector<16xf32>
        %get3A_1191 = arith.constant 2 : i32
        %get3A_1192 = arith.index_cast %get3A_1191 : i32 to index
        %get3A_1193 = arith.index_cast %add3A_1155 : i32 to index
        %get3A_1194 = arith.constant 80 : index
        %get3A_1195 = tpu.vector_load %arg8[%get3A_1192, %get3A_1193, %get3A_1194] {strides = array<i32>} : memref<8x50x128xf32, #tpu.memory_space<vmem>>, vector<1x1x16xf32>,
        %get3A_1196 = vector.shape_cast %get3A_1195 : vector<1x1x16xf32> to vector<16xf32>
        %add3A_1197 = arith.addf %add3A_1137, %get3A_1196 : vector<16xf32>
        %get3A_1198 = arith.constant 2 : i32
        %get3A_1199 = arith.index_cast %get3A_1198 : i32 to index
        %get3A_1200 = arith.index_cast %add3A_1155 : i32 to index
        %get3A_1201 = arith.constant 96 : index
        %get3A_1202 = tpu.vector_load %arg8[%get3A_1199, %get3A_1200, %get3A_1201] {strides = array<i32>} : memref<8x50x128xf32, #tpu.memory_space<vmem>>, vector<1x1x16xf32>,
        %get3A_1203 = vector.shape_cast %get3A_1202 : vector<1x1x16xf32> to vector<16xf32>
        %add3A_1204 = arith.addf %add3A_1144, %get3A_1203 : vector<16xf32>
        %get3A_1205 = arith.constant 2 : i32
        %get3A_1206 = arith.index_cast %get3A_1205 : i32 to index
        %get3A_1207 = arith.index_cast %add3A_1155 : i32 to index
        %get3A_1208 = arith.constant 112 : index
        %get3A_1209 = tpu.vector_load %arg8[%get3A_1206, %get3A_1207, %get3A_1208] {strides = array<i32>} : memref<8x50x128xf32, #tpu.memory_space<vmem>>, vector<1x1x16xf32>,
        %get3A_1210 = vector.shape_cast %get3A_1209 : vector<1x1x16xf32> to vector<16xf32>
        %add3A_1211 = arith.addf %add3A_1151, %get3A_1210 : vector<16xf32>
        %mul3A_1212 = arith.constant 5 : i32
        %mul3A_1213 = arith.muli %mul3A_1212, %scan3A_1023 : i32
        %add3A_1214 = arith.constant 3 : i32
        %add3A_1215 = arith.addi %mul3A_1213, %add3A_1214 : i32
        %get3A_1216 = arith.constant 2 : i32
        %get3A_1217 = arith.index_cast %get3A_1216 : i32 to index
        %get3A_1218 = arith.index_cast %add3A_1215 : i32 to index
        %get3A_1219 = arith.constant 0 : index
        %get3A_1220 = tpu.vector_load %arg8[%get3A_1217, %get3A_1218, %get3A_1219] {strides = array<i32>} : memref<8x50x128xf32, #tpu.memory_space<vmem>>, vector<1x1x16xf32>,
        %get3A_1221 = vector.shape_cast %get3A_1220 : vector<1x1x16xf32> to vector<16xf32>
        %add3A_1222 = arith.addf %add3A_1162, %get3A_1221 : vector<16xf32>
        %get3A_1223 = arith.constant 2 : i32
        %get3A_1224 = arith.index_cast %get3A_1223 : i32 to index
        %get3A_1225 = arith.index_cast %add3A_1215 : i32 to index
        %get3A_1226 = arith.constant 16 : index
        %get3A_1227 = tpu.vector_load %arg8[%get3A_1224, %get3A_1225, %get3A_1226] {strides = array<i32>} : memref<8x50x128xf32, #tpu.memory_space<vmem>>, vector<1x1x16xf32>,
        %get3A_1228 = vector.shape_cast %get3A_1227 : vector<1x1x16xf32> to vector<16xf32>
        %add3A_1229 = arith.addf %add3A_1169, %get3A_1228 : vector<16xf32>
        %get3A_1230 = arith.constant 2 : i32
        %get3A_1231 = arith.index_cast %get3A_1230 : i32 to index
        %get3A_1232 = arith.index_cast %add3A_1215 : i32 to index
        %get3A_1233 = arith.constant 32 : index
        %get3A_1234 = tpu.vector_load %arg8[%get3A_1231, %get3A_1232, %get3A_1233] {strides = array<i32>} : memref<8x50x128xf32, #tpu.memory_space<vmem>>, vector<1x1x16xf32>,
        %get3A_1235 = vector.shape_cast %get3A_1234 : vector<1x1x16xf32> to vector<16xf32>
        %add3A_1236 = arith.addf %add3A_1176, %get3A_1235 : vector<16xf32>
        %get3A_1237 = arith.constant 2 : i32
        %get3A_1238 = arith.index_cast %get3A_1237 : i32 to index
        %get3A_1239 = arith.index_cast %add3A_1215 : i32 to index
        %get3A_1240 = arith.constant 48 : index
        %get3A_1241 = tpu.vector_load %arg8[%get3A_1238, %get3A_1239, %get3A_1240] {strides = array<i32>} : memref<8x50x128xf32, #tpu.memory_space<vmem>>, vector<1x1x16xf32>,
        %get3A_1242 = vector.shape_cast %get3A_1241 : vector<1x1x16xf32> to vector<16xf32>
        %add3A_1243 = arith.addf %add3A_1183, %get3A_1242 : vector<16xf32>
        %get3A_1244 = arith.constant 2 : i32
        %get3A_1245 = arith.index_cast %get3A_1244 : i32 to index
        %get3A_1246 = arith.index_cast %add3A_1215 : i32 to index
        %get3A_1247 = arith.constant 64 : index
        %get3A_1248 = tpu.vector_load %arg8[%get3A_1245, %get3A_1246, %get3A_1247] {strides = array<i32>} : memref<8x50x128xf32, #tpu.memory_space<vmem>>, vector<1x1x16xf32>,
        %get3A_1249 = vector.shape_cast %get3A_1248 : vector<1x1x16xf32> to vector<16xf32>
        %add3A_1250 = arith.addf %add3A_1190, %get3A_1249 : vector<16xf32>
        %get3A_1251 = arith.constant 2 : i32
        %get3A_1252 = arith.index_cast %get3A_1251 : i32 to index
        %get3A_1253 = arith.index_cast %add3A_1215 : i32 to index
        %get3A_1254 = arith.constant 80 : index
        %get3A_1255 = tpu.vector_load %arg8[%get3A_1252, %get3A_1253, %get3A_1254] {strides = array<i32>} : memref<8x50x128xf32, #tpu.memory_space<vmem>>, vector<1x1x16xf32>,
        %get3A_1256 = vector.shape_cast %get3A_1255 : vector<1x1x16xf32> to vector<16xf32>
        %add3A_1257 = arith.addf %add3A_1197, %get3A_1256 : vector<16xf32>
        %get3A_1258 = arith.constant 2 : i32
        %get3A_1259 = arith.index_cast %get3A_1258 : i32 to index
        %get3A_1260 = arith.index_cast %add3A_1215 : i32 to index
        %get3A_1261 = arith.constant 96 : index
        %get3A_1262 = tpu.vector_load %arg8[%get3A_1259, %get3A_1260, %get3A_1261] {strides = array<i32>} : memref<8x50x128xf32, #tpu.memory_space<vmem>>, vector<1x1x16xf32>,
        %get3A_1263 = vector.shape_cast %get3A_1262 : vector<1x1x16xf32> to vector<16xf32>
        %add3A_1264 = arith.addf %add3A_1204, %get3A_1263 : vector<16xf32>
        %get3A_1265 = arith.constant 2 : i32
        %get3A_1266 = arith.index_cast %get3A_1265 : i32 to index
        %get3A_1267 = arith.index_cast %add3A_1215 : i32 to index
        %get3A_1268 = arith.constant 112 : index
        %get3A_1269 = tpu.vector_load %arg8[%get3A_1266, %get3A_1267, %get3A_1268] {strides = array<i32>} : memref<8x50x128xf32, #tpu.memory_space<vmem>>, vector<1x1x16xf32>,
        %get3A_1270 = vector.shape_cast %get3A_1269 : vector<1x1x16xf32> to vector<16xf32>
        %add3A_1271 = arith.addf %add3A_1211, %get3A_1270 : vector<16xf32>
        %mul3A_1272 = arith.constant 5 : i32
        %mul3A_1273 = arith.muli %mul3A_1272, %scan3A_1023 : i32
        %add3A_1274 = arith.constant 4 : i32
        %add3A_1275 = arith.addi %mul3A_1273, %add3A_1274 : i32
        %get3A_1276 = arith.constant 2 : i32
        %get3A_1277 = arith.index_cast %get3A_1276 : i32 to index
        %get3A_1278 = arith.index_cast %add3A_1275 : i32 to index
        %get3A_1279 = arith.constant 0 : index
        %get3A_1280 = tpu.vector_load %arg8[%get3A_1277, %get3A_1278, %get3A_1279] {strides = array<i32>} : memref<8x50x128xf32, #tpu.memory_space<vmem>>, vector<1x1x16xf32>,
        %get3A_1281 = vector.shape_cast %get3A_1280 : vector<1x1x16xf32> to vector<16xf32>
        %add3A_1282 = arith.addf %add3A_1222, %get3A_1281 : vector<16xf32>
        %get3A_1283 = arith.constant 2 : i32
        %get3A_1284 = arith.index_cast %get3A_1283 : i32 to index
        %get3A_1285 = arith.index_cast %add3A_1275 : i32 to index
        %get3A_1286 = arith.constant 16 : index
        %get3A_1287 = tpu.vector_load %arg8[%get3A_1284, %get3A_1285, %get3A_1286] {strides = array<i32>} : memref<8x50x128xf32, #tpu.memory_space<vmem>>, vector<1x1x16xf32>,
        %get3A_1288 = vector.shape_cast %get3A_1287 : vector<1x1x16xf32> to vector<16xf32>
        %add3A_1289 = arith.addf %add3A_1229, %get3A_1288 : vector<16xf32>
        %get3A_1290 = arith.constant 2 : i32
        %get3A_1291 = arith.index_cast %get3A_1290 : i32 to index
        %get3A_1292 = arith.index_cast %add3A_1275 : i32 to index
        %get3A_1293 = arith.constant 32 : index
        %get3A_1294 = tpu.vector_load %arg8[%get3A_1291, %get3A_1292, %get3A_1293] {strides = array<i32>} : memref<8x50x128xf32, #tpu.memory_space<vmem>>, vector<1x1x16xf32>,
        %get3A_1295 = vector.shape_cast %get3A_1294 : vector<1x1x16xf32> to vector<16xf32>
        %add3A_1296 = arith.addf %add3A_1236, %get3A_1295 : vector<16xf32>
        %get3A_1297 = arith.constant 2 : i32
        %get3A_1298 = arith.index_cast %get3A_1297 : i32 to index
        %get3A_1299 = arith.index_cast %add3A_1275 : i32 to index
        %get3A_1300 = arith.constant 48 : index
        %get3A_1301 = tpu.vector_load %arg8[%get3A_1298, %get3A_1299, %get3A_1300] {strides = array<i32>} : memref<8x50x128xf32, #tpu.memory_space<vmem>>, vector<1x1x16xf32>,
        %get3A_1302 = vector.shape_cast %get3A_1301 : vector<1x1x16xf32> to vector<16xf32>
        %add3A_1303 = arith.addf %add3A_1243, %get3A_1302 : vector<16xf32>
        %get3A_1304 = arith.constant 2 : i32
        %get3A_1305 = arith.index_cast %get3A_1304 : i32 to index
        %get3A_1306 = arith.index_cast %add3A_1275 : i32 to index
        %get3A_1307 = arith.constant 64 : index
        %get3A_1308 = tpu.vector_load %arg8[%get3A_1305, %get3A_1306, %get3A_1307] {strides = array<i32>} : memref<8x50x128xf32, #tpu.memory_space<vmem>>, vector<1x1x16xf32>,
        %get3A_1309 = vector.shape_cast %get3A_1308 : vector<1x1x16xf32> to vector<16xf32>
        %add3A_1310 = arith.addf %add3A_1250, %get3A_1309 : vector<16xf32>
        %get3A_1311 = arith.constant 2 : i32
        %get3A_1312 = arith.index_cast %get3A_1311 : i32 to index
        %get3A_1313 = arith.index_cast %add3A_1275 : i32 to index
        %get3A_1314 = arith.constant 80 : index
        %get3A_1315 = tpu.vector_load %arg8[%get3A_1312, %get3A_1313, %get3A_1314] {strides = array<i32>} : memref<8x50x128xf32, #tpu.memory_space<vmem>>, vector<1x1x16xf32>,
        %get3A_1316 = vector.shape_cast %get3A_1315 : vector<1x1x16xf32> to vector<16xf32>
        %add3A_1317 = arith.addf %add3A_1257, %get3A_1316 : vector<16xf32>
        %get3A_1318 = arith.constant 2 : i32
        %get3A_1319 = arith.index_cast %get3A_1318 : i32 to index
        %get3A_1320 = arith.index_cast %add3A_1275 : i32 to index
        %get3A_1321 = arith.constant 96 : index
        %get3A_1322 = tpu.vector_load %arg8[%get3A_1319, %get3A_1320, %get3A_1321] {strides = array<i32>} : memref<8x50x128xf32, #tpu.memory_space<vmem>>, vector<1x1x16xf32>,
        %get3A_1323 = vector.shape_cast %get3A_1322 : vector<1x1x16xf32> to vector<16xf32>
        %add3A_1324 = arith.addf %add3A_1264, %get3A_1323 : vector<16xf32>
        %get3A_1325 = arith.constant 2 : i32
        %get3A_1326 = arith.index_cast %get3A_1325 : i32 to index
        %get3A_1327 = arith.index_cast %add3A_1275 : i32 to index
        %get3A_1328 = arith.constant 112 : index
        %get3A_1329 = tpu.vector_load %arg8[%get3A_1326, %get3A_1327, %get3A_1328] {strides = array<i32>} : memref<8x50x128xf32, #tpu.memory_space<vmem>>, vector<1x1x16xf32>,
        %get3A_1330 = vector.shape_cast %get3A_1329 : vector<1x1x16xf32> to vector<16xf32>
        %add3A_1331 = arith.addf %add3A_1271, %get3A_1330 : vector<16xf32>
        scf.yield %add3A_1282, %add3A_1289, %add3A_1296, %add3A_1303, %add3A_1310, %add3A_1317, %add3A_1324, %add3A_1331 : vector<16xf32>, vector<16xf32>, vector<16xf32>, vector<16xf32>, vector<16xf32>, vector<16xf32>, vector<16xf32>, vector<16xf32>
      }
      %scan3A_287 = arith.constant 10 : i32
      %add3A_288 = arith.constant 3 : i32
      %add3A_289 = arith.addi %mul3A_194, %add3A_288 : i32
      %add3A_290 = arith.constant 6 : i32
      %add3A_291 = arith.addi %add3A_289, %add3A_290 : i32
      %lt3A_292 = arith.constant 512 : i32
      %lt3A_293 = arith.cmpi slt, %add3A_291, %lt3A_292 : i32
      %convert_element_type3A_294 = arith.extui %lt3A_293 : i1 to i32
      %cond3A_295 = arith.constant 0 : i32
      %cond3A_296 = arith.cmpi ne, %convert_element_type3A_294, %cond3A_295 : i32
      scf.if %cond3A_296 {
        %add3A_1023 = arith.constant 6 : i32
        %add3A_1024 = arith.addi %add3A_289, %add3A_1023 : i32
        %dma_start3A_1025 = arith.constant 1 : i32
        %dma_start3A_1026 = arith.constant 0 : i32
        %dma_start3A_1027 = arith.constant 0 : i32
        %dma_start3A_1028 = tpu.memref_slice %arg8[%dma_start3A_1025, %dma_start3A_1026, %dma_start3A_1027] : memref<8x50x128xf32, #tpu.memory_space<vmem>> -> memref<1x50x128xf32, #tpu.memory_space<vmem>>
        %dma_start3A_1029 = tpu.memref_squeeze %dma_start3A_1028 : memref<1x50x128xf32, #tpu.memory_space<vmem>> -> memref<50x128xf32, #tpu.memory_space<vmem>>
        %dma_start3A_1030 = arith.constant 0 : i32
        %dma_start3A_1031 = tpu.memref_slice %arg7[%add3A_1024, %dma_start3A_1030] : memref<512x50xi32, #tpu.memory_space<vmem>> -> memref<1x50xi32, #tpu.memory_space<vmem>>
        %dma_start3A_1032 = tpu.memref_squeeze %dma_start3A_1031 : memref<1x50xi32, #tpu.memory_space<vmem>> -> memref<50xi32, #tpu.memory_space<vmem>>
        %dma_start3A_1033 = arith.constant 0 : i32
        %dma_start3A_1034 = arith.constant 0 : i32
        %dma_start3A_1035 = tpu.memref_slice %arg3[%dma_start3A_1033, %dma_start3A_1034] : memref<1000000x128xf32, #tpu.memory_space<hbm>> -> memref<1000000x128xf32, #tpu.memory_space<hbm>>
        tpu.enqueue_indirect_dma source(%dma_start3A_1035 : memref<1000000x128xf32, #tpu.memory_space<hbm>>) target(%dma_start3A_1029 : memref<50x128xf32, #tpu.memory_space<vmem>>) offsets(%dma_start3A_1032 : memref<50xi32, #tpu.memory_space<vmem>>) semaphore(%arg13 : memref<!tpu.dma_semaphore, #tpu.memory_space<semaphore_mem>>)
      } else {
      }
      %dma_wait3A_297 = arith.constant 0 : i32
      %dma_wait3A_298 = arith.constant 3 : i32
      %dma_wait3A_299 = arith.constant 0 : i32
      %dma_wait3A_300 = arith.constant 0 : i32
      %dma_wait3A_301 = tpu.memref_slice %arg8[%dma_wait3A_298, %dma_wait3A_299, %dma_wait3A_300] : memref<8x50x128xf32, #tpu.memory_space<vmem>> -> memref<1x50x128xf32, #tpu.memory_space<vmem>>
      %dma_wait3A_302 = tpu.memref_squeeze %dma_wait3A_301 : memref<1x50x128xf32, #tpu.memory_space<vmem>> -> memref<50x128xf32, #tpu.memory_space<vmem>>
      %dma_wait3A_303 = arith.constant 0 : i32
      %dma_wait3A_304 = tpu.memref_slice %arg7[%dma_wait3A_297, %dma_wait3A_303] : memref<512x50xi32, #tpu.memory_space<vmem>> -> memref<1x50xi32, #tpu.memory_space<vmem>>
      %dma_wait3A_305 = tpu.memref_squeeze %dma_wait3A_304 : memref<1x50xi32, #tpu.memory_space<vmem>> -> memref<50xi32, #tpu.memory_space<vmem>>
      %dma_wait3A_306 = arith.constant 0 : i32
      %dma_wait3A_307 = arith.constant 0 : i32
      %dma_wait3A_308 = tpu.memref_slice %arg3[%dma_wait3A_306, %dma_wait3A_307] : memref<1000000x128xf32, #tpu.memory_space<hbm>> -> memref<1000000x128xf32, #tpu.memory_space<hbm>>
      tpu.wait_indirect_dma semaphore(%arg15 : memref<!tpu.dma_semaphore, #tpu.memory_space<semaphore_mem>>) src(%dma_wait3A_308 : memref<1000000x128xf32, #tpu.memory_space<hbm>>) dst(%dma_wait3A_302 : memref<50x128xf32, #tpu.memory_space<vmem>>)
      %scan3A_309 = arith.constant 0 : i32
      %scan3A_310 = arith.constant 10 : i32
      %scan3A_311 = arith.addi %scan3A_309, %scan3A_310 : i32
      %scan3A_312 = arith.constant 1 : i32
      %scan3A_313:8 = scf.for %scan3A_1023 = %scan3A_309 to %scan3A_311 step %scan3A_312 iter_args(%scan3A_1024 = %scan3A_286#0, %scan3A_1025 = %scan3A_286#1, %scan3A_1026 = %scan3A_286#2, %scan3A_1027 = %scan3A_286#3, %scan3A_1028 = %scan3A_286#4, %scan3A_1029 = %scan3A_286#5, %scan3A_1030 = %scan3A_286#6, %scan3A_1031 = %scan3A_286#7) -> (vector<16xf32>, vector<16xf32>, vector<16xf32>, vector<16xf32>, vector<16xf32>, vector<16xf32>, vector<16xf32>, vector<16xf32>)  : i32 {
        %mul3A_1032 = arith.constant 5 : i32
        %mul3A_1033 = arith.muli %mul3A_1032, %scan3A_1023 : i32
        %add3A_1034 = arith.constant 0 : i32
        %add3A_1035 = arith.addi %mul3A_1033, %add3A_1034 : i32
        %get3A_1036 = arith.constant 3 : i32
        %get3A_1037 = arith.index_cast %get3A_1036 : i32 to index
        %get3A_1038 = arith.index_cast %add3A_1035 : i32 to index
        %get3A_1039 = arith.constant 0 : index
        %get3A_1040 = tpu.vector_load %arg8[%get3A_1037, %get3A_1038, %get3A_1039] {strides = array<i32>} : memref<8x50x128xf32, #tpu.memory_space<vmem>>, vector<1x1x16xf32>,
        %get3A_1041 = vector.shape_cast %get3A_1040 : vector<1x1x16xf32> to vector<16xf32>
        %add3A_1042 = arith.addf %scan3A_1024, %get3A_1041 : vector<16xf32>
        %get3A_1043 = arith.constant 3 : i32
        %get3A_1044 = arith.index_cast %get3A_1043 : i32 to index
        %get3A_1045 = arith.index_cast %add3A_1035 : i32 to index
        %get3A_1046 = arith.constant 16 : index
        %get3A_1047 = tpu.vector_load %arg8[%get3A_1044, %get3A_1045, %get3A_1046] {strides = array<i32>} : memref<8x50x128xf32, #tpu.memory_space<vmem>>, vector<1x1x16xf32>,
        %get3A_1048 = vector.shape_cast %get3A_1047 : vector<1x1x16xf32> to vector<16xf32>
        %add3A_1049 = arith.addf %scan3A_1025, %get3A_1048 : vector<16xf32>
        %get3A_1050 = arith.constant 3 : i32
        %get3A_1051 = arith.index_cast %get3A_1050 : i32 to index
        %get3A_1052 = arith.index_cast %add3A_1035 : i32 to index
        %get3A_1053 = arith.constant 32 : index
        %get3A_1054 = tpu.vector_load %arg8[%get3A_1051, %get3A_1052, %get3A_1053] {strides = array<i32>} : memref<8x50x128xf32, #tpu.memory_space<vmem>>, vector<1x1x16xf32>,
        %get3A_1055 = vector.shape_cast %get3A_1054 : vector<1x1x16xf32> to vector<16xf32>
        %add3A_1056 = arith.addf %scan3A_1026, %get3A_1055 : vector<16xf32>
        %get3A_1057 = arith.constant 3 : i32
        %get3A_1058 = arith.index_cast %get3A_1057 : i32 to index
        %get3A_1059 = arith.index_cast %add3A_1035 : i32 to index
        %get3A_1060 = arith.constant 48 : index
        %get3A_1061 = tpu.vector_load %arg8[%get3A_1058, %get3A_1059, %get3A_1060] {strides = array<i32>} : memref<8x50x128xf32, #tpu.memory_space<vmem>>, vector<1x1x16xf32>,
        %get3A_1062 = vector.shape_cast %get3A_1061 : vector<1x1x16xf32> to vector<16xf32>
        %add3A_1063 = arith.addf %scan3A_1027, %get3A_1062 : vector<16xf32>
        %get3A_1064 = arith.constant 3 : i32
        %get3A_1065 = arith.index_cast %get3A_1064 : i32 to index
        %get3A_1066 = arith.index_cast %add3A_1035 : i32 to index
        %get3A_1067 = arith.constant 64 : index
        %get3A_1068 = tpu.vector_load %arg8[%get3A_1065, %get3A_1066, %get3A_1067] {strides = array<i32>} : memref<8x50x128xf32, #tpu.memory_space<vmem>>, vector<1x1x16xf32>,
        %get3A_1069 = vector.shape_cast %get3A_1068 : vector<1x1x16xf32> to vector<16xf32>
        %add3A_1070 = arith.addf %scan3A_1028, %get3A_1069 : vector<16xf32>
        %get3A_1071 = arith.constant 3 : i32
        %get3A_1072 = arith.index_cast %get3A_1071 : i32 to index
        %get3A_1073 = arith.index_cast %add3A_1035 : i32 to index
        %get3A_1074 = arith.constant 80 : index
        %get3A_1075 = tpu.vector_load %arg8[%get3A_1072, %get3A_1073, %get3A_1074] {strides = array<i32>} : memref<8x50x128xf32, #tpu.memory_space<vmem>>, vector<1x1x16xf32>,
        %get3A_1076 = vector.shape_cast %get3A_1075 : vector<1x1x16xf32> to vector<16xf32>
        %add3A_1077 = arith.addf %scan3A_1029, %get3A_1076 : vector<16xf32>
        %get3A_1078 = arith.constant 3 : i32
        %get3A_1079 = arith.index_cast %get3A_1078 : i32 to index
        %get3A_1080 = arith.index_cast %add3A_1035 : i32 to index
        %get3A_1081 = arith.constant 96 : index
        %get3A_1082 = tpu.vector_load %arg8[%get3A_1079, %get3A_1080, %get3A_1081] {strides = array<i32>} : memref<8x50x128xf32, #tpu.memory_space<vmem>>, vector<1x1x16xf32>,
        %get3A_1083 = vector.shape_cast %get3A_1082 : vector<1x1x16xf32> to vector<16xf32>
        %add3A_1084 = arith.addf %scan3A_1030, %get3A_1083 : vector<16xf32>
        %get3A_1085 = arith.constant 3 : i32
        %get3A_1086 = arith.index_cast %get3A_1085 : i32 to index
        %get3A_1087 = arith.index_cast %add3A_1035 : i32 to index
        %get3A_1088 = arith.constant 112 : index
        %get3A_1089 = tpu.vector_load %arg8[%get3A_1086, %get3A_1087, %get3A_1088] {strides = array<i32>} : memref<8x50x128xf32, #tpu.memory_space<vmem>>, vector<1x1x16xf32>,
        %get3A_1090 = vector.shape_cast %get3A_1089 : vector<1x1x16xf32> to vector<16xf32>
        %add3A_1091 = arith.addf %scan3A_1031, %get3A_1090 : vector<16xf32>
        %mul3A_1092 = arith.constant 5 : i32
        %mul3A_1093 = arith.muli %mul3A_1092, %scan3A_1023 : i32
        %add3A_1094 = arith.constant 1 : i32
        %add3A_1095 = arith.addi %mul3A_1093, %add3A_1094 : i32
        %get3A_1096 = arith.constant 3 : i32
        %get3A_1097 = arith.index_cast %get3A_1096 : i32 to index
        %get3A_1098 = arith.index_cast %add3A_1095 : i32 to index
        %get3A_1099 = arith.constant 0 : index
        %get3A_1100 = tpu.vector_load %arg8[%get3A_1097, %get3A_1098, %get3A_1099] {strides = array<i32>} : memref<8x50x128xf32, #tpu.memory_space<vmem>>, vector<1x1x16xf32>,
        %get3A_1101 = vector.shape_cast %get3A_1100 : vector<1x1x16xf32> to vector<16xf32>
        %add3A_1102 = arith.addf %add3A_1042, %get3A_1101 : vector<16xf32>
        %get3A_1103 = arith.constant 3 : i32
        %get3A_1104 = arith.index_cast %get3A_1103 : i32 to index
        %get3A_1105 = arith.index_cast %add3A_1095 : i32 to index
        %get3A_1106 = arith.constant 16 : index
        %get3A_1107 = tpu.vector_load %arg8[%get3A_1104, %get3A_1105, %get3A_1106] {strides = array<i32>} : memref<8x50x128xf32, #tpu.memory_space<vmem>>, vector<1x1x16xf32>,
        %get3A_1108 = vector.shape_cast %get3A_1107 : vector<1x1x16xf32> to vector<16xf32>
        %add3A_1109 = arith.addf %add3A_1049, %get3A_1108 : vector<16xf32>
        %get3A_1110 = arith.constant 3 : i32
        %get3A_1111 = arith.index_cast %get3A_1110 : i32 to index
        %get3A_1112 = arith.index_cast %add3A_1095 : i32 to index
        %get3A_1113 = arith.constant 32 : index
        %get3A_1114 = tpu.vector_load %arg8[%get3A_1111, %get3A_1112, %get3A_1113] {strides = array<i32>} : memref<8x50x128xf32, #tpu.memory_space<vmem>>, vector<1x1x16xf32>,
        %get3A_1115 = vector.shape_cast %get3A_1114 : vector<1x1x16xf32> to vector<16xf32>
        %add3A_1116 = arith.addf %add3A_1056, %get3A_1115 : vector<16xf32>
        %get3A_1117 = arith.constant 3 : i32
        %get3A_1118 = arith.index_cast %get3A_1117 : i32 to index
        %get3A_1119 = arith.index_cast %add3A_1095 : i32 to index
        %get3A_1120 = arith.constant 48 : index
        %get3A_1121 = tpu.vector_load %arg8[%get3A_1118, %get3A_1119, %get3A_1120] {strides = array<i32>} : memref<8x50x128xf32, #tpu.memory_space<vmem>>, vector<1x1x16xf32>,
        %get3A_1122 = vector.shape_cast %get3A_1121 : vector<1x1x16xf32> to vector<16xf32>
        %add3A_1123 = arith.addf %add3A_1063, %get3A_1122 : vector<16xf32>
        %get3A_1124 = arith.constant 3 : i32
        %get3A_1125 = arith.index_cast %get3A_1124 : i32 to index
        %get3A_1126 = arith.index_cast %add3A_1095 : i32 to index
        %get3A_1127 = arith.constant 64 : index
        %get3A_1128 = tpu.vector_load %arg8[%get3A_1125, %get3A_1126, %get3A_1127] {strides = array<i32>} : memref<8x50x128xf32, #tpu.memory_space<vmem>>, vector<1x1x16xf32>,
        %get3A_1129 = vector.shape_cast %get3A_1128 : vector<1x1x16xf32> to vector<16xf32>
        %add3A_1130 = arith.addf %add3A_1070, %get3A_1129 : vector<16xf32>
        %get3A_1131 = arith.constant 3 : i32
        %get3A_1132 = arith.index_cast %get3A_1131 : i32 to index
        %get3A_1133 = arith.index_cast %add3A_1095 : i32 to index
        %get3A_1134 = arith.constant 80 : index
        %get3A_1135 = tpu.vector_load %arg8[%get3A_1132, %get3A_1133, %get3A_1134] {strides = array<i32>} : memref<8x50x128xf32, #tpu.memory_space<vmem>>, vector<1x1x16xf32>,
        %get3A_1136 = vector.shape_cast %get3A_1135 : vector<1x1x16xf32> to vector<16xf32>
        %add3A_1137 = arith.addf %add3A_1077, %get3A_1136 : vector<16xf32>
        %get3A_1138 = arith.constant 3 : i32
        %get3A_1139 = arith.index_cast %get3A_1138 : i32 to index
        %get3A_1140 = arith.index_cast %add3A_1095 : i32 to index
        %get3A_1141 = arith.constant 96 : index
        %get3A_1142 = tpu.vector_load %arg8[%get3A_1139, %get3A_1140, %get3A_1141] {strides = array<i32>} : memref<8x50x128xf32, #tpu.memory_space<vmem>>, vector<1x1x16xf32>,
        %get3A_1143 = vector.shape_cast %get3A_1142 : vector<1x1x16xf32> to vector<16xf32>
        %add3A_1144 = arith.addf %add3A_1084, %get3A_1143 : vector<16xf32>
        %get3A_1145 = arith.constant 3 : i32
        %get3A_1146 = arith.index_cast %get3A_1145 : i32 to index
        %get3A_1147 = arith.index_cast %add3A_1095 : i32 to index
        %get3A_1148 = arith.constant 112 : index
        %get3A_1149 = tpu.vector_load %arg8[%get3A_1146, %get3A_1147, %get3A_1148] {strides = array<i32>} : memref<8x50x128xf32, #tpu.memory_space<vmem>>, vector<1x1x16xf32>,
        %get3A_1150 = vector.shape_cast %get3A_1149 : vector<1x1x16xf32> to vector<16xf32>
        %add3A_1151 = arith.addf %add3A_1091, %get3A_1150 : vector<16xf32>
        %mul3A_1152 = arith.constant 5 : i32
        %mul3A_1153 = arith.muli %mul3A_1152, %scan3A_1023 : i32
        %add3A_1154 = arith.constant 2 : i32
        %add3A_1155 = arith.addi %mul3A_1153, %add3A_1154 : i32
        %get3A_1156 = arith.constant 3 : i32
        %get3A_1157 = arith.index_cast %get3A_1156 : i32 to index
        %get3A_1158 = arith.index_cast %add3A_1155 : i32 to index
        %get3A_1159 = arith.constant 0 : index
        %get3A_1160 = tpu.vector_load %arg8[%get3A_1157, %get3A_1158, %get3A_1159] {strides = array<i32>} : memref<8x50x128xf32, #tpu.memory_space<vmem>>, vector<1x1x16xf32>,
        %get3A_1161 = vector.shape_cast %get3A_1160 : vector<1x1x16xf32> to vector<16xf32>
        %add3A_1162 = arith.addf %add3A_1102, %get3A_1161 : vector<16xf32>
        %get3A_1163 = arith.constant 3 : i32
        %get3A_1164 = arith.index_cast %get3A_1163 : i32 to index
        %get3A_1165 = arith.index_cast %add3A_1155 : i32 to index
        %get3A_1166 = arith.constant 16 : index
        %get3A_1167 = tpu.vector_load %arg8[%get3A_1164, %get3A_1165, %get3A_1166] {strides = array<i32>} : memref<8x50x128xf32, #tpu.memory_space<vmem>>, vector<1x1x16xf32>,
        %get3A_1168 = vector.shape_cast %get3A_1167 : vector<1x1x16xf32> to vector<16xf32>
        %add3A_1169 = arith.addf %add3A_1109, %get3A_1168 : vector<16xf32>
        %get3A_1170 = arith.constant 3 : i32
        %get3A_1171 = arith.index_cast %get3A_1170 : i32 to index
        %get3A_1172 = arith.index_cast %add3A_1155 : i32 to index
        %get3A_1173 = arith.constant 32 : index
        %get3A_1174 = tpu.vector_load %arg8[%get3A_1171, %get3A_1172, %get3A_1173] {strides = array<i32>} : memref<8x50x128xf32, #tpu.memory_space<vmem>>, vector<1x1x16xf32>,
        %get3A_1175 = vector.shape_cast %get3A_1174 : vector<1x1x16xf32> to vector<16xf32>
        %add3A_1176 = arith.addf %add3A_1116, %get3A_1175 : vector<16xf32>
        %get3A_1177 = arith.constant 3 : i32
        %get3A_1178 = arith.index_cast %get3A_1177 : i32 to index
        %get3A_1179 = arith.index_cast %add3A_1155 : i32 to index
        %get3A_1180 = arith.constant 48 : index
        %get3A_1181 = tpu.vector_load %arg8[%get3A_1178, %get3A_1179, %get3A_1180] {strides = array<i32>} : memref<8x50x128xf32, #tpu.memory_space<vmem>>, vector<1x1x16xf32>,
        %get3A_1182 = vector.shape_cast %get3A_1181 : vector<1x1x16xf32> to vector<16xf32>
        %add3A_1183 = arith.addf %add3A_1123, %get3A_1182 : vector<16xf32>
        %get3A_1184 = arith.constant 3 : i32
        %get3A_1185 = arith.index_cast %get3A_1184 : i32 to index
        %get3A_1186 = arith.index_cast %add3A_1155 : i32 to index
        %get3A_1187 = arith.constant 64 : index
        %get3A_1188 = tpu.vector_load %arg8[%get3A_1185, %get3A_1186, %get3A_1187] {strides = array<i32>} : memref<8x50x128xf32, #tpu.memory_space<vmem>>, vector<1x1x16xf32>,
        %get3A_1189 = vector.shape_cast %get3A_1188 : vector<1x1x16xf32> to vector<16xf32>
        %add3A_1190 = arith.addf %add3A_1130, %get3A_1189 : vector<16xf32>
        %get3A_1191 = arith.constant 3 : i32
        %get3A_1192 = arith.index_cast %get3A_1191 : i32 to index
        %get3A_1193 = arith.index_cast %add3A_1155 : i32 to index
        %get3A_1194 = arith.constant 80 : index
        %get3A_1195 = tpu.vector_load %arg8[%get3A_1192, %get3A_1193, %get3A_1194] {strides = array<i32>} : memref<8x50x128xf32, #tpu.memory_space<vmem>>, vector<1x1x16xf32>,
        %get3A_1196 = vector.shape_cast %get3A_1195 : vector<1x1x16xf32> to vector<16xf32>
        %add3A_1197 = arith.addf %add3A_1137, %get3A_1196 : vector<16xf32>
        %get3A_1198 = arith.constant 3 : i32
        %get3A_1199 = arith.index_cast %get3A_1198 : i32 to index
        %get3A_1200 = arith.index_cast %add3A_1155 : i32 to index
        %get3A_1201 = arith.constant 96 : index
        %get3A_1202 = tpu.vector_load %arg8[%get3A_1199, %get3A_1200, %get3A_1201] {strides = array<i32>} : memref<8x50x128xf32, #tpu.memory_space<vmem>>, vector<1x1x16xf32>,
        %get3A_1203 = vector.shape_cast %get3A_1202 : vector<1x1x16xf32> to vector<16xf32>
        %add3A_1204 = arith.addf %add3A_1144, %get3A_1203 : vector<16xf32>
        %get3A_1205 = arith.constant 3 : i32
        %get3A_1206 = arith.index_cast %get3A_1205 : i32 to index
        %get3A_1207 = arith.index_cast %add3A_1155 : i32 to index
        %get3A_1208 = arith.constant 112 : index
        %get3A_1209 = tpu.vector_load %arg8[%get3A_1206, %get3A_1207, %get3A_1208] {strides = array<i32>} : memref<8x50x128xf32, #tpu.memory_space<vmem>>, vector<1x1x16xf32>,
        %get3A_1210 = vector.shape_cast %get3A_1209 : vector<1x1x16xf32> to vector<16xf32>
        %add3A_1211 = arith.addf %add3A_1151, %get3A_1210 : vector<16xf32>
        %mul3A_1212 = arith.constant 5 : i32
        %mul3A_1213 = arith.muli %mul3A_1212, %scan3A_1023 : i32
        %add3A_1214 = arith.constant 3 : i32
        %add3A_1215 = arith.addi %mul3A_1213, %add3A_1214 : i32
        %get3A_1216 = arith.constant 3 : i32
        %get3A_1217 = arith.index_cast %get3A_1216 : i32 to index
        %get3A_1218 = arith.index_cast %add3A_1215 : i32 to index
        %get3A_1219 = arith.constant 0 : index
        %get3A_1220 = tpu.vector_load %arg8[%get3A_1217, %get3A_1218, %get3A_1219] {strides = array<i32>} : memref<8x50x128xf32, #tpu.memory_space<vmem>>, vector<1x1x16xf32>,
        %get3A_1221 = vector.shape_cast %get3A_1220 : vector<1x1x16xf32> to vector<16xf32>
        %add3A_1222 = arith.addf %add3A_1162, %get3A_1221 : vector<16xf32>
        %get3A_1223 = arith.constant 3 : i32
        %get3A_1224 = arith.index_cast %get3A_1223 : i32 to index
        %get3A_1225 = arith.index_cast %add3A_1215 : i32 to index
        %get3A_1226 = arith.constant 16 : index
        %get3A_1227 = tpu.vector_load %arg8[%get3A_1224, %get3A_1225, %get3A_1226] {strides = array<i32>} : memref<8x50x128xf32, #tpu.memory_space<vmem>>, vector<1x1x16xf32>,
        %get3A_1228 = vector.shape_cast %get3A_1227 : vector<1x1x16xf32> to vector<16xf32>
        %add3A_1229 = arith.addf %add3A_1169, %get3A_1228 : vector<16xf32>
        %get3A_1230 = arith.constant 3 : i32
        %get3A_1231 = arith.index_cast %get3A_1230 : i32 to index
        %get3A_1232 = arith.index_cast %add3A_1215 : i32 to index
        %get3A_1233 = arith.constant 32 : index
        %get3A_1234 = tpu.vector_load %arg8[%get3A_1231, %get3A_1232, %get3A_1233] {strides = array<i32>} : memref<8x50x128xf32, #tpu.memory_space<vmem>>, vector<1x1x16xf32>,
        %get3A_1235 = vector.shape_cast %get3A_1234 : vector<1x1x16xf32> to vector<16xf32>
        %add3A_1236 = arith.addf %add3A_1176, %get3A_1235 : vector<16xf32>
        %get3A_1237 = arith.constant 3 : i32
        %get3A_1238 = arith.index_cast %get3A_1237 : i32 to index
        %get3A_1239 = arith.index_cast %add3A_1215 : i32 to index
        %get3A_1240 = arith.constant 48 : index
        %get3A_1241 = tpu.vector_load %arg8[%get3A_1238, %get3A_1239, %get3A_1240] {strides = array<i32>} : memref<8x50x128xf32, #tpu.memory_space<vmem>>, vector<1x1x16xf32>,
        %get3A_1242 = vector.shape_cast %get3A_1241 : vector<1x1x16xf32> to vector<16xf32>
        %add3A_1243 = arith.addf %add3A_1183, %get3A_1242 : vector<16xf32>
        %get3A_1244 = arith.constant 3 : i32
        %get3A_1245 = arith.index_cast %get3A_1244 : i32 to index
        %get3A_1246 = arith.index_cast %add3A_1215 : i32 to index
        %get3A_1247 = arith.constant 64 : index
        %get3A_1248 = tpu.vector_load %arg8[%get3A_1245, %get3A_1246, %get3A_1247] {strides = array<i32>} : memref<8x50x128xf32, #tpu.memory_space<vmem>>, vector<1x1x16xf32>,
        %get3A_1249 = vector.shape_cast %get3A_1248 : vector<1x1x16xf32> to vector<16xf32>
        %add3A_1250 = arith.addf %add3A_1190, %get3A_1249 : vector<16xf32>
        %get3A_1251 = arith.constant 3 : i32
        %get3A_1252 = arith.index_cast %get3A_1251 : i32 to index
        %get3A_1253 = arith.index_cast %add3A_1215 : i32 to index
        %get3A_1254 = arith.constant 80 : index
        %get3A_1255 = tpu.vector_load %arg8[%get3A_1252, %get3A_1253, %get3A_1254] {strides = array<i32>} : memref<8x50x128xf32, #tpu.memory_space<vmem>>, vector<1x1x16xf32>,
        %get3A_1256 = vector.shape_cast %get3A_1255 : vector<1x1x16xf32> to vector<16xf32>
        %add3A_1257 = arith.addf %add3A_1197, %get3A_1256 : vector<16xf32>
        %get3A_1258 = arith.constant 3 : i32
        %get3A_1259 = arith.index_cast %get3A_1258 : i32 to index
        %get3A_1260 = arith.index_cast %add3A_1215 : i32 to index
        %get3A_1261 = arith.constant 96 : index
        %get3A_1262 = tpu.vector_load %arg8[%get3A_1259, %get3A_1260, %get3A_1261] {strides = array<i32>} : memref<8x50x128xf32, #tpu.memory_space<vmem>>, vector<1x1x16xf32>,
        %get3A_1263 = vector.shape_cast %get3A_1262 : vector<1x1x16xf32> to vector<16xf32>
        %add3A_1264 = arith.addf %add3A_1204, %get3A_1263 : vector<16xf32>
        %get3A_1265 = arith.constant 3 : i32
        %get3A_1266 = arith.index_cast %get3A_1265 : i32 to index
        %get3A_1267 = arith.index_cast %add3A_1215 : i32 to index
        %get3A_1268 = arith.constant 112 : index
        %get3A_1269 = tpu.vector_load %arg8[%get3A_1266, %get3A_1267, %get3A_1268] {strides = array<i32>} : memref<8x50x128xf32, #tpu.memory_space<vmem>>, vector<1x1x16xf32>,
        %get3A_1270 = vector.shape_cast %get3A_1269 : vector<1x1x16xf32> to vector<16xf32>
        %add3A_1271 = arith.addf %add3A_1211, %get3A_1270 : vector<16xf32>
        %mul3A_1272 = arith.constant 5 : i32
        %mul3A_1273 = arith.muli %mul3A_1272, %scan3A_1023 : i32
        %add3A_1274 = arith.constant 4 : i32
        %add3A_1275 = arith.addi %mul3A_1273, %add3A_1274 : i32
        %get3A_1276 = arith.constant 3 : i32
        %get3A_1277 = arith.index_cast %get3A_1276 : i32 to index
        %get3A_1278 = arith.index_cast %add3A_1275 : i32 to index
        %get3A_1279 = arith.constant 0 : index
        %get3A_1280 = tpu.vector_load %arg8[%get3A_1277, %get3A_1278, %get3A_1279] {strides = array<i32>} : memref<8x50x128xf32, #tpu.memory_space<vmem>>, vector<1x1x16xf32>,
        %get3A_1281 = vector.shape_cast %get3A_1280 : vector<1x1x16xf32> to vector<16xf32>
        %add3A_1282 = arith.addf %add3A_1222, %get3A_1281 : vector<16xf32>
        %get3A_1283 = arith.constant 3 : i32
        %get3A_1284 = arith.index_cast %get3A_1283 : i32 to index
        %get3A_1285 = arith.index_cast %add3A_1275 : i32 to index
        %get3A_1286 = arith.constant 16 : index
        %get3A_1287 = tpu.vector_load %arg8[%get3A_1284, %get3A_1285, %get3A_1286] {strides = array<i32>} : memref<8x50x128xf32, #tpu.memory_space<vmem>>, vector<1x1x16xf32>,
        %get3A_1288 = vector.shape_cast %get3A_1287 : vector<1x1x16xf32> to vector<16xf32>
        %add3A_1289 = arith.addf %add3A_1229, %get3A_1288 : vector<16xf32>
        %get3A_1290 = arith.constant 3 : i32
        %get3A_1291 = arith.index_cast %get3A_1290 : i32 to index
        %get3A_1292 = arith.index_cast %add3A_1275 : i32 to index
        %get3A_1293 = arith.constant 32 : index
        %get3A_1294 = tpu.vector_load %arg8[%get3A_1291, %get3A_1292, %get3A_1293] {strides = array<i32>} : memref<8x50x128xf32, #tpu.memory_space<vmem>>, vector<1x1x16xf32>,
        %get3A_1295 = vector.shape_cast %get3A_1294 : vector<1x1x16xf32> to vector<16xf32>
        %add3A_1296 = arith.addf %add3A_1236, %get3A_1295 : vector<16xf32>
        %get3A_1297 = arith.constant 3 : i32
        %get3A_1298 = arith.index_cast %get3A_1297 : i32 to index
        %get3A_1299 = arith.index_cast %add3A_1275 : i32 to index
        %get3A_1300 = arith.constant 48 : index
        %get3A_1301 = tpu.vector_load %arg8[%get3A_1298, %get3A_1299, %get3A_1300] {strides = array<i32>} : memref<8x50x128xf32, #tpu.memory_space<vmem>>, vector<1x1x16xf32>,
        %get3A_1302 = vector.shape_cast %get3A_1301 : vector<1x1x16xf32> to vector<16xf32>
        %add3A_1303 = arith.addf %add3A_1243, %get3A_1302 : vector<16xf32>
        %get3A_1304 = arith.constant 3 : i32
        %get3A_1305 = arith.index_cast %get3A_1304 : i32 to index
        %get3A_1306 = arith.index_cast %add3A_1275 : i32 to index
        %get3A_1307 = arith.constant 64 : index
        %get3A_1308 = tpu.vector_load %arg8[%get3A_1305, %get3A_1306, %get3A_1307] {strides = array<i32>} : memref<8x50x128xf32, #tpu.memory_space<vmem>>, vector<1x1x16xf32>,
        %get3A_1309 = vector.shape_cast %get3A_1308 : vector<1x1x16xf32> to vector<16xf32>
        %add3A_1310 = arith.addf %add3A_1250, %get3A_1309 : vector<16xf32>
        %get3A_1311 = arith.constant 3 : i32
        %get3A_1312 = arith.index_cast %get3A_1311 : i32 to index
        %get3A_1313 = arith.index_cast %add3A_1275 : i32 to index
        %get3A_1314 = arith.constant 80 : index
        %get3A_1315 = tpu.vector_load %arg8[%get3A_1312, %get3A_1313, %get3A_1314] {strides = array<i32>} : memref<8x50x128xf32, #tpu.memory_space<vmem>>, vector<1x1x16xf32>,
        %get3A_1316 = vector.shape_cast %get3A_1315 : vector<1x1x16xf32> to vector<16xf32>
        %add3A_1317 = arith.addf %add3A_1257, %get3A_1316 : vector<16xf32>
        %get3A_1318 = arith.constant 3 : i32
        %get3A_1319 = arith.index_cast %get3A_1318 : i32 to index
        %get3A_1320 = arith.index_cast %add3A_1275 : i32 to index
        %get3A_1321 = arith.constant 96 : index
        %get3A_1322 = tpu.vector_load %arg8[%get3A_1319, %get3A_1320, %get3A_1321] {strides = array<i32>} : memref<8x50x128xf32, #tpu.memory_space<vmem>>, vector<1x1x16xf32>,
        %get3A_1323 = vector.shape_cast %get3A_1322 : vector<1x1x16xf32> to vector<16xf32>
        %add3A_1324 = arith.addf %add3A_1264, %get3A_1323 : vector<16xf32>
        %get3A_1325 = arith.constant 3 : i32
        %get3A_1326 = arith.index_cast %get3A_1325 : i32 to index
        %get3A_1327 = arith.index_cast %add3A_1275 : i32 to index
        %get3A_1328 = arith.constant 112 : index
        %get3A_1329 = tpu.vector_load %arg8[%get3A_1326, %get3A_1327, %get3A_1328] {strides = array<i32>} : memref<8x50x128xf32, #tpu.memory_space<vmem>>, vector<1x1x16xf32>,
        %get3A_1330 = vector.shape_cast %get3A_1329 : vector<1x1x16xf32> to vector<16xf32>
        %add3A_1331 = arith.addf %add3A_1271, %get3A_1330 : vector<16xf32>
        scf.yield %add3A_1282, %add3A_1289, %add3A_1296, %add3A_1303, %add3A_1310, %add3A_1317, %add3A_1324, %add3A_1331 : vector<16xf32>, vector<16xf32>, vector<16xf32>, vector<16xf32>, vector<16xf32>, vector<16xf32>, vector<16xf32>, vector<16xf32>
      }
      %scan3A_314 = arith.constant 10 : i32
      %jit3A = arith.constant 4 : i32
      %div3A = arith.divsi %mul3A_194, %jit3A : i32
      %sign3A = arith.constant 0 : i32
      %sign3A_315 = arith.cmpi sgt, %mul3A_194, %sign3A : i32
      %sign3A_316 = arith.extui %sign3A_315 : i1 to i32
      %sign3A_317 = arith.constant 0 : i32
      %sign3A_318 = arith.cmpi slt, %mul3A_194, %sign3A_317 : i32
      %sign3A_319 = arith.extui %sign3A_318 : i1 to i32
      %sign3A_320 = arith.subi %sign3A_316, %sign3A_319 : i32
      %sign3A_321 = arith.constant 0 : i32
      %sign3A_322 = arith.cmpi sgt, %jit3A, %sign3A_321 : i32
      %sign3A_323 = arith.extui %sign3A_322 : i1 to i32
      %sign3A_324 = arith.constant 0 : i32
      %sign3A_325 = arith.cmpi slt, %jit3A, %sign3A_324 : i32
      %sign3A_326 = arith.extui %sign3A_325 : i1 to i32
      %sign3A_327 = arith.subi %sign3A_323, %sign3A_326 : i32
      %ne3A = arith.cmpi ne, %sign3A_320, %sign3A_327 : i32
      %rem3A = arith.remsi %mul3A_194, %jit3A : i32
      %ne3A_328 = arith.constant 0 : i32
      %ne3A_329 = arith.cmpi ne, %rem3A, %ne3A_328 : i32
      %and3A = arith.andi %ne3A, %ne3A_329 : i1
      %sub3A = arith.constant 1 : i32
      %sub3A_330 = arith.subi %div3A, %sub3A : i32
      %select_n3A = arith.select %and3A, %sub3A_330, %div3A : i32
      %add3A_331 = arith.constant 0 : i32
      %add3A_332 = arith.addi %select_n3A, %add3A_331 : i32
      %jit3A_333 = arith.constant 8 : i32
      %eq3A = arith.constant 0 : i32
      %eq3A_334 = arith.cmpi eq, %jit3A_333, %eq3A : i32
      %jit3A_335 = arith.constant 1 : i32
      %select_n3A_336 = arith.select %eq3A_334, %jit3A_335, %jit3A_333 : i32
      %rem3A_337 = arith.remsi %add3A_332, %select_n3A_336 : i32
      %ne3A_338 = arith.constant 0 : i32
      %ne3A_339 = arith.cmpi ne, %rem3A_337, %ne3A_338 : i32
      %lt3A_340 = arith.constant 0 : i32
      %lt3A_341 = arith.cmpi slt, %rem3A_337, %lt3A_340 : i32
      %lt3A_342 = arith.constant 0 : i32
      %lt3A_343 = arith.cmpi slt, %select_n3A_336, %lt3A_342 : i32
      %ne3A_344 = arith.xori %lt3A_341, %lt3A_343 : i1
      %and3A_345 = arith.andi %ne3A_344, %ne3A_339 : i1
      %add3A_346 = arith.addi %rem3A_337, %select_n3A_336 : i32
      %select_n3A_347 = arith.select %and3A_345, %add3A_346, %rem3A_337 : i32
      %eq3A_348 = arith.constant 0 : i32
      %eq3A_349 = arith.cmpi eq, %select_n3A_347, %eq3A_348 : i32
      %ge3A = arith.constant 16 : i32
      %ge3A_350 = arith.cmpi sge, %add3A_332, %ge3A : i32
      %and3A_351 = arith.andi %eq3A_349, %ge3A_350 : i1
      %convert_element_type3A_352 = arith.extui %and3A_351 : i1 to i32
      %cond3A_353 = arith.constant 0 : i32
      %cond3A_354 = arith.cmpi ne, %convert_element_type3A_352, %cond3A_353 : i32
      scf.if %cond3A_354 {
        %mul3A_1023 = arith.constant 128 : i32
        %mul3A_1024 = arith.muli %add3A, %mul3A_1023 : i32
        %multiple_of3A_1025 = tpu.assume_multiple %mul3A_1024, 8 : i32
        %dma_wait3A_1026 = arith.constant 0 : i32
        %dma_wait3A_1027 = arith.constant 0 : i32
        %dma_wait3A_1028 = arith.constant 0 : i32
        %dma_wait3A_1029 = tpu.memref_slice %arg9[%dma_wait3A_1026, %dma_wait3A_1027, %dma_wait3A_1028] : memref<2x8x16xf32, #tpu.memory_space<vmem>> -> memref<1x8x16xf32, #tpu.memory_space<vmem>>
        %dma_wait3A_1030 = tpu.memref_squeeze %dma_wait3A_1029 : memref<1x8x16xf32, #tpu.memory_space<vmem>> -> memref<8x16xf32, #tpu.memory_space<vmem>>
        %dma_wait3A_1031 = arith.constant 0 : i32
        %dma_wait3A_1032 = tpu.memref_slice %arg6[%multiple_of3A_1025, %dma_wait3A_1031] : memref<4096x16xf32, #tpu.memory_space<hbm>> -> memref<8x16xf32, #tpu.memory_space<hbm>>
        %dma_wait3A_1033 = arith.constant 0 : i32
        %dma_wait3A_1034 = tpu.memref_slice %arg6[%multiple_of3A_1025, %dma_wait3A_1033] : memref<4096x16xf32, #tpu.memory_space<hbm>> -> memref<8x16xf32, #tpu.memory_space<hbm>>
        %dma_wait3A_1035 = arith.constant 0 : i32
        %dma_wait3A_1036 = arith.constant 0 : i32
        %dma_wait3A_1037 = tpu.memref_slice %arg9[%dma_wait3A_1026, %dma_wait3A_1035, %dma_wait3A_1036] : memref<2x8x16xf32, #tpu.memory_space<vmem>> -> memref<1x8x16xf32, #tpu.memory_space<vmem>>
        %dma_wait3A_1038 = tpu.memref_squeeze %dma_wait3A_1037 : memref<1x8x16xf32, #tpu.memory_space<vmem>> -> memref<8x16xf32, #tpu.memory_space<vmem>>
        tpu.wait_dma2 semaphore(%arg20 : memref<!tpu.dma_semaphore, #tpu.memory_space<semaphore_mem>>) src(%dma_wait3A_1038 : memref<8x16xf32, #tpu.memory_space<vmem>>) dst(%dma_wait3A_1034 : memref<8x16xf32, #tpu.memory_space<hbm>>)
      } else {
      }
      %jit3A_355 = arith.constant 8 : i32
      %div3A_356 = arith.divsi %add3A_332, %jit3A_355 : i32
      %sign3A_357 = arith.constant 0 : i32
      %sign3A_358 = arith.cmpi sgt, %add3A_332, %sign3A_357 : i32
      %sign3A_359 = arith.extui %sign3A_358 : i1 to i32
      %sign3A_360 = arith.constant 0 : i32
      %sign3A_361 = arith.cmpi slt, %add3A_332, %sign3A_360 : i32
      %sign3A_362 = arith.extui %sign3A_361 : i1 to i32
      %sign3A_363 = arith.subi %sign3A_359, %sign3A_362 : i32
      %sign3A_364 = arith.constant 0 : i32
      %sign3A_365 = arith.cmpi sgt, %jit3A_355, %sign3A_364 : i32
      %sign3A_366 = arith.extui %sign3A_365 : i1 to i32
      %sign3A_367 = arith.constant 0 : i32
      %sign3A_368 = arith.cmpi slt, %jit3A_355, %sign3A_367 : i32
      %sign3A_369 = arith.extui %sign3A_368 : i1 to i32
      %sign3A_370 = arith.subi %sign3A_366, %sign3A_369 : i32
      %ne3A_371 = arith.cmpi ne, %sign3A_363, %sign3A_370 : i32
      %rem3A_372 = arith.remsi %add3A_332, %jit3A_355 : i32
      %ne3A_373 = arith.constant 0 : i32
      %ne3A_374 = arith.cmpi ne, %rem3A_372, %ne3A_373 : i32
      %and3A_375 = arith.andi %ne3A_371, %ne3A_374 : i1
      %sub3A_376 = arith.constant 1 : i32
      %sub3A_377 = arith.subi %div3A_356, %sub3A_376 : i32
      %select_n3A_378 = arith.select %and3A_375, %sub3A_377, %div3A_356 : i32
      %jit3A_379 = arith.constant 2 : i32
      %eq3A_380 = arith.constant 0 : i32
      %eq3A_381 = arith.cmpi eq, %jit3A_379, %eq3A_380 : i32
      %jit3A_382 = arith.constant 1 : i32
      %select_n3A_383 = arith.select %eq3A_381, %jit3A_382, %jit3A_379 : i32
      %rem3A_384 = arith.remsi %select_n3A_378, %select_n3A_383 : i32
      %ne3A_385 = arith.constant 0 : i32
      %ne3A_386 = arith.cmpi ne, %rem3A_384, %ne3A_385 : i32
      %lt3A_387 = arith.constant 0 : i32
      %lt3A_388 = arith.cmpi slt, %rem3A_384, %lt3A_387 : i32
      %lt3A_389 = arith.constant 0 : i32
      %lt3A_390 = arith.cmpi slt, %select_n3A_383, %lt3A_389 : i32
      %ne3A_391 = arith.xori %lt3A_388, %lt3A_390 : i1
      %and3A_392 = arith.andi %ne3A_391, %ne3A_386 : i1
      %add3A_393 = arith.addi %rem3A_384, %select_n3A_383 : i32
      %select_n3A_394 = arith.select %and3A_392, %add3A_393, %rem3A_384 : i32
      %jit3A_395 = arith.constant 8 : i32
      %eq3A_396 = arith.constant 0 : i32
      %eq3A_397 = arith.cmpi eq, %jit3A_395, %eq3A_396 : i32
      %jit3A_398 = arith.constant 1 : i32
      %select_n3A_399 = arith.select %eq3A_397, %jit3A_398, %jit3A_395 : i32
      %rem3A_400 = arith.remsi %add3A_332, %select_n3A_399 : i32
      %ne3A_401 = arith.constant 0 : i32
      %ne3A_402 = arith.cmpi ne, %rem3A_400, %ne3A_401 : i32
      %lt3A_403 = arith.constant 0 : i32
      %lt3A_404 = arith.cmpi slt, %rem3A_400, %lt3A_403 : i32
      %lt3A_405 = arith.constant 0 : i32
      %lt3A_406 = arith.cmpi slt, %select_n3A_399, %lt3A_405 : i32
      %ne3A_407 = arith.xori %lt3A_404, %lt3A_406 : i1
      %and3A_408 = arith.andi %ne3A_407, %ne3A_402 : i1
      %add3A_409 = arith.addi %rem3A_400, %select_n3A_399 : i32
      %select_n3A_410 = arith.select %and3A_408, %add3A_409, %rem3A_400 : i32
      %iota3A = tpu.iota {dimensions = array<i32: 0>} : vector<16xi32>
      %broadcast_in_dim3A_411 = arith.constant 0.000000e+00 : f32
      %broadcast_in_dim3A_412 = vector.broadcast %broadcast_in_dim3A_411 : f32 to vector<16xf32>
      %mul3A_413 = arith.mulf %scan3A_313#0, %get3A_9 : vector<16xf32>
      %mul3A_414 = arith.mulf %scan3A_313#1, %get3A_14 : vector<16xf32>
      %add3A_415 = arith.addf %mul3A_413, %mul3A_414 : vector<16xf32>
      %mul3A_416 = arith.mulf %scan3A_313#2, %get3A_19 : vector<16xf32>
      %add3A_417 = arith.addf %add3A_415, %mul3A_416 : vector<16xf32>
      %mul3A_418 = arith.mulf %scan3A_313#3, %get3A_24 : vector<16xf32>
      %add3A_419 = arith.addf %add3A_417, %mul3A_418 : vector<16xf32>
      %mul3A_420 = arith.mulf %scan3A_313#4, %get3A_29 : vector<16xf32>
      %add3A_421 = arith.addf %add3A_419, %mul3A_420 : vector<16xf32>
      %mul3A_422 = arith.mulf %scan3A_313#5, %get3A_34 : vector<16xf32>
      %add3A_423 = arith.addf %add3A_421, %mul3A_422 : vector<16xf32>
      %mul3A_424 = arith.mulf %scan3A_313#6, %get3A_39 : vector<16xf32>
      %add3A_425 = arith.addf %add3A_423, %mul3A_424 : vector<16xf32>
      %mul3A_426 = arith.mulf %scan3A_313#7, %get3A_44 : vector<16xf32>
      %add3A_427 = arith.addf %add3A_425, %mul3A_426 : vector<16xf32>
      %xor3A = arith.constant 8 : i32
      %xor3A_428 = vector.broadcast %xor3A : i32 to vector<16xi32>
      %xor3A_429 = arith.xori %iota3A, %xor3A_428 : vector<16xi32>
      %lt3A_430 = arith.constant 0 : i32
      %lt3A_431 = vector.broadcast %lt3A_430 : i32 to vector<16xi32>
      %lt3A_432 = arith.cmpi slt, %xor3A_429, %lt3A_431 : vector<16xi32>
      %add3A_433 = arith.constant 16 : i32
      %add3A_434 = vector.broadcast %add3A_433 : i32 to vector<16xi32>
      %add3A_435 = arith.addi %xor3A_429, %add3A_434 : vector<16xi32>
      %select_n3A_436 = arith.select %lt3A_432, %add3A_435, %xor3A_429 : vector<16xi1>, vector<16xi32>
      %broadcast_in_dim3A_437 = vector.shape_cast %select_n3A_436 : vector<16xi32> to vector<16x1xi32>
      %gather3A = vector.shape_cast %broadcast_in_dim3A_437 : vector<16x1xi32> to vector<16xi32>
      %gather3A_438 = tpu.dynamic_gather %add3A_427[%gather3A] in [0] : vector<16xf32>, vector<16xi32> -> vector<16xf32>
      %add3A_439 = arith.addf %add3A_427, %gather3A_438 : vector<16xf32>
      %xor3A_440 = arith.constant 4 : i32
      %xor3A_441 = vector.broadcast %xor3A_440 : i32 to vector<16xi32>
      %xor3A_442 = arith.xori %iota3A, %xor3A_441 : vector<16xi32>
      %lt3A_443 = arith.constant 0 : i32
      %lt3A_444 = vector.broadcast %lt3A_443 : i32 to vector<16xi32>
      %lt3A_445 = arith.cmpi slt, %xor3A_442, %lt3A_444 : vector<16xi32>
      %add3A_446 = arith.constant 16 : i32
      %add3A_447 = vector.broadcast %add3A_446 : i32 to vector<16xi32>
      %add3A_448 = arith.addi %xor3A_442, %add3A_447 : vector<16xi32>
      %select_n3A_449 = arith.select %lt3A_445, %add3A_448, %xor3A_442 : vector<16xi1>, vector<16xi32>
      %broadcast_in_dim3A_450 = vector.shape_cast %select_n3A_449 : vector<16xi32> to vector<16x1xi32>
      %gather3A_451 = vector.shape_cast %broadcast_in_dim3A_450 : vector<16x1xi32> to vector<16xi32>
      %gather3A_452 = tpu.dynamic_gather %add3A_439[%gather3A_451] in [0] : vector<16xf32>, vector<16xi32> -> vector<16xf32>
      %add3A_453 = arith.addf %add3A_439, %gather3A_452 : vector<16xf32>
      %xor3A_454 = arith.constant 2 : i32
      %xor3A_455 = vector.broadcast %xor3A_454 : i32 to vector<16xi32>
      %xor3A_456 = arith.xori %iota3A, %xor3A_455 : vector<16xi32>
      %lt3A_457 = arith.constant 0 : i32
      %lt3A_458 = vector.broadcast %lt3A_457 : i32 to vector<16xi32>
      %lt3A_459 = arith.cmpi slt, %xor3A_456, %lt3A_458 : vector<16xi32>
      %add3A_460 = arith.constant 16 : i32
      %add3A_461 = vector.broadcast %add3A_460 : i32 to vector<16xi32>
      %add3A_462 = arith.addi %xor3A_456, %add3A_461 : vector<16xi32>
      %select_n3A_463 = arith.select %lt3A_459, %add3A_462, %xor3A_456 : vector<16xi1>, vector<16xi32>
      %broadcast_in_dim3A_464 = vector.shape_cast %select_n3A_463 : vector<16xi32> to vector<16x1xi32>
      %gather3A_465 = vector.shape_cast %broadcast_in_dim3A_464 : vector<16x1xi32> to vector<16xi32>
      %gather3A_466 = tpu.dynamic_gather %add3A_453[%gather3A_465] in [0] : vector<16xf32>, vector<16xi32> -> vector<16xf32>
      %add3A_467 = arith.addf %add3A_453, %gather3A_466 : vector<16xf32>
      %xor3A_468 = arith.constant 1 : i32
      %xor3A_469 = vector.broadcast %xor3A_468 : i32 to vector<16xi32>
      %xor3A_470 = arith.xori %iota3A, %xor3A_469 : vector<16xi32>
      %lt3A_471 = arith.constant 0 : i32
      %lt3A_472 = vector.broadcast %lt3A_471 : i32 to vector<16xi32>
      %lt3A_473 = arith.cmpi slt, %xor3A_470, %lt3A_472 : vector<16xi32>
      %add3A_474 = arith.constant 16 : i32
      %add3A_475 = vector.broadcast %add3A_474 : i32 to vector<16xi32>
      %add3A_476 = arith.addi %xor3A_470, %add3A_475 : vector<16xi32>
      %select_n3A_477 = arith.select %lt3A_473, %add3A_476, %xor3A_470 : vector<16xi1>, vector<16xi32>
      %broadcast_in_dim3A_478 = vector.shape_cast %select_n3A_477 : vector<16xi32> to vector<16x1xi32>
      %gather3A_479 = vector.shape_cast %broadcast_in_dim3A_478 : vector<16x1xi32> to vector<16xi32>
      %gather3A_480 = tpu.dynamic_gather %add3A_467[%gather3A_479] in [0] : vector<16xf32>, vector<16xi32> -> vector<16xf32>
      %add3A_481 = arith.addf %add3A_467, %gather3A_480 : vector<16xf32>
      %mul3A_482 = arith.constant 5.000000e-03 : f32
      %mul3A_483 = vector.broadcast %mul3A_482 : f32 to vector<16xf32>
      %mul3A_484 = arith.mulf %add3A_481, %mul3A_483 : vector<16xf32>
      %slice3A = vector.extract_strided_slice %get3A_4 {offsets = [0], sizes = [1], strides = [1]} : vector<16xf32> to vector<1xf32>
      %squeeze3A = vector.extract %slice3A[0] : f32 from vector<1xf32>
      %add3A_485 = vector.broadcast %squeeze3A : f32 to vector<16xf32>
      %add3A_486 = arith.addf %mul3A_484, %add3A_485 : vector<16xf32>
      %eq3A_487 = arith.constant 0 : i32
      %eq3A_488 = vector.broadcast %eq3A_487 : i32 to vector<16xi32>
      %eq3A_489 = arith.cmpi eq, %iota3A, %eq3A_488 : vector<16xi32>
      %select_n3A_490 = arith.select %eq3A_489, %add3A_486, %broadcast_in_dim3A_412 : vector<16xi1>, vector<16xf32>
      %mul3A_491 = arith.mulf %scan3A_313#0, %get3A_49 : vector<16xf32>
      %mul3A_492 = arith.mulf %scan3A_313#1, %get3A_54 : vector<16xf32>
      %add3A_493 = arith.addf %mul3A_491, %mul3A_492 : vector<16xf32>
      %mul3A_494 = arith.mulf %scan3A_313#2, %get3A_59 : vector<16xf32>
      %add3A_495 = arith.addf %add3A_493, %mul3A_494 : vector<16xf32>
      %mul3A_496 = arith.mulf %scan3A_313#3, %get3A_64 : vector<16xf32>
      %add3A_497 = arith.addf %add3A_495, %mul3A_496 : vector<16xf32>
      %mul3A_498 = arith.mulf %scan3A_313#4, %get3A_69 : vector<16xf32>
      %add3A_499 = arith.addf %add3A_497, %mul3A_498 : vector<16xf32>
      %mul3A_500 = arith.mulf %scan3A_313#5, %get3A_74 : vector<16xf32>
      %add3A_501 = arith.addf %add3A_499, %mul3A_500 : vector<16xf32>
      %mul3A_502 = arith.mulf %scan3A_313#6, %get3A_79 : vector<16xf32>
      %add3A_503 = arith.addf %add3A_501, %mul3A_502 : vector<16xf32>
      %mul3A_504 = arith.mulf %scan3A_313#7, %get3A_84 : vector<16xf32>
      %add3A_505 = arith.addf %add3A_503, %mul3A_504 : vector<16xf32>
      %xor3A_506 = arith.constant 8 : i32
      %xor3A_507 = vector.broadcast %xor3A_506 : i32 to vector<16xi32>
      %xor3A_508 = arith.xori %iota3A, %xor3A_507 : vector<16xi32>
      %lt3A_509 = arith.constant 0 : i32
      %lt3A_510 = vector.broadcast %lt3A_509 : i32 to vector<16xi32>
      %lt3A_511 = arith.cmpi slt, %xor3A_508, %lt3A_510 : vector<16xi32>
      %add3A_512 = arith.constant 16 : i32
      %add3A_513 = vector.broadcast %add3A_512 : i32 to vector<16xi32>
      %add3A_514 = arith.addi %xor3A_508, %add3A_513 : vector<16xi32>
      %select_n3A_515 = arith.select %lt3A_511, %add3A_514, %xor3A_508 : vector<16xi1>, vector<16xi32>
      %broadcast_in_dim3A_516 = vector.shape_cast %select_n3A_515 : vector<16xi32> to vector<16x1xi32>
      %gather3A_517 = vector.shape_cast %broadcast_in_dim3A_516 : vector<16x1xi32> to vector<16xi32>
      %gather3A_518 = tpu.dynamic_gather %add3A_505[%gather3A_517] in [0] : vector<16xf32>, vector<16xi32> -> vector<16xf32>
      %add3A_519 = arith.addf %add3A_505, %gather3A_518 : vector<16xf32>
      %xor3A_520 = arith.constant 4 : i32
      %xor3A_521 = vector.broadcast %xor3A_520 : i32 to vector<16xi32>
      %xor3A_522 = arith.xori %iota3A, %xor3A_521 : vector<16xi32>
      %lt3A_523 = arith.constant 0 : i32
      %lt3A_524 = vector.broadcast %lt3A_523 : i32 to vector<16xi32>
      %lt3A_525 = arith.cmpi slt, %xor3A_522, %lt3A_524 : vector<16xi32>
      %add3A_526 = arith.constant 16 : i32
      %add3A_527 = vector.broadcast %add3A_526 : i32 to vector<16xi32>
      %add3A_528 = arith.addi %xor3A_522, %add3A_527 : vector<16xi32>
      %select_n3A_529 = arith.select %lt3A_525, %add3A_528, %xor3A_522 : vector<16xi1>, vector<16xi32>
      %broadcast_in_dim3A_530 = vector.shape_cast %select_n3A_529 : vector<16xi32> to vector<16x1xi32>
      %gather3A_531 = vector.shape_cast %broadcast_in_dim3A_530 : vector<16x1xi32> to vector<16xi32>
      %gather3A_532 = tpu.dynamic_gather %add3A_519[%gather3A_531] in [0] : vector<16xf32>, vector<16xi32> -> vector<16xf32>
      %add3A_533 = arith.addf %add3A_519, %gather3A_532 : vector<16xf32>
      %xor3A_534 = arith.constant 2 : i32
      %xor3A_535 = vector.broadcast %xor3A_534 : i32 to vector<16xi32>
      %xor3A_536 = arith.xori %iota3A, %xor3A_535 : vector<16xi32>
      %lt3A_537 = arith.constant 0 : i32
      %lt3A_538 = vector.broadcast %lt3A_537 : i32 to vector<16xi32>
      %lt3A_539 = arith.cmpi slt, %xor3A_536, %lt3A_538 : vector<16xi32>
      %add3A_540 = arith.constant 16 : i32
      %add3A_541 = vector.broadcast %add3A_540 : i32 to vector<16xi32>
      %add3A_542 = arith.addi %xor3A_536, %add3A_541 : vector<16xi32>
      %select_n3A_543 = arith.select %lt3A_539, %add3A_542, %xor3A_536 : vector<16xi1>, vector<16xi32>
      %broadcast_in_dim3A_544 = vector.shape_cast %select_n3A_543 : vector<16xi32> to vector<16x1xi32>
      %gather3A_545 = vector.shape_cast %broadcast_in_dim3A_544 : vector<16x1xi32> to vector<16xi32>
      %gather3A_546 = tpu.dynamic_gather %add3A_533[%gather3A_545] in [0] : vector<16xf32>, vector<16xi32> -> vector<16xf32>
      %add3A_547 = arith.addf %add3A_533, %gather3A_546 : vector<16xf32>
      %xor3A_548 = arith.constant 1 : i32
      %xor3A_549 = vector.broadcast %xor3A_548 : i32 to vector<16xi32>
      %xor3A_550 = arith.xori %iota3A, %xor3A_549 : vector<16xi32>
      %lt3A_551 = arith.constant 0 : i32
      %lt3A_552 = vector.broadcast %lt3A_551 : i32 to vector<16xi32>
      %lt3A_553 = arith.cmpi slt, %xor3A_550, %lt3A_552 : vector<16xi32>
      %add3A_554 = arith.constant 16 : i32
      %add3A_555 = vector.broadcast %add3A_554 : i32 to vector<16xi32>
      %add3A_556 = arith.addi %xor3A_550, %add3A_555 : vector<16xi32>
      %select_n3A_557 = arith.select %lt3A_553, %add3A_556, %xor3A_550 : vector<16xi1>, vector<16xi32>
      %broadcast_in_dim3A_558 = vector.shape_cast %select_n3A_557 : vector<16xi32> to vector<16x1xi32>
      %gather3A_559 = vector.shape_cast %broadcast_in_dim3A_558 : vector<16x1xi32> to vector<16xi32>
      %gather3A_560 = tpu.dynamic_gather %add3A_547[%gather3A_559] in [0] : vector<16xf32>, vector<16xi32> -> vector<16xf32>
      %add3A_561 = arith.addf %add3A_547, %gather3A_560 : vector<16xf32>
      %mul3A_562 = arith.constant 5.000000e-03 : f32
      %mul3A_563 = vector.broadcast %mul3A_562 : f32 to vector<16xf32>
      %mul3A_564 = arith.mulf %add3A_561, %mul3A_563 : vector<16xf32>
      %slice3A_565 = vector.extract_strided_slice %get3A_4 {offsets = [1], sizes = [1], strides = [1]} : vector<16xf32> to vector<1xf32>
      %squeeze3A_566 = vector.extract %slice3A_565[0] : f32 from vector<1xf32>
      %add3A_567 = vector.broadcast %squeeze3A_566 : f32 to vector<16xf32>
      %add3A_568 = arith.addf %mul3A_564, %add3A_567 : vector<16xf32>
      %eq3A_569 = arith.constant 1 : i32
      %eq3A_570 = vector.broadcast %eq3A_569 : i32 to vector<16xi32>
      %eq3A_571 = arith.cmpi eq, %iota3A, %eq3A_570 : vector<16xi32>
      %select_n3A_572 = arith.select %eq3A_571, %add3A_568, %select_n3A_490 : vector<16xi1>, vector<16xf32>
      %swap3A = arith.index_cast %select_n3A_394 : i32 to index
      %swap3A_573 = arith.index_cast %select_n3A_410 : i32 to index
      %swap3A_574 = arith.constant 0 : index
      %swap3A_575 = tpu.vector_load %arg9[%swap3A, %swap3A_573, %swap3A_574] {strides = array<i32>} : memref<2x8x16xf32, #tpu.memory_space<vmem>>, vector<1x1x16xf32>,
      %swap3A_576 = vector.shape_cast %swap3A_575 : vector<1x1x16xf32> to vector<16xf32>
      %swap3A_577 = vector.shape_cast %select_n3A_572 : vector<16xf32> to vector<1x1x16xf32>
      tpu.vector_store %arg9[%swap3A, %swap3A_573, %swap3A_574], %swap3A_577 {strides = array<i32>} : memref<2x8x16xf32, #tpu.memory_space<vmem>>, vector<1x1x16xf32>,
      %jit3A_578 = arith.constant 8 : i32
      %eq3A_579 = arith.constant 0 : i32
      %eq3A_580 = arith.cmpi eq, %jit3A_578, %eq3A_579 : i32
      %jit3A_581 = arith.constant 1 : i32
      %select_n3A_582 = arith.select %eq3A_580, %jit3A_581, %jit3A_578 : i32
      %rem3A_583 = arith.remsi %add3A_332, %select_n3A_582 : i32
      %ne3A_584 = arith.constant 0 : i32
      %ne3A_585 = arith.cmpi ne, %rem3A_583, %ne3A_584 : i32
      %lt3A_586 = arith.constant 0 : i32
      %lt3A_587 = arith.cmpi slt, %rem3A_583, %lt3A_586 : i32
      %lt3A_588 = arith.constant 0 : i32
      %lt3A_589 = arith.cmpi slt, %select_n3A_582, %lt3A_588 : i32
      %ne3A_590 = arith.xori %lt3A_587, %lt3A_589 : i1
      %and3A_591 = arith.andi %ne3A_590, %ne3A_585 : i1
      %add3A_592 = arith.addi %rem3A_583, %select_n3A_582 : i32
      %select_n3A_593 = arith.select %and3A_591, %add3A_592, %rem3A_583 : i32
      %eq3A_594 = arith.constant 7 : i32
      %eq3A_595 = arith.cmpi eq, %select_n3A_593, %eq3A_594 : i32
      %convert_element_type3A_596 = arith.extui %eq3A_595 : i1 to i32
      %cond3A_597 = arith.constant 0 : i32
      %cond3A_598 = arith.cmpi ne, %convert_element_type3A_596, %cond3A_597 : i32
      scf.if %cond3A_598 {
        %mul3A_1023 = arith.constant 128 : i32
        %mul3A_1024 = arith.muli %add3A, %mul3A_1023 : i32
        %add3A_1025 = arith.addi %mul3A_1024, %add3A_332 : i32
        %sub3A_1026 = arith.constant 7 : i32
        %sub3A_1027 = arith.subi %add3A_1025, %sub3A_1026 : i32
        %multiple_of3A_1028 = tpu.assume_multiple %sub3A_1027, 8 : i32
        %dma_start3A_1029 = arith.constant 0 : i32
        %dma_start3A_1030 = arith.constant 0 : i32
        %dma_start3A_1031 = tpu.memref_slice %arg9[%select_n3A_394, %dma_start3A_1029, %dma_start3A_1030] : memref<2x8x16xf32, #tpu.memory_space<vmem>> -> memref<1x8x16xf32, #tpu.memory_space<vmem>>
        %dma_start3A_1032 = tpu.memref_squeeze %dma_start3A_1031 : memref<1x8x16xf32, #tpu.memory_space<vmem>> -> memref<8x16xf32, #tpu.memory_space<vmem>>
        %dma_start3A_1033 = arith.constant 0 : i32
        %dma_start3A_1034 = tpu.memref_slice %arg6[%multiple_of3A_1028, %dma_start3A_1033] : memref<4096x16xf32, #tpu.memory_space<hbm>> -> memref<8x16xf32, #tpu.memory_space<hbm>>
        %dma_start3A_1035 = arith.constant 0 : i32
        %dma_start3A_1036 = tpu.memref_slice %arg6[%multiple_of3A_1028, %dma_start3A_1035] : memref<4096x16xf32, #tpu.memory_space<hbm>> -> memref<8x16xf32, #tpu.memory_space<hbm>>
        %dma_start3A_1037 = arith.constant 0 : i32
        %dma_start3A_1038 = arith.constant 0 : i32
        %dma_start3A_1039 = tpu.memref_slice %arg9[%select_n3A_394, %dma_start3A_1037, %dma_start3A_1038] : memref<2x8x16xf32, #tpu.memory_space<vmem>> -> memref<1x8x16xf32, #tpu.memory_space<vmem>>
        %dma_start3A_1040 = tpu.memref_squeeze %dma_start3A_1039 : memref<1x8x16xf32, #tpu.memory_space<vmem>> -> memref<8x16xf32, #tpu.memory_space<vmem>>
        tpu.enqueue_dma source(%dma_start3A_1040 : memref<8x16xf32, #tpu.memory_space<vmem>>) target(%dma_start3A_1036 : memref<8x16xf32, #tpu.memory_space<hbm>>) target_semaphore(%arg20 : memref<!tpu.dma_semaphore, #tpu.memory_space<semaphore_mem>>)
      } else {
      }
      %broadcast_in_dim3A_599 = arith.constant 0.000000e+00 : f32
      %broadcast_in_dim3A_600 = vector.broadcast %broadcast_in_dim3A_599 : f32 to vector<16xf32>
      %broadcast_in_dim3A_601 = arith.constant 0.000000e+00 : f32
      %broadcast_in_dim3A_602 = vector.broadcast %broadcast_in_dim3A_601 : f32 to vector<16xf32>
      %broadcast_in_dim3A_603 = arith.constant 0.000000e+00 : f32
      %broadcast_in_dim3A_604 = vector.broadcast %broadcast_in_dim3A_603 : f32 to vector<16xf32>
      %broadcast_in_dim3A_605 = arith.constant 0.000000e+00 : f32
      %broadcast_in_dim3A_606 = vector.broadcast %broadcast_in_dim3A_605 : f32 to vector<16xf32>
      %broadcast_in_dim3A_607 = arith.constant 0.000000e+00 : f32
      %broadcast_in_dim3A_608 = vector.broadcast %broadcast_in_dim3A_607 : f32 to vector<16xf32>
      %broadcast_in_dim3A_609 = arith.constant 0.000000e+00 : f32
      %broadcast_in_dim3A_610 = vector.broadcast %broadcast_in_dim3A_609 : f32 to vector<16xf32>
      %broadcast_in_dim3A_611 = arith.constant 0.000000e+00 : f32
      %broadcast_in_dim3A_612 = vector.broadcast %broadcast_in_dim3A_611 : f32 to vector<16xf32>
      %broadcast_in_dim3A_613 = arith.constant 0.000000e+00 : f32
      %broadcast_in_dim3A_614 = vector.broadcast %broadcast_in_dim3A_613 : f32 to vector<16xf32>
      %add3A_615 = arith.constant 4 : i32
      %add3A_616 = arith.addi %mul3A_194, %add3A_615 : i32
      %add3A_617 = arith.constant 6 : i32
      %add3A_618 = arith.addi %add3A_616, %add3A_617 : i32
      %lt3A_619 = arith.constant 512 : i32
      %lt3A_620 = arith.cmpi slt, %add3A_618, %lt3A_619 : i32
      %convert_element_type3A_621 = arith.extui %lt3A_620 : i1 to i32
      %cond3A_622 = arith.constant 0 : i32
      %cond3A_623 = arith.cmpi ne, %convert_element_type3A_621, %cond3A_622 : i32
      scf.if %cond3A_623 {
        %add3A_1023 = arith.constant 6 : i32
        %add3A_1024 = arith.addi %add3A_616, %add3A_1023 : i32
        %dma_start3A_1025 = arith.constant 2 : i32
        %dma_start3A_1026 = arith.constant 0 : i32
        %dma_start3A_1027 = arith.constant 0 : i32
        %dma_start3A_1028 = tpu.memref_slice %arg8[%dma_start3A_1025, %dma_start3A_1026, %dma_start3A_1027] : memref<8x50x128xf32, #tpu.memory_space<vmem>> -> memref<1x50x128xf32, #tpu.memory_space<vmem>>
        %dma_start3A_1029 = tpu.memref_squeeze %dma_start3A_1028 : memref<1x50x128xf32, #tpu.memory_space<vmem>> -> memref<50x128xf32, #tpu.memory_space<vmem>>
        %dma_start3A_1030 = arith.constant 0 : i32
        %dma_start3A_1031 = tpu.memref_slice %arg7[%add3A_1024, %dma_start3A_1030] : memref<512x50xi32, #tpu.memory_space<vmem>> -> memref<1x50xi32, #tpu.memory_space<vmem>>
        %dma_start3A_1032 = tpu.memref_squeeze %dma_start3A_1031 : memref<1x50xi32, #tpu.memory_space<vmem>> -> memref<50xi32, #tpu.memory_space<vmem>>
        %dma_start3A_1033 = arith.constant 0 : i32
        %dma_start3A_1034 = arith.constant 0 : i32
        %dma_start3A_1035 = tpu.memref_slice %arg3[%dma_start3A_1033, %dma_start3A_1034] : memref<1000000x128xf32, #tpu.memory_space<hbm>> -> memref<1000000x128xf32, #tpu.memory_space<hbm>>
        tpu.enqueue_indirect_dma source(%dma_start3A_1035 : memref<1000000x128xf32, #tpu.memory_space<hbm>>) target(%dma_start3A_1029 : memref<50x128xf32, #tpu.memory_space<vmem>>) offsets(%dma_start3A_1032 : memref<50xi32, #tpu.memory_space<vmem>>) semaphore(%arg14 : memref<!tpu.dma_semaphore, #tpu.memory_space<semaphore_mem>>)
      } else {
      }
      %dma_wait3A_624 = arith.constant 0 : i32
      %dma_wait3A_625 = arith.constant 4 : i32
      %dma_wait3A_626 = arith.constant 0 : i32
      %dma_wait3A_627 = arith.constant 0 : i32
      %dma_wait3A_628 = tpu.memref_slice %arg8[%dma_wait3A_625, %dma_wait3A_626, %dma_wait3A_627] : memref<8x50x128xf32, #tpu.memory_space<vmem>> -> memref<1x50x128xf32, #tpu.memory_space<vmem>>
      %dma_wait3A_629 = tpu.memref_squeeze %dma_wait3A_628 : memref<1x50x128xf32, #tpu.memory_space<vmem>> -> memref<50x128xf32, #tpu.memory_space<vmem>>
      %dma_wait3A_630 = arith.constant 0 : i32
      %dma_wait3A_631 = tpu.memref_slice %arg7[%dma_wait3A_624, %dma_wait3A_630] : memref<512x50xi32, #tpu.memory_space<vmem>> -> memref<1x50xi32, #tpu.memory_space<vmem>>
      %dma_wait3A_632 = tpu.memref_squeeze %dma_wait3A_631 : memref<1x50xi32, #tpu.memory_space<vmem>> -> memref<50xi32, #tpu.memory_space<vmem>>
      %dma_wait3A_633 = arith.constant 0 : i32
      %dma_wait3A_634 = arith.constant 0 : i32
      %dma_wait3A_635 = tpu.memref_slice %arg3[%dma_wait3A_633, %dma_wait3A_634] : memref<1000000x128xf32, #tpu.memory_space<hbm>> -> memref<1000000x128xf32, #tpu.memory_space<hbm>>
      tpu.wait_indirect_dma semaphore(%arg16 : memref<!tpu.dma_semaphore, #tpu.memory_space<semaphore_mem>>) src(%dma_wait3A_635 : memref<1000000x128xf32, #tpu.memory_space<hbm>>) dst(%dma_wait3A_629 : memref<50x128xf32, #tpu.memory_space<vmem>>)
      %scan3A_636 = arith.constant 0 : i32
      %scan3A_637 = arith.constant 10 : i32
      %scan3A_638 = arith.addi %scan3A_636, %scan3A_637 : i32
      %scan3A_639 = arith.constant 1 : i32
      %scan3A_640:8 = scf.for %scan3A_1023 = %scan3A_636 to %scan3A_638 step %scan3A_639 iter_args(%scan3A_1024 = %broadcast_in_dim3A_600, %scan3A_1025 = %broadcast_in_dim3A_602, %scan3A_1026 = %broadcast_in_dim3A_604, %scan3A_1027 = %broadcast_in_dim3A_606, %scan3A_1028 = %broadcast_in_dim3A_608, %scan3A_1029 = %broadcast_in_dim3A_610, %scan3A_1030 = %broadcast_in_dim3A_612, %scan3A_1031 = %broadcast_in_dim3A_614) -> (vector<16xf32>, vector<16xf32>, vector<16xf32>, vector<16xf32>, vector<16xf32>, vector<16xf32>, vector<16xf32>, vector<16xf32>)  : i32 {
        %mul3A_1032 = arith.constant 5 : i32
        %mul3A_1033 = arith.muli %mul3A_1032, %scan3A_1023 : i32
        %add3A_1034 = arith.constant 0 : i32
        %add3A_1035 = arith.addi %mul3A_1033, %add3A_1034 : i32
        %get3A_1036 = arith.constant 4 : i32
        %get3A_1037 = arith.index_cast %get3A_1036 : i32 to index
        %get3A_1038 = arith.index_cast %add3A_1035 : i32 to index
        %get3A_1039 = arith.constant 0 : index
        %get3A_1040 = tpu.vector_load %arg8[%get3A_1037, %get3A_1038, %get3A_1039] {strides = array<i32>} : memref<8x50x128xf32, #tpu.memory_space<vmem>>, vector<1x1x16xf32>,
        %get3A_1041 = vector.shape_cast %get3A_1040 : vector<1x1x16xf32> to vector<16xf32>
        %add3A_1042 = arith.addf %scan3A_1024, %get3A_1041 : vector<16xf32>
        %get3A_1043 = arith.constant 4 : i32
        %get3A_1044 = arith.index_cast %get3A_1043 : i32 to index
        %get3A_1045 = arith.index_cast %add3A_1035 : i32 to index
        %get3A_1046 = arith.constant 16 : index
        %get3A_1047 = tpu.vector_load %arg8[%get3A_1044, %get3A_1045, %get3A_1046] {strides = array<i32>} : memref<8x50x128xf32, #tpu.memory_space<vmem>>, vector<1x1x16xf32>,
        %get3A_1048 = vector.shape_cast %get3A_1047 : vector<1x1x16xf32> to vector<16xf32>
        %add3A_1049 = arith.addf %scan3A_1025, %get3A_1048 : vector<16xf32>
        %get3A_1050 = arith.constant 4 : i32
        %get3A_1051 = arith.index_cast %get3A_1050 : i32 to index
        %get3A_1052 = arith.index_cast %add3A_1035 : i32 to index
        %get3A_1053 = arith.constant 32 : index
        %get3A_1054 = tpu.vector_load %arg8[%get3A_1051, %get3A_1052, %get3A_1053] {strides = array<i32>} : memref<8x50x128xf32, #tpu.memory_space<vmem>>, vector<1x1x16xf32>,
        %get3A_1055 = vector.shape_cast %get3A_1054 : vector<1x1x16xf32> to vector<16xf32>
        %add3A_1056 = arith.addf %scan3A_1026, %get3A_1055 : vector<16xf32>
        %get3A_1057 = arith.constant 4 : i32
        %get3A_1058 = arith.index_cast %get3A_1057 : i32 to index
        %get3A_1059 = arith.index_cast %add3A_1035 : i32 to index
        %get3A_1060 = arith.constant 48 : index
        %get3A_1061 = tpu.vector_load %arg8[%get3A_1058, %get3A_1059, %get3A_1060] {strides = array<i32>} : memref<8x50x128xf32, #tpu.memory_space<vmem>>, vector<1x1x16xf32>,
        %get3A_1062 = vector.shape_cast %get3A_1061 : vector<1x1x16xf32> to vector<16xf32>
        %add3A_1063 = arith.addf %scan3A_1027, %get3A_1062 : vector<16xf32>
        %get3A_1064 = arith.constant 4 : i32
        %get3A_1065 = arith.index_cast %get3A_1064 : i32 to index
        %get3A_1066 = arith.index_cast %add3A_1035 : i32 to index
        %get3A_1067 = arith.constant 64 : index
        %get3A_1068 = tpu.vector_load %arg8[%get3A_1065, %get3A_1066, %get3A_1067] {strides = array<i32>} : memref<8x50x128xf32, #tpu.memory_space<vmem>>, vector<1x1x16xf32>,
        %get3A_1069 = vector.shape_cast %get3A_1068 : vector<1x1x16xf32> to vector<16xf32>
        %add3A_1070 = arith.addf %scan3A_1028, %get3A_1069 : vector<16xf32>
        %get3A_1071 = arith.constant 4 : i32
        %get3A_1072 = arith.index_cast %get3A_1071 : i32 to index
        %get3A_1073 = arith.index_cast %add3A_1035 : i32 to index
        %get3A_1074 = arith.constant 80 : index
        %get3A_1075 = tpu.vector_load %arg8[%get3A_1072, %get3A_1073, %get3A_1074] {strides = array<i32>} : memref<8x50x128xf32, #tpu.memory_space<vmem>>, vector<1x1x16xf32>,
        %get3A_1076 = vector.shape_cast %get3A_1075 : vector<1x1x16xf32> to vector<16xf32>
        %add3A_1077 = arith.addf %scan3A_1029, %get3A_1076 : vector<16xf32>
        %get3A_1078 = arith.constant 4 : i32
        %get3A_1079 = arith.index_cast %get3A_1078 : i32 to index
        %get3A_1080 = arith.index_cast %add3A_1035 : i32 to index
        %get3A_1081 = arith.constant 96 : index
        %get3A_1082 = tpu.vector_load %arg8[%get3A_1079, %get3A_1080, %get3A_1081] {strides = array<i32>} : memref<8x50x128xf32, #tpu.memory_space<vmem>>, vector<1x1x16xf32>,
        %get3A_1083 = vector.shape_cast %get3A_1082 : vector<1x1x16xf32> to vector<16xf32>
        %add3A_1084 = arith.addf %scan3A_1030, %get3A_1083 : vector<16xf32>
        %get3A_1085 = arith.constant 4 : i32
        %get3A_1086 = arith.index_cast %get3A_1085 : i32 to index
        %get3A_1087 = arith.index_cast %add3A_1035 : i32 to index
        %get3A_1088 = arith.constant 112 : index
        %get3A_1089 = tpu.vector_load %arg8[%get3A_1086, %get3A_1087, %get3A_1088] {strides = array<i32>} : memref<8x50x128xf32, #tpu.memory_space<vmem>>, vector<1x1x16xf32>,
        %get3A_1090 = vector.shape_cast %get3A_1089 : vector<1x1x16xf32> to vector<16xf32>
        %add3A_1091 = arith.addf %scan3A_1031, %get3A_1090 : vector<16xf32>
        %mul3A_1092 = arith.constant 5 : i32
        %mul3A_1093 = arith.muli %mul3A_1092, %scan3A_1023 : i32
        %add3A_1094 = arith.constant 1 : i32
        %add3A_1095 = arith.addi %mul3A_1093, %add3A_1094 : i32
        %get3A_1096 = arith.constant 4 : i32
        %get3A_1097 = arith.index_cast %get3A_1096 : i32 to index
        %get3A_1098 = arith.index_cast %add3A_1095 : i32 to index
        %get3A_1099 = arith.constant 0 : index
        %get3A_1100 = tpu.vector_load %arg8[%get3A_1097, %get3A_1098, %get3A_1099] {strides = array<i32>} : memref<8x50x128xf32, #tpu.memory_space<vmem>>, vector<1x1x16xf32>,
        %get3A_1101 = vector.shape_cast %get3A_1100 : vector<1x1x16xf32> to vector<16xf32>
        %add3A_1102 = arith.addf %add3A_1042, %get3A_1101 : vector<16xf32>
        %get3A_1103 = arith.constant 4 : i32
        %get3A_1104 = arith.index_cast %get3A_1103 : i32 to index
        %get3A_1105 = arith.index_cast %add3A_1095 : i32 to index
        %get3A_1106 = arith.constant 16 : index
        %get3A_1107 = tpu.vector_load %arg8[%get3A_1104, %get3A_1105, %get3A_1106] {strides = array<i32>} : memref<8x50x128xf32, #tpu.memory_space<vmem>>, vector<1x1x16xf32>,
        %get3A_1108 = vector.shape_cast %get3A_1107 : vector<1x1x16xf32> to vector<16xf32>
        %add3A_1109 = arith.addf %add3A_1049, %get3A_1108 : vector<16xf32>
        %get3A_1110 = arith.constant 4 : i32
        %get3A_1111 = arith.index_cast %get3A_1110 : i32 to index
        %get3A_1112 = arith.index_cast %add3A_1095 : i32 to index
        %get3A_1113 = arith.constant 32 : index
        %get3A_1114 = tpu.vector_load %arg8[%get3A_1111, %get3A_1112, %get3A_1113] {strides = array<i32>} : memref<8x50x128xf32, #tpu.memory_space<vmem>>, vector<1x1x16xf32>,
        %get3A_1115 = vector.shape_cast %get3A_1114 : vector<1x1x16xf32> to vector<16xf32>
        %add3A_1116 = arith.addf %add3A_1056, %get3A_1115 : vector<16xf32>
        %get3A_1117 = arith.constant 4 : i32
        %get3A_1118 = arith.index_cast %get3A_1117 : i32 to index
        %get3A_1119 = arith.index_cast %add3A_1095 : i32 to index
        %get3A_1120 = arith.constant 48 : index
        %get3A_1121 = tpu.vector_load %arg8[%get3A_1118, %get3A_1119, %get3A_1120] {strides = array<i32>} : memref<8x50x128xf32, #tpu.memory_space<vmem>>, vector<1x1x16xf32>,
        %get3A_1122 = vector.shape_cast %get3A_1121 : vector<1x1x16xf32> to vector<16xf32>
        %add3A_1123 = arith.addf %add3A_1063, %get3A_1122 : vector<16xf32>
        %get3A_1124 = arith.constant 4 : i32
        %get3A_1125 = arith.index_cast %get3A_1124 : i32 to index
        %get3A_1126 = arith.index_cast %add3A_1095 : i32 to index
        %get3A_1127 = arith.constant 64 : index
        %get3A_1128 = tpu.vector_load %arg8[%get3A_1125, %get3A_1126, %get3A_1127] {strides = array<i32>} : memref<8x50x128xf32, #tpu.memory_space<vmem>>, vector<1x1x16xf32>,
        %get3A_1129 = vector.shape_cast %get3A_1128 : vector<1x1x16xf32> to vector<16xf32>
        %add3A_1130 = arith.addf %add3A_1070, %get3A_1129 : vector<16xf32>
        %get3A_1131 = arith.constant 4 : i32
        %get3A_1132 = arith.index_cast %get3A_1131 : i32 to index
        %get3A_1133 = arith.index_cast %add3A_1095 : i32 to index
        %get3A_1134 = arith.constant 80 : index
        %get3A_1135 = tpu.vector_load %arg8[%get3A_1132, %get3A_1133, %get3A_1134] {strides = array<i32>} : memref<8x50x128xf32, #tpu.memory_space<vmem>>, vector<1x1x16xf32>,
        %get3A_1136 = vector.shape_cast %get3A_1135 : vector<1x1x16xf32> to vector<16xf32>
        %add3A_1137 = arith.addf %add3A_1077, %get3A_1136 : vector<16xf32>
        %get3A_1138 = arith.constant 4 : i32
        %get3A_1139 = arith.index_cast %get3A_1138 : i32 to index
        %get3A_1140 = arith.index_cast %add3A_1095 : i32 to index
        %get3A_1141 = arith.constant 96 : index
        %get3A_1142 = tpu.vector_load %arg8[%get3A_1139, %get3A_1140, %get3A_1141] {strides = array<i32>} : memref<8x50x128xf32, #tpu.memory_space<vmem>>, vector<1x1x16xf32>,
        %get3A_1143 = vector.shape_cast %get3A_1142 : vector<1x1x16xf32> to vector<16xf32>
        %add3A_1144 = arith.addf %add3A_1084, %get3A_1143 : vector<16xf32>
        %get3A_1145 = arith.constant 4 : i32
        %get3A_1146 = arith.index_cast %get3A_1145 : i32 to index
        %get3A_1147 = arith.index_cast %add3A_1095 : i32 to index
        %get3A_1148 = arith.constant 112 : index
        %get3A_1149 = tpu.vector_load %arg8[%get3A_1146, %get3A_1147, %get3A_1148] {strides = array<i32>} : memref<8x50x128xf32, #tpu.memory_space<vmem>>, vector<1x1x16xf32>,
        %get3A_1150 = vector.shape_cast %get3A_1149 : vector<1x1x16xf32> to vector<16xf32>
        %add3A_1151 = arith.addf %add3A_1091, %get3A_1150 : vector<16xf32>
        %mul3A_1152 = arith.constant 5 : i32
        %mul3A_1153 = arith.muli %mul3A_1152, %scan3A_1023 : i32
        %add3A_1154 = arith.constant 2 : i32
        %add3A_1155 = arith.addi %mul3A_1153, %add3A_1154 : i32
        %get3A_1156 = arith.constant 4 : i32
        %get3A_1157 = arith.index_cast %get3A_1156 : i32 to index
        %get3A_1158 = arith.index_cast %add3A_1155 : i32 to index
        %get3A_1159 = arith.constant 0 : index
        %get3A_1160 = tpu.vector_load %arg8[%get3A_1157, %get3A_1158, %get3A_1159] {strides = array<i32>} : memref<8x50x128xf32, #tpu.memory_space<vmem>>, vector<1x1x16xf32>,
        %get3A_1161 = vector.shape_cast %get3A_1160 : vector<1x1x16xf32> to vector<16xf32>
        %add3A_1162 = arith.addf %add3A_1102, %get3A_1161 : vector<16xf32>
        %get3A_1163 = arith.constant 4 : i32
        %get3A_1164 = arith.index_cast %get3A_1163 : i32 to index
        %get3A_1165 = arith.index_cast %add3A_1155 : i32 to index
        %get3A_1166 = arith.constant 16 : index
        %get3A_1167 = tpu.vector_load %arg8[%get3A_1164, %get3A_1165, %get3A_1166] {strides = array<i32>} : memref<8x50x128xf32, #tpu.memory_space<vmem>>, vector<1x1x16xf32>,
        %get3A_1168 = vector.shape_cast %get3A_1167 : vector<1x1x16xf32> to vector<16xf32>
        %add3A_1169 = arith.addf %add3A_1109, %get3A_1168 : vector<16xf32>
        %get3A_1170 = arith.constant 4 : i32
        %get3A_1171 = arith.index_cast %get3A_1170 : i32 to index
        %get3A_1172 = arith.index_cast %add3A_1155 : i32 to index
        %get3A_1173 = arith.constant 32 : index
        %get3A_1174 = tpu.vector_load %arg8[%get3A_1171, %get3A_1172, %get3A_1173] {strides = array<i32>} : memref<8x50x128xf32, #tpu.memory_space<vmem>>, vector<1x1x16xf32>,
        %get3A_1175 = vector.shape_cast %get3A_1174 : vector<1x1x16xf32> to vector<16xf32>
        %add3A_1176 = arith.addf %add3A_1116, %get3A_1175 : vector<16xf32>
        %get3A_1177 = arith.constant 4 : i32
        %get3A_1178 = arith.index_cast %get3A_1177 : i32 to index
        %get3A_1179 = arith.index_cast %add3A_1155 : i32 to index
        %get3A_1180 = arith.constant 48 : index
        %get3A_1181 = tpu.vector_load %arg8[%get3A_1178, %get3A_1179, %get3A_1180] {strides = array<i32>} : memref<8x50x128xf32, #tpu.memory_space<vmem>>, vector<1x1x16xf32>,
        %get3A_1182 = vector.shape_cast %get3A_1181 : vector<1x1x16xf32> to vector<16xf32>
        %add3A_1183 = arith.addf %add3A_1123, %get3A_1182 : vector<16xf32>
        %get3A_1184 = arith.constant 4 : i32
        %get3A_1185 = arith.index_cast %get3A_1184 : i32 to index
        %get3A_1186 = arith.index_cast %add3A_1155 : i32 to index
        %get3A_1187 = arith.constant 64 : index
        %get3A_1188 = tpu.vector_load %arg8[%get3A_1185, %get3A_1186, %get3A_1187] {strides = array<i32>} : memref<8x50x128xf32, #tpu.memory_space<vmem>>, vector<1x1x16xf32>,
        %get3A_1189 = vector.shape_cast %get3A_1188 : vector<1x1x16xf32> to vector<16xf32>
        %add3A_1190 = arith.addf %add3A_1130, %get3A_1189 : vector<16xf32>
        %get3A_1191 = arith.constant 4 : i32
        %get3A_1192 = arith.index_cast %get3A_1191 : i32 to index
        %get3A_1193 = arith.index_cast %add3A_1155 : i32 to index
        %get3A_1194 = arith.constant 80 : index
        %get3A_1195 = tpu.vector_load %arg8[%get3A_1192, %get3A_1193, %get3A_1194] {strides = array<i32>} : memref<8x50x128xf32, #tpu.memory_space<vmem>>, vector<1x1x16xf32>,
        %get3A_1196 = vector.shape_cast %get3A_1195 : vector<1x1x16xf32> to vector<16xf32>
        %add3A_1197 = arith.addf %add3A_1137, %get3A_1196 : vector<16xf32>
        %get3A_1198 = arith.constant 4 : i32
        %get3A_1199 = arith.index_cast %get3A_1198 : i32 to index
        %get3A_1200 = arith.index_cast %add3A_1155 : i32 to index
        %get3A_1201 = arith.constant 96 : index
        %get3A_1202 = tpu.vector_load %arg8[%get3A_1199, %get3A_1200, %get3A_1201] {strides = array<i32>} : memref<8x50x128xf32, #tpu.memory_space<vmem>>, vector<1x1x16xf32>,
        %get3A_1203 = vector.shape_cast %get3A_1202 : vector<1x1x16xf32> to vector<16xf32>
        %add3A_1204 = arith.addf %add3A_1144, %get3A_1203 : vector<16xf32>
        %get3A_1205 = arith.constant 4 : i32
        %get3A_1206 = arith.index_cast %get3A_1205 : i32 to index
        %get3A_1207 = arith.index_cast %add3A_1155 : i32 to index
        %get3A_1208 = arith.constant 112 : index
        %get3A_1209 = tpu.vector_load %arg8[%get3A_1206, %get3A_1207, %get3A_1208] {strides = array<i32>} : memref<8x50x128xf32, #tpu.memory_space<vmem>>, vector<1x1x16xf32>,
        %get3A_1210 = vector.shape_cast %get3A_1209 : vector<1x1x16xf32> to vector<16xf32>
        %add3A_1211 = arith.addf %add3A_1151, %get3A_1210 : vector<16xf32>
        %mul3A_1212 = arith.constant 5 : i32
        %mul3A_1213 = arith.muli %mul3A_1212, %scan3A_1023 : i32
        %add3A_1214 = arith.constant 3 : i32
        %add3A_1215 = arith.addi %mul3A_1213, %add3A_1214 : i32
        %get3A_1216 = arith.constant 4 : i32
        %get3A_1217 = arith.index_cast %get3A_1216 : i32 to index
        %get3A_1218 = arith.index_cast %add3A_1215 : i32 to index
        %get3A_1219 = arith.constant 0 : index
        %get3A_1220 = tpu.vector_load %arg8[%get3A_1217, %get3A_1218, %get3A_1219] {strides = array<i32>} : memref<8x50x128xf32, #tpu.memory_space<vmem>>, vector<1x1x16xf32>,
        %get3A_1221 = vector.shape_cast %get3A_1220 : vector<1x1x16xf32> to vector<16xf32>
        %add3A_1222 = arith.addf %add3A_1162, %get3A_1221 : vector<16xf32>
        %get3A_1223 = arith.constant 4 : i32
        %get3A_1224 = arith.index_cast %get3A_1223 : i32 to index
        %get3A_1225 = arith.index_cast %add3A_1215 : i32 to index
        %get3A_1226 = arith.constant 16 : index
        %get3A_1227 = tpu.vector_load %arg8[%get3A_1224, %get3A_1225, %get3A_1226] {strides = array<i32>} : memref<8x50x128xf32, #tpu.memory_space<vmem>>, vector<1x1x16xf32>,
        %get3A_1228 = vector.shape_cast %get3A_1227 : vector<1x1x16xf32> to vector<16xf32>
        %add3A_1229 = arith.addf %add3A_1169, %get3A_1228 : vector<16xf32>
        %get3A_1230 = arith.constant 4 : i32
        %get3A_1231 = arith.index_cast %get3A_1230 : i32 to index
        %get3A_1232 = arith.index_cast %add3A_1215 : i32 to index
        %get3A_1233 = arith.constant 32 : index
        %get3A_1234 = tpu.vector_load %arg8[%get3A_1231, %get3A_1232, %get3A_1233] {strides = array<i32>} : memref<8x50x128xf32, #tpu.memory_space<vmem>>, vector<1x1x16xf32>,
        %get3A_1235 = vector.shape_cast %get3A_1234 : vector<1x1x16xf32> to vector<16xf32>
        %add3A_1236 = arith.addf %add3A_1176, %get3A_1235 : vector<16xf32>
        %get3A_1237 = arith.constant 4 : i32
        %get3A_1238 = arith.index_cast %get3A_1237 : i32 to index
        %get3A_1239 = arith.index_cast %add3A_1215 : i32 to index
        %get3A_1240 = arith.constant 48 : index
        %get3A_1241 = tpu.vector_load %arg8[%get3A_1238, %get3A_1239, %get3A_1240] {strides = array<i32>} : memref<8x50x128xf32, #tpu.memory_space<vmem>>, vector<1x1x16xf32>,
        %get3A_1242 = vector.shape_cast %get3A_1241 : vector<1x1x16xf32> to vector<16xf32>
        %add3A_1243 = arith.addf %add3A_1183, %get3A_1242 : vector<16xf32>
        %get3A_1244 = arith.constant 4 : i32
        %get3A_1245 = arith.index_cast %get3A_1244 : i32 to index
        %get3A_1246 = arith.index_cast %add3A_1215 : i32 to index
        %get3A_1247 = arith.constant 64 : index
        %get3A_1248 = tpu.vector_load %arg8[%get3A_1245, %get3A_1246, %get3A_1247] {strides = array<i32>} : memref<8x50x128xf32, #tpu.memory_space<vmem>>, vector<1x1x16xf32>,
        %get3A_1249 = vector.shape_cast %get3A_1248 : vector<1x1x16xf32> to vector<16xf32>
        %add3A_1250 = arith.addf %add3A_1190, %get3A_1249 : vector<16xf32>
        %get3A_1251 = arith.constant 4 : i32
        %get3A_1252 = arith.index_cast %get3A_1251 : i32 to index
        %get3A_1253 = arith.index_cast %add3A_1215 : i32 to index
        %get3A_1254 = arith.constant 80 : index
        %get3A_1255 = tpu.vector_load %arg8[%get3A_1252, %get3A_1253, %get3A_1254] {strides = array<i32>} : memref<8x50x128xf32, #tpu.memory_space<vmem>>, vector<1x1x16xf32>,
        %get3A_1256 = vector.shape_cast %get3A_1255 : vector<1x1x16xf32> to vector<16xf32>
        %add3A_1257 = arith.addf %add3A_1197, %get3A_1256 : vector<16xf32>
        %get3A_1258 = arith.constant 4 : i32
        %get3A_1259 = arith.index_cast %get3A_1258 : i32 to index
        %get3A_1260 = arith.index_cast %add3A_1215 : i32 to index
        %get3A_1261 = arith.constant 96 : index
        %get3A_1262 = tpu.vector_load %arg8[%get3A_1259, %get3A_1260, %get3A_1261] {strides = array<i32>} : memref<8x50x128xf32, #tpu.memory_space<vmem>>, vector<1x1x16xf32>,
        %get3A_1263 = vector.shape_cast %get3A_1262 : vector<1x1x16xf32> to vector<16xf32>
        %add3A_1264 = arith.addf %add3A_1204, %get3A_1263 : vector<16xf32>
        %get3A_1265 = arith.constant 4 : i32
        %get3A_1266 = arith.index_cast %get3A_1265 : i32 to index
        %get3A_1267 = arith.index_cast %add3A_1215 : i32 to index
        %get3A_1268 = arith.constant 112 : index
        %get3A_1269 = tpu.vector_load %arg8[%get3A_1266, %get3A_1267, %get3A_1268] {strides = array<i32>} : memref<8x50x128xf32, #tpu.memory_space<vmem>>, vector<1x1x16xf32>,
        %get3A_1270 = vector.shape_cast %get3A_1269 : vector<1x1x16xf32> to vector<16xf32>
        %add3A_1271 = arith.addf %add3A_1211, %get3A_1270 : vector<16xf32>
        %mul3A_1272 = arith.constant 5 : i32
        %mul3A_1273 = arith.muli %mul3A_1272, %scan3A_1023 : i32
        %add3A_1274 = arith.constant 4 : i32
        %add3A_1275 = arith.addi %mul3A_1273, %add3A_1274 : i32
        %get3A_1276 = arith.constant 4 : i32
        %get3A_1277 = arith.index_cast %get3A_1276 : i32 to index
        %get3A_1278 = arith.index_cast %add3A_1275 : i32 to index
        %get3A_1279 = arith.constant 0 : index
        %get3A_1280 = tpu.vector_load %arg8[%get3A_1277, %get3A_1278, %get3A_1279] {strides = array<i32>} : memref<8x50x128xf32, #tpu.memory_space<vmem>>, vector<1x1x16xf32>,
        %get3A_1281 = vector.shape_cast %get3A_1280 : vector<1x1x16xf32> to vector<16xf32>
        %add3A_1282 = arith.addf %add3A_1222, %get3A_1281 : vector<16xf32>
        %get3A_1283 = arith.constant 4 : i32
        %get3A_1284 = arith.index_cast %get3A_1283 : i32 to index
        %get3A_1285 = arith.index_cast %add3A_1275 : i32 to index
        %get3A_1286 = arith.constant 16 : index
        %get3A_1287 = tpu.vector_load %arg8[%get3A_1284, %get3A_1285, %get3A_1286] {strides = array<i32>} : memref<8x50x128xf32, #tpu.memory_space<vmem>>, vector<1x1x16xf32>,
        %get3A_1288 = vector.shape_cast %get3A_1287 : vector<1x1x16xf32> to vector<16xf32>
        %add3A_1289 = arith.addf %add3A_1229, %get3A_1288 : vector<16xf32>
        %get3A_1290 = arith.constant 4 : i32
        %get3A_1291 = arith.index_cast %get3A_1290 : i32 to index
        %get3A_1292 = arith.index_cast %add3A_1275 : i32 to index
        %get3A_1293 = arith.constant 32 : index
        %get3A_1294 = tpu.vector_load %arg8[%get3A_1291, %get3A_1292, %get3A_1293] {strides = array<i32>} : memref<8x50x128xf32, #tpu.memory_space<vmem>>, vector<1x1x16xf32>,
        %get3A_1295 = vector.shape_cast %get3A_1294 : vector<1x1x16xf32> to vector<16xf32>
        %add3A_1296 = arith.addf %add3A_1236, %get3A_1295 : vector<16xf32>
        %get3A_1297 = arith.constant 4 : i32
        %get3A_1298 = arith.index_cast %get3A_1297 : i32 to index
        %get3A_1299 = arith.index_cast %add3A_1275 : i32 to index
        %get3A_1300 = arith.constant 48 : index
        %get3A_1301 = tpu.vector_load %arg8[%get3A_1298, %get3A_1299, %get3A_1300] {strides = array<i32>} : memref<8x50x128xf32, #tpu.memory_space<vmem>>, vector<1x1x16xf32>,
        %get3A_1302 = vector.shape_cast %get3A_1301 : vector<1x1x16xf32> to vector<16xf32>
        %add3A_1303 = arith.addf %add3A_1243, %get3A_1302 : vector<16xf32>
        %get3A_1304 = arith.constant 4 : i32
        %get3A_1305 = arith.index_cast %get3A_1304 : i32 to index
        %get3A_1306 = arith.index_cast %add3A_1275 : i32 to index
        %get3A_1307 = arith.constant 64 : index
        %get3A_1308 = tpu.vector_load %arg8[%get3A_1305, %get3A_1306, %get3A_1307] {strides = array<i32>} : memref<8x50x128xf32, #tpu.memory_space<vmem>>, vector<1x1x16xf32>,
        %get3A_1309 = vector.shape_cast %get3A_1308 : vector<1x1x16xf32> to vector<16xf32>
        %add3A_1310 = arith.addf %add3A_1250, %get3A_1309 : vector<16xf32>
        %get3A_1311 = arith.constant 4 : i32
        %get3A_1312 = arith.index_cast %get3A_1311 : i32 to index
        %get3A_1313 = arith.index_cast %add3A_1275 : i32 to index
        %get3A_1314 = arith.constant 80 : index
        %get3A_1315 = tpu.vector_load %arg8[%get3A_1312, %get3A_1313, %get3A_1314] {strides = array<i32>} : memref<8x50x128xf32, #tpu.memory_space<vmem>>, vector<1x1x16xf32>,
        %get3A_1316 = vector.shape_cast %get3A_1315 : vector<1x1x16xf32> to vector<16xf32>
        %add3A_1317 = arith.addf %add3A_1257, %get3A_1316 : vector<16xf32>
        %get3A_1318 = arith.constant 4 : i32
        %get3A_1319 = arith.index_cast %get3A_1318 : i32 to index
        %get3A_1320 = arith.index_cast %add3A_1275 : i32 to index
        %get3A_1321 = arith.constant 96 : index
        %get3A_1322 = tpu.vector_load %arg8[%get3A_1319, %get3A_1320, %get3A_1321] {strides = array<i32>} : memref<8x50x128xf32, #tpu.memory_space<vmem>>, vector<1x1x16xf32>,
        %get3A_1323 = vector.shape_cast %get3A_1322 : vector<1x1x16xf32> to vector<16xf32>
        %add3A_1324 = arith.addf %add3A_1264, %get3A_1323 : vector<16xf32>
        %get3A_1325 = arith.constant 4 : i32
        %get3A_1326 = arith.index_cast %get3A_1325 : i32 to index
        %get3A_1327 = arith.index_cast %add3A_1275 : i32 to index
        %get3A_1328 = arith.constant 112 : index
        %get3A_1329 = tpu.vector_load %arg8[%get3A_1326, %get3A_1327, %get3A_1328] {strides = array<i32>} : memref<8x50x128xf32, #tpu.memory_space<vmem>>, vector<1x1x16xf32>,
        %get3A_1330 = vector.shape_cast %get3A_1329 : vector<1x1x16xf32> to vector<16xf32>
        %add3A_1331 = arith.addf %add3A_1271, %get3A_1330 : vector<16xf32>
        scf.yield %add3A_1282, %add3A_1289, %add3A_1296, %add3A_1303, %add3A_1310, %add3A_1317, %add3A_1324, %add3A_1331 : vector<16xf32>, vector<16xf32>, vector<16xf32>, vector<16xf32>, vector<16xf32>, vector<16xf32>, vector<16xf32>, vector<16xf32>
      }
      %scan3A_641 = arith.constant 10 : i32
      %add3A_642 = arith.constant 5 : i32
      %add3A_643 = arith.addi %mul3A_194, %add3A_642 : i32
      %add3A_644 = arith.constant 6 : i32
      %add3A_645 = arith.addi %add3A_643, %add3A_644 : i32
      %lt3A_646 = arith.constant 512 : i32
      %lt3A_647 = arith.cmpi slt, %add3A_645, %lt3A_646 : i32
      %convert_element_type3A_648 = arith.extui %lt3A_647 : i1 to i32
      %cond3A_649 = arith.constant 0 : i32
      %cond3A_650 = arith.cmpi ne, %convert_element_type3A_648, %cond3A_649 : i32
      scf.if %cond3A_650 {
        %add3A_1023 = arith.constant 6 : i32
        %add3A_1024 = arith.addi %add3A_643, %add3A_1023 : i32
        %dma_start3A_1025 = arith.constant 3 : i32
        %dma_start3A_1026 = arith.constant 0 : i32
        %dma_start3A_1027 = arith.constant 0 : i32
        %dma_start3A_1028 = tpu.memref_slice %arg8[%dma_start3A_1025, %dma_start3A_1026, %dma_start3A_1027] : memref<8x50x128xf32, #tpu.memory_space<vmem>> -> memref<1x50x128xf32, #tpu.memory_space<vmem>>
        %dma_start3A_1029 = tpu.memref_squeeze %dma_start3A_1028 : memref<1x50x128xf32, #tpu.memory_space<vmem>> -> memref<50x128xf32, #tpu.memory_space<vmem>>
        %dma_start3A_1030 = arith.constant 0 : i32
        %dma_start3A_1031 = tpu.memref_slice %arg7[%add3A_1024, %dma_start3A_1030] : memref<512x50xi32, #tpu.memory_space<vmem>> -> memref<1x50xi32, #tpu.memory_space<vmem>>
        %dma_start3A_1032 = tpu.memref_squeeze %dma_start3A_1031 : memref<1x50xi32, #tpu.memory_space<vmem>> -> memref<50xi32, #tpu.memory_space<vmem>>
        %dma_start3A_1033 = arith.constant 0 : i32
        %dma_start3A_1034 = arith.constant 0 : i32
        %dma_start3A_1035 = tpu.memref_slice %arg3[%dma_start3A_1033, %dma_start3A_1034] : memref<1000000x128xf32, #tpu.memory_space<hbm>> -> memref<1000000x128xf32, #tpu.memory_space<hbm>>
        tpu.enqueue_indirect_dma source(%dma_start3A_1035 : memref<1000000x128xf32, #tpu.memory_space<hbm>>) target(%dma_start3A_1029 : memref<50x128xf32, #tpu.memory_space<vmem>>) offsets(%dma_start3A_1032 : memref<50xi32, #tpu.memory_space<vmem>>) semaphore(%arg15 : memref<!tpu.dma_semaphore, #tpu.memory_space<semaphore_mem>>)
      } else {
      }
      %dma_wait3A_651 = arith.constant 0 : i32
      %dma_wait3A_652 = arith.constant 5 : i32
      %dma_wait3A_653 = arith.constant 0 : i32
      %dma_wait3A_654 = arith.constant 0 : i32
      %dma_wait3A_655 = tpu.memref_slice %arg8[%dma_wait3A_652, %dma_wait3A_653, %dma_wait3A_654] : memref<8x50x128xf32, #tpu.memory_space<vmem>> -> memref<1x50x128xf32, #tpu.memory_space<vmem>>
      %dma_wait3A_656 = tpu.memref_squeeze %dma_wait3A_655 : memref<1x50x128xf32, #tpu.memory_space<vmem>> -> memref<50x128xf32, #tpu.memory_space<vmem>>
      %dma_wait3A_657 = arith.constant 0 : i32
      %dma_wait3A_658 = tpu.memref_slice %arg7[%dma_wait3A_651, %dma_wait3A_657] : memref<512x50xi32, #tpu.memory_space<vmem>> -> memref<1x50xi32, #tpu.memory_space<vmem>>
      %dma_wait3A_659 = tpu.memref_squeeze %dma_wait3A_658 : memref<1x50xi32, #tpu.memory_space<vmem>> -> memref<50xi32, #tpu.memory_space<vmem>>
      %dma_wait3A_660 = arith.constant 0 : i32
      %dma_wait3A_661 = arith.constant 0 : i32
      %dma_wait3A_662 = tpu.memref_slice %arg3[%dma_wait3A_660, %dma_wait3A_661] : memref<1000000x128xf32, #tpu.memory_space<hbm>> -> memref<1000000x128xf32, #tpu.memory_space<hbm>>
      tpu.wait_indirect_dma semaphore(%arg17 : memref<!tpu.dma_semaphore, #tpu.memory_space<semaphore_mem>>) src(%dma_wait3A_662 : memref<1000000x128xf32, #tpu.memory_space<hbm>>) dst(%dma_wait3A_656 : memref<50x128xf32, #tpu.memory_space<vmem>>)
      %scan3A_663 = arith.constant 0 : i32
      %scan3A_664 = arith.constant 10 : i32
      %scan3A_665 = arith.addi %scan3A_663, %scan3A_664 : i32
      %scan3A_666 = arith.constant 1 : i32
      %scan3A_667:8 = scf.for %scan3A_1023 = %scan3A_663 to %scan3A_665 step %scan3A_666 iter_args(%scan3A_1024 = %scan3A_640#0, %scan3A_1025 = %scan3A_640#1, %scan3A_1026 = %scan3A_640#2, %scan3A_1027 = %scan3A_640#3, %scan3A_1028 = %scan3A_640#4, %scan3A_1029 = %scan3A_640#5, %scan3A_1030 = %scan3A_640#6, %scan3A_1031 = %scan3A_640#7) -> (vector<16xf32>, vector<16xf32>, vector<16xf32>, vector<16xf32>, vector<16xf32>, vector<16xf32>, vector<16xf32>, vector<16xf32>)  : i32 {
        %mul3A_1032 = arith.constant 5 : i32
        %mul3A_1033 = arith.muli %mul3A_1032, %scan3A_1023 : i32
        %add3A_1034 = arith.constant 0 : i32
        %add3A_1035 = arith.addi %mul3A_1033, %add3A_1034 : i32
        %get3A_1036 = arith.constant 5 : i32
        %get3A_1037 = arith.index_cast %get3A_1036 : i32 to index
        %get3A_1038 = arith.index_cast %add3A_1035 : i32 to index
        %get3A_1039 = arith.constant 0 : index
        %get3A_1040 = tpu.vector_load %arg8[%get3A_1037, %get3A_1038, %get3A_1039] {strides = array<i32>} : memref<8x50x128xf32, #tpu.memory_space<vmem>>, vector<1x1x16xf32>,
        %get3A_1041 = vector.shape_cast %get3A_1040 : vector<1x1x16xf32> to vector<16xf32>
        %add3A_1042 = arith.addf %scan3A_1024, %get3A_1041 : vector<16xf32>
        %get3A_1043 = arith.constant 5 : i32
        %get3A_1044 = arith.index_cast %get3A_1043 : i32 to index
        %get3A_1045 = arith.index_cast %add3A_1035 : i32 to index
        %get3A_1046 = arith.constant 16 : index
        %get3A_1047 = tpu.vector_load %arg8[%get3A_1044, %get3A_1045, %get3A_1046] {strides = array<i32>} : memref<8x50x128xf32, #tpu.memory_space<vmem>>, vector<1x1x16xf32>,
        %get3A_1048 = vector.shape_cast %get3A_1047 : vector<1x1x16xf32> to vector<16xf32>
        %add3A_1049 = arith.addf %scan3A_1025, %get3A_1048 : vector<16xf32>
        %get3A_1050 = arith.constant 5 : i32
        %get3A_1051 = arith.index_cast %get3A_1050 : i32 to index
        %get3A_1052 = arith.index_cast %add3A_1035 : i32 to index
        %get3A_1053 = arith.constant 32 : index
        %get3A_1054 = tpu.vector_load %arg8[%get3A_1051, %get3A_1052, %get3A_1053] {strides = array<i32>} : memref<8x50x128xf32, #tpu.memory_space<vmem>>, vector<1x1x16xf32>,
        %get3A_1055 = vector.shape_cast %get3A_1054 : vector<1x1x16xf32> to vector<16xf32>
        %add3A_1056 = arith.addf %scan3A_1026, %get3A_1055 : vector<16xf32>
        %get3A_1057 = arith.constant 5 : i32
        %get3A_1058 = arith.index_cast %get3A_1057 : i32 to index
        %get3A_1059 = arith.index_cast %add3A_1035 : i32 to index
        %get3A_1060 = arith.constant 48 : index
        %get3A_1061 = tpu.vector_load %arg8[%get3A_1058, %get3A_1059, %get3A_1060] {strides = array<i32>} : memref<8x50x128xf32, #tpu.memory_space<vmem>>, vector<1x1x16xf32>,
        %get3A_1062 = vector.shape_cast %get3A_1061 : vector<1x1x16xf32> to vector<16xf32>
        %add3A_1063 = arith.addf %scan3A_1027, %get3A_1062 : vector<16xf32>
        %get3A_1064 = arith.constant 5 : i32
        %get3A_1065 = arith.index_cast %get3A_1064 : i32 to index
        %get3A_1066 = arith.index_cast %add3A_1035 : i32 to index
        %get3A_1067 = arith.constant 64 : index
        %get3A_1068 = tpu.vector_load %arg8[%get3A_1065, %get3A_1066, %get3A_1067] {strides = array<i32>} : memref<8x50x128xf32, #tpu.memory_space<vmem>>, vector<1x1x16xf32>,
        %get3A_1069 = vector.shape_cast %get3A_1068 : vector<1x1x16xf32> to vector<16xf32>
        %add3A_1070 = arith.addf %scan3A_1028, %get3A_1069 : vector<16xf32>
        %get3A_1071 = arith.constant 5 : i32
        %get3A_1072 = arith.index_cast %get3A_1071 : i32 to index
        %get3A_1073 = arith.index_cast %add3A_1035 : i32 to index
        %get3A_1074 = arith.constant 80 : index
        %get3A_1075 = tpu.vector_load %arg8[%get3A_1072, %get3A_1073, %get3A_1074] {strides = array<i32>} : memref<8x50x128xf32, #tpu.memory_space<vmem>>, vector<1x1x16xf32>,
        %get3A_1076 = vector.shape_cast %get3A_1075 : vector<1x1x16xf32> to vector<16xf32>
        %add3A_1077 = arith.addf %scan3A_1029, %get3A_1076 : vector<16xf32>
        %get3A_1078 = arith.constant 5 : i32
        %get3A_1079 = arith.index_cast %get3A_1078 : i32 to index
        %get3A_1080 = arith.index_cast %add3A_1035 : i32 to index
        %get3A_1081 = arith.constant 96 : index
        %get3A_1082 = tpu.vector_load %arg8[%get3A_1079, %get3A_1080, %get3A_1081] {strides = array<i32>} : memref<8x50x128xf32, #tpu.memory_space<vmem>>, vector<1x1x16xf32>,
        %get3A_1083 = vector.shape_cast %get3A_1082 : vector<1x1x16xf32> to vector<16xf32>
        %add3A_1084 = arith.addf %scan3A_1030, %get3A_1083 : vector<16xf32>
        %get3A_1085 = arith.constant 5 : i32
        %get3A_1086 = arith.index_cast %get3A_1085 : i32 to index
        %get3A_1087 = arith.index_cast %add3A_1035 : i32 to index
        %get3A_1088 = arith.constant 112 : index
        %get3A_1089 = tpu.vector_load %arg8[%get3A_1086, %get3A_1087, %get3A_1088] {strides = array<i32>} : memref<8x50x128xf32, #tpu.memory_space<vmem>>, vector<1x1x16xf32>,
        %get3A_1090 = vector.shape_cast %get3A_1089 : vector<1x1x16xf32> to vector<16xf32>
        %add3A_1091 = arith.addf %scan3A_1031, %get3A_1090 : vector<16xf32>
        %mul3A_1092 = arith.constant 5 : i32
        %mul3A_1093 = arith.muli %mul3A_1092, %scan3A_1023 : i32
        %add3A_1094 = arith.constant 1 : i32
        %add3A_1095 = arith.addi %mul3A_1093, %add3A_1094 : i32
        %get3A_1096 = arith.constant 5 : i32
        %get3A_1097 = arith.index_cast %get3A_1096 : i32 to index
        %get3A_1098 = arith.index_cast %add3A_1095 : i32 to index
        %get3A_1099 = arith.constant 0 : index
        %get3A_1100 = tpu.vector_load %arg8[%get3A_1097, %get3A_1098, %get3A_1099] {strides = array<i32>} : memref<8x50x128xf32, #tpu.memory_space<vmem>>, vector<1x1x16xf32>,
        %get3A_1101 = vector.shape_cast %get3A_1100 : vector<1x1x16xf32> to vector<16xf32>
        %add3A_1102 = arith.addf %add3A_1042, %get3A_1101 : vector<16xf32>
        %get3A_1103 = arith.constant 5 : i32
        %get3A_1104 = arith.index_cast %get3A_1103 : i32 to index
        %get3A_1105 = arith.index_cast %add3A_1095 : i32 to index
        %get3A_1106 = arith.constant 16 : index
        %get3A_1107 = tpu.vector_load %arg8[%get3A_1104, %get3A_1105, %get3A_1106] {strides = array<i32>} : memref<8x50x128xf32, #tpu.memory_space<vmem>>, vector<1x1x16xf32>,
        %get3A_1108 = vector.shape_cast %get3A_1107 : vector<1x1x16xf32> to vector<16xf32>
        %add3A_1109 = arith.addf %add3A_1049, %get3A_1108 : vector<16xf32>
        %get3A_1110 = arith.constant 5 : i32
        %get3A_1111 = arith.index_cast %get3A_1110 : i32 to index
        %get3A_1112 = arith.index_cast %add3A_1095 : i32 to index
        %get3A_1113 = arith.constant 32 : index
        %get3A_1114 = tpu.vector_load %arg8[%get3A_1111, %get3A_1112, %get3A_1113] {strides = array<i32>} : memref<8x50x128xf32, #tpu.memory_space<vmem>>, vector<1x1x16xf32>,
        %get3A_1115 = vector.shape_cast %get3A_1114 : vector<1x1x16xf32> to vector<16xf32>
        %add3A_1116 = arith.addf %add3A_1056, %get3A_1115 : vector<16xf32>
        %get3A_1117 = arith.constant 5 : i32
        %get3A_1118 = arith.index_cast %get3A_1117 : i32 to index
        %get3A_1119 = arith.index_cast %add3A_1095 : i32 to index
        %get3A_1120 = arith.constant 48 : index
        %get3A_1121 = tpu.vector_load %arg8[%get3A_1118, %get3A_1119, %get3A_1120] {strides = array<i32>} : memref<8x50x128xf32, #tpu.memory_space<vmem>>, vector<1x1x16xf32>,
        %get3A_1122 = vector.shape_cast %get3A_1121 : vector<1x1x16xf32> to vector<16xf32>
        %add3A_1123 = arith.addf %add3A_1063, %get3A_1122 : vector<16xf32>
        %get3A_1124 = arith.constant 5 : i32
        %get3A_1125 = arith.index_cast %get3A_1124 : i32 to index
        %get3A_1126 = arith.index_cast %add3A_1095 : i32 to index
        %get3A_1127 = arith.constant 64 : index
        %get3A_1128 = tpu.vector_load %arg8[%get3A_1125, %get3A_1126, %get3A_1127] {strides = array<i32>} : memref<8x50x128xf32, #tpu.memory_space<vmem>>, vector<1x1x16xf32>,
        %get3A_1129 = vector.shape_cast %get3A_1128 : vector<1x1x16xf32> to vector<16xf32>
        %add3A_1130 = arith.addf %add3A_1070, %get3A_1129 : vector<16xf32>
        %get3A_1131 = arith.constant 5 : i32
        %get3A_1132 = arith.index_cast %get3A_1131 : i32 to index
        %get3A_1133 = arith.index_cast %add3A_1095 : i32 to index
        %get3A_1134 = arith.constant 80 : index
        %get3A_1135 = tpu.vector_load %arg8[%get3A_1132, %get3A_1133, %get3A_1134] {strides = array<i32>} : memref<8x50x128xf32, #tpu.memory_space<vmem>>, vector<1x1x16xf32>,
        %get3A_1136 = vector.shape_cast %get3A_1135 : vector<1x1x16xf32> to vector<16xf32>
        %add3A_1137 = arith.addf %add3A_1077, %get3A_1136 : vector<16xf32>
        %get3A_1138 = arith.constant 5 : i32
        %get3A_1139 = arith.index_cast %get3A_1138 : i32 to index
        %get3A_1140 = arith.index_cast %add3A_1095 : i32 to index
        %get3A_1141 = arith.constant 96 : index
        %get3A_1142 = tpu.vector_load %arg8[%get3A_1139, %get3A_1140, %get3A_1141] {strides = array<i32>} : memref<8x50x128xf32, #tpu.memory_space<vmem>>, vector<1x1x16xf32>,
        %get3A_1143 = vector.shape_cast %get3A_1142 : vector<1x1x16xf32> to vector<16xf32>
        %add3A_1144 = arith.addf %add3A_1084, %get3A_1143 : vector<16xf32>
        %get3A_1145 = arith.constant 5 : i32
        %get3A_1146 = arith.index_cast %get3A_1145 : i32 to index
        %get3A_1147 = arith.index_cast %add3A_1095 : i32 to index
        %get3A_1148 = arith.constant 112 : index
        %get3A_1149 = tpu.vector_load %arg8[%get3A_1146, %get3A_1147, %get3A_1148] {strides = array<i32>} : memref<8x50x128xf32, #tpu.memory_space<vmem>>, vector<1x1x16xf32>,
        %get3A_1150 = vector.shape_cast %get3A_1149 : vector<1x1x16xf32> to vector<16xf32>
        %add3A_1151 = arith.addf %add3A_1091, %get3A_1150 : vector<16xf32>
        %mul3A_1152 = arith.constant 5 : i32
        %mul3A_1153 = arith.muli %mul3A_1152, %scan3A_1023 : i32
        %add3A_1154 = arith.constant 2 : i32
        %add3A_1155 = arith.addi %mul3A_1153, %add3A_1154 : i32
        %get3A_1156 = arith.constant 5 : i32
        %get3A_1157 = arith.index_cast %get3A_1156 : i32 to index
        %get3A_1158 = arith.index_cast %add3A_1155 : i32 to index
        %get3A_1159 = arith.constant 0 : index
        %get3A_1160 = tpu.vector_load %arg8[%get3A_1157, %get3A_1158, %get3A_1159] {strides = array<i32>} : memref<8x50x128xf32, #tpu.memory_space<vmem>>, vector<1x1x16xf32>,
        %get3A_1161 = vector.shape_cast %get3A_1160 : vector<1x1x16xf32> to vector<16xf32>
        %add3A_1162 = arith.addf %add3A_1102, %get3A_1161 : vector<16xf32>
        %get3A_1163 = arith.constant 5 : i32
        %get3A_1164 = arith.index_cast %get3A_1163 : i32 to index
        %get3A_1165 = arith.index_cast %add3A_1155 : i32 to index
        %get3A_1166 = arith.constant 16 : index
        %get3A_1167 = tpu.vector_load %arg8[%get3A_1164, %get3A_1165, %get3A_1166] {strides = array<i32>} : memref<8x50x128xf32, #tpu.memory_space<vmem>>, vector<1x1x16xf32>,
        %get3A_1168 = vector.shape_cast %get3A_1167 : vector<1x1x16xf32> to vector<16xf32>
        %add3A_1169 = arith.addf %add3A_1109, %get3A_1168 : vector<16xf32>
        %get3A_1170 = arith.constant 5 : i32
        %get3A_1171 = arith.index_cast %get3A_1170 : i32 to index
        %get3A_1172 = arith.index_cast %add3A_1155 : i32 to index
        %get3A_1173 = arith.constant 32 : index
        %get3A_1174 = tpu.vector_load %arg8[%get3A_1171, %get3A_1172, %get3A_1173] {strides = array<i32>} : memref<8x50x128xf32, #tpu.memory_space<vmem>>, vector<1x1x16xf32>,
        %get3A_1175 = vector.shape_cast %get3A_1174 : vector<1x1x16xf32> to vector<16xf32>
        %add3A_1176 = arith.addf %add3A_1116, %get3A_1175 : vector<16xf32>
        %get3A_1177 = arith.constant 5 : i32
        %get3A_1178 = arith.index_cast %get3A_1177 : i32 to index
        %get3A_1179 = arith.index_cast %add3A_1155 : i32 to index
        %get3A_1180 = arith.constant 48 : index
        %get3A_1181 = tpu.vector_load %arg8[%get3A_1178, %get3A_1179, %get3A_1180] {strides = array<i32>} : memref<8x50x128xf32, #tpu.memory_space<vmem>>, vector<1x1x16xf32>,
        %get3A_1182 = vector.shape_cast %get3A_1181 : vector<1x1x16xf32> to vector<16xf32>
        %add3A_1183 = arith.addf %add3A_1123, %get3A_1182 : vector<16xf32>
        %get3A_1184 = arith.constant 5 : i32
        %get3A_1185 = arith.index_cast %get3A_1184 : i32 to index
        %get3A_1186 = arith.index_cast %add3A_1155 : i32 to index
        %get3A_1187 = arith.constant 64 : index
        %get3A_1188 = tpu.vector_load %arg8[%get3A_1185, %get3A_1186, %get3A_1187] {strides = array<i32>} : memref<8x50x128xf32, #tpu.memory_space<vmem>>, vector<1x1x16xf32>,
        %get3A_1189 = vector.shape_cast %get3A_1188 : vector<1x1x16xf32> to vector<16xf32>
        %add3A_1190 = arith.addf %add3A_1130, %get3A_1189 : vector<16xf32>
        %get3A_1191 = arith.constant 5 : i32
        %get3A_1192 = arith.index_cast %get3A_1191 : i32 to index
        %get3A_1193 = arith.index_cast %add3A_1155 : i32 to index
        %get3A_1194 = arith.constant 80 : index
        %get3A_1195 = tpu.vector_load %arg8[%get3A_1192, %get3A_1193, %get3A_1194] {strides = array<i32>} : memref<8x50x128xf32, #tpu.memory_space<vmem>>, vector<1x1x16xf32>,
        %get3A_1196 = vector.shape_cast %get3A_1195 : vector<1x1x16xf32> to vector<16xf32>
        %add3A_1197 = arith.addf %add3A_1137, %get3A_1196 : vector<16xf32>
        %get3A_1198 = arith.constant 5 : i32
        %get3A_1199 = arith.index_cast %get3A_1198 : i32 to index
        %get3A_1200 = arith.index_cast %add3A_1155 : i32 to index
        %get3A_1201 = arith.constant 96 : index
        %get3A_1202 = tpu.vector_load %arg8[%get3A_1199, %get3A_1200, %get3A_1201] {strides = array<i32>} : memref<8x50x128xf32, #tpu.memory_space<vmem>>, vector<1x1x16xf32>,
        %get3A_1203 = vector.shape_cast %get3A_1202 : vector<1x1x16xf32> to vector<16xf32>
        %add3A_1204 = arith.addf %add3A_1144, %get3A_1203 : vector<16xf32>
        %get3A_1205 = arith.constant 5 : i32
        %get3A_1206 = arith.index_cast %get3A_1205 : i32 to index
        %get3A_1207 = arith.index_cast %add3A_1155 : i32 to index
        %get3A_1208 = arith.constant 112 : index
        %get3A_1209 = tpu.vector_load %arg8[%get3A_1206, %get3A_1207, %get3A_1208] {strides = array<i32>} : memref<8x50x128xf32, #tpu.memory_space<vmem>>, vector<1x1x16xf32>,
        %get3A_1210 = vector.shape_cast %get3A_1209 : vector<1x1x16xf32> to vector<16xf32>
        %add3A_1211 = arith.addf %add3A_1151, %get3A_1210 : vector<16xf32>
        %mul3A_1212 = arith.constant 5 : i32
        %mul3A_1213 = arith.muli %mul3A_1212, %scan3A_1023 : i32
        %add3A_1214 = arith.constant 3 : i32
        %add3A_1215 = arith.addi %mul3A_1213, %add3A_1214 : i32
        %get3A_1216 = arith.constant 5 : i32
        %get3A_1217 = arith.index_cast %get3A_1216 : i32 to index
        %get3A_1218 = arith.index_cast %add3A_1215 : i32 to index
        %get3A_1219 = arith.constant 0 : index
        %get3A_1220 = tpu.vector_load %arg8[%get3A_1217, %get3A_1218, %get3A_1219] {strides = array<i32>} : memref<8x50x128xf32, #tpu.memory_space<vmem>>, vector<1x1x16xf32>,
        %get3A_1221 = vector.shape_cast %get3A_1220 : vector<1x1x16xf32> to vector<16xf32>
        %add3A_1222 = arith.addf %add3A_1162, %get3A_1221 : vector<16xf32>
        %get3A_1223 = arith.constant 5 : i32
        %get3A_1224 = arith.index_cast %get3A_1223 : i32 to index
        %get3A_1225 = arith.index_cast %add3A_1215 : i32 to index
        %get3A_1226 = arith.constant 16 : index
        %get3A_1227 = tpu.vector_load %arg8[%get3A_1224, %get3A_1225, %get3A_1226] {strides = array<i32>} : memref<8x50x128xf32, #tpu.memory_space<vmem>>, vector<1x1x16xf32>,
        %get3A_1228 = vector.shape_cast %get3A_1227 : vector<1x1x16xf32> to vector<16xf32>
        %add3A_1229 = arith.addf %add3A_1169, %get3A_1228 : vector<16xf32>
        %get3A_1230 = arith.constant 5 : i32
        %get3A_1231 = arith.index_cast %get3A_1230 : i32 to index
        %get3A_1232 = arith.index_cast %add3A_1215 : i32 to index
        %get3A_1233 = arith.constant 32 : index
        %get3A_1234 = tpu.vector_load %arg8[%get3A_1231, %get3A_1232, %get3A_1233] {strides = array<i32>} : memref<8x50x128xf32, #tpu.memory_space<vmem>>, vector<1x1x16xf32>,
        %get3A_1235 = vector.shape_cast %get3A_1234 : vector<1x1x16xf32> to vector<16xf32>
        %add3A_1236 = arith.addf %add3A_1176, %get3A_1235 : vector<16xf32>
        %get3A_1237 = arith.constant 5 : i32
        %get3A_1238 = arith.index_cast %get3A_1237 : i32 to index
        %get3A_1239 = arith.index_cast %add3A_1215 : i32 to index
        %get3A_1240 = arith.constant 48 : index
        %get3A_1241 = tpu.vector_load %arg8[%get3A_1238, %get3A_1239, %get3A_1240] {strides = array<i32>} : memref<8x50x128xf32, #tpu.memory_space<vmem>>, vector<1x1x16xf32>,
        %get3A_1242 = vector.shape_cast %get3A_1241 : vector<1x1x16xf32> to vector<16xf32>
        %add3A_1243 = arith.addf %add3A_1183, %get3A_1242 : vector<16xf32>
        %get3A_1244 = arith.constant 5 : i32
        %get3A_1245 = arith.index_cast %get3A_1244 : i32 to index
        %get3A_1246 = arith.index_cast %add3A_1215 : i32 to index
        %get3A_1247 = arith.constant 64 : index
        %get3A_1248 = tpu.vector_load %arg8[%get3A_1245, %get3A_1246, %get3A_1247] {strides = array<i32>} : memref<8x50x128xf32, #tpu.memory_space<vmem>>, vector<1x1x16xf32>,
        %get3A_1249 = vector.shape_cast %get3A_1248 : vector<1x1x16xf32> to vector<16xf32>
        %add3A_1250 = arith.addf %add3A_1190, %get3A_1249 : vector<16xf32>
        %get3A_1251 = arith.constant 5 : i32
        %get3A_1252 = arith.index_cast %get3A_1251 : i32 to index
        %get3A_1253 = arith.index_cast %add3A_1215 : i32 to index
        %get3A_1254 = arith.constant 80 : index
        %get3A_1255 = tpu.vector_load %arg8[%get3A_1252, %get3A_1253, %get3A_1254] {strides = array<i32>} : memref<8x50x128xf32, #tpu.memory_space<vmem>>, vector<1x1x16xf32>,
        %get3A_1256 = vector.shape_cast %get3A_1255 : vector<1x1x16xf32> to vector<16xf32>
        %add3A_1257 = arith.addf %add3A_1197, %get3A_1256 : vector<16xf32>
        %get3A_1258 = arith.constant 5 : i32
        %get3A_1259 = arith.index_cast %get3A_1258 : i32 to index
        %get3A_1260 = arith.index_cast %add3A_1215 : i32 to index
        %get3A_1261 = arith.constant 96 : index
        %get3A_1262 = tpu.vector_load %arg8[%get3A_1259, %get3A_1260, %get3A_1261] {strides = array<i32>} : memref<8x50x128xf32, #tpu.memory_space<vmem>>, vector<1x1x16xf32>,
        %get3A_1263 = vector.shape_cast %get3A_1262 : vector<1x1x16xf32> to vector<16xf32>
        %add3A_1264 = arith.addf %add3A_1204, %get3A_1263 : vector<16xf32>
        %get3A_1265 = arith.constant 5 : i32
        %get3A_1266 = arith.index_cast %get3A_1265 : i32 to index
        %get3A_1267 = arith.index_cast %add3A_1215 : i32 to index
        %get3A_1268 = arith.constant 112 : index
        %get3A_1269 = tpu.vector_load %arg8[%get3A_1266, %get3A_1267, %get3A_1268] {strides = array<i32>} : memref<8x50x128xf32, #tpu.memory_space<vmem>>, vector<1x1x16xf32>,
        %get3A_1270 = vector.shape_cast %get3A_1269 : vector<1x1x16xf32> to vector<16xf32>
        %add3A_1271 = arith.addf %add3A_1211, %get3A_1270 : vector<16xf32>
        %mul3A_1272 = arith.constant 5 : i32
        %mul3A_1273 = arith.muli %mul3A_1272, %scan3A_1023 : i32
        %add3A_1274 = arith.constant 4 : i32
        %add3A_1275 = arith.addi %mul3A_1273, %add3A_1274 : i32
        %get3A_1276 = arith.constant 5 : i32
        %get3A_1277 = arith.index_cast %get3A_1276 : i32 to index
        %get3A_1278 = arith.index_cast %add3A_1275 : i32 to index
        %get3A_1279 = arith.constant 0 : index
        %get3A_1280 = tpu.vector_load %arg8[%get3A_1277, %get3A_1278, %get3A_1279] {strides = array<i32>} : memref<8x50x128xf32, #tpu.memory_space<vmem>>, vector<1x1x16xf32>,
        %get3A_1281 = vector.shape_cast %get3A_1280 : vector<1x1x16xf32> to vector<16xf32>
        %add3A_1282 = arith.addf %add3A_1222, %get3A_1281 : vector<16xf32>
        %get3A_1283 = arith.constant 5 : i32
        %get3A_1284 = arith.index_cast %get3A_1283 : i32 to index
        %get3A_1285 = arith.index_cast %add3A_1275 : i32 to index
        %get3A_1286 = arith.constant 16 : index
        %get3A_1287 = tpu.vector_load %arg8[%get3A_1284, %get3A_1285, %get3A_1286] {strides = array<i32>} : memref<8x50x128xf32, #tpu.memory_space<vmem>>, vector<1x1x16xf32>,
        %get3A_1288 = vector.shape_cast %get3A_1287 : vector<1x1x16xf32> to vector<16xf32>
        %add3A_1289 = arith.addf %add3A_1229, %get3A_1288 : vector<16xf32>
        %get3A_1290 = arith.constant 5 : i32
        %get3A_1291 = arith.index_cast %get3A_1290 : i32 to index
        %get3A_1292 = arith.index_cast %add3A_1275 : i32 to index
        %get3A_1293 = arith.constant 32 : index
        %get3A_1294 = tpu.vector_load %arg8[%get3A_1291, %get3A_1292, %get3A_1293] {strides = array<i32>} : memref<8x50x128xf32, #tpu.memory_space<vmem>>, vector<1x1x16xf32>,
        %get3A_1295 = vector.shape_cast %get3A_1294 : vector<1x1x16xf32> to vector<16xf32>
        %add3A_1296 = arith.addf %add3A_1236, %get3A_1295 : vector<16xf32>
        %get3A_1297 = arith.constant 5 : i32
        %get3A_1298 = arith.index_cast %get3A_1297 : i32 to index
        %get3A_1299 = arith.index_cast %add3A_1275 : i32 to index
        %get3A_1300 = arith.constant 48 : index
        %get3A_1301 = tpu.vector_load %arg8[%get3A_1298, %get3A_1299, %get3A_1300] {strides = array<i32>} : memref<8x50x128xf32, #tpu.memory_space<vmem>>, vector<1x1x16xf32>,
        %get3A_1302 = vector.shape_cast %get3A_1301 : vector<1x1x16xf32> to vector<16xf32>
        %add3A_1303 = arith.addf %add3A_1243, %get3A_1302 : vector<16xf32>
        %get3A_1304 = arith.constant 5 : i32
        %get3A_1305 = arith.index_cast %get3A_1304 : i32 to index
        %get3A_1306 = arith.index_cast %add3A_1275 : i32 to index
        %get3A_1307 = arith.constant 64 : index
        %get3A_1308 = tpu.vector_load %arg8[%get3A_1305, %get3A_1306, %get3A_1307] {strides = array<i32>} : memref<8x50x128xf32, #tpu.memory_space<vmem>>, vector<1x1x16xf32>,
        %get3A_1309 = vector.shape_cast %get3A_1308 : vector<1x1x16xf32> to vector<16xf32>
        %add3A_1310 = arith.addf %add3A_1250, %get3A_1309 : vector<16xf32>
        %get3A_1311 = arith.constant 5 : i32
        %get3A_1312 = arith.index_cast %get3A_1311 : i32 to index
        %get3A_1313 = arith.index_cast %add3A_1275 : i32 to index
        %get3A_1314 = arith.constant 80 : index
        %get3A_1315 = tpu.vector_load %arg8[%get3A_1312, %get3A_1313, %get3A_1314] {strides = array<i32>} : memref<8x50x128xf32, #tpu.memory_space<vmem>>, vector<1x1x16xf32>,
        %get3A_1316 = vector.shape_cast %get3A_1315 : vector<1x1x16xf32> to vector<16xf32>
        %add3A_1317 = arith.addf %add3A_1257, %get3A_1316 : vector<16xf32>
        %get3A_1318 = arith.constant 5 : i32
        %get3A_1319 = arith.index_cast %get3A_1318 : i32 to index
        %get3A_1320 = arith.index_cast %add3A_1275 : i32 to index
        %get3A_1321 = arith.constant 96 : index
        %get3A_1322 = tpu.vector_load %arg8[%get3A_1319, %get3A_1320, %get3A_1321] {strides = array<i32>} : memref<8x50x128xf32, #tpu.memory_space<vmem>>, vector<1x1x16xf32>,
        %get3A_1323 = vector.shape_cast %get3A_1322 : vector<1x1x16xf32> to vector<16xf32>
        %add3A_1324 = arith.addf %add3A_1264, %get3A_1323 : vector<16xf32>
        %get3A_1325 = arith.constant 5 : i32
        %get3A_1326 = arith.index_cast %get3A_1325 : i32 to index
        %get3A_1327 = arith.index_cast %add3A_1275 : i32 to index
        %get3A_1328 = arith.constant 112 : index
        %get3A_1329 = tpu.vector_load %arg8[%get3A_1326, %get3A_1327, %get3A_1328] {strides = array<i32>} : memref<8x50x128xf32, #tpu.memory_space<vmem>>, vector<1x1x16xf32>,
        %get3A_1330 = vector.shape_cast %get3A_1329 : vector<1x1x16xf32> to vector<16xf32>
        %add3A_1331 = arith.addf %add3A_1271, %get3A_1330 : vector<16xf32>
        scf.yield %add3A_1282, %add3A_1289, %add3A_1296, %add3A_1303, %add3A_1310, %add3A_1317, %add3A_1324, %add3A_1331 : vector<16xf32>, vector<16xf32>, vector<16xf32>, vector<16xf32>, vector<16xf32>, vector<16xf32>, vector<16xf32>, vector<16xf32>
      }
      %scan3A_668 = arith.constant 10 : i32
      %add3A_669 = arith.constant 6 : i32
      %add3A_670 = arith.addi %mul3A_194, %add3A_669 : i32
      %add3A_671 = arith.constant 6 : i32
      %add3A_672 = arith.addi %add3A_670, %add3A_671 : i32
      %lt3A_673 = arith.constant 512 : i32
      %lt3A_674 = arith.cmpi slt, %add3A_672, %lt3A_673 : i32
      %convert_element_type3A_675 = arith.extui %lt3A_674 : i1 to i32
      %cond3A_676 = arith.constant 0 : i32
      %cond3A_677 = arith.cmpi ne, %convert_element_type3A_675, %cond3A_676 : i32
      scf.if %cond3A_677 {
        %add3A_1023 = arith.constant 6 : i32
        %add3A_1024 = arith.addi %add3A_670, %add3A_1023 : i32
        %dma_start3A_1025 = arith.constant 4 : i32
        %dma_start3A_1026 = arith.constant 0 : i32
        %dma_start3A_1027 = arith.constant 0 : i32
        %dma_start3A_1028 = tpu.memref_slice %arg8[%dma_start3A_1025, %dma_start3A_1026, %dma_start3A_1027] : memref<8x50x128xf32, #tpu.memory_space<vmem>> -> memref<1x50x128xf32, #tpu.memory_space<vmem>>
        %dma_start3A_1029 = tpu.memref_squeeze %dma_start3A_1028 : memref<1x50x128xf32, #tpu.memory_space<vmem>> -> memref<50x128xf32, #tpu.memory_space<vmem>>
        %dma_start3A_1030 = arith.constant 0 : i32
        %dma_start3A_1031 = tpu.memref_slice %arg7[%add3A_1024, %dma_start3A_1030] : memref<512x50xi32, #tpu.memory_space<vmem>> -> memref<1x50xi32, #tpu.memory_space<vmem>>
        %dma_start3A_1032 = tpu.memref_squeeze %dma_start3A_1031 : memref<1x50xi32, #tpu.memory_space<vmem>> -> memref<50xi32, #tpu.memory_space<vmem>>
        %dma_start3A_1033 = arith.constant 0 : i32
        %dma_start3A_1034 = arith.constant 0 : i32
        %dma_start3A_1035 = tpu.memref_slice %arg3[%dma_start3A_1033, %dma_start3A_1034] : memref<1000000x128xf32, #tpu.memory_space<hbm>> -> memref<1000000x128xf32, #tpu.memory_space<hbm>>
        tpu.enqueue_indirect_dma source(%dma_start3A_1035 : memref<1000000x128xf32, #tpu.memory_space<hbm>>) target(%dma_start3A_1029 : memref<50x128xf32, #tpu.memory_space<vmem>>) offsets(%dma_start3A_1032 : memref<50xi32, #tpu.memory_space<vmem>>) semaphore(%arg16 : memref<!tpu.dma_semaphore, #tpu.memory_space<semaphore_mem>>)
      } else {
      }
      %dma_wait3A_678 = arith.constant 0 : i32
      %dma_wait3A_679 = arith.constant 6 : i32
      %dma_wait3A_680 = arith.constant 0 : i32
      %dma_wait3A_681 = arith.constant 0 : i32
      %dma_wait3A_682 = tpu.memref_slice %arg8[%dma_wait3A_679, %dma_wait3A_680, %dma_wait3A_681] : memref<8x50x128xf32, #tpu.memory_space<vmem>> -> memref<1x50x128xf32, #tpu.memory_space<vmem>>
      %dma_wait3A_683 = tpu.memref_squeeze %dma_wait3A_682 : memref<1x50x128xf32, #tpu.memory_space<vmem>> -> memref<50x128xf32, #tpu.memory_space<vmem>>
      %dma_wait3A_684 = arith.constant 0 : i32
      %dma_wait3A_685 = tpu.memref_slice %arg7[%dma_wait3A_678, %dma_wait3A_684] : memref<512x50xi32, #tpu.memory_space<vmem>> -> memref<1x50xi32, #tpu.memory_space<vmem>>
      %dma_wait3A_686 = tpu.memref_squeeze %dma_wait3A_685 : memref<1x50xi32, #tpu.memory_space<vmem>> -> memref<50xi32, #tpu.memory_space<vmem>>
      %dma_wait3A_687 = arith.constant 0 : i32
      %dma_wait3A_688 = arith.constant 0 : i32
      %dma_wait3A_689 = tpu.memref_slice %arg3[%dma_wait3A_687, %dma_wait3A_688] : memref<1000000x128xf32, #tpu.memory_space<hbm>> -> memref<1000000x128xf32, #tpu.memory_space<hbm>>
      tpu.wait_indirect_dma semaphore(%arg18 : memref<!tpu.dma_semaphore, #tpu.memory_space<semaphore_mem>>) src(%dma_wait3A_689 : memref<1000000x128xf32, #tpu.memory_space<hbm>>) dst(%dma_wait3A_683 : memref<50x128xf32, #tpu.memory_space<vmem>>)
      %scan3A_690 = arith.constant 0 : i32
      %scan3A_691 = arith.constant 10 : i32
      %scan3A_692 = arith.addi %scan3A_690, %scan3A_691 : i32
      %scan3A_693 = arith.constant 1 : i32
      %scan3A_694:8 = scf.for %scan3A_1023 = %scan3A_690 to %scan3A_692 step %scan3A_693 iter_args(%scan3A_1024 = %scan3A_667#0, %scan3A_1025 = %scan3A_667#1, %scan3A_1026 = %scan3A_667#2, %scan3A_1027 = %scan3A_667#3, %scan3A_1028 = %scan3A_667#4, %scan3A_1029 = %scan3A_667#5, %scan3A_1030 = %scan3A_667#6, %scan3A_1031 = %scan3A_667#7) -> (vector<16xf32>, vector<16xf32>, vector<16xf32>, vector<16xf32>, vector<16xf32>, vector<16xf32>, vector<16xf32>, vector<16xf32>)  : i32 {
        %mul3A_1032 = arith.constant 5 : i32
        %mul3A_1033 = arith.muli %mul3A_1032, %scan3A_1023 : i32
        %add3A_1034 = arith.constant 0 : i32
        %add3A_1035 = arith.addi %mul3A_1033, %add3A_1034 : i32
        %get3A_1036 = arith.constant 6 : i32
        %get3A_1037 = arith.index_cast %get3A_1036 : i32 to index
        %get3A_1038 = arith.index_cast %add3A_1035 : i32 to index
        %get3A_1039 = arith.constant 0 : index
        %get3A_1040 = tpu.vector_load %arg8[%get3A_1037, %get3A_1038, %get3A_1039] {strides = array<i32>} : memref<8x50x128xf32, #tpu.memory_space<vmem>>, vector<1x1x16xf32>,
        %get3A_1041 = vector.shape_cast %get3A_1040 : vector<1x1x16xf32> to vector<16xf32>
        %add3A_1042 = arith.addf %scan3A_1024, %get3A_1041 : vector<16xf32>
        %get3A_1043 = arith.constant 6 : i32
        %get3A_1044 = arith.index_cast %get3A_1043 : i32 to index
        %get3A_1045 = arith.index_cast %add3A_1035 : i32 to index
        %get3A_1046 = arith.constant 16 : index
        %get3A_1047 = tpu.vector_load %arg8[%get3A_1044, %get3A_1045, %get3A_1046] {strides = array<i32>} : memref<8x50x128xf32, #tpu.memory_space<vmem>>, vector<1x1x16xf32>,
        %get3A_1048 = vector.shape_cast %get3A_1047 : vector<1x1x16xf32> to vector<16xf32>
        %add3A_1049 = arith.addf %scan3A_1025, %get3A_1048 : vector<16xf32>
        %get3A_1050 = arith.constant 6 : i32
        %get3A_1051 = arith.index_cast %get3A_1050 : i32 to index
        %get3A_1052 = arith.index_cast %add3A_1035 : i32 to index
        %get3A_1053 = arith.constant 32 : index
        %get3A_1054 = tpu.vector_load %arg8[%get3A_1051, %get3A_1052, %get3A_1053] {strides = array<i32>} : memref<8x50x128xf32, #tpu.memory_space<vmem>>, vector<1x1x16xf32>,
        %get3A_1055 = vector.shape_cast %get3A_1054 : vector<1x1x16xf32> to vector<16xf32>
        %add3A_1056 = arith.addf %scan3A_1026, %get3A_1055 : vector<16xf32>
        %get3A_1057 = arith.constant 6 : i32
        %get3A_1058 = arith.index_cast %get3A_1057 : i32 to index
        %get3A_1059 = arith.index_cast %add3A_1035 : i32 to index
        %get3A_1060 = arith.constant 48 : index
        %get3A_1061 = tpu.vector_load %arg8[%get3A_1058, %get3A_1059, %get3A_1060] {strides = array<i32>} : memref<8x50x128xf32, #tpu.memory_space<vmem>>, vector<1x1x16xf32>,
        %get3A_1062 = vector.shape_cast %get3A_1061 : vector<1x1x16xf32> to vector<16xf32>
        %add3A_1063 = arith.addf %scan3A_1027, %get3A_1062 : vector<16xf32>
        %get3A_1064 = arith.constant 6 : i32
        %get3A_1065 = arith.index_cast %get3A_1064 : i32 to index
        %get3A_1066 = arith.index_cast %add3A_1035 : i32 to index
        %get3A_1067 = arith.constant 64 : index
        %get3A_1068 = tpu.vector_load %arg8[%get3A_1065, %get3A_1066, %get3A_1067] {strides = array<i32>} : memref<8x50x128xf32, #tpu.memory_space<vmem>>, vector<1x1x16xf32>,
        %get3A_1069 = vector.shape_cast %get3A_1068 : vector<1x1x16xf32> to vector<16xf32>
        %add3A_1070 = arith.addf %scan3A_1028, %get3A_1069 : vector<16xf32>
        %get3A_1071 = arith.constant 6 : i32
        %get3A_1072 = arith.index_cast %get3A_1071 : i32 to index
        %get3A_1073 = arith.index_cast %add3A_1035 : i32 to index
        %get3A_1074 = arith.constant 80 : index
        %get3A_1075 = tpu.vector_load %arg8[%get3A_1072, %get3A_1073, %get3A_1074] {strides = array<i32>} : memref<8x50x128xf32, #tpu.memory_space<vmem>>, vector<1x1x16xf32>,
        %get3A_1076 = vector.shape_cast %get3A_1075 : vector<1x1x16xf32> to vector<16xf32>
        %add3A_1077 = arith.addf %scan3A_1029, %get3A_1076 : vector<16xf32>
        %get3A_1078 = arith.constant 6 : i32
        %get3A_1079 = arith.index_cast %get3A_1078 : i32 to index
        %get3A_1080 = arith.index_cast %add3A_1035 : i32 to index
        %get3A_1081 = arith.constant 96 : index
        %get3A_1082 = tpu.vector_load %arg8[%get3A_1079, %get3A_1080, %get3A_1081] {strides = array<i32>} : memref<8x50x128xf32, #tpu.memory_space<vmem>>, vector<1x1x16xf32>,
        %get3A_1083 = vector.shape_cast %get3A_1082 : vector<1x1x16xf32> to vector<16xf32>
        %add3A_1084 = arith.addf %scan3A_1030, %get3A_1083 : vector<16xf32>
        %get3A_1085 = arith.constant 6 : i32
        %get3A_1086 = arith.index_cast %get3A_1085 : i32 to index
        %get3A_1087 = arith.index_cast %add3A_1035 : i32 to index
        %get3A_1088 = arith.constant 112 : index
        %get3A_1089 = tpu.vector_load %arg8[%get3A_1086, %get3A_1087, %get3A_1088] {strides = array<i32>} : memref<8x50x128xf32, #tpu.memory_space<vmem>>, vector<1x1x16xf32>,
        %get3A_1090 = vector.shape_cast %get3A_1089 : vector<1x1x16xf32> to vector<16xf32>
        %add3A_1091 = arith.addf %scan3A_1031, %get3A_1090 : vector<16xf32>
        %mul3A_1092 = arith.constant 5 : i32
        %mul3A_1093 = arith.muli %mul3A_1092, %scan3A_1023 : i32
        %add3A_1094 = arith.constant 1 : i32
        %add3A_1095 = arith.addi %mul3A_1093, %add3A_1094 : i32
        %get3A_1096 = arith.constant 6 : i32
        %get3A_1097 = arith.index_cast %get3A_1096 : i32 to index
        %get3A_1098 = arith.index_cast %add3A_1095 : i32 to index
        %get3A_1099 = arith.constant 0 : index
        %get3A_1100 = tpu.vector_load %arg8[%get3A_1097, %get3A_1098, %get3A_1099] {strides = array<i32>} : memref<8x50x128xf32, #tpu.memory_space<vmem>>, vector<1x1x16xf32>,
        %get3A_1101 = vector.shape_cast %get3A_1100 : vector<1x1x16xf32> to vector<16xf32>
        %add3A_1102 = arith.addf %add3A_1042, %get3A_1101 : vector<16xf32>
        %get3A_1103 = arith.constant 6 : i32
        %get3A_1104 = arith.index_cast %get3A_1103 : i32 to index
        %get3A_1105 = arith.index_cast %add3A_1095 : i32 to index
        %get3A_1106 = arith.constant 16 : index
        %get3A_1107 = tpu.vector_load %arg8[%get3A_1104, %get3A_1105, %get3A_1106] {strides = array<i32>} : memref<8x50x128xf32, #tpu.memory_space<vmem>>, vector<1x1x16xf32>,
        %get3A_1108 = vector.shape_cast %get3A_1107 : vector<1x1x16xf32> to vector<16xf32>
        %add3A_1109 = arith.addf %add3A_1049, %get3A_1108 : vector<16xf32>
        %get3A_1110 = arith.constant 6 : i32
        %get3A_1111 = arith.index_cast %get3A_1110 : i32 to index
        %get3A_1112 = arith.index_cast %add3A_1095 : i32 to index
        %get3A_1113 = arith.constant 32 : index
        %get3A_1114 = tpu.vector_load %arg8[%get3A_1111, %get3A_1112, %get3A_1113] {strides = array<i32>} : memref<8x50x128xf32, #tpu.memory_space<vmem>>, vector<1x1x16xf32>,
        %get3A_1115 = vector.shape_cast %get3A_1114 : vector<1x1x16xf32> to vector<16xf32>
        %add3A_1116 = arith.addf %add3A_1056, %get3A_1115 : vector<16xf32>
        %get3A_1117 = arith.constant 6 : i32
        %get3A_1118 = arith.index_cast %get3A_1117 : i32 to index
        %get3A_1119 = arith.index_cast %add3A_1095 : i32 to index
        %get3A_1120 = arith.constant 48 : index
        %get3A_1121 = tpu.vector_load %arg8[%get3A_1118, %get3A_1119, %get3A_1120] {strides = array<i32>} : memref<8x50x128xf32, #tpu.memory_space<vmem>>, vector<1x1x16xf32>,
        %get3A_1122 = vector.shape_cast %get3A_1121 : vector<1x1x16xf32> to vector<16xf32>
        %add3A_1123 = arith.addf %add3A_1063, %get3A_1122 : vector<16xf32>
        %get3A_1124 = arith.constant 6 : i32
        %get3A_1125 = arith.index_cast %get3A_1124 : i32 to index
        %get3A_1126 = arith.index_cast %add3A_1095 : i32 to index
        %get3A_1127 = arith.constant 64 : index
        %get3A_1128 = tpu.vector_load %arg8[%get3A_1125, %get3A_1126, %get3A_1127] {strides = array<i32>} : memref<8x50x128xf32, #tpu.memory_space<vmem>>, vector<1x1x16xf32>,
        %get3A_1129 = vector.shape_cast %get3A_1128 : vector<1x1x16xf32> to vector<16xf32>
        %add3A_1130 = arith.addf %add3A_1070, %get3A_1129 : vector<16xf32>
        %get3A_1131 = arith.constant 6 : i32
        %get3A_1132 = arith.index_cast %get3A_1131 : i32 to index
        %get3A_1133 = arith.index_cast %add3A_1095 : i32 to index
        %get3A_1134 = arith.constant 80 : index
        %get3A_1135 = tpu.vector_load %arg8[%get3A_1132, %get3A_1133, %get3A_1134] {strides = array<i32>} : memref<8x50x128xf32, #tpu.memory_space<vmem>>, vector<1x1x16xf32>,
        %get3A_1136 = vector.shape_cast %get3A_1135 : vector<1x1x16xf32> to vector<16xf32>
        %add3A_1137 = arith.addf %add3A_1077, %get3A_1136 : vector<16xf32>
        %get3A_1138 = arith.constant 6 : i32
        %get3A_1139 = arith.index_cast %get3A_1138 : i32 to index
        %get3A_1140 = arith.index_cast %add3A_1095 : i32 to index
        %get3A_1141 = arith.constant 96 : index
        %get3A_1142 = tpu.vector_load %arg8[%get3A_1139, %get3A_1140, %get3A_1141] {strides = array<i32>} : memref<8x50x128xf32, #tpu.memory_space<vmem>>, vector<1x1x16xf32>,
        %get3A_1143 = vector.shape_cast %get3A_1142 : vector<1x1x16xf32> to vector<16xf32>
        %add3A_1144 = arith.addf %add3A_1084, %get3A_1143 : vector<16xf32>
        %get3A_1145 = arith.constant 6 : i32
        %get3A_1146 = arith.index_cast %get3A_1145 : i32 to index
        %get3A_1147 = arith.index_cast %add3A_1095 : i32 to index
        %get3A_1148 = arith.constant 112 : index
        %get3A_1149 = tpu.vector_load %arg8[%get3A_1146, %get3A_1147, %get3A_1148] {strides = array<i32>} : memref<8x50x128xf32, #tpu.memory_space<vmem>>, vector<1x1x16xf32>,
        %get3A_1150 = vector.shape_cast %get3A_1149 : vector<1x1x16xf32> to vector<16xf32>
        %add3A_1151 = arith.addf %add3A_1091, %get3A_1150 : vector<16xf32>
        %mul3A_1152 = arith.constant 5 : i32
        %mul3A_1153 = arith.muli %mul3A_1152, %scan3A_1023 : i32
        %add3A_1154 = arith.constant 2 : i32
        %add3A_1155 = arith.addi %mul3A_1153, %add3A_1154 : i32
        %get3A_1156 = arith.constant 6 : i32
        %get3A_1157 = arith.index_cast %get3A_1156 : i32 to index
        %get3A_1158 = arith.index_cast %add3A_1155 : i32 to index
        %get3A_1159 = arith.constant 0 : index
        %get3A_1160 = tpu.vector_load %arg8[%get3A_1157, %get3A_1158, %get3A_1159] {strides = array<i32>} : memref<8x50x128xf32, #tpu.memory_space<vmem>>, vector<1x1x16xf32>,
        %get3A_1161 = vector.shape_cast %get3A_1160 : vector<1x1x16xf32> to vector<16xf32>
        %add3A_1162 = arith.addf %add3A_1102, %get3A_1161 : vector<16xf32>
        %get3A_1163 = arith.constant 6 : i32
        %get3A_1164 = arith.index_cast %get3A_1163 : i32 to index
        %get3A_1165 = arith.index_cast %add3A_1155 : i32 to index
        %get3A_1166 = arith.constant 16 : index
        %get3A_1167 = tpu.vector_load %arg8[%get3A_1164, %get3A_1165, %get3A_1166] {strides = array<i32>} : memref<8x50x128xf32, #tpu.memory_space<vmem>>, vector<1x1x16xf32>,
        %get3A_1168 = vector.shape_cast %get3A_1167 : vector<1x1x16xf32> to vector<16xf32>
        %add3A_1169 = arith.addf %add3A_1109, %get3A_1168 : vector<16xf32>
        %get3A_1170 = arith.constant 6 : i32
        %get3A_1171 = arith.index_cast %get3A_1170 : i32 to index
        %get3A_1172 = arith.index_cast %add3A_1155 : i32 to index
        %get3A_1173 = arith.constant 32 : index
        %get3A_1174 = tpu.vector_load %arg8[%get3A_1171, %get3A_1172, %get3A_1173] {strides = array<i32>} : memref<8x50x128xf32, #tpu.memory_space<vmem>>, vector<1x1x16xf32>,
        %get3A_1175 = vector.shape_cast %get3A_1174 : vector<1x1x16xf32> to vector<16xf32>
        %add3A_1176 = arith.addf %add3A_1116, %get3A_1175 : vector<16xf32>
        %get3A_1177 = arith.constant 6 : i32
        %get3A_1178 = arith.index_cast %get3A_1177 : i32 to index
        %get3A_1179 = arith.index_cast %add3A_1155 : i32 to index
        %get3A_1180 = arith.constant 48 : index
        %get3A_1181 = tpu.vector_load %arg8[%get3A_1178, %get3A_1179, %get3A_1180] {strides = array<i32>} : memref<8x50x128xf32, #tpu.memory_space<vmem>>, vector<1x1x16xf32>,
        %get3A_1182 = vector.shape_cast %get3A_1181 : vector<1x1x16xf32> to vector<16xf32>
        %add3A_1183 = arith.addf %add3A_1123, %get3A_1182 : vector<16xf32>
        %get3A_1184 = arith.constant 6 : i32
        %get3A_1185 = arith.index_cast %get3A_1184 : i32 to index
        %get3A_1186 = arith.index_cast %add3A_1155 : i32 to index
        %get3A_1187 = arith.constant 64 : index
        %get3A_1188 = tpu.vector_load %arg8[%get3A_1185, %get3A_1186, %get3A_1187] {strides = array<i32>} : memref<8x50x128xf32, #tpu.memory_space<vmem>>, vector<1x1x16xf32>,
        %get3A_1189 = vector.shape_cast %get3A_1188 : vector<1x1x16xf32> to vector<16xf32>
        %add3A_1190 = arith.addf %add3A_1130, %get3A_1189 : vector<16xf32>
        %get3A_1191 = arith.constant 6 : i32
        %get3A_1192 = arith.index_cast %get3A_1191 : i32 to index
        %get3A_1193 = arith.index_cast %add3A_1155 : i32 to index
        %get3A_1194 = arith.constant 80 : index
        %get3A_1195 = tpu.vector_load %arg8[%get3A_1192, %get3A_1193, %get3A_1194] {strides = array<i32>} : memref<8x50x128xf32, #tpu.memory_space<vmem>>, vector<1x1x16xf32>,
        %get3A_1196 = vector.shape_cast %get3A_1195 : vector<1x1x16xf32> to vector<16xf32>
        %add3A_1197 = arith.addf %add3A_1137, %get3A_1196 : vector<16xf32>
        %get3A_1198 = arith.constant 6 : i32
        %get3A_1199 = arith.index_cast %get3A_1198 : i32 to index
        %get3A_1200 = arith.index_cast %add3A_1155 : i32 to index
        %get3A_1201 = arith.constant 96 : index
        %get3A_1202 = tpu.vector_load %arg8[%get3A_1199, %get3A_1200, %get3A_1201] {strides = array<i32>} : memref<8x50x128xf32, #tpu.memory_space<vmem>>, vector<1x1x16xf32>,
        %get3A_1203 = vector.shape_cast %get3A_1202 : vector<1x1x16xf32> to vector<16xf32>
        %add3A_1204 = arith.addf %add3A_1144, %get3A_1203 : vector<16xf32>
        %get3A_1205 = arith.constant 6 : i32
        %get3A_1206 = arith.index_cast %get3A_1205 : i32 to index
        %get3A_1207 = arith.index_cast %add3A_1155 : i32 to index
        %get3A_1208 = arith.constant 112 : index
        %get3A_1209 = tpu.vector_load %arg8[%get3A_1206, %get3A_1207, %get3A_1208] {strides = array<i32>} : memref<8x50x128xf32, #tpu.memory_space<vmem>>, vector<1x1x16xf32>,
        %get3A_1210 = vector.shape_cast %get3A_1209 : vector<1x1x16xf32> to vector<16xf32>
        %add3A_1211 = arith.addf %add3A_1151, %get3A_1210 : vector<16xf32>
        %mul3A_1212 = arith.constant 5 : i32
        %mul3A_1213 = arith.muli %mul3A_1212, %scan3A_1023 : i32
        %add3A_1214 = arith.constant 3 : i32
        %add3A_1215 = arith.addi %mul3A_1213, %add3A_1214 : i32
        %get3A_1216 = arith.constant 6 : i32
        %get3A_1217 = arith.index_cast %get3A_1216 : i32 to index
        %get3A_1218 = arith.index_cast %add3A_1215 : i32 to index
        %get3A_1219 = arith.constant 0 : index
        %get3A_1220 = tpu.vector_load %arg8[%get3A_1217, %get3A_1218, %get3A_1219] {strides = array<i32>} : memref<8x50x128xf32, #tpu.memory_space<vmem>>, vector<1x1x16xf32>,
        %get3A_1221 = vector.shape_cast %get3A_1220 : vector<1x1x16xf32> to vector<16xf32>
        %add3A_1222 = arith.addf %add3A_1162, %get3A_1221 : vector<16xf32>
        %get3A_1223 = arith.constant 6 : i32
        %get3A_1224 = arith.index_cast %get3A_1223 : i32 to index
        %get3A_1225 = arith.index_cast %add3A_1215 : i32 to index
        %get3A_1226 = arith.constant 16 : index
        %get3A_1227 = tpu.vector_load %arg8[%get3A_1224, %get3A_1225, %get3A_1226] {strides = array<i32>} : memref<8x50x128xf32, #tpu.memory_space<vmem>>, vector<1x1x16xf32>,
        %get3A_1228 = vector.shape_cast %get3A_1227 : vector<1x1x16xf32> to vector<16xf32>
        %add3A_1229 = arith.addf %add3A_1169, %get3A_1228 : vector<16xf32>
        %get3A_1230 = arith.constant 6 : i32
        %get3A_1231 = arith.index_cast %get3A_1230 : i32 to index
        %get3A_1232 = arith.index_cast %add3A_1215 : i32 to index
        %get3A_1233 = arith.constant 32 : index
        %get3A_1234 = tpu.vector_load %arg8[%get3A_1231, %get3A_1232, %get3A_1233] {strides = array<i32>} : memref<8x50x128xf32, #tpu.memory_space<vmem>>, vector<1x1x16xf32>,
        %get3A_1235 = vector.shape_cast %get3A_1234 : vector<1x1x16xf32> to vector<16xf32>
        %add3A_1236 = arith.addf %add3A_1176, %get3A_1235 : vector<16xf32>
        %get3A_1237 = arith.constant 6 : i32
        %get3A_1238 = arith.index_cast %get3A_1237 : i32 to index
        %get3A_1239 = arith.index_cast %add3A_1215 : i32 to index
        %get3A_1240 = arith.constant 48 : index
        %get3A_1241 = tpu.vector_load %arg8[%get3A_1238, %get3A_1239, %get3A_1240] {strides = array<i32>} : memref<8x50x128xf32, #tpu.memory_space<vmem>>, vector<1x1x16xf32>,
        %get3A_1242 = vector.shape_cast %get3A_1241 : vector<1x1x16xf32> to vector<16xf32>
        %add3A_1243 = arith.addf %add3A_1183, %get3A_1242 : vector<16xf32>
        %get3A_1244 = arith.constant 6 : i32
        %get3A_1245 = arith.index_cast %get3A_1244 : i32 to index
        %get3A_1246 = arith.index_cast %add3A_1215 : i32 to index
        %get3A_1247 = arith.constant 64 : index
        %get3A_1248 = tpu.vector_load %arg8[%get3A_1245, %get3A_1246, %get3A_1247] {strides = array<i32>} : memref<8x50x128xf32, #tpu.memory_space<vmem>>, vector<1x1x16xf32>,
        %get3A_1249 = vector.shape_cast %get3A_1248 : vector<1x1x16xf32> to vector<16xf32>
        %add3A_1250 = arith.addf %add3A_1190, %get3A_1249 : vector<16xf32>
        %get3A_1251 = arith.constant 6 : i32
        %get3A_1252 = arith.index_cast %get3A_1251 : i32 to index
        %get3A_1253 = arith.index_cast %add3A_1215 : i32 to index
        %get3A_1254 = arith.constant 80 : index
        %get3A_1255 = tpu.vector_load %arg8[%get3A_1252, %get3A_1253, %get3A_1254] {strides = array<i32>} : memref<8x50x128xf32, #tpu.memory_space<vmem>>, vector<1x1x16xf32>,
        %get3A_1256 = vector.shape_cast %get3A_1255 : vector<1x1x16xf32> to vector<16xf32>
        %add3A_1257 = arith.addf %add3A_1197, %get3A_1256 : vector<16xf32>
        %get3A_1258 = arith.constant 6 : i32
        %get3A_1259 = arith.index_cast %get3A_1258 : i32 to index
        %get3A_1260 = arith.index_cast %add3A_1215 : i32 to index
        %get3A_1261 = arith.constant 96 : index
        %get3A_1262 = tpu.vector_load %arg8[%get3A_1259, %get3A_1260, %get3A_1261] {strides = array<i32>} : memref<8x50x128xf32, #tpu.memory_space<vmem>>, vector<1x1x16xf32>,
        %get3A_1263 = vector.shape_cast %get3A_1262 : vector<1x1x16xf32> to vector<16xf32>
        %add3A_1264 = arith.addf %add3A_1204, %get3A_1263 : vector<16xf32>
        %get3A_1265 = arith.constant 6 : i32
        %get3A_1266 = arith.index_cast %get3A_1265 : i32 to index
        %get3A_1267 = arith.index_cast %add3A_1215 : i32 to index
        %get3A_1268 = arith.constant 112 : index
        %get3A_1269 = tpu.vector_load %arg8[%get3A_1266, %get3A_1267, %get3A_1268] {strides = array<i32>} : memref<8x50x128xf32, #tpu.memory_space<vmem>>, vector<1x1x16xf32>,
        %get3A_1270 = vector.shape_cast %get3A_1269 : vector<1x1x16xf32> to vector<16xf32>
        %add3A_1271 = arith.addf %add3A_1211, %get3A_1270 : vector<16xf32>
        %mul3A_1272 = arith.constant 5 : i32
        %mul3A_1273 = arith.muli %mul3A_1272, %scan3A_1023 : i32
        %add3A_1274 = arith.constant 4 : i32
        %add3A_1275 = arith.addi %mul3A_1273, %add3A_1274 : i32
        %get3A_1276 = arith.constant 6 : i32
        %get3A_1277 = arith.index_cast %get3A_1276 : i32 to index
        %get3A_1278 = arith.index_cast %add3A_1275 : i32 to index
        %get3A_1279 = arith.constant 0 : index
        %get3A_1280 = tpu.vector_load %arg8[%get3A_1277, %get3A_1278, %get3A_1279] {strides = array<i32>} : memref<8x50x128xf32, #tpu.memory_space<vmem>>, vector<1x1x16xf32>,
        %get3A_1281 = vector.shape_cast %get3A_1280 : vector<1x1x16xf32> to vector<16xf32>
        %add3A_1282 = arith.addf %add3A_1222, %get3A_1281 : vector<16xf32>
        %get3A_1283 = arith.constant 6 : i32
        %get3A_1284 = arith.index_cast %get3A_1283 : i32 to index
        %get3A_1285 = arith.index_cast %add3A_1275 : i32 to index
        %get3A_1286 = arith.constant 16 : index
        %get3A_1287 = tpu.vector_load %arg8[%get3A_1284, %get3A_1285, %get3A_1286] {strides = array<i32>} : memref<8x50x128xf32, #tpu.memory_space<vmem>>, vector<1x1x16xf32>,
        %get3A_1288 = vector.shape_cast %get3A_1287 : vector<1x1x16xf32> to vector<16xf32>
        %add3A_1289 = arith.addf %add3A_1229, %get3A_1288 : vector<16xf32>
        %get3A_1290 = arith.constant 6 : i32
        %get3A_1291 = arith.index_cast %get3A_1290 : i32 to index
        %get3A_1292 = arith.index_cast %add3A_1275 : i32 to index
        %get3A_1293 = arith.constant 32 : index
        %get3A_1294 = tpu.vector_load %arg8[%get3A_1291, %get3A_1292, %get3A_1293] {strides = array<i32>} : memref<8x50x128xf32, #tpu.memory_space<vmem>>, vector<1x1x16xf32>,
        %get3A_1295 = vector.shape_cast %get3A_1294 : vector<1x1x16xf32> to vector<16xf32>
        %add3A_1296 = arith.addf %add3A_1236, %get3A_1295 : vector<16xf32>
        %get3A_1297 = arith.constant 6 : i32
        %get3A_1298 = arith.index_cast %get3A_1297 : i32 to index
        %get3A_1299 = arith.index_cast %add3A_1275 : i32 to index
        %get3A_1300 = arith.constant 48 : index
        %get3A_1301 = tpu.vector_load %arg8[%get3A_1298, %get3A_1299, %get3A_1300] {strides = array<i32>} : memref<8x50x128xf32, #tpu.memory_space<vmem>>, vector<1x1x16xf32>,
        %get3A_1302 = vector.shape_cast %get3A_1301 : vector<1x1x16xf32> to vector<16xf32>
        %add3A_1303 = arith.addf %add3A_1243, %get3A_1302 : vector<16xf32>
        %get3A_1304 = arith.constant 6 : i32
        %get3A_1305 = arith.index_cast %get3A_1304 : i32 to index
        %get3A_1306 = arith.index_cast %add3A_1275 : i32 to index
        %get3A_1307 = arith.constant 64 : index
        %get3A_1308 = tpu.vector_load %arg8[%get3A_1305, %get3A_1306, %get3A_1307] {strides = array<i32>} : memref<8x50x128xf32, #tpu.memory_space<vmem>>, vector<1x1x16xf32>,
        %get3A_1309 = vector.shape_cast %get3A_1308 : vector<1x1x16xf32> to vector<16xf32>
        %add3A_1310 = arith.addf %add3A_1250, %get3A_1309 : vector<16xf32>
        %get3A_1311 = arith.constant 6 : i32
        %get3A_1312 = arith.index_cast %get3A_1311 : i32 to index
        %get3A_1313 = arith.index_cast %add3A_1275 : i32 to index
        %get3A_1314 = arith.constant 80 : index
        %get3A_1315 = tpu.vector_load %arg8[%get3A_1312, %get3A_1313, %get3A_1314] {strides = array<i32>} : memref<8x50x128xf32, #tpu.memory_space<vmem>>, vector<1x1x16xf32>,
        %get3A_1316 = vector.shape_cast %get3A_1315 : vector<1x1x16xf32> to vector<16xf32>
        %add3A_1317 = arith.addf %add3A_1257, %get3A_1316 : vector<16xf32>
        %get3A_1318 = arith.constant 6 : i32
        %get3A_1319 = arith.index_cast %get3A_1318 : i32 to index
        %get3A_1320 = arith.index_cast %add3A_1275 : i32 to index
        %get3A_1321 = arith.constant 96 : index
        %get3A_1322 = tpu.vector_load %arg8[%get3A_1319, %get3A_1320, %get3A_1321] {strides = array<i32>} : memref<8x50x128xf32, #tpu.memory_space<vmem>>, vector<1x1x16xf32>,
        %get3A_1323 = vector.shape_cast %get3A_1322 : vector<1x1x16xf32> to vector<16xf32>
        %add3A_1324 = arith.addf %add3A_1264, %get3A_1323 : vector<16xf32>
        %get3A_1325 = arith.constant 6 : i32
        %get3A_1326 = arith.index_cast %get3A_1325 : i32 to index
        %get3A_1327 = arith.index_cast %add3A_1275 : i32 to index
        %get3A_1328 = arith.constant 112 : index
        %get3A_1329 = tpu.vector_load %arg8[%get3A_1326, %get3A_1327, %get3A_1328] {strides = array<i32>} : memref<8x50x128xf32, #tpu.memory_space<vmem>>, vector<1x1x16xf32>,
        %get3A_1330 = vector.shape_cast %get3A_1329 : vector<1x1x16xf32> to vector<16xf32>
        %add3A_1331 = arith.addf %add3A_1271, %get3A_1330 : vector<16xf32>
        scf.yield %add3A_1282, %add3A_1289, %add3A_1296, %add3A_1303, %add3A_1310, %add3A_1317, %add3A_1324, %add3A_1331 : vector<16xf32>, vector<16xf32>, vector<16xf32>, vector<16xf32>, vector<16xf32>, vector<16xf32>, vector<16xf32>, vector<16xf32>
      }
      %scan3A_695 = arith.constant 10 : i32
      %add3A_696 = arith.constant 7 : i32
      %add3A_697 = arith.addi %mul3A_194, %add3A_696 : i32
      %add3A_698 = arith.constant 6 : i32
      %add3A_699 = arith.addi %add3A_697, %add3A_698 : i32
      %lt3A_700 = arith.constant 512 : i32
      %lt3A_701 = arith.cmpi slt, %add3A_699, %lt3A_700 : i32
      %convert_element_type3A_702 = arith.extui %lt3A_701 : i1 to i32
      %cond3A_703 = arith.constant 0 : i32
      %cond3A_704 = arith.cmpi ne, %convert_element_type3A_702, %cond3A_703 : i32
      scf.if %cond3A_704 {
        %add3A_1023 = arith.constant 6 : i32
        %add3A_1024 = arith.addi %add3A_697, %add3A_1023 : i32
        %dma_start3A_1025 = arith.constant 5 : i32
        %dma_start3A_1026 = arith.constant 0 : i32
        %dma_start3A_1027 = arith.constant 0 : i32
        %dma_start3A_1028 = tpu.memref_slice %arg8[%dma_start3A_1025, %dma_start3A_1026, %dma_start3A_1027] : memref<8x50x128xf32, #tpu.memory_space<vmem>> -> memref<1x50x128xf32, #tpu.memory_space<vmem>>
        %dma_start3A_1029 = tpu.memref_squeeze %dma_start3A_1028 : memref<1x50x128xf32, #tpu.memory_space<vmem>> -> memref<50x128xf32, #tpu.memory_space<vmem>>
        %dma_start3A_1030 = arith.constant 0 : i32
        %dma_start3A_1031 = tpu.memref_slice %arg7[%add3A_1024, %dma_start3A_1030] : memref<512x50xi32, #tpu.memory_space<vmem>> -> memref<1x50xi32, #tpu.memory_space<vmem>>
        %dma_start3A_1032 = tpu.memref_squeeze %dma_start3A_1031 : memref<1x50xi32, #tpu.memory_space<vmem>> -> memref<50xi32, #tpu.memory_space<vmem>>
        %dma_start3A_1033 = arith.constant 0 : i32
        %dma_start3A_1034 = arith.constant 0 : i32
        %dma_start3A_1035 = tpu.memref_slice %arg3[%dma_start3A_1033, %dma_start3A_1034] : memref<1000000x128xf32, #tpu.memory_space<hbm>> -> memref<1000000x128xf32, #tpu.memory_space<hbm>>
        tpu.enqueue_indirect_dma source(%dma_start3A_1035 : memref<1000000x128xf32, #tpu.memory_space<hbm>>) target(%dma_start3A_1029 : memref<50x128xf32, #tpu.memory_space<vmem>>) offsets(%dma_start3A_1032 : memref<50xi32, #tpu.memory_space<vmem>>) semaphore(%arg17 : memref<!tpu.dma_semaphore, #tpu.memory_space<semaphore_mem>>)
      } else {
      }
      %dma_wait3A_705 = arith.constant 0 : i32
      %dma_wait3A_706 = arith.constant 7 : i32
      %dma_wait3A_707 = arith.constant 0 : i32
      %dma_wait3A_708 = arith.constant 0 : i32
      %dma_wait3A_709 = tpu.memref_slice %arg8[%dma_wait3A_706, %dma_wait3A_707, %dma_wait3A_708] : memref<8x50x128xf32, #tpu.memory_space<vmem>> -> memref<1x50x128xf32, #tpu.memory_space<vmem>>
      %dma_wait3A_710 = tpu.memref_squeeze %dma_wait3A_709 : memref<1x50x128xf32, #tpu.memory_space<vmem>> -> memref<50x128xf32, #tpu.memory_space<vmem>>
      %dma_wait3A_711 = arith.constant 0 : i32
      %dma_wait3A_712 = tpu.memref_slice %arg7[%dma_wait3A_705, %dma_wait3A_711] : memref<512x50xi32, #tpu.memory_space<vmem>> -> memref<1x50xi32, #tpu.memory_space<vmem>>
      %dma_wait3A_713 = tpu.memref_squeeze %dma_wait3A_712 : memref<1x50xi32, #tpu.memory_space<vmem>> -> memref<50xi32, #tpu.memory_space<vmem>>
      %dma_wait3A_714 = arith.constant 0 : i32
      %dma_wait3A_715 = arith.constant 0 : i32
      %dma_wait3A_716 = tpu.memref_slice %arg3[%dma_wait3A_714, %dma_wait3A_715] : memref<1000000x128xf32, #tpu.memory_space<hbm>> -> memref<1000000x128xf32, #tpu.memory_space<hbm>>
      tpu.wait_indirect_dma semaphore(%arg19 : memref<!tpu.dma_semaphore, #tpu.memory_space<semaphore_mem>>) src(%dma_wait3A_716 : memref<1000000x128xf32, #tpu.memory_space<hbm>>) dst(%dma_wait3A_710 : memref<50x128xf32, #tpu.memory_space<vmem>>)
      %scan3A_717 = arith.constant 0 : i32
      %scan3A_718 = arith.constant 10 : i32
      %scan3A_719 = arith.addi %scan3A_717, %scan3A_718 : i32
      %scan3A_720 = arith.constant 1 : i32
      %scan3A_721:8 = scf.for %scan3A_1023 = %scan3A_717 to %scan3A_719 step %scan3A_720 iter_args(%scan3A_1024 = %scan3A_694#0, %scan3A_1025 = %scan3A_694#1, %scan3A_1026 = %scan3A_694#2, %scan3A_1027 = %scan3A_694#3, %scan3A_1028 = %scan3A_694#4, %scan3A_1029 = %scan3A_694#5, %scan3A_1030 = %scan3A_694#6, %scan3A_1031 = %scan3A_694#7) -> (vector<16xf32>, vector<16xf32>, vector<16xf32>, vector<16xf32>, vector<16xf32>, vector<16xf32>, vector<16xf32>, vector<16xf32>)  : i32 {
        %mul3A_1032 = arith.constant 5 : i32
        %mul3A_1033 = arith.muli %mul3A_1032, %scan3A_1023 : i32
        %add3A_1034 = arith.constant 0 : i32
        %add3A_1035 = arith.addi %mul3A_1033, %add3A_1034 : i32
        %get3A_1036 = arith.constant 7 : i32
        %get3A_1037 = arith.index_cast %get3A_1036 : i32 to index
        %get3A_1038 = arith.index_cast %add3A_1035 : i32 to index
        %get3A_1039 = arith.constant 0 : index
        %get3A_1040 = tpu.vector_load %arg8[%get3A_1037, %get3A_1038, %get3A_1039] {strides = array<i32>} : memref<8x50x128xf32, #tpu.memory_space<vmem>>, vector<1x1x16xf32>,
        %get3A_1041 = vector.shape_cast %get3A_1040 : vector<1x1x16xf32> to vector<16xf32>
        %add3A_1042 = arith.addf %scan3A_1024, %get3A_1041 : vector<16xf32>
        %get3A_1043 = arith.constant 7 : i32
        %get3A_1044 = arith.index_cast %get3A_1043 : i32 to index
        %get3A_1045 = arith.index_cast %add3A_1035 : i32 to index
        %get3A_1046 = arith.constant 16 : index
        %get3A_1047 = tpu.vector_load %arg8[%get3A_1044, %get3A_1045, %get3A_1046] {strides = array<i32>} : memref<8x50x128xf32, #tpu.memory_space<vmem>>, vector<1x1x16xf32>,
        %get3A_1048 = vector.shape_cast %get3A_1047 : vector<1x1x16xf32> to vector<16xf32>
        %add3A_1049 = arith.addf %scan3A_1025, %get3A_1048 : vector<16xf32>
        %get3A_1050 = arith.constant 7 : i32
        %get3A_1051 = arith.index_cast %get3A_1050 : i32 to index
        %get3A_1052 = arith.index_cast %add3A_1035 : i32 to index
        %get3A_1053 = arith.constant 32 : index
        %get3A_1054 = tpu.vector_load %arg8[%get3A_1051, %get3A_1052, %get3A_1053] {strides = array<i32>} : memref<8x50x128xf32, #tpu.memory_space<vmem>>, vector<1x1x16xf32>,
        %get3A_1055 = vector.shape_cast %get3A_1054 : vector<1x1x16xf32> to vector<16xf32>
        %add3A_1056 = arith.addf %scan3A_1026, %get3A_1055 : vector<16xf32>
        %get3A_1057 = arith.constant 7 : i32
        %get3A_1058 = arith.index_cast %get3A_1057 : i32 to index
        %get3A_1059 = arith.index_cast %add3A_1035 : i32 to index
        %get3A_1060 = arith.constant 48 : index
        %get3A_1061 = tpu.vector_load %arg8[%get3A_1058, %get3A_1059, %get3A_1060] {strides = array<i32>} : memref<8x50x128xf32, #tpu.memory_space<vmem>>, vector<1x1x16xf32>,
        %get3A_1062 = vector.shape_cast %get3A_1061 : vector<1x1x16xf32> to vector<16xf32>
        %add3A_1063 = arith.addf %scan3A_1027, %get3A_1062 : vector<16xf32>
        %get3A_1064 = arith.constant 7 : i32
        %get3A_1065 = arith.index_cast %get3A_1064 : i32 to index
        %get3A_1066 = arith.index_cast %add3A_1035 : i32 to index
        %get3A_1067 = arith.constant 64 : index
        %get3A_1068 = tpu.vector_load %arg8[%get3A_1065, %get3A_1066, %get3A_1067] {strides = array<i32>} : memref<8x50x128xf32, #tpu.memory_space<vmem>>, vector<1x1x16xf32>,
        %get3A_1069 = vector.shape_cast %get3A_1068 : vector<1x1x16xf32> to vector<16xf32>
        %add3A_1070 = arith.addf %scan3A_1028, %get3A_1069 : vector<16xf32>
        %get3A_1071 = arith.constant 7 : i32
        %get3A_1072 = arith.index_cast %get3A_1071 : i32 to index
        %get3A_1073 = arith.index_cast %add3A_1035 : i32 to index
        %get3A_1074 = arith.constant 80 : index
        %get3A_1075 = tpu.vector_load %arg8[%get3A_1072, %get3A_1073, %get3A_1074] {strides = array<i32>} : memref<8x50x128xf32, #tpu.memory_space<vmem>>, vector<1x1x16xf32>,
        %get3A_1076 = vector.shape_cast %get3A_1075 : vector<1x1x16xf32> to vector<16xf32>
        %add3A_1077 = arith.addf %scan3A_1029, %get3A_1076 : vector<16xf32>
        %get3A_1078 = arith.constant 7 : i32
        %get3A_1079 = arith.index_cast %get3A_1078 : i32 to index
        %get3A_1080 = arith.index_cast %add3A_1035 : i32 to index
        %get3A_1081 = arith.constant 96 : index
        %get3A_1082 = tpu.vector_load %arg8[%get3A_1079, %get3A_1080, %get3A_1081] {strides = array<i32>} : memref<8x50x128xf32, #tpu.memory_space<vmem>>, vector<1x1x16xf32>,
        %get3A_1083 = vector.shape_cast %get3A_1082 : vector<1x1x16xf32> to vector<16xf32>
        %add3A_1084 = arith.addf %scan3A_1030, %get3A_1083 : vector<16xf32>
        %get3A_1085 = arith.constant 7 : i32
        %get3A_1086 = arith.index_cast %get3A_1085 : i32 to index
        %get3A_1087 = arith.index_cast %add3A_1035 : i32 to index
        %get3A_1088 = arith.constant 112 : index
        %get3A_1089 = tpu.vector_load %arg8[%get3A_1086, %get3A_1087, %get3A_1088] {strides = array<i32>} : memref<8x50x128xf32, #tpu.memory_space<vmem>>, vector<1x1x16xf32>,
        %get3A_1090 = vector.shape_cast %get3A_1089 : vector<1x1x16xf32> to vector<16xf32>
        %add3A_1091 = arith.addf %scan3A_1031, %get3A_1090 : vector<16xf32>
        %mul3A_1092 = arith.constant 5 : i32
        %mul3A_1093 = arith.muli %mul3A_1092, %scan3A_1023 : i32
        %add3A_1094 = arith.constant 1 : i32
        %add3A_1095 = arith.addi %mul3A_1093, %add3A_1094 : i32
        %get3A_1096 = arith.constant 7 : i32
        %get3A_1097 = arith.index_cast %get3A_1096 : i32 to index
        %get3A_1098 = arith.index_cast %add3A_1095 : i32 to index
        %get3A_1099 = arith.constant 0 : index
        %get3A_1100 = tpu.vector_load %arg8[%get3A_1097, %get3A_1098, %get3A_1099] {strides = array<i32>} : memref<8x50x128xf32, #tpu.memory_space<vmem>>, vector<1x1x16xf32>,
        %get3A_1101 = vector.shape_cast %get3A_1100 : vector<1x1x16xf32> to vector<16xf32>
        %add3A_1102 = arith.addf %add3A_1042, %get3A_1101 : vector<16xf32>
        %get3A_1103 = arith.constant 7 : i32
        %get3A_1104 = arith.index_cast %get3A_1103 : i32 to index
        %get3A_1105 = arith.index_cast %add3A_1095 : i32 to index
        %get3A_1106 = arith.constant 16 : index
        %get3A_1107 = tpu.vector_load %arg8[%get3A_1104, %get3A_1105, %get3A_1106] {strides = array<i32>} : memref<8x50x128xf32, #tpu.memory_space<vmem>>, vector<1x1x16xf32>,
        %get3A_1108 = vector.shape_cast %get3A_1107 : vector<1x1x16xf32> to vector<16xf32>
        %add3A_1109 = arith.addf %add3A_1049, %get3A_1108 : vector<16xf32>
        %get3A_1110 = arith.constant 7 : i32
        %get3A_1111 = arith.index_cast %get3A_1110 : i32 to index
        %get3A_1112 = arith.index_cast %add3A_1095 : i32 to index
        %get3A_1113 = arith.constant 32 : index
        %get3A_1114 = tpu.vector_load %arg8[%get3A_1111, %get3A_1112, %get3A_1113] {strides = array<i32>} : memref<8x50x128xf32, #tpu.memory_space<vmem>>, vector<1x1x16xf32>,
        %get3A_1115 = vector.shape_cast %get3A_1114 : vector<1x1x16xf32> to vector<16xf32>
        %add3A_1116 = arith.addf %add3A_1056, %get3A_1115 : vector<16xf32>
        %get3A_1117 = arith.constant 7 : i32
        %get3A_1118 = arith.index_cast %get3A_1117 : i32 to index
        %get3A_1119 = arith.index_cast %add3A_1095 : i32 to index
        %get3A_1120 = arith.constant 48 : index
        %get3A_1121 = tpu.vector_load %arg8[%get3A_1118, %get3A_1119, %get3A_1120] {strides = array<i32>} : memref<8x50x128xf32, #tpu.memory_space<vmem>>, vector<1x1x16xf32>,
        %get3A_1122 = vector.shape_cast %get3A_1121 : vector<1x1x16xf32> to vector<16xf32>
        %add3A_1123 = arith.addf %add3A_1063, %get3A_1122 : vector<16xf32>
        %get3A_1124 = arith.constant 7 : i32
        %get3A_1125 = arith.index_cast %get3A_1124 : i32 to index
        %get3A_1126 = arith.index_cast %add3A_1095 : i32 to index
        %get3A_1127 = arith.constant 64 : index
        %get3A_1128 = tpu.vector_load %arg8[%get3A_1125, %get3A_1126, %get3A_1127] {strides = array<i32>} : memref<8x50x128xf32, #tpu.memory_space<vmem>>, vector<1x1x16xf32>,
        %get3A_1129 = vector.shape_cast %get3A_1128 : vector<1x1x16xf32> to vector<16xf32>
        %add3A_1130 = arith.addf %add3A_1070, %get3A_1129 : vector<16xf32>
        %get3A_1131 = arith.constant 7 : i32
        %get3A_1132 = arith.index_cast %get3A_1131 : i32 to index
        %get3A_1133 = arith.index_cast %add3A_1095 : i32 to index
        %get3A_1134 = arith.constant 80 : index
        %get3A_1135 = tpu.vector_load %arg8[%get3A_1132, %get3A_1133, %get3A_1134] {strides = array<i32>} : memref<8x50x128xf32, #tpu.memory_space<vmem>>, vector<1x1x16xf32>,
        %get3A_1136 = vector.shape_cast %get3A_1135 : vector<1x1x16xf32> to vector<16xf32>
        %add3A_1137 = arith.addf %add3A_1077, %get3A_1136 : vector<16xf32>
        %get3A_1138 = arith.constant 7 : i32
        %get3A_1139 = arith.index_cast %get3A_1138 : i32 to index
        %get3A_1140 = arith.index_cast %add3A_1095 : i32 to index
        %get3A_1141 = arith.constant 96 : index
        %get3A_1142 = tpu.vector_load %arg8[%get3A_1139, %get3A_1140, %get3A_1141] {strides = array<i32>} : memref<8x50x128xf32, #tpu.memory_space<vmem>>, vector<1x1x16xf32>,
        %get3A_1143 = vector.shape_cast %get3A_1142 : vector<1x1x16xf32> to vector<16xf32>
        %add3A_1144 = arith.addf %add3A_1084, %get3A_1143 : vector<16xf32>
        %get3A_1145 = arith.constant 7 : i32
        %get3A_1146 = arith.index_cast %get3A_1145 : i32 to index
        %get3A_1147 = arith.index_cast %add3A_1095 : i32 to index
        %get3A_1148 = arith.constant 112 : index
        %get3A_1149 = tpu.vector_load %arg8[%get3A_1146, %get3A_1147, %get3A_1148] {strides = array<i32>} : memref<8x50x128xf32, #tpu.memory_space<vmem>>, vector<1x1x16xf32>,
        %get3A_1150 = vector.shape_cast %get3A_1149 : vector<1x1x16xf32> to vector<16xf32>
        %add3A_1151 = arith.addf %add3A_1091, %get3A_1150 : vector<16xf32>
        %mul3A_1152 = arith.constant 5 : i32
        %mul3A_1153 = arith.muli %mul3A_1152, %scan3A_1023 : i32
        %add3A_1154 = arith.constant 2 : i32
        %add3A_1155 = arith.addi %mul3A_1153, %add3A_1154 : i32
        %get3A_1156 = arith.constant 7 : i32
        %get3A_1157 = arith.index_cast %get3A_1156 : i32 to index
        %get3A_1158 = arith.index_cast %add3A_1155 : i32 to index
        %get3A_1159 = arith.constant 0 : index
        %get3A_1160 = tpu.vector_load %arg8[%get3A_1157, %get3A_1158, %get3A_1159] {strides = array<i32>} : memref<8x50x128xf32, #tpu.memory_space<vmem>>, vector<1x1x16xf32>,
        %get3A_1161 = vector.shape_cast %get3A_1160 : vector<1x1x16xf32> to vector<16xf32>
        %add3A_1162 = arith.addf %add3A_1102, %get3A_1161 : vector<16xf32>
        %get3A_1163 = arith.constant 7 : i32
        %get3A_1164 = arith.index_cast %get3A_1163 : i32 to index
        %get3A_1165 = arith.index_cast %add3A_1155 : i32 to index
        %get3A_1166 = arith.constant 16 : index
        %get3A_1167 = tpu.vector_load %arg8[%get3A_1164, %get3A_1165, %get3A_1166] {strides = array<i32>} : memref<8x50x128xf32, #tpu.memory_space<vmem>>, vector<1x1x16xf32>,
        %get3A_1168 = vector.shape_cast %get3A_1167 : vector<1x1x16xf32> to vector<16xf32>
        %add3A_1169 = arith.addf %add3A_1109, %get3A_1168 : vector<16xf32>
        %get3A_1170 = arith.constant 7 : i32
        %get3A_1171 = arith.index_cast %get3A_1170 : i32 to index
        %get3A_1172 = arith.index_cast %add3A_1155 : i32 to index
        %get3A_1173 = arith.constant 32 : index
        %get3A_1174 = tpu.vector_load %arg8[%get3A_1171, %get3A_1172, %get3A_1173] {strides = array<i32>} : memref<8x50x128xf32, #tpu.memory_space<vmem>>, vector<1x1x16xf32>,
        %get3A_1175 = vector.shape_cast %get3A_1174 : vector<1x1x16xf32> to vector<16xf32>
        %add3A_1176 = arith.addf %add3A_1116, %get3A_1175 : vector<16xf32>
        %get3A_1177 = arith.constant 7 : i32
        %get3A_1178 = arith.index_cast %get3A_1177 : i32 to index
        %get3A_1179 = arith.index_cast %add3A_1155 : i32 to index
        %get3A_1180 = arith.constant 48 : index
        %get3A_1181 = tpu.vector_load %arg8[%get3A_1178, %get3A_1179, %get3A_1180] {strides = array<i32>} : memref<8x50x128xf32, #tpu.memory_space<vmem>>, vector<1x1x16xf32>,
        %get3A_1182 = vector.shape_cast %get3A_1181 : vector<1x1x16xf32> to vector<16xf32>
        %add3A_1183 = arith.addf %add3A_1123, %get3A_1182 : vector<16xf32>
        %get3A_1184 = arith.constant 7 : i32
        %get3A_1185 = arith.index_cast %get3A_1184 : i32 to index
        %get3A_1186 = arith.index_cast %add3A_1155 : i32 to index
        %get3A_1187 = arith.constant 64 : index
        %get3A_1188 = tpu.vector_load %arg8[%get3A_1185, %get3A_1186, %get3A_1187] {strides = array<i32>} : memref<8x50x128xf32, #tpu.memory_space<vmem>>, vector<1x1x16xf32>,
        %get3A_1189 = vector.shape_cast %get3A_1188 : vector<1x1x16xf32> to vector<16xf32>
        %add3A_1190 = arith.addf %add3A_1130, %get3A_1189 : vector<16xf32>
        %get3A_1191 = arith.constant 7 : i32
        %get3A_1192 = arith.index_cast %get3A_1191 : i32 to index
        %get3A_1193 = arith.index_cast %add3A_1155 : i32 to index
        %get3A_1194 = arith.constant 80 : index
        %get3A_1195 = tpu.vector_load %arg8[%get3A_1192, %get3A_1193, %get3A_1194] {strides = array<i32>} : memref<8x50x128xf32, #tpu.memory_space<vmem>>, vector<1x1x16xf32>,
        %get3A_1196 = vector.shape_cast %get3A_1195 : vector<1x1x16xf32> to vector<16xf32>
        %add3A_1197 = arith.addf %add3A_1137, %get3A_1196 : vector<16xf32>
        %get3A_1198 = arith.constant 7 : i32
        %get3A_1199 = arith.index_cast %get3A_1198 : i32 to index
        %get3A_1200 = arith.index_cast %add3A_1155 : i32 to index
        %get3A_1201 = arith.constant 96 : index
        %get3A_1202 = tpu.vector_load %arg8[%get3A_1199, %get3A_1200, %get3A_1201] {strides = array<i32>} : memref<8x50x128xf32, #tpu.memory_space<vmem>>, vector<1x1x16xf32>,
        %get3A_1203 = vector.shape_cast %get3A_1202 : vector<1x1x16xf32> to vector<16xf32>
        %add3A_1204 = arith.addf %add3A_1144, %get3A_1203 : vector<16xf32>
        %get3A_1205 = arith.constant 7 : i32
        %get3A_1206 = arith.index_cast %get3A_1205 : i32 to index
        %get3A_1207 = arith.index_cast %add3A_1155 : i32 to index
        %get3A_1208 = arith.constant 112 : index
        %get3A_1209 = tpu.vector_load %arg8[%get3A_1206, %get3A_1207, %get3A_1208] {strides = array<i32>} : memref<8x50x128xf32, #tpu.memory_space<vmem>>, vector<1x1x16xf32>,
        %get3A_1210 = vector.shape_cast %get3A_1209 : vector<1x1x16xf32> to vector<16xf32>
        %add3A_1211 = arith.addf %add3A_1151, %get3A_1210 : vector<16xf32>
        %mul3A_1212 = arith.constant 5 : i32
        %mul3A_1213 = arith.muli %mul3A_1212, %scan3A_1023 : i32
        %add3A_1214 = arith.constant 3 : i32
        %add3A_1215 = arith.addi %mul3A_1213, %add3A_1214 : i32
        %get3A_1216 = arith.constant 7 : i32
        %get3A_1217 = arith.index_cast %get3A_1216 : i32 to index
        %get3A_1218 = arith.index_cast %add3A_1215 : i32 to index
        %get3A_1219 = arith.constant 0 : index
        %get3A_1220 = tpu.vector_load %arg8[%get3A_1217, %get3A_1218, %get3A_1219] {strides = array<i32>} : memref<8x50x128xf32, #tpu.memory_space<vmem>>, vector<1x1x16xf32>,
        %get3A_1221 = vector.shape_cast %get3A_1220 : vector<1x1x16xf32> to vector<16xf32>
        %add3A_1222 = arith.addf %add3A_1162, %get3A_1221 : vector<16xf32>
        %get3A_1223 = arith.constant 7 : i32
        %get3A_1224 = arith.index_cast %get3A_1223 : i32 to index
        %get3A_1225 = arith.index_cast %add3A_1215 : i32 to index
        %get3A_1226 = arith.constant 16 : index
        %get3A_1227 = tpu.vector_load %arg8[%get3A_1224, %get3A_1225, %get3A_1226] {strides = array<i32>} : memref<8x50x128xf32, #tpu.memory_space<vmem>>, vector<1x1x16xf32>,
        %get3A_1228 = vector.shape_cast %get3A_1227 : vector<1x1x16xf32> to vector<16xf32>
        %add3A_1229 = arith.addf %add3A_1169, %get3A_1228 : vector<16xf32>
        %get3A_1230 = arith.constant 7 : i32
        %get3A_1231 = arith.index_cast %get3A_1230 : i32 to index
        %get3A_1232 = arith.index_cast %add3A_1215 : i32 to index
        %get3A_1233 = arith.constant 32 : index
        %get3A_1234 = tpu.vector_load %arg8[%get3A_1231, %get3A_1232, %get3A_1233] {strides = array<i32>} : memref<8x50x128xf32, #tpu.memory_space<vmem>>, vector<1x1x16xf32>,
        %get3A_1235 = vector.shape_cast %get3A_1234 : vector<1x1x16xf32> to vector<16xf32>
        %add3A_1236 = arith.addf %add3A_1176, %get3A_1235 : vector<16xf32>
        %get3A_1237 = arith.constant 7 : i32
        %get3A_1238 = arith.index_cast %get3A_1237 : i32 to index
        %get3A_1239 = arith.index_cast %add3A_1215 : i32 to index
        %get3A_1240 = arith.constant 48 : index
        %get3A_1241 = tpu.vector_load %arg8[%get3A_1238, %get3A_1239, %get3A_1240] {strides = array<i32>} : memref<8x50x128xf32, #tpu.memory_space<vmem>>, vector<1x1x16xf32>,
        %get3A_1242 = vector.shape_cast %get3A_1241 : vector<1x1x16xf32> to vector<16xf32>
        %add3A_1243 = arith.addf %add3A_1183, %get3A_1242 : vector<16xf32>
        %get3A_1244 = arith.constant 7 : i32
        %get3A_1245 = arith.index_cast %get3A_1244 : i32 to index
        %get3A_1246 = arith.index_cast %add3A_1215 : i32 to index
        %get3A_1247 = arith.constant 64 : index
        %get3A_1248 = tpu.vector_load %arg8[%get3A_1245, %get3A_1246, %get3A_1247] {strides = array<i32>} : memref<8x50x128xf32, #tpu.memory_space<vmem>>, vector<1x1x16xf32>,
        %get3A_1249 = vector.shape_cast %get3A_1248 : vector<1x1x16xf32> to vector<16xf32>
        %add3A_1250 = arith.addf %add3A_1190, %get3A_1249 : vector<16xf32>
        %get3A_1251 = arith.constant 7 : i32
        %get3A_1252 = arith.index_cast %get3A_1251 : i32 to index
        %get3A_1253 = arith.index_cast %add3A_1215 : i32 to index
        %get3A_1254 = arith.constant 80 : index
        %get3A_1255 = tpu.vector_load %arg8[%get3A_1252, %get3A_1253, %get3A_1254] {strides = array<i32>} : memref<8x50x128xf32, #tpu.memory_space<vmem>>, vector<1x1x16xf32>,
        %get3A_1256 = vector.shape_cast %get3A_1255 : vector<1x1x16xf32> to vector<16xf32>
        %add3A_1257 = arith.addf %add3A_1197, %get3A_1256 : vector<16xf32>
        %get3A_1258 = arith.constant 7 : i32
        %get3A_1259 = arith.index_cast %get3A_1258 : i32 to index
        %get3A_1260 = arith.index_cast %add3A_1215 : i32 to index
        %get3A_1261 = arith.constant 96 : index
        %get3A_1262 = tpu.vector_load %arg8[%get3A_1259, %get3A_1260, %get3A_1261] {strides = array<i32>} : memref<8x50x128xf32, #tpu.memory_space<vmem>>, vector<1x1x16xf32>,
        %get3A_1263 = vector.shape_cast %get3A_1262 : vector<1x1x16xf32> to vector<16xf32>
        %add3A_1264 = arith.addf %add3A_1204, %get3A_1263 : vector<16xf32>
        %get3A_1265 = arith.constant 7 : i32
        %get3A_1266 = arith.index_cast %get3A_1265 : i32 to index
        %get3A_1267 = arith.index_cast %add3A_1215 : i32 to index
        %get3A_1268 = arith.constant 112 : index
        %get3A_1269 = tpu.vector_load %arg8[%get3A_1266, %get3A_1267, %get3A_1268] {strides = array<i32>} : memref<8x50x128xf32, #tpu.memory_space<vmem>>, vector<1x1x16xf32>,
        %get3A_1270 = vector.shape_cast %get3A_1269 : vector<1x1x16xf32> to vector<16xf32>
        %add3A_1271 = arith.addf %add3A_1211, %get3A_1270 : vector<16xf32>
        %mul3A_1272 = arith.constant 5 : i32
        %mul3A_1273 = arith.muli %mul3A_1272, %scan3A_1023 : i32
        %add3A_1274 = arith.constant 4 : i32
        %add3A_1275 = arith.addi %mul3A_1273, %add3A_1274 : i32
        %get3A_1276 = arith.constant 7 : i32
        %get3A_1277 = arith.index_cast %get3A_1276 : i32 to index
        %get3A_1278 = arith.index_cast %add3A_1275 : i32 to index
        %get3A_1279 = arith.constant 0 : index
        %get3A_1280 = tpu.vector_load %arg8[%get3A_1277, %get3A_1278, %get3A_1279] {strides = array<i32>} : memref<8x50x128xf32, #tpu.memory_space<vmem>>, vector<1x1x16xf32>,
        %get3A_1281 = vector.shape_cast %get3A_1280 : vector<1x1x16xf32> to vector<16xf32>
        %add3A_1282 = arith.addf %add3A_1222, %get3A_1281 : vector<16xf32>
        %get3A_1283 = arith.constant 7 : i32
        %get3A_1284 = arith.index_cast %get3A_1283 : i32 to index
        %get3A_1285 = arith.index_cast %add3A_1275 : i32 to index
        %get3A_1286 = arith.constant 16 : index
        %get3A_1287 = tpu.vector_load %arg8[%get3A_1284, %get3A_1285, %get3A_1286] {strides = array<i32>} : memref<8x50x128xf32, #tpu.memory_space<vmem>>, vector<1x1x16xf32>,
        %get3A_1288 = vector.shape_cast %get3A_1287 : vector<1x1x16xf32> to vector<16xf32>
        %add3A_1289 = arith.addf %add3A_1229, %get3A_1288 : vector<16xf32>
        %get3A_1290 = arith.constant 7 : i32
        %get3A_1291 = arith.index_cast %get3A_1290 : i32 to index
        %get3A_1292 = arith.index_cast %add3A_1275 : i32 to index
        %get3A_1293 = arith.constant 32 : index
        %get3A_1294 = tpu.vector_load %arg8[%get3A_1291, %get3A_1292, %get3A_1293] {strides = array<i32>} : memref<8x50x128xf32, #tpu.memory_space<vmem>>, vector<1x1x16xf32>,
        %get3A_1295 = vector.shape_cast %get3A_1294 : vector<1x1x16xf32> to vector<16xf32>
        %add3A_1296 = arith.addf %add3A_1236, %get3A_1295 : vector<16xf32>
        %get3A_1297 = arith.constant 7 : i32
        %get3A_1298 = arith.index_cast %get3A_1297 : i32 to index
        %get3A_1299 = arith.index_cast %add3A_1275 : i32 to index
        %get3A_1300 = arith.constant 48 : index
        %get3A_1301 = tpu.vector_load %arg8[%get3A_1298, %get3A_1299, %get3A_1300] {strides = array<i32>} : memref<8x50x128xf32, #tpu.memory_space<vmem>>, vector<1x1x16xf32>,
        %get3A_1302 = vector.shape_cast %get3A_1301 : vector<1x1x16xf32> to vector<16xf32>
        %add3A_1303 = arith.addf %add3A_1243, %get3A_1302 : vector<16xf32>
        %get3A_1304 = arith.constant 7 : i32
        %get3A_1305 = arith.index_cast %get3A_1304 : i32 to index
        %get3A_1306 = arith.index_cast %add3A_1275 : i32 to index
        %get3A_1307 = arith.constant 64 : index
        %get3A_1308 = tpu.vector_load %arg8[%get3A_1305, %get3A_1306, %get3A_1307] {strides = array<i32>} : memref<8x50x128xf32, #tpu.memory_space<vmem>>, vector<1x1x16xf32>,
        %get3A_1309 = vector.shape_cast %get3A_1308 : vector<1x1x16xf32> to vector<16xf32>
        %add3A_1310 = arith.addf %add3A_1250, %get3A_1309 : vector<16xf32>
        %get3A_1311 = arith.constant 7 : i32
        %get3A_1312 = arith.index_cast %get3A_1311 : i32 to index
        %get3A_1313 = arith.index_cast %add3A_1275 : i32 to index
        %get3A_1314 = arith.constant 80 : index
        %get3A_1315 = tpu.vector_load %arg8[%get3A_1312, %get3A_1313, %get3A_1314] {strides = array<i32>} : memref<8x50x128xf32, #tpu.memory_space<vmem>>, vector<1x1x16xf32>,
        %get3A_1316 = vector.shape_cast %get3A_1315 : vector<1x1x16xf32> to vector<16xf32>
        %add3A_1317 = arith.addf %add3A_1257, %get3A_1316 : vector<16xf32>
        %get3A_1318 = arith.constant 7 : i32
        %get3A_1319 = arith.index_cast %get3A_1318 : i32 to index
        %get3A_1320 = arith.index_cast %add3A_1275 : i32 to index
        %get3A_1321 = arith.constant 96 : index
        %get3A_1322 = tpu.vector_load %arg8[%get3A_1319, %get3A_1320, %get3A_1321] {strides = array<i32>} : memref<8x50x128xf32, #tpu.memory_space<vmem>>, vector<1x1x16xf32>,
        %get3A_1323 = vector.shape_cast %get3A_1322 : vector<1x1x16xf32> to vector<16xf32>
        %add3A_1324 = arith.addf %add3A_1264, %get3A_1323 : vector<16xf32>
        %get3A_1325 = arith.constant 7 : i32
        %get3A_1326 = arith.index_cast %get3A_1325 : i32 to index
        %get3A_1327 = arith.index_cast %add3A_1275 : i32 to index
        %get3A_1328 = arith.constant 112 : index
        %get3A_1329 = tpu.vector_load %arg8[%get3A_1326, %get3A_1327, %get3A_1328] {strides = array<i32>} : memref<8x50x128xf32, #tpu.memory_space<vmem>>, vector<1x1x16xf32>,
        %get3A_1330 = vector.shape_cast %get3A_1329 : vector<1x1x16xf32> to vector<16xf32>
        %add3A_1331 = arith.addf %add3A_1271, %get3A_1330 : vector<16xf32>
        scf.yield %add3A_1282, %add3A_1289, %add3A_1296, %add3A_1303, %add3A_1310, %add3A_1317, %add3A_1324, %add3A_1331 : vector<16xf32>, vector<16xf32>, vector<16xf32>, vector<16xf32>, vector<16xf32>, vector<16xf32>, vector<16xf32>, vector<16xf32>
      }
      %scan3A_722 = arith.constant 10 : i32
      %jit3A_723 = arith.constant 4 : i32
      %div3A_724 = arith.divsi %mul3A_194, %jit3A_723 : i32
      %sign3A_725 = arith.constant 0 : i32
      %sign3A_726 = arith.cmpi sgt, %mul3A_194, %sign3A_725 : i32
      %sign3A_727 = arith.extui %sign3A_726 : i1 to i32
      %sign3A_728 = arith.constant 0 : i32
      %sign3A_729 = arith.cmpi slt, %mul3A_194, %sign3A_728 : i32
      %sign3A_730 = arith.extui %sign3A_729 : i1 to i32
      %sign3A_731 = arith.subi %sign3A_727, %sign3A_730 : i32
      %sign3A_732 = arith.constant 0 : i32
      %sign3A_733 = arith.cmpi sgt, %jit3A_723, %sign3A_732 : i32
      %sign3A_734 = arith.extui %sign3A_733 : i1 to i32
      %sign3A_735 = arith.constant 0 : i32
      %sign3A_736 = arith.cmpi slt, %jit3A_723, %sign3A_735 : i32
      %sign3A_737 = arith.extui %sign3A_736 : i1 to i32
      %sign3A_738 = arith.subi %sign3A_734, %sign3A_737 : i32
      %ne3A_739 = arith.cmpi ne, %sign3A_731, %sign3A_738 : i32
      %rem3A_740 = arith.remsi %mul3A_194, %jit3A_723 : i32
      %ne3A_741 = arith.constant 0 : i32
      %ne3A_742 = arith.cmpi ne, %rem3A_740, %ne3A_741 : i32
      %and3A_743 = arith.andi %ne3A_739, %ne3A_742 : i1
      %sub3A_744 = arith.constant 1 : i32
      %sub3A_745 = arith.subi %div3A_724, %sub3A_744 : i32
      %select_n3A_746 = arith.select %and3A_743, %sub3A_745, %div3A_724 : i32
      %add3A_747 = arith.constant 1 : i32
      %add3A_748 = arith.addi %select_n3A_746, %add3A_747 : i32
      %jit3A_749 = arith.constant 8 : i32
      %eq3A_750 = arith.constant 0 : i32
      %eq3A_751 = arith.cmpi eq, %jit3A_749, %eq3A_750 : i32
      %jit3A_752 = arith.constant 1 : i32
      %select_n3A_753 = arith.select %eq3A_751, %jit3A_752, %jit3A_749 : i32
      %rem3A_754 = arith.remsi %add3A_748, %select_n3A_753 : i32
      %ne3A_755 = arith.constant 0 : i32
      %ne3A_756 = arith.cmpi ne, %rem3A_754, %ne3A_755 : i32
      %lt3A_757 = arith.constant 0 : i32
      %lt3A_758 = arith.cmpi slt, %rem3A_754, %lt3A_757 : i32
      %lt3A_759 = arith.constant 0 : i32
      %lt3A_760 = arith.cmpi slt, %select_n3A_753, %lt3A_759 : i32
      %ne3A_761 = arith.xori %lt3A_758, %lt3A_760 : i1
      %and3A_762 = arith.andi %ne3A_761, %ne3A_756 : i1
      %add3A_763 = arith.addi %rem3A_754, %select_n3A_753 : i32
      %select_n3A_764 = arith.select %and3A_762, %add3A_763, %rem3A_754 : i32
      %eq3A_765 = arith.constant 0 : i32
      %eq3A_766 = arith.cmpi eq, %select_n3A_764, %eq3A_765 : i32
      %ge3A_767 = arith.constant 16 : i32
      %ge3A_768 = arith.cmpi sge, %add3A_748, %ge3A_767 : i32
      %and3A_769 = arith.andi %eq3A_766, %ge3A_768 : i1
      %convert_element_type3A_770 = arith.extui %and3A_769 : i1 to i32
      %cond3A_771 = arith.constant 0 : i32
      %cond3A_772 = arith.cmpi ne, %convert_element_type3A_770, %cond3A_771 : i32
      scf.if %cond3A_772 {
        %mul3A_1023 = arith.constant 128 : i32
        %mul3A_1024 = arith.muli %add3A, %mul3A_1023 : i32
        %multiple_of3A_1025 = tpu.assume_multiple %mul3A_1024, 8 : i32
        %dma_wait3A_1026 = arith.constant 0 : i32
        %dma_wait3A_1027 = arith.constant 0 : i32
        %dma_wait3A_1028 = arith.constant 0 : i32
        %dma_wait3A_1029 = tpu.memref_slice %arg9[%dma_wait3A_1026, %dma_wait3A_1027, %dma_wait3A_1028] : memref<2x8x16xf32, #tpu.memory_space<vmem>> -> memref<1x8x16xf32, #tpu.memory_space<vmem>>
        %dma_wait3A_1030 = tpu.memref_squeeze %dma_wait3A_1029 : memref<1x8x16xf32, #tpu.memory_space<vmem>> -> memref<8x16xf32, #tpu.memory_space<vmem>>
        %dma_wait3A_1031 = arith.constant 0 : i32
        %dma_wait3A_1032 = tpu.memref_slice %arg6[%multiple_of3A_1025, %dma_wait3A_1031] : memref<4096x16xf32, #tpu.memory_space<hbm>> -> memref<8x16xf32, #tpu.memory_space<hbm>>
        %dma_wait3A_1033 = arith.constant 0 : i32
        %dma_wait3A_1034 = tpu.memref_slice %arg6[%multiple_of3A_1025, %dma_wait3A_1033] : memref<4096x16xf32, #tpu.memory_space<hbm>> -> memref<8x16xf32, #tpu.memory_space<hbm>>
        %dma_wait3A_1035 = arith.constant 0 : i32
        %dma_wait3A_1036 = arith.constant 0 : i32
        %dma_wait3A_1037 = tpu.memref_slice %arg9[%dma_wait3A_1026, %dma_wait3A_1035, %dma_wait3A_1036] : memref<2x8x16xf32, #tpu.memory_space<vmem>> -> memref<1x8x16xf32, #tpu.memory_space<vmem>>
        %dma_wait3A_1038 = tpu.memref_squeeze %dma_wait3A_1037 : memref<1x8x16xf32, #tpu.memory_space<vmem>> -> memref<8x16xf32, #tpu.memory_space<vmem>>
        tpu.wait_dma2 semaphore(%arg20 : memref<!tpu.dma_semaphore, #tpu.memory_space<semaphore_mem>>) src(%dma_wait3A_1038 : memref<8x16xf32, #tpu.memory_space<vmem>>) dst(%dma_wait3A_1034 : memref<8x16xf32, #tpu.memory_space<hbm>>)
      } else {
      }
      %jit3A_773 = arith.constant 8 : i32
      %div3A_774 = arith.divsi %add3A_748, %jit3A_773 : i32
      %sign3A_775 = arith.constant 0 : i32
      %sign3A_776 = arith.cmpi sgt, %add3A_748, %sign3A_775 : i32
      %sign3A_777 = arith.extui %sign3A_776 : i1 to i32
      %sign3A_778 = arith.constant 0 : i32
      %sign3A_779 = arith.cmpi slt, %add3A_748, %sign3A_778 : i32
      %sign3A_780 = arith.extui %sign3A_779 : i1 to i32
      %sign3A_781 = arith.subi %sign3A_777, %sign3A_780 : i32
      %sign3A_782 = arith.constant 0 : i32
      %sign3A_783 = arith.cmpi sgt, %jit3A_773, %sign3A_782 : i32
      %sign3A_784 = arith.extui %sign3A_783 : i1 to i32
      %sign3A_785 = arith.constant 0 : i32
      %sign3A_786 = arith.cmpi slt, %jit3A_773, %sign3A_785 : i32
      %sign3A_787 = arith.extui %sign3A_786 : i1 to i32
      %sign3A_788 = arith.subi %sign3A_784, %sign3A_787 : i32
      %ne3A_789 = arith.cmpi ne, %sign3A_781, %sign3A_788 : i32
      %rem3A_790 = arith.remsi %add3A_748, %jit3A_773 : i32
      %ne3A_791 = arith.constant 0 : i32
      %ne3A_792 = arith.cmpi ne, %rem3A_790, %ne3A_791 : i32
      %and3A_793 = arith.andi %ne3A_789, %ne3A_792 : i1
      %sub3A_794 = arith.constant 1 : i32
      %sub3A_795 = arith.subi %div3A_774, %sub3A_794 : i32
      %select_n3A_796 = arith.select %and3A_793, %sub3A_795, %div3A_774 : i32
      %jit3A_797 = arith.constant 2 : i32
      %eq3A_798 = arith.constant 0 : i32
      %eq3A_799 = arith.cmpi eq, %jit3A_797, %eq3A_798 : i32
      %jit3A_800 = arith.constant 1 : i32
      %select_n3A_801 = arith.select %eq3A_799, %jit3A_800, %jit3A_797 : i32
      %rem3A_802 = arith.remsi %select_n3A_796, %select_n3A_801 : i32
      %ne3A_803 = arith.constant 0 : i32
      %ne3A_804 = arith.cmpi ne, %rem3A_802, %ne3A_803 : i32
      %lt3A_805 = arith.constant 0 : i32
      %lt3A_806 = arith.cmpi slt, %rem3A_802, %lt3A_805 : i32
      %lt3A_807 = arith.constant 0 : i32
      %lt3A_808 = arith.cmpi slt, %select_n3A_801, %lt3A_807 : i32
      %ne3A_809 = arith.xori %lt3A_806, %lt3A_808 : i1
      %and3A_810 = arith.andi %ne3A_809, %ne3A_804 : i1
      %add3A_811 = arith.addi %rem3A_802, %select_n3A_801 : i32
      %select_n3A_812 = arith.select %and3A_810, %add3A_811, %rem3A_802 : i32
      %jit3A_813 = arith.constant 8 : i32
      %eq3A_814 = arith.constant 0 : i32
      %eq3A_815 = arith.cmpi eq, %jit3A_813, %eq3A_814 : i32
      %jit3A_816 = arith.constant 1 : i32
      %select_n3A_817 = arith.select %eq3A_815, %jit3A_816, %jit3A_813 : i32
      %rem3A_818 = arith.remsi %add3A_748, %select_n3A_817 : i32
      %ne3A_819 = arith.constant 0 : i32
      %ne3A_820 = arith.cmpi ne, %rem3A_818, %ne3A_819 : i32
      %lt3A_821 = arith.constant 0 : i32
      %lt3A_822 = arith.cmpi slt, %rem3A_818, %lt3A_821 : i32
      %lt3A_823 = arith.constant 0 : i32
      %lt3A_824 = arith.cmpi slt, %select_n3A_817, %lt3A_823 : i32
      %ne3A_825 = arith.xori %lt3A_822, %lt3A_824 : i1
      %and3A_826 = arith.andi %ne3A_825, %ne3A_820 : i1
      %add3A_827 = arith.addi %rem3A_818, %select_n3A_817 : i32
      %select_n3A_828 = arith.select %and3A_826, %add3A_827, %rem3A_818 : i32
      %iota3A_829 = tpu.iota {dimensions = array<i32: 0>} : vector<16xi32>
      %broadcast_in_dim3A_830 = arith.constant 0.000000e+00 : f32
      %broadcast_in_dim3A_831 = vector.broadcast %broadcast_in_dim3A_830 : f32 to vector<16xf32>
      %mul3A_832 = arith.mulf %scan3A_721#0, %get3A_9 : vector<16xf32>
      %mul3A_833 = arith.mulf %scan3A_721#1, %get3A_14 : vector<16xf32>
      %add3A_834 = arith.addf %mul3A_832, %mul3A_833 : vector<16xf32>
      %mul3A_835 = arith.mulf %scan3A_721#2, %get3A_19 : vector<16xf32>
      %add3A_836 = arith.addf %add3A_834, %mul3A_835 : vector<16xf32>
      %mul3A_837 = arith.mulf %scan3A_721#3, %get3A_24 : vector<16xf32>
      %add3A_838 = arith.addf %add3A_836, %mul3A_837 : vector<16xf32>
      %mul3A_839 = arith.mulf %scan3A_721#4, %get3A_29 : vector<16xf32>
      %add3A_840 = arith.addf %add3A_838, %mul3A_839 : vector<16xf32>
      %mul3A_841 = arith.mulf %scan3A_721#5, %get3A_34 : vector<16xf32>
      %add3A_842 = arith.addf %add3A_840, %mul3A_841 : vector<16xf32>
      %mul3A_843 = arith.mulf %scan3A_721#6, %get3A_39 : vector<16xf32>
      %add3A_844 = arith.addf %add3A_842, %mul3A_843 : vector<16xf32>
      %mul3A_845 = arith.mulf %scan3A_721#7, %get3A_44 : vector<16xf32>
      %add3A_846 = arith.addf %add3A_844, %mul3A_845 : vector<16xf32>
      %xor3A_847 = arith.constant 8 : i32
      %xor3A_848 = vector.broadcast %xor3A_847 : i32 to vector<16xi32>
      %xor3A_849 = arith.xori %iota3A_829, %xor3A_848 : vector<16xi32>
      %lt3A_850 = arith.constant 0 : i32
      %lt3A_851 = vector.broadcast %lt3A_850 : i32 to vector<16xi32>
      %lt3A_852 = arith.cmpi slt, %xor3A_849, %lt3A_851 : vector<16xi32>
      %add3A_853 = arith.constant 16 : i32
      %add3A_854 = vector.broadcast %add3A_853 : i32 to vector<16xi32>
      %add3A_855 = arith.addi %xor3A_849, %add3A_854 : vector<16xi32>
      %select_n3A_856 = arith.select %lt3A_852, %add3A_855, %xor3A_849 : vector<16xi1>, vector<16xi32>
      %broadcast_in_dim3A_857 = vector.shape_cast %select_n3A_856 : vector<16xi32> to vector<16x1xi32>
      %gather3A_858 = vector.shape_cast %broadcast_in_dim3A_857 : vector<16x1xi32> to vector<16xi32>
      %gather3A_859 = tpu.dynamic_gather %add3A_846[%gather3A_858] in [0] : vector<16xf32>, vector<16xi32> -> vector<16xf32>
      %add3A_860 = arith.addf %add3A_846, %gather3A_859 : vector<16xf32>
      %xor3A_861 = arith.constant 4 : i32
      %xor3A_862 = vector.broadcast %xor3A_861 : i32 to vector<16xi32>
      %xor3A_863 = arith.xori %iota3A_829, %xor3A_862 : vector<16xi32>
      %lt3A_864 = arith.constant 0 : i32
      %lt3A_865 = vector.broadcast %lt3A_864 : i32 to vector<16xi32>
      %lt3A_866 = arith.cmpi slt, %xor3A_863, %lt3A_865 : vector<16xi32>
      %add3A_867 = arith.constant 16 : i32
      %add3A_868 = vector.broadcast %add3A_867 : i32 to vector<16xi32>
      %add3A_869 = arith.addi %xor3A_863, %add3A_868 : vector<16xi32>
      %select_n3A_870 = arith.select %lt3A_866, %add3A_869, %xor3A_863 : vector<16xi1>, vector<16xi32>
      %broadcast_in_dim3A_871 = vector.shape_cast %select_n3A_870 : vector<16xi32> to vector<16x1xi32>
      %gather3A_872 = vector.shape_cast %broadcast_in_dim3A_871 : vector<16x1xi32> to vector<16xi32>
      %gather3A_873 = tpu.dynamic_gather %add3A_860[%gather3A_872] in [0] : vector<16xf32>, vector<16xi32> -> vector<16xf32>
      %add3A_874 = arith.addf %add3A_860, %gather3A_873 : vector<16xf32>
      %xor3A_875 = arith.constant 2 : i32
      %xor3A_876 = vector.broadcast %xor3A_875 : i32 to vector<16xi32>
      %xor3A_877 = arith.xori %iota3A_829, %xor3A_876 : vector<16xi32>
      %lt3A_878 = arith.constant 0 : i32
      %lt3A_879 = vector.broadcast %lt3A_878 : i32 to vector<16xi32>
      %lt3A_880 = arith.cmpi slt, %xor3A_877, %lt3A_879 : vector<16xi32>
      %add3A_881 = arith.constant 16 : i32
      %add3A_882 = vector.broadcast %add3A_881 : i32 to vector<16xi32>
      %add3A_883 = arith.addi %xor3A_877, %add3A_882 : vector<16xi32>
      %select_n3A_884 = arith.select %lt3A_880, %add3A_883, %xor3A_877 : vector<16xi1>, vector<16xi32>
      %broadcast_in_dim3A_885 = vector.shape_cast %select_n3A_884 : vector<16xi32> to vector<16x1xi32>
      %gather3A_886 = vector.shape_cast %broadcast_in_dim3A_885 : vector<16x1xi32> to vector<16xi32>
      %gather3A_887 = tpu.dynamic_gather %add3A_874[%gather3A_886] in [0] : vector<16xf32>, vector<16xi32> -> vector<16xf32>
      %add3A_888 = arith.addf %add3A_874, %gather3A_887 : vector<16xf32>
      %xor3A_889 = arith.constant 1 : i32
      %xor3A_890 = vector.broadcast %xor3A_889 : i32 to vector<16xi32>
      %xor3A_891 = arith.xori %iota3A_829, %xor3A_890 : vector<16xi32>
      %lt3A_892 = arith.constant 0 : i32
      %lt3A_893 = vector.broadcast %lt3A_892 : i32 to vector<16xi32>
      %lt3A_894 = arith.cmpi slt, %xor3A_891, %lt3A_893 : vector<16xi32>
      %add3A_895 = arith.constant 16 : i32
      %add3A_896 = vector.broadcast %add3A_895 : i32 to vector<16xi32>
      %add3A_897 = arith.addi %xor3A_891, %add3A_896 : vector<16xi32>
      %select_n3A_898 = arith.select %lt3A_894, %add3A_897, %xor3A_891 : vector<16xi1>, vector<16xi32>
      %broadcast_in_dim3A_899 = vector.shape_cast %select_n3A_898 : vector<16xi32> to vector<16x1xi32>
      %gather3A_900 = vector.shape_cast %broadcast_in_dim3A_899 : vector<16x1xi32> to vector<16xi32>
      %gather3A_901 = tpu.dynamic_gather %add3A_888[%gather3A_900] in [0] : vector<16xf32>, vector<16xi32> -> vector<16xf32>
      %add3A_902 = arith.addf %add3A_888, %gather3A_901 : vector<16xf32>
      %mul3A_903 = arith.constant 5.000000e-03 : f32
      %mul3A_904 = vector.broadcast %mul3A_903 : f32 to vector<16xf32>
      %mul3A_905 = arith.mulf %add3A_902, %mul3A_904 : vector<16xf32>
      %slice3A_906 = vector.extract_strided_slice %get3A_4 {offsets = [0], sizes = [1], strides = [1]} : vector<16xf32> to vector<1xf32>
      %squeeze3A_907 = vector.extract %slice3A_906[0] : f32 from vector<1xf32>
      %add3A_908 = vector.broadcast %squeeze3A_907 : f32 to vector<16xf32>
      %add3A_909 = arith.addf %mul3A_905, %add3A_908 : vector<16xf32>
      %eq3A_910 = arith.constant 0 : i32
      %eq3A_911 = vector.broadcast %eq3A_910 : i32 to vector<16xi32>
      %eq3A_912 = arith.cmpi eq, %iota3A_829, %eq3A_911 : vector<16xi32>
      %select_n3A_913 = arith.select %eq3A_912, %add3A_909, %broadcast_in_dim3A_831 : vector<16xi1>, vector<16xf32>
      %mul3A_914 = arith.mulf %scan3A_721#0, %get3A_49 : vector<16xf32>
      %mul3A_915 = arith.mulf %scan3A_721#1, %get3A_54 : vector<16xf32>
      %add3A_916 = arith.addf %mul3A_914, %mul3A_915 : vector<16xf32>
      %mul3A_917 = arith.mulf %scan3A_721#2, %get3A_59 : vector<16xf32>
      %add3A_918 = arith.addf %add3A_916, %mul3A_917 : vector<16xf32>
      %mul3A_919 = arith.mulf %scan3A_721#3, %get3A_64 : vector<16xf32>
      %add3A_920 = arith.addf %add3A_918, %mul3A_919 : vector<16xf32>
      %mul3A_921 = arith.mulf %scan3A_721#4, %get3A_69 : vector<16xf32>
      %add3A_922 = arith.addf %add3A_920, %mul3A_921 : vector<16xf32>
      %mul3A_923 = arith.mulf %scan3A_721#5, %get3A_74 : vector<16xf32>
      %add3A_924 = arith.addf %add3A_922, %mul3A_923 : vector<16xf32>
      %mul3A_925 = arith.mulf %scan3A_721#6, %get3A_79 : vector<16xf32>
      %add3A_926 = arith.addf %add3A_924, %mul3A_925 : vector<16xf32>
      %mul3A_927 = arith.mulf %scan3A_721#7, %get3A_84 : vector<16xf32>
      %add3A_928 = arith.addf %add3A_926, %mul3A_927 : vector<16xf32>
      %xor3A_929 = arith.constant 8 : i32
      %xor3A_930 = vector.broadcast %xor3A_929 : i32 to vector<16xi32>
      %xor3A_931 = arith.xori %iota3A_829, %xor3A_930 : vector<16xi32>
      %lt3A_932 = arith.constant 0 : i32
      %lt3A_933 = vector.broadcast %lt3A_932 : i32 to vector<16xi32>
      %lt3A_934 = arith.cmpi slt, %xor3A_931, %lt3A_933 : vector<16xi32>
      %add3A_935 = arith.constant 16 : i32
      %add3A_936 = vector.broadcast %add3A_935 : i32 to vector<16xi32>
      %add3A_937 = arith.addi %xor3A_931, %add3A_936 : vector<16xi32>
      %select_n3A_938 = arith.select %lt3A_934, %add3A_937, %xor3A_931 : vector<16xi1>, vector<16xi32>
      %broadcast_in_dim3A_939 = vector.shape_cast %select_n3A_938 : vector<16xi32> to vector<16x1xi32>
      %gather3A_940 = vector.shape_cast %broadcast_in_dim3A_939 : vector<16x1xi32> to vector<16xi32>
      %gather3A_941 = tpu.dynamic_gather %add3A_928[%gather3A_940] in [0] : vector<16xf32>, vector<16xi32> -> vector<16xf32>
      %add3A_942 = arith.addf %add3A_928, %gather3A_941 : vector<16xf32>
      %xor3A_943 = arith.constant 4 : i32
      %xor3A_944 = vector.broadcast %xor3A_943 : i32 to vector<16xi32>
      %xor3A_945 = arith.xori %iota3A_829, %xor3A_944 : vector<16xi32>
      %lt3A_946 = arith.constant 0 : i32
      %lt3A_947 = vector.broadcast %lt3A_946 : i32 to vector<16xi32>
      %lt3A_948 = arith.cmpi slt, %xor3A_945, %lt3A_947 : vector<16xi32>
      %add3A_949 = arith.constant 16 : i32
      %add3A_950 = vector.broadcast %add3A_949 : i32 to vector<16xi32>
      %add3A_951 = arith.addi %xor3A_945, %add3A_950 : vector<16xi32>
      %select_n3A_952 = arith.select %lt3A_948, %add3A_951, %xor3A_945 : vector<16xi1>, vector<16xi32>
      %broadcast_in_dim3A_953 = vector.shape_cast %select_n3A_952 : vector<16xi32> to vector<16x1xi32>
      %gather3A_954 = vector.shape_cast %broadcast_in_dim3A_953 : vector<16x1xi32> to vector<16xi32>
      %gather3A_955 = tpu.dynamic_gather %add3A_942[%gather3A_954] in [0] : vector<16xf32>, vector<16xi32> -> vector<16xf32>
      %add3A_956 = arith.addf %add3A_942, %gather3A_955 : vector<16xf32>
      %xor3A_957 = arith.constant 2 : i32
      %xor3A_958 = vector.broadcast %xor3A_957 : i32 to vector<16xi32>
      %xor3A_959 = arith.xori %iota3A_829, %xor3A_958 : vector<16xi32>
      %lt3A_960 = arith.constant 0 : i32
      %lt3A_961 = vector.broadcast %lt3A_960 : i32 to vector<16xi32>
      %lt3A_962 = arith.cmpi slt, %xor3A_959, %lt3A_961 : vector<16xi32>
      %add3A_963 = arith.constant 16 : i32
      %add3A_964 = vector.broadcast %add3A_963 : i32 to vector<16xi32>
      %add3A_965 = arith.addi %xor3A_959, %add3A_964 : vector<16xi32>
      %select_n3A_966 = arith.select %lt3A_962, %add3A_965, %xor3A_959 : vector<16xi1>, vector<16xi32>
      %broadcast_in_dim3A_967 = vector.shape_cast %select_n3A_966 : vector<16xi32> to vector<16x1xi32>
      %gather3A_968 = vector.shape_cast %broadcast_in_dim3A_967 : vector<16x1xi32> to vector<16xi32>
      %gather3A_969 = tpu.dynamic_gather %add3A_956[%gather3A_968] in [0] : vector<16xf32>, vector<16xi32> -> vector<16xf32>
      %add3A_970 = arith.addf %add3A_956, %gather3A_969 : vector<16xf32>
      %xor3A_971 = arith.constant 1 : i32
      %xor3A_972 = vector.broadcast %xor3A_971 : i32 to vector<16xi32>
      %xor3A_973 = arith.xori %iota3A_829, %xor3A_972 : vector<16xi32>
      %lt3A_974 = arith.constant 0 : i32
      %lt3A_975 = vector.broadcast %lt3A_974 : i32 to vector<16xi32>
      %lt3A_976 = arith.cmpi slt, %xor3A_973, %lt3A_975 : vector<16xi32>
      %add3A_977 = arith.constant 16 : i32
      %add3A_978 = vector.broadcast %add3A_977 : i32 to vector<16xi32>
      %add3A_979 = arith.addi %xor3A_973, %add3A_978 : vector<16xi32>
      %select_n3A_980 = arith.select %lt3A_976, %add3A_979, %xor3A_973 : vector<16xi1>, vector<16xi32>
      %broadcast_in_dim3A_981 = vector.shape_cast %select_n3A_980 : vector<16xi32> to vector<16x1xi32>
      %gather3A_982 = vector.shape_cast %broadcast_in_dim3A_981 : vector<16x1xi32> to vector<16xi32>
      %gather3A_983 = tpu.dynamic_gather %add3A_970[%gather3A_982] in [0] : vector<16xf32>, vector<16xi32> -> vector<16xf32>
      %add3A_984 = arith.addf %add3A_970, %gather3A_983 : vector<16xf32>
      %mul3A_985 = arith.constant 5.000000e-03 : f32
      %mul3A_986 = vector.broadcast %mul3A_985 : f32 to vector<16xf32>
      %mul3A_987 = arith.mulf %add3A_984, %mul3A_986 : vector<16xf32>
      %slice3A_988 = vector.extract_strided_slice %get3A_4 {offsets = [1], sizes = [1], strides = [1]} : vector<16xf32> to vector<1xf32>
      %squeeze3A_989 = vector.extract %slice3A_988[0] : f32 from vector<1xf32>
      %add3A_990 = vector.broadcast %squeeze3A_989 : f32 to vector<16xf32>
      %add3A_991 = arith.addf %mul3A_987, %add3A_990 : vector<16xf32>
      %eq3A_992 = arith.constant 1 : i32
      %eq3A_993 = vector.broadcast %eq3A_992 : i32 to vector<16xi32>
      %eq3A_994 = arith.cmpi eq, %iota3A_829, %eq3A_993 : vector<16xi32>
      %select_n3A_995 = arith.select %eq3A_994, %add3A_991, %select_n3A_913 : vector<16xi1>, vector<16xf32>
      %swap3A_996 = arith.index_cast %select_n3A_812 : i32 to index
      %swap3A_997 = arith.index_cast %select_n3A_828 : i32 to index
      %swap3A_998 = arith.constant 0 : index
      %swap3A_999 = tpu.vector_load %arg9[%swap3A_996, %swap3A_997, %swap3A_998] {strides = array<i32>} : memref<2x8x16xf32, #tpu.memory_space<vmem>>, vector<1x1x16xf32>,
      %swap3A_1000 = vector.shape_cast %swap3A_999 : vector<1x1x16xf32> to vector<16xf32>
      %swap3A_1001 = vector.shape_cast %select_n3A_995 : vector<16xf32> to vector<1x1x16xf32>
      tpu.vector_store %arg9[%swap3A_996, %swap3A_997, %swap3A_998], %swap3A_1001 {strides = array<i32>} : memref<2x8x16xf32, #tpu.memory_space<vmem>>, vector<1x1x16xf32>,
      %jit3A_1002 = arith.constant 8 : i32
      %eq3A_1003 = arith.constant 0 : i32
      %eq3A_1004 = arith.cmpi eq, %jit3A_1002, %eq3A_1003 : i32
      %jit3A_1005 = arith.constant 1 : i32
      %select_n3A_1006 = arith.select %eq3A_1004, %jit3A_1005, %jit3A_1002 : i32
      %rem3A_1007 = arith.remsi %add3A_748, %select_n3A_1006 : i32
      %ne3A_1008 = arith.constant 0 : i32
      %ne3A_1009 = arith.cmpi ne, %rem3A_1007, %ne3A_1008 : i32
      %lt3A_1010 = arith.constant 0 : i32
      %lt3A_1011 = arith.cmpi slt, %rem3A_1007, %lt3A_1010 : i32
      %lt3A_1012 = arith.constant 0 : i32
      %lt3A_1013 = arith.cmpi slt, %select_n3A_1006, %lt3A_1012 : i32
      %ne3A_1014 = arith.xori %lt3A_1011, %lt3A_1013 : i1
      %and3A_1015 = arith.andi %ne3A_1014, %ne3A_1009 : i1
      %add3A_1016 = arith.addi %rem3A_1007, %select_n3A_1006 : i32
      %select_n3A_1017 = arith.select %and3A_1015, %add3A_1016, %rem3A_1007 : i32
      %eq3A_1018 = arith.constant 7 : i32
      %eq3A_1019 = arith.cmpi eq, %select_n3A_1017, %eq3A_1018 : i32
      %convert_element_type3A_1020 = arith.extui %eq3A_1019 : i1 to i32
      %cond3A_1021 = arith.constant 0 : i32
      %cond3A_1022 = arith.cmpi ne, %convert_element_type3A_1020, %cond3A_1021 : i32
      scf.if %cond3A_1022 {
        %mul3A_1023 = arith.constant 128 : i32
        %mul3A_1024 = arith.muli %add3A, %mul3A_1023 : i32
        %add3A_1025 = arith.addi %mul3A_1024, %add3A_748 : i32
        %sub3A_1026 = arith.constant 7 : i32
        %sub3A_1027 = arith.subi %add3A_1025, %sub3A_1026 : i32
        %multiple_of3A_1028 = tpu.assume_multiple %sub3A_1027, 8 : i32
        %dma_start3A_1029 = arith.constant 0 : i32
        %dma_start3A_1030 = arith.constant 0 : i32
        %dma_start3A_1031 = tpu.memref_slice %arg9[%select_n3A_812, %dma_start3A_1029, %dma_start3A_1030] : memref<2x8x16xf32, #tpu.memory_space<vmem>> -> memref<1x8x16xf32, #tpu.memory_space<vmem>>
        %dma_start3A_1032 = tpu.memref_squeeze %dma_start3A_1031 : memref<1x8x16xf32, #tpu.memory_space<vmem>> -> memref<8x16xf32, #tpu.memory_space<vmem>>
        %dma_start3A_1033 = arith.constant 0 : i32
        %dma_start3A_1034 = tpu.memref_slice %arg6[%multiple_of3A_1028, %dma_start3A_1033] : memref<4096x16xf32, #tpu.memory_space<hbm>> -> memref<8x16xf32, #tpu.memory_space<hbm>>
        %dma_start3A_1035 = arith.constant 0 : i32
        %dma_start3A_1036 = tpu.memref_slice %arg6[%multiple_of3A_1028, %dma_start3A_1035] : memref<4096x16xf32, #tpu.memory_space<hbm>> -> memref<8x16xf32, #tpu.memory_space<hbm>>
        %dma_start3A_1037 = arith.constant 0 : i32
        %dma_start3A_1038 = arith.constant 0 : i32
        %dma_start3A_1039 = tpu.memref_slice %arg9[%select_n3A_812, %dma_start3A_1037, %dma_start3A_1038] : memref<2x8x16xf32, #tpu.memory_space<vmem>> -> memref<1x8x16xf32, #tpu.memory_space<vmem>>
        %dma_start3A_1040 = tpu.memref_squeeze %dma_start3A_1039 : memref<1x8x16xf32, #tpu.memory_space<vmem>> -> memref<8x16xf32, #tpu.memory_space<vmem>>
        tpu.enqueue_dma source(%dma_start3A_1040 : memref<8x16xf32, #tpu.memory_space<vmem>>) target(%dma_start3A_1036 : memref<8x16xf32, #tpu.memory_space<hbm>>) target_semaphore(%arg20 : memref<!tpu.dma_semaphore, #tpu.memory_space<semaphore_mem>>)
      } else {
      }
    }
    %scan3A_160 = arith.constant 64 : i32
    %mul3A_161 = arith.constant 128 : i32
    %mul3A_162 = arith.muli %add3A, %mul3A_161 : i32
    %multiple_of3A_163 = tpu.assume_multiple %mul3A_162, 8 : i32
    %dma_wait3A = arith.constant 0 : i32
    %dma_wait3A_164 = arith.constant 0 : i32
    %dma_wait3A_165 = arith.constant 0 : i32
    %dma_wait3A_166 = tpu.memref_slice %arg9[%dma_wait3A, %dma_wait3A_164, %dma_wait3A_165] : memref<2x8x16xf32, #tpu.memory_space<vmem>> -> memref<1x8x16xf32, #tpu.memory_space<vmem>>
    %dma_wait3A_167 = tpu.memref_squeeze %dma_wait3A_166 : memref<1x8x16xf32, #tpu.memory_space<vmem>> -> memref<8x16xf32, #tpu.memory_space<vmem>>
    %dma_wait3A_168 = arith.constant 0 : i32
    %dma_wait3A_169 = tpu.memref_slice %arg6[%multiple_of3A_163, %dma_wait3A_168] : memref<4096x16xf32, #tpu.memory_space<hbm>> -> memref<8x16xf32, #tpu.memory_space<hbm>>
    %dma_wait3A_170 = arith.constant 0 : i32
    %dma_wait3A_171 = tpu.memref_slice %arg6[%multiple_of3A_163, %dma_wait3A_170] : memref<4096x16xf32, #tpu.memory_space<hbm>> -> memref<8x16xf32, #tpu.memory_space<hbm>>
    %dma_wait3A_172 = arith.constant 0 : i32
    %dma_wait3A_173 = arith.constant 0 : i32
    %dma_wait3A_174 = tpu.memref_slice %arg9[%dma_wait3A, %dma_wait3A_172, %dma_wait3A_173] : memref<2x8x16xf32, #tpu.memory_space<vmem>> -> memref<1x8x16xf32, #tpu.memory_space<vmem>>
    %dma_wait3A_175 = tpu.memref_squeeze %dma_wait3A_174 : memref<1x8x16xf32, #tpu.memory_space<vmem>> -> memref<8x16xf32, #tpu.memory_space<vmem>>
    tpu.wait_dma2 semaphore(%arg20 : memref<!tpu.dma_semaphore, #tpu.memory_space<semaphore_mem>>) src(%dma_wait3A_175 : memref<8x16xf32, #tpu.memory_space<vmem>>) dst(%dma_wait3A_171 : memref<8x16xf32, #tpu.memory_space<hbm>>)
    %mul3A_176 = arith.constant 128 : i32
    %mul3A_177 = arith.muli %add3A, %mul3A_176 : i32
    %multiple_of3A_178 = tpu.assume_multiple %mul3A_177, 8 : i32
    %dma_wait3A_179 = arith.constant 0 : i32
    %dma_wait3A_180 = arith.constant 0 : i32
    %dma_wait3A_181 = arith.constant 0 : i32
    %dma_wait3A_182 = tpu.memref_slice %arg9[%dma_wait3A_179, %dma_wait3A_180, %dma_wait3A_181] : memref<2x8x16xf32, #tpu.memory_space<vmem>> -> memref<1x8x16xf32, #tpu.memory_space<vmem>>
    %dma_wait3A_183 = tpu.memref_squeeze %dma_wait3A_182 : memref<1x8x16xf32, #tpu.memory_space<vmem>> -> memref<8x16xf32, #tpu.memory_space<vmem>>
    %dma_wait3A_184 = arith.constant 0 : i32
    %dma_wait3A_185 = tpu.memref_slice %arg6[%multiple_of3A_178, %dma_wait3A_184] : memref<4096x16xf32, #tpu.memory_space<hbm>> -> memref<8x16xf32, #tpu.memory_space<hbm>>
    %dma_wait3A_186 = arith.constant 0 : i32
    %dma_wait3A_187 = tpu.memref_slice %arg6[%multiple_of3A_178, %dma_wait3A_186] : memref<4096x16xf32, #tpu.memory_space<hbm>> -> memref<8x16xf32, #tpu.memory_space<hbm>>
    %dma_wait3A_188 = arith.constant 0 : i32
    %dma_wait3A_189 = arith.constant 0 : i32
    %dma_wait3A_190 = tpu.memref_slice %arg9[%dma_wait3A_179, %dma_wait3A_188, %dma_wait3A_189] : memref<2x8x16xf32, #tpu.memory_space<vmem>> -> memref<1x8x16xf32, #tpu.memory_space<vmem>>
    %dma_wait3A_191 = tpu.memref_squeeze %dma_wait3A_190 : memref<1x8x16xf32, #tpu.memory_space<vmem>> -> memref<8x16xf32, #tpu.memory_space<vmem>>
    tpu.wait_dma2 semaphore(%arg20 : memref<!tpu.dma_semaphore, #tpu.memory_space<semaphore_mem>>) src(%dma_wait3A_191 : memref<8x16xf32, #tpu.memory_space<vmem>>) dst(%dma_wait3A_187 : memref<8x16xf32, #tpu.memory_space<hbm>>)
    return
  }
}

</mosaic_0001>

<sc_bundles>
// kernel: kernel.3.cloned.1.call-start
scs
__scs_entry_jumppad:
0x0: {  	(pc) =	sbr.rel $0x88, $3  }
0x1: {  	(tag) =	ssettag $0x0;
	lr =	simm.s32 $0x1  }
0x2: {  	[smem:$0x3F9D] =	sst lr;
	_ =	strace $0xD0000000  }
0x3: {  	_ = 	snop  }
0x4: {  	_ = 	snop  }
0x5: {  	_ = 	snop  }
0x6: {  	_ = 	snop  }
0x7: {  	_ = 	snop  }
__scs_overlays_trampoline_lowered:
0x8: {  	[smem:$0x3FAC] =	sst s0  }
0x9: {  	[smem:$0x3FAD] =	sst s1  }
0xa: {  	[smem:$0x3FAE] =	sst s2  }
0xb: {  	[smem:$0x3FAF] =	sst s3  }
0xc: {  	[smem:$0x3FB0] =	sst s4  }
0xd: {  	[smem:$0x3FB1] =	sst s5  }
0xe: {  	[smem:$0x3FB2] =	sst s6  }
0xf: {  	[smem:$0x3FB3] =	sst s7  }
0x10: {  	[smem:$0x3FB4] =	sst s8  }
0x11: {  	[smem:$0x3FB5] =	sst s9;
	s0 =	simm.s32 @!p0 $0x0  }
0x12: {  	s1 =	sld [smem:$0x3F9B];
	s0 =	simm.s32 @p0 $0x1  }
0x13: {  	[smem:$0x3FB6] =	sst s0;
	s0 =	simm.s32 @!p1 $0x0  }
0x14: {  	s2 =	sld [smem:$0x3F9A];
	s0 =	simm.s32 @p1 $0x1  }
0x15: {  	[smem:$0x3FB7] =	sst s0;
	s0 =	simm.s32 @!p2 $0x0  }
0x16: {  	s3 =	sld [smem:$0x3FDB];
	s0 =	simm.s32 @p2 $0x1  }
0x17: {  	s4 =	simm.s32 $0x1BF5;
	[smem:$0x3FB9] =	sst s0  }
0x18: {  	s0 =	sld [smem:$0x3F9C];
	_ =	swait.ge [sflag:s4], $0x0  }
0x19: {  	s7 =	sld [smem:$0x3F9D]  }
0x1a: {  	s8 =	sadd.s32 $0xFFFFE003, lr  }
0x1b: {  	s9 =	sadd.s32 $0xFFFFFEF7, lr;
	s5 =	simm.s32 $0xFFFFFFFF;
	p2 =	slt.u32 s8, $0xFFFFF086  }
0x1c: {  	p1 =	slt.u32 s9, $0xF7A;
	s5 =	simm.s32 @!p2 $0x0  }
0x1d: {  	s5 =	simm.s32 @p1 $0x1;
	p0 =	seq.s32 s7, s2  }
0x1e: {  	s7 =	smul.u32 @!p0 $0xF7A, s2;
	p2 =	seq.s32 @!p0 s5, $0x0  }
0x1f: {  	s9 =	smul.u32 $0xF7A, s1;
	s8 =	simm.s32 @!p0 $0x1BF5;
	p2 =	por !p2, p0  }
0x20: {  	[sflag:s8] =	ssyncset.s32 @!p0 $0xFFFFF086;
	s6 =	sadd.s32 @!p0 s3, s7;
	s7 =	simm.s32 @!p0 $0x108  }
0x21: {  	s3 =	sadd.s32 s3, s9;
	s6 =	sadd.s32 @!p0 $0x88, s6;
	s7 =	simm.s32 @p2 $0x1082  }
0x22: {  	[simem:s7], [sflag:s8] =	dma.local @!p0 [hbm:s6], $0xF7A  }
0x23: {  	s9 =	sor.u32 $0xD0000000, s2;
	s6 =	simm.s32 $0x108;
	_ =	swait.ge @!p0 [sflag:s8], $0x0  }
0x24: {  	s3 =	sadd.s32 $0x88, s3;
	s6 =	simm.s32 @!p1 $0x1082;
	[sflag:s4] =	ssyncset.s32 $0xFFFFF086  }
0x25: {  	[simem:s6], [sflag:s4] =	dma.local [hbm:s3], $0xF7A  }
0x26: {  	[smem:$0x3F9D] =	sst s1;
	(tag) =	ssettag s2;
	_ =	strace s9  }
0x27: {  	s1 =	sld [smem:$0x3FAD]  }
0x28: {  	s2 =	sld [smem:$0x3FAE]  }
0x29: {  	s4 =	sld [smem:$0x3FB0]  }
0x2a: {  	p0 =	seq.s32 s5, $0x0;
	s5 =	sld [smem:$0x3FB1]  }
0x2b: {  	s6 =	sld [smem:$0x3FB2]  }
0x2c: {  	s7 =	sld [smem:$0x3FB3]  }
0x2d: {  	s3 =	simm.s32 $0x108;
	s8 =	sld [smem:$0x3FB4]  }
0x2e: {  	s3 =	simm.s32 @!p0 $0x1082;
	s9 =	sld [smem:$0x3FB5]  }
0x2f: {  	lr =	sadd.s32 s0, s3;
	s0 =	sld [smem:$0x3FAC]  }
0x30: {  	s3 =	sld [smem:$0x3FAF]  }
0x31: {  	[smem:$0x3FB8] =	sst s10  }
0x32: {  	s10 =	sld [smem:$0x3FB6];
	_ =	sdelay $0x3  }
0x33: {  	p0 =	seq.s32 s10, $0x1;
	s10 =	sld [smem:$0x3FB8];
	_ =	sdelay $0x3  }
0x34: {  	[smem:$0x3FB8] =	sst s10  }
0x35: {  	s10 =	sld [smem:$0x3FB7];
	_ =	sdelay $0x3  }
0x36: {  	p1 =	seq.s32 s10, $0x1;
	s10 =	sld [smem:$0x3FB8];
	_ =	sdelay $0x3  }
0x37: {  	[smem:$0x3FB8] =	sst s10  }
0x38: {  	s10 =	sld [smem:$0x3FB9]  }
0x39: {  	_ = 	snop;
	(pc) =	sbr.ind lr, $3  }
0x3a: {  	_ = 	snop  }
0x3b: {  	_ = 	snop  }
0x3c: {  	p2 =	seq.s32 s10, $0x1;
	s10 =	sld [smem:$0x3FB8]  }
0x3d: {  	_ =	shalt  }
0x3e: {  	_ =	shalt  }
0x3f: {  	_ =	shalt  }
0x40: {  	_ =	shalt  }
0x41: {  	_ =	shalt  }
0x42: {  	_ =	shalt  }
0x43: {  	_ =	shalt  }
0x44: {  	_ =	shalt  }
0x45: {  	_ =	shalt  }
0x46: {  	_ =	shalt  }
0x47: {  	_ =	shalt  }
0x48: {  	_ =	shalt  }
0x49: {  	_ =	shalt  }
0x4a: {  	_ =	shalt  }
0x4b: {  	_ =	shalt  }
0x4c: {  	_ =	shalt  }
0x4d: {  	_ =	shalt  }
0x4e: {  	_ =	shalt  }
0x4f: {  	_ =	shalt  }
0x50: {  	_ =	shalt  }
0x51: {  	_ =	shalt  }
0x52: {  	_ =	shalt  }
0x53: {  	_ =	shalt  }
0x54: {  	_ =	shalt  }
0x55: {  	_ =	shalt  }
0x56: {  	_ =	shalt  }
0x57: {  	_ =	shalt  }
0x58: {  	_ =	shalt  }
0x59: {  	_ =	shalt  }
0x5a: {  	_ =	shalt  }
0x5b: {  	_ =	shalt  }
0x5c: {  	_ =	shalt  }
0x5d: {  	_ =	shalt  }
0x5e: {  	_ =	shalt  }
0x5f: {  	_ =	shalt  }
0x60: {  	_ =	shalt  }
0x61: {  	_ =	shalt  }
0x62: {  	_ =	shalt  }
0x63: {  	_ =	shalt  }
0x64: {  	_ =	shalt  }
0x65: {  	_ =	shalt  }
0x66: {  	_ =	shalt  }
0x67: {  	_ =	shalt  }
0x68: {  	_ =	shalt  }
0x69: {  	_ =	shalt  }
0x6a: {  	_ =	shalt  }
0x6b: {  	_ =	shalt  }
0x6c: {  	_ =	shalt  }
0x6d: {  	_ =	shalt  }
0x6e: {  	_ =	shalt  }
0x6f: {  	_ =	shalt  }
0x70: {  	_ =	shalt  }
0x71: {  	_ =	shalt  }
0x72: {  	_ =	shalt  }
0x73: {  	_ =	shalt  }
0x74: {  	_ =	shalt  }
0x75: {  	_ =	shalt  }
0x76: {  	_ =	shalt  }
0x77: {  	_ =	shalt  }
0x78: {  	_ =	shalt  }
0x79: {  	_ =	shalt  }
0x7a: {  	_ =	shalt  }
0x7b: {  	_ =	shalt  }
0x7c: {  	_ =	shalt  }
0x7d: {  	_ =	shalt  }
0x7e: {  	_ =	shalt  }
0x7f: {  	_ =	shalt  }
0x80: {  	_ =	shalt  }
0x81: {  	_ =	shalt  }
0x82: {  	_ =	shalt  }
0x83: {  	_ =	shalt  }
0x84: {  	_ =	shalt  }
0x85: {  	_ =	shalt  }
0x86: {  	_ =	shalt  }
0x87: {  	_ =	shalt  }
.Lfunc_end0:
.L_simem_size_0:
called_computation_lowered:
.L_overlay_start_0:
0x88: {  	s2 =	sld [smem:$0x3FD9]  }
0x89: {  	s3 =	sld [smem:$0x3FFE];
	_ =	sdelay $0x1  }
0x8a: {  	s1 =	srdreg.scid  }
0x8b: {  	s0 =	sand.u32 $0x1, s1  }
0x8c: {  	s17 =	sshll.u32 s0, $0xA;
	s2 =	sadd.s32 s3, s2  }
0x8d: {  	s2 =	sadd.s32 s2, s17  }
0x8e: {  	[smem:$0x3FC4] =	sst s2  }
0x8f: {  	_ = 	snop  }
0x90: {  	s2 =	sld [smem:$0x3FC8]  }
0x91: {  	s18 =	sld [smem:$0x3FC7]  }
0x92: {  	s4 =	sld [smem:$0x3FD0];
	(tm) =	ssettm $0x1  }
0x93: {  	s5 =	sld [smem:$0x3FFB];
	_ =	sdelay $0x3  }
0x94: {  	_ =	strace s5  }
0x95: {  	s5 =	sld [smem:$0x3FFC];
	_ =	sdelay $0x3  }
0x96: {  	_ =	strace s5  }
0x97: {  	s5 =	sld [smem:$0x3FFD];
	_ =	sdelay $0x3  }
0x98: {  	_ =	strace s5  }
0x99: {  	_ =	strace $0x8FFFFFFF  }
0x9a: {  	s19 =	sld [smem:$0x3FDB];
	_ =	sdelay $0x1  }
0x9b: {  	s6 =	simm.s32 $_scs_section_size  }
0x9c: {  	s7 =	simm.s32 $_size__tile_overlayer_lowered;
	s8 =	simm.s32 $_tile_overlayer_lowered  }
0x9d: {  	s22 =	simm.s32 $0x1BFF;
	s21 =	sshll.u32 s8, $0x1;
	s5 =	sadd.s32 s6, s19  }
0x9e: {  	s9 =	simm.s32 $0x0;
	s20 =	sshll.u32 s7, $0x1;
	s7 =	sadd.s32 s21, s5  }
0x9f: {  	[timem:s9], [sflag:s22] =	dma.local [hbm:s7], s20  }
0xa0: {  	_ =	swait.ge [sflag:s22], s20  }
0xa1: {  	s6 =	ssub.s32 $0x0, s20;
	[sflag:s22] =	ssyncset.done $0x0  }
0xa2: {  	[sflag:s22] =	ssyncadd.s32 s6;
	_ =	sdelay $0x1  }
0xa3: {  	s23 =	simm.s32 $0x1B8B  }
0xa4: {  	_ =	swait.ge [sflag:s23], $0x1  }
0xa5: {  	[sflag:s23] =	ssyncset.done $0x0  }
0xa6: {  	s25 =	simm.s32 $0x1B8E;
	s24 =	sld [smem:$0x3FFE];
	[sflag:s23] =	ssyncadd.s32 $0xFFFFFFFF  }
0xa7: {  	s26 =	simm.s32 $execute0_lowered;
	[smem:$0x3FD2] =	sst s25  }
0xa8: {  	s7 =	sshll.u32 s26, $0x1;
	_ =	strace $0x80000046;
	[dreg:$0x1] =	wrdreg $0xFFFFFFFF  }
0xa9: {  	s28 =	simm.s32 $_size_execute0_lowered;
	s5 =	sadd.s32 s5, s7;
	[dreg:$0x0] =	wrdreg $0x0  }
0xaa: {  	s7 =	sshll.u32 s28, $0x1;
	[dreg:$0x2] =	wrdreg s5  }
0xab: {  	[dreg:$0x3] =	wrdreg s7  }
0xac: {  	[dreg:$0x4] =	wrdreg $0xC0  }
0xad: {  	_ =	task [dreg:s9], $0x5FFFF  }
0xae: {  	[dreg:$0x1] =	wrdreg $0xFFFFFFFF  }
0xaf: {  	[dreg:$0x0] =	wrdreg $0x60  }
0xb0: {  	[dreg:$0x2] =	wrdreg s24  }
0xb1: {  	[dreg:$0x3] =	wrdreg s2  }
0xb2: {  	[dreg:$0x4] =	wrdreg s18  }
0xb3: {  	[dreg:$0x5] =	wrdreg s4  }
0xb4: {  	[dreg:$0x6] =	wrdreg $0x9  }
0xb5: {  	_ =	task.clear_ibuf [dreg:s9], $0x7FFFF;
	_ =	strace $0x90000046  }
0xb6: {  	s29 =	simm.s32 $0x9;
	_ =	strace $0x80000048  }
0xb7: {  	_ =	swait.ge [sflag:s29], $0x1  }
0xb8: {  	[sflag:s29] =	ssyncadd.s32 $0xFFFFFFFF  }
0xb9: {  	_ =	strace $0x90000048  }
0xba: {  	_ =	sfence  }
0xbb: {  	s30 =	sld [smem:$0x0];
	_ =	sdelay $0x2  }
0xbc: {  	s31 =	sshll.u32 s1, $0xD;
	s1 =	sshrl.u32 s1, $0x2  }
0xbd: {  	s3 =	sand.u32 $0x4000, s31;
	s1 =	sadd.s32 s1, s30  }
0xbe: {  	s0 =	sor.u32 s3, s0;
	s1 =	sshll.u32 s1, $0x11  }
0xbf: {  	s0 =	sor.u32 s1, s0  }
0xc0: {  	s0 =	sadd.s32 $0x8F2B, s0  }
0xc1: {  	[sflag:s0] =	ssyncadd.remote.s32 $0x1  }
0xc2: {  	_ =	sfence.sel $0xFFFF  }
0xc3: {  	[dreg:$0x0] =	wrdreg $0xFFFFFFFF;
	(pc) =	sbr.abs _section_cstart, $3  }
0xc4: {  	[dreg:$0x1] =	wrdreg $0xFFFFFFFF  }
0xc5: {  	_ =	task.clear_ibuf [dreg:s9], $0x2FFFF;
	_ =	strace $0x9FFFFFFF  }
0xc6: {  	(tm) =	ssettm $0x7FFFFFFF  }
0xc7: {  	_ =	shalt  }
tec
execute0_lowered:
.L_overlay_start_1:
0x0: {  	(tag) =	ssettag $0x1  }
0x1: {  	s0 =	rddreg [dreg:$0x0]  }
0x2: {  	s1 =	rddreg [dreg:$0x1];
	v0 =	vimm.s32 $0x76543210;
	v1 =	vimm.s32 $0xFEDCBA98;
	v2 =	vimm.s32 $0xBA98FEDC  }
0x3: {  	s2 =	srdreg.scid;
	s3 =	stileid.u32;
	v3 =	vimm.s32 $0x32107654;
	v4 =	vimm.s32 $0xDCFE98BA;
	s10 =	simm.s32 $0xA  }
0x4: {  	s5 =	simm.s32 $0x0;
	v5 =	vimm.s32 $0x54761032;
	s13 =	simm.s32 $0x32;
	v6 =	vimm.s32 $0xEFCDAB89;
	s21 =	simm.s32 $0x200  }
0x5: {  	v7 =	vimm.s32 $0x67452301;
	s22 =	simm.s32 $0x17000;
	s23 =	simm.s32 $0x280;
	s24 =	simm.s32 $0x18C00  }
0x6: {  	s28 =	simm.s32 $0x1C400;
	s29 =	simm.s32 $0x2;
	s30 =	simm.s32 $0x3;
	v0 =	vunpack.c.l.s4.s8 v0;
	v1 =	vunpack.c.l.s4.s8 v1;
	v2 =	vunpack.c.l.s4.s8 v2  }
0x7: {  	s31 =	simm.s32 $0x4;
	s11 =	simm.s32 $0x9;
	s12 =	simm.s32 $0x0;
	v3 =	vunpack.c.l.s4.s8 v3;
	v4 =	vunpack.c.l.s4.s8 v4;
	v5 =	vunpack.c.l.s4.s8 v5  }
0x8: {  	s2 =	sand.u32 $0x1, s2;
	s3 =	sshll.u32 s3, $0x1;
	[smem:$0x7FF] =	sst s5;
	v6 =	vunpack.c.l.s4.s8 v6;
	v7 =	vunpack.c.l.s4.s8 v7;
	v2 =	vunpack.c.0.s8.s32 v2  }
0x9: {  	s6 =	sadd.s32 $0x40600, s0;
	s3 =	sor.u32 s2, s3;
	s2 =	ssub.s32 $0x2, s2;
	v3 =	vunpack.c.0.s8.s32 v3;
	v4 =	vunpack.c.0.s8.s32 v4;
	v5 =	vunpack.c.0.s8.s32 v5  }
0xa: {  	_ =	strace $0x80000047;
	s4 =	sshll.u32 s3, $0xD;
	s7 =	sshrl.u32 s2, $0x1;
	v1 =	vunpack.c.0.s8.s32 v1;
	v6 =	vunpack.c.0.s8.s32 v6;
	v7 =	vunpack.c.0.s8.s32 v7  }
0xb: {  	s26 =	sshll.u32 s3, $0xE;
	v0 =	vunpack.c.0.s8.s32 v0;
	s3 =	simm.s32 $0x7;
	s4 =	sadd.s32 s4, s0;
	v2 =	vcombine.low v3, v2  }
0xc: {  	s25 =	ssub.s32 s2, s7;
	s8 =	sadd.s32 $0xFFFFFC80, s26;
	s26 =	simm.s32 $0x1;
	v3 =	vcombine.low v5, v4;
	v4 =	vcombine.low v7, v6;
	v1 =	vand.u32 $0xF, v1  }
0xd: {  	vm0 =	vmmov $0x1;
	vm1 =	vcmask $0x308;
	s2 =	simm.s32 $0x5;
	s0 =	simm.s32 $0x6;
	s7 =	sadd.s32 $0x600, s4;
	v0 =	vcombine.low v1, v0  }
0xe: {  	s9 =	smax.u32 s25, $0x1;
	s25 =	simm.s32 $0x1A800;
	s4 =	simm.s32 $0x8;
	v1 =	vand.u32 $0xF, v2;
	v2 =	vand.u32 $0xF, v3;
	v3 =	vand.u32 $0xF, v4  }
.LBB2_1:
0xf: {  	[tilespmem:s5], [sflag:$0xA] =	stream.linear.gather [hbm4b:s7+s5], $0x10000, $0x38;
	[tilespmem:$0x1E980] =	vst v63  }
0x10: {  	_ =	swait.ge [sflag:s10], $0x10000  }
0x11: {  	[sflag:s10] =	ssyncset.done $0x0  }
0x12: {  	[sflag:s10] =	ssyncadd.s32 $0xFFFF0000  }
0x13: {  	s15 =	simm.s32 $0x1E800;
	s14 =	rddreg [dreg:$0x2]  }
0x14: {  	[tilespmem:s15], [sflag:$0xA] =	stream.linear.gather [hbm4b:s14+s5], $0x100, $0x38;
	[tilespmem:$0x1E980] =	vst v63  }
0x15: {  	_ =	swait.ge [sflag:s10], $0x100  }
0x16: {  	[sflag:s10] =	ssyncset.done $0x0  }
0x17: {  	[sflag:s10] =	ssyncadd.s32 $0xFFFFFF00  }
0x18: {  	s19 =	simm.s32 $0x1E900;
	s18 =	rddreg [dreg:$0x3]  }
0x19: {  	[tilespmem:s19], [sflag:$0xA] =	stream.linear.gather [hbm4b:s18+s5], $0x80, $0x38;
	[tilespmem:$0x1E980] =	vst v63  }
0x1a: {  	_ =	swait.ge [sflag:s10], $0x80  }
0x1b: {  	[sflag:s10] =	ssyncset.done $0x0  }
0x1c: {  	[sflag:s10] =	ssyncadd.s32 $0xFFFFFF80  }
0x1d: {  	v4 =	vld [tilespmem:$0x1E800];
	_ =	sdelay $0x4  }
0x1e: {  	[tilespmem:$0x1FFB0] =	vst v4;
	v4 =	vld [tilespmem:$0x1E810]  }
0x1f: {  	v21 =	vld [tilespmem:$0x1E900]  }
0x20: {  	v9 =	vld [tilespmem:$0x1E850]  }
0x21: {  	v10 =	vld [tilespmem:$0x1E860]  }
0x22: {  	v11 =	vld [tilespmem:$0x1E870]  }
0x23: {  	[tilespmem:$0x1FFC0] =	vst v4;
	v4 =	vld [tilespmem:$0x1E820]  }
0x24: {  	v12 =	vld [tilespmem:$0x1E880]  }
0x25: {  	v13 =	vld [tilespmem:$0x1E890]  }
0x26: {  	v14 =	vld [tilespmem:$0x1E8A0]  }
0x27: {  	v15 =	vld [tilespmem:$0x1E8B0]  }
0x28: {  	[tilespmem:$0x1FFD0] =	vst v4;
	v4 =	vld [tilespmem:$0x1E830]  }
0x29: {  	v16 =	vld [tilespmem:$0x1E8C0]  }
0x2a: {  	v17 =	vld [tilespmem:$0x1E8D0]  }
0x2b: {  	v18 =	vld [tilespmem:$0x1E8E0]  }
0x2c: {  	s20 =	simm.s32 $0x10000;
	v19 =	vld [tilespmem:$0x1E8F0]  }
0x2d: {  	[tilespmem:$0x1FFE0] =	vst v4;
	v4 =	vld [tilespmem:$0x1E840];
	[tilespmem:s20], [sflag:$0x1] =	stream.indirect.gather [hbm4b:s1+s13], $0x80, s5, s13, $0xb8  }
0x2e: {  	s16 =	simm.s32 $0x11C00;
	s15 =	simm.s32 $0x80  }
0x2f: {  	[tilespmem:s16], [sflag:$0x2] =	stream.indirect.gather [hbm4b:s1+s13], $0x80, s15, s13, $0xb8;
	[tilespmem:$0x1E980] =	vst v63  }
0x30: {  	s17 =	simm.s32 $0x100;
	s18 =	simm.s32 $0x13800  }
0x31: {  	[tilespmem:s18], [sflag:$0x3] =	stream.indirect.gather [hbm4b:s1+s13], $0x80, s17, s13, $0xb8;
	[tilespmem:$0x1E980] =	vst v63  }
0x32: {  	s19 =	simm.s32 $0x180;
	s20 =	simm.s32 $0x15400  }
0x33: {  	[tilespmem:s20], [sflag:$0x4] =	stream.indirect.gather [hbm4b:s1+s13], $0x80, s19, s13, $0xb8;
	[tilespmem:$0x1E980] =	vst v63  }
0x34: {  	_ = 	snop  }
0x35: {  	[tilespmem:s22], [sflag:$0x5] =	stream.indirect.gather [hbm4b:s1+s13], $0x80, s21, s13, $0xb8;
	[tilespmem:$0x1E980] =	vst v63  }
0x36: {  	s14 =	simm.s32 $0x0;
	[tilespmem:$0x1FFF0] =	vst v4  }
0x37: {  	v20 =	vbroadcast v21, $0x0;
	v21 =	vbroadcast v21, $0x1;
	[tilespmem:s24], [sflag:$0x6] =	stream.indirect.gather [hbm4b:s1+s13], $0x80, s23, s13, $0xb8;
	[tilespmem:$0x1E980] =	vst v63  }
.LBB2_2:
0x38: {  	s15 =	sshll.u32 s14, $0xA  }
0x39: {  	s15 =	sand.u32 $0x3FFFFC00, s15  }
0x3a: {  	s16 =	sor.u32 $0x300, s15  }
0x3b: {  	[tilespmem:s25], [sflag:$0x7] =	stream.indirect.gather [hbm4b:s1+s13], $0x80, s16, s13, $0xb8;
	[tilespmem:$0x1E980] =	vst v63  }
0x3c: {  	_ =	swait.ge [sflag:s26], $0x1900  }
0x3d: {  	[sflag:s26] =	ssyncset.done $0x0  }
0x3e: {  	s16 =	simm.s32 $0x0;
	[sflag:s26] =	ssyncadd.s32 $0xFFFFE700  }
0x3f: {  	v31 =	vld [tilespmem:s16+$0x10200]  }
0x40: {  	v34 =	vld [tilespmem:s16+$0x10210]  }
0x41: {  	v35 =	vld [tilespmem:s16+$0x10220]  }
0x42: {  	v37 =	vld [tilespmem:s16+$0x10230]  }
0x43: {  	v23 =	vld [tilespmem:s16+$0x10240]  }
0x44: {  	v25 =	vld [tilespmem:s16+$0x10250]  }
0x45: {  	v28 =	vld [tilespmem:s16+$0x10180]  }
0x46: {  	v46 =	vld [tilespmem:s16+$0x10190]  }
0x47: {  	v43 =	vld [tilespmem:s16+$0x101A0]  }
0x48: {  	v44 =	vld [tilespmem:s16+$0x101B0]  }
0x49: {  	v27 =	vld [tilespmem:s16+$0x101C0]  }
0x4a: {  	v29 =	vld [tilespmem:s16+$0x101D0]  }
0x4b: {  	v22 =	vld [tilespmem:s16+$0x10100]  }
0x4c: {  	v24 =	vld [tilespmem:s16+$0x10110]  }
0x4d: {  	v26 =	vld [tilespmem:s16+$0x10120]  }
0x4e: {  	v30 =	vld [tilespmem:s16+$0x10080]  }
0x4f: {  	v32 =	vld [tilespmem:s16+$0x10090]  }
0x50: {  	v33 =	vld [tilespmem:s16+$0x10000]  }
0x51: {  	v36 =	vld [tilespmem:s16+$0x10010]  }
0x52: {  	v38 =	vld [tilespmem:s16+$0x10020]  }
0x53: {  	v39 =	vld [tilespmem:s16+$0x10030]  }
0x54: {  	v40 =	vld [tilespmem:s16+$0x100A0]  }
0x55: {  	v42 =	vld [tilespmem:s16+$0x100B0]  }
0x56: {  	v47 =	vld [tilespmem:s16+$0x10130]  }
0x57: {  	v41 =	vimm.f32 $0.0e+00;
	v45 =	vld [tilespmem:s16+$0x10140]  }
0x58: {  	v50 =	vld [tilespmem:s16+$0x10150];
	v33 =	vadd.f32 v33, v41;
	v36 =	vadd.f32 v36, v41  }
0x59: {  	v51 =	vld [tilespmem:s16+$0x100C0];
	v38 =	vadd.f32 v38, v41;
	v39 =	vadd.f32 v39, v41  }
0x5a: {  	v52 =	vld [tilespmem:s16+$0x100D0];
	v30 =	vadd.f32 v30, v33;
	v32 =	vadd.f32 v32, v36  }
0x5b: {  	v49 =	vimm.f32 $0.0e+00;
	v53 =	vld [tilespmem:s16+$0x10040];
	v62 =	vadd.f32 v40, v38;
	v63 =	vadd.f32 v42, v39  }
0x5c: {  	v48 =	vimm.f32 $0.0e+00;
	v54 =	vld [tilespmem:s16+$0x10050];
	v56 =	vadd.f32 v22, v30;
	v57 =	vadd.f32 v24, v32  }
0x5d: {  	s17 =	simm.s32 $0xA00;
	v55 =	vld [tilespmem:s16+$0x10060];
	v58 =	vadd.f32 v26, v62;
	v59 =	vadd.f32 v47, v63;
	v47 =	vimm.f32 $0.0e+00  }
.LBB2_3:
0x5e: {  	p0 =	sne.s32 s17, $0x5A00;
	v22 =	vld [tilespmem:s16+$0x10070];
	v24 =	vadd.f32 v28, v56;
	v26 =	vadd.f32 v46, v57  }
0x5f: {  	v28 =	vld [tilespmem:s16+$0x100E0];
	v30 =	vadd.f32 v43, v58;
	v32 =	vadd.f32 v44, v59  }
0x60: {  	v33 =	vld [tilespmem:s16+$0x100F0];
	v24 =	vadd.f32 v31, v24;
	v26 =	vadd.f32 v34, v26  }
0x61: {  	v34 =	vld [tilespmem:s16+$0x10160];
	v30 =	vadd.f32 v35, v30;
	v32 =	vadd.f32 v37, v32  }
0x62: {  	v31 =	vadd.f32 v53, v41;
	v35 =	vadd.f32 v54, v49;
	v36 =	vld [tilespmem:s16+$0x10170]  }
0x63: {  	v37 =	vadd.f32 v55, v47;
	v22 =	vadd.f32 v22, v48;
	v38 =	vld [tilespmem:s16+$0x101E0]  }
0x64: {  	v31 =	vadd.f32 v51, v31;
	v35 =	vadd.f32 v52, v35;
	v39 =	vld [tilespmem:s16+$0x101F0]  }
0x65: {  	v28 =	vadd.f32 v28, v37;
	v22 =	vadd.f32 v33, v22;
	v33 =	vld [tilespmem:s16+$0x10260]  }
0x66: {  	v37 =	vadd.f32 v45, v31;
	v35 =	vadd.f32 v50, v35;
	v40 =	vld [tilespmem:s16+$0x10270];
	s16 =	sshra.s32 s17, $0x2  }
0x67: {  	v28 =	vadd.f32 v34, v28;
	v31 =	vld [tilespmem:s16+$0x10200];
	v22 =	vadd.f32 v36, v22  }
0x68: {  	v27 =	vadd.f32 v27, v37;
	v29 =	vadd.f32 v29, v35;
	v34 =	vld [tilespmem:s16+$0x10210]  }
0x69: {  	v28 =	vadd.f32 v38, v28;
	v35 =	vld [tilespmem:s16+$0x10220];
	v22 =	vadd.f32 v39, v22  }
0x6a: {  	v41 =	vadd.f32 v23, v27;
	v49 =	vadd.f32 v25, v29;
	v37 =	vld [tilespmem:s16+$0x10230]  }
0x6b: {  	v47 =	vadd.f32 v33, v28;
	v23 =	vld [tilespmem:s16+$0x10240];
	v48 =	vadd.f32 v40, v22  }
0x6c: {  	v25 =	vld [tilespmem:s16+$0x10250]  }
0x6d: {  	v28 =	vld [tilespmem:s16+$0x10180]  }
0x6e: {  	v46 =	vld [tilespmem:s16+$0x10190]  }
0x6f: {  	v43 =	vld [tilespmem:s16+$0x101A0]  }
0x70: {  	v44 =	vld [tilespmem:s16+$0x101B0]  }
0x71: {  	v27 =	vld [tilespmem:s16+$0x101C0]  }
0x72: {  	v29 =	vld [tilespmem:s16+$0x101D0]  }
0x73: {  	v22 =	vld [tilespmem:s16+$0x10100]  }
0x74: {  	v33 =	vld [tilespmem:s16+$0x10110]  }
0x75: {  	v36 =	vld [tilespmem:s16+$0x10120]  }
0x76: {  	v38 =	vld [tilespmem:s16+$0x10130]  }
0x77: {  	v39 =	vld [tilespmem:s16+$0x10080]  }
0x78: {  	v40 =	vld [tilespmem:s16+$0x10090]  }
0x79: {  	v42 =	vld [tilespmem:s16+$0x10000]  }
0x7a: {  	v50 =	vld [tilespmem:s16+$0x10010]  }
0x7b: {  	v51 =	vld [tilespmem:s16+$0x10020]  }
0x7c: {  	v52 =	vld [tilespmem:s16+$0x10030]  }
0x7d: {  	v54 =	vld [tilespmem:s16+$0x100A0]  }
0x7e: {  	v55 =	vld [tilespmem:s16+$0x100B0]  }
0x7f: {  	v45 =	vld [tilespmem:s16+$0x10140]  }
0x80: {  	v24 =	vadd.f32 v42, v24;
	v26 =	vadd.f32 v50, v26;
	v50 =	vld [tilespmem:s16+$0x10150]  }
.Ltmp0:
0x81: {  	v30 =	vadd.f32 v51, v30;
	v32 =	vadd.f32 v52, v32;
	v51 =	vld [tilespmem:s16+$0x100C0];
	(pc) =	sbr.rel @p0 .LBB2_3-.Ltmp0, $4  }
0x82: {  	v24 =	vadd.f32 v39, v24;
	v26 =	vadd.f32 v40, v26;
	v52 =	vld [tilespmem:s16+$0x100D0]  }
0x83: {  	v30 =	vadd.f32 v54, v30;
	v53 =	vld [tilespmem:s16+$0x10040];
	v32 =	vadd.f32 v55, v32  }
0x84: {  	v56 =	vadd.f32 v22, v24;
	v57 =	vadd.f32 v33, v26;
	v54 =	vld [tilespmem:s16+$0x10050]  }
0x85: {  	s17 =	sadd.s32 $0xA00, s17;
	v58 =	vadd.f32 v36, v30;
	v55 =	vld [tilespmem:s16+$0x10060];
	v59 =	vadd.f32 v38, v32  }
0x86: {  	v60 =	vld [tilespmem:s16+$0x10070]  }
0x87: {  	v61 =	vld [tilespmem:s16+$0x100E0]  }
0x88: {  	v62 =	vld [tilespmem:s16+$0x100F0]  }
0x89: {  	v63 =	vld [tilespmem:s16+$0x10160]  }
0x8a: {  	v4 =	vld [tilespmem:s16+$0x10170]  }
0x8b: {  	v5 =	vld [tilespmem:s16+$0x101E0]  }
0x8c: {  	v6 =	vld [tilespmem:s16+$0x101F0]  }
0x8d: {  	v7 =	vld [tilespmem:s16+$0x10260];
	s20 =	sadd.s32 $0x380, s15  }
0x8e: {  	v8 =	vld [tilespmem:s16+$0x10270];
	[tilespmem:s28], [sflag:$0x8] =	stream.indirect.gather [hbm4b:s1+s13], $0x80, s20, s13, $0xb8  }
0x8f: {  	_ =	swait.ge [sflag:s29], $0x1900  }
0x90: {  	[sflag:s29] =	ssyncset.done $0x0  }
0x91: {  	s16 =	simm.s32 $0x0;
	[sflag:s29] =	ssyncadd.s32 $0xFFFFE700  }
0x92: {  	v30 =	vld [tilespmem:s16+$0x11E00]  }
0x93: {  	v32 =	vld [tilespmem:s16+$0x11E10]  }
0x94: {  	v33 =	vld [tilespmem:s16+$0x11E20]  }
0x95: {  	v36 =	vld [tilespmem:s16+$0x11E30]  }
0x96: {  	v22 =	vld [tilespmem:s16+$0x11E40]  }
0x97: {  	v24 =	vld [tilespmem:s16+$0x11E50]  }
0x98: {  	v39 =	vld [tilespmem:s16+$0x11D80]  }
0x99: {  	v42 =	vld [tilespmem:s16+$0x11D90]  }
0x9a: {  	v38 =	vld [tilespmem:s16+$0x11DA0]  }
0x9b: {  	v40 =	vld [tilespmem:s16+$0x11DB0]  }
0x9c: {  	v26 =	vld [tilespmem:s16+$0x11DC0]  }
0x9d: {  	v56 =	vadd.f32 v28, v56;
	v46 =	vadd.f32 v46, v57;
	v28 =	vld [tilespmem:s16+$0x11DD0]  }
0x9e: {  	v43 =	vadd.f32 v43, v58;
	v44 =	vadd.f32 v44, v59;
	v57 =	vld [tilespmem:s16+$0x11D00]  }
0x9f: {  	v31 =	vadd.f32 v31, v56;
	v34 =	vadd.f32 v34, v46;
	v56 =	vld [tilespmem:s16+$0x11D10]  }
0xa0: {  	v41 =	vadd.f32 v53, v41;
	v35 =	vadd.f32 v35, v43;
	v43 =	vld [tilespmem:s16+$0x11D20]  }
0xa1: {  	v37 =	vadd.f32 v37, v44;
	v49 =	vadd.f32 v54, v49;
	v59 =	vld [tilespmem:s16+$0x11D30]  }
0xa2: {  	v58 =	vadd.f32 v55, v47;
	v41 =	vadd.f32 v51, v41;
	v53 =	vld [tilespmem:s16+$0x11C80]  }
0xa3: {  	v60 =	vadd.f32 v60, v48;
	v44 =	vadd.f32 v52, v49;
	v54 =	vld [tilespmem:s16+$0x11C90]  }
0xa4: {  	v51 =	vld [tilespmem:s16+$0x11C00];
	v46 =	vadd.f32 v61, v58;
	v41 =	vadd.f32 v45, v41  }
0xa5: {  	v47 =	vadd.f32 v62, v60;
	v44 =	vadd.f32 v50, v44;
	v62 =	vld [tilespmem:s16+$0x11C10]  }
0xa6: {  	v58 =	vld [tilespmem:s16+$0x11C20];
	v46 =	vadd.f32 v63, v46;
	v27 =	vadd.f32 v27, v41  }
0xa7: {  	v60 =	vld [tilespmem:s16+$0x11C30];
	v4 =	vadd.f32 v4, v47;
	v29 =	vadd.f32 v29, v44  }
0xa8: {  	v61 =	vld [tilespmem:s16+$0x11CA0];
	v5 =	vadd.f32 v5, v46;
	v46 =	vadd.f32 v23, v27  }
0xa9: {  	v23 =	vld [tilespmem:s16+$0x11CB0];
	v4 =	vadd.f32 v6, v4;
	v47 =	vadd.f32 v25, v29  }
0xaa: {  	v52 =	vld [tilespmem:s16+$0x11CC0];
	v48 =	vadd.f32 v7, v5;
	v5 =	vadd.f32 v62, v34  }
0xab: {  	v55 =	vld [tilespmem:s16+$0x11C50];
	v49 =	vadd.f32 v8, v4;
	v4 =	vadd.f32 v51, v31  }
0xac: {  	v50 =	vld [tilespmem:s16+$0x11D40];
	v62 =	vadd.f32 v58, v35;
	v8 =	vadd.f32 v60, v37  }
0xad: {  	v51 =	vld [tilespmem:s16+$0x11D50];
	v5 =	vadd.f32 v54, v5;
	v4 =	vadd.f32 v53, v4  }
0xae: {  	v54 =	vld [tilespmem:s16+$0x11C40];
	v6 =	vadd.f32 v61, v62;
	v63 =	vadd.f32 v23, v8  }
0xaf: {  	v53 =	vld [tilespmem:s16+$0x11CD0];
	v29 =	vadd.f32 v57, v4;
	v57 =	vadd.f32 v56, v5  }
0xb0: {  	s17 =	simm.s32 $0xA00;
	v58 =	vadd.f32 v43, v6;
	v56 =	vld [tilespmem:s16+$0x11C60];
	v59 =	vadd.f32 v59, v63  }
.LBB2_5:
0xb1: {  	p0 =	sne.s32 s17, $0x5A00;
	v4 =	vld [tilespmem:s16+$0x11C70];
	v5 =	vadd.f32 v39, v29;
	v6 =	vadd.f32 v42, v57  }
0xb2: {  	v7 =	vld [tilespmem:s16+$0x11CE0];
	v8 =	vadd.f32 v38, v58;
	v23 =	vadd.f32 v40, v59  }
0xb3: {  	v25 =	vld [tilespmem:s16+$0x11CF0];
	v5 =	vadd.f32 v30, v5;
	v6 =	vadd.f32 v32, v6  }
0xb4: {  	v27 =	vld [tilespmem:s16+$0x11D60];
	v8 =	vadd.f32 v33, v8;
	v23 =	vadd.f32 v36, v23  }
0xb5: {  	v29 =	vadd.f32 v54, v46;
	v30 =	vadd.f32 v55, v47;
	v31 =	vld [tilespmem:s16+$0x11D70]  }
0xb6: {  	v32 =	vadd.f32 v56, v48;
	v4 =	vadd.f32 v4, v49;
	v34 =	vld [tilespmem:s16+$0x11DE0]  }
0xb7: {  	v29 =	vadd.f32 v52, v29;
	v30 =	vadd.f32 v53, v30;
	v35 =	vld [tilespmem:s16+$0x11DF0]  }
0xb8: {  	v7 =	vadd.f32 v7, v32;
	v4 =	vadd.f32 v25, v4;
	v25 =	vld [tilespmem:s16+$0x11E60]  }
0xb9: {  	v29 =	vadd.f32 v50, v29;
	v33 =	vadd.f32 v51, v30;
	v37 =	vld [tilespmem:s16+$0x11E70];
	s16 =	sshra.s32 s17, $0x2  }
0xba: {  	v7 =	vadd.f32 v27, v7;
	v30 =	vld [tilespmem:s16+$0x11E00];
	v4 =	vadd.f32 v31, v4  }
0xbb: {  	v26 =	vadd.f32 v26, v29;
	v27 =	vadd.f32 v28, v33;
	v32 =	vld [tilespmem:s16+$0x11E10]  }
0xbc: {  	v7 =	vadd.f32 v34, v7;
	v33 =	vld [tilespmem:s16+$0x11E20];
	v4 =	vadd.f32 v35, v4  }
0xbd: {  	v46 =	vadd.f32 v22, v26;
	v47 =	vadd.f32 v24, v27;
	v36 =	vld [tilespmem:s16+$0x11E30]  }
0xbe: {  	v48 =	vadd.f32 v25, v7;
	v22 =	vld [tilespmem:s16+$0x11E40];
	v49 =	vadd.f32 v37, v4  }
0xbf: {  	v24 =	vld [tilespmem:s16+$0x11E50]  }
0xc0: {  	v39 =	vld [tilespmem:s16+$0x11D80]  }
0xc1: {  	v42 =	vld [tilespmem:s16+$0x11D90]  }
0xc2: {  	v38 =	vld [tilespmem:s16+$0x11DA0]  }
0xc3: {  	v40 =	vld [tilespmem:s16+$0x11DB0]  }
0xc4: {  	v26 =	vld [tilespmem:s16+$0x11DC0]  }
0xc5: {  	v28 =	vld [tilespmem:s16+$0x11DD0]  }
0xc6: {  	v4 =	vld [tilespmem:s16+$0x11D00]  }
0xc7: {  	v7 =	vld [tilespmem:s16+$0x11D10]  }
0xc8: {  	v25 =	vld [tilespmem:s16+$0x11D20]  }
0xc9: {  	v27 =	vld [tilespmem:s16+$0x11D30]  }
0xca: {  	v29 =	vld [tilespmem:s16+$0x11C80]  }
0xcb: {  	v31 =	vld [tilespmem:s16+$0x11C90]  }
0xcc: {  	v34 =	vld [tilespmem:s16+$0x11C00]  }
0xcd: {  	v35 =	vld [tilespmem:s16+$0x11C10]  }
0xce: {  	v37 =	vld [tilespmem:s16+$0x11C20]  }
0xcf: {  	v41 =	vld [tilespmem:s16+$0x11C30]  }
0xd0: {  	v43 =	vld [tilespmem:s16+$0x11CA0]  }
0xd1: {  	v44 =	vld [tilespmem:s16+$0x11CB0]  }
0xd2: {  	v50 =	vld [tilespmem:s16+$0x11D40]  }
0xd3: {  	v5 =	vadd.f32 v34, v5;
	v6 =	vadd.f32 v35, v6;
	v51 =	vld [tilespmem:s16+$0x11D50]  }
.Ltmp1:
0xd4: {  	v8 =	vadd.f32 v37, v8;
	v23 =	vadd.f32 v41, v23;
	v52 =	vld [tilespmem:s16+$0x11CC0];
	(pc) =	sbr.rel @p0 .LBB2_5-.Ltmp1, $4  }
0xd5: {  	v5 =	vadd.f32 v29, v5;
	v6 =	vadd.f32 v31, v6;
	v53 =	vld [tilespmem:s16+$0x11CD0]  }
0xd6: {  	v8 =	vadd.f32 v43, v8;
	v54 =	vld [tilespmem:s16+$0x11C40];
	v23 =	vadd.f32 v44, v23  }
0xd7: {  	v29 =	vadd.f32 v4, v5;
	v57 =	vadd.f32 v7, v6;
	v55 =	vld [tilespmem:s16+$0x11C50]  }
0xd8: {  	s17 =	sadd.s32 $0xA00, s17;
	v58 =	vadd.f32 v25, v8;
	v56 =	vld [tilespmem:s16+$0x11C60];
	v59 =	vadd.f32 v27, v23  }
0xd9: {  	v4 =	vld [tilespmem:s16+$0x11C70]  }
0xda: {  	v5 =	vld [tilespmem:s16+$0x11CE0]  }
0xdb: {  	v6 =	vld [tilespmem:s16+$0x11CF0]  }
0xdc: {  	v7 =	vld [tilespmem:s16+$0x11D60]  }
0xdd: {  	v8 =	vld [tilespmem:s16+$0x11D70]  }
0xde: {  	v60 =	vld [tilespmem:s16+$0x11DE0]  }
0xdf: {  	v61 =	vld [tilespmem:s16+$0x11DF0]  }
0xe0: {  	v62 =	vld [tilespmem:s16+$0x11E60];
	p0 =	seq.s32 s14, $0x3F  }
0xe1: {  	v63 =	vld [tilespmem:s16+$0x11E70];
	s16 =	sadd.s32 @!p0 $0x400, s15;
	s17 =	simm.s32 @!p0 $0x32;
	s18 =	simm.s32 @!p0 $0x10000  }
0xe2: {  	[tilespmem:s18], [sflag:$0x1] =	stream.indirect.gather @!p0 [hbm4b:s1+s17], $0x80, s16, s17, $0xb8;
	[tilespmem:$0x1E980] =	vst v63  }
0xe3: {  	_ =	swait.ge [sflag:s30], $0x1900  }
0xe4: {  	[sflag:s30] =	ssyncset.done $0x0  }
0xe5: {  	s16 =	simm.s32 $0x0;
	[sflag:s30] =	ssyncadd.s32 $0xFFFFE700  }
0xe6: {  	v31 =	vld [tilespmem:s16+$0x13A00]  }
0xe7: {  	v34 =	vld [tilespmem:s16+$0x13A10]  }
0xe8: {  	v35 =	vld [tilespmem:s16+$0x13A20]  }
0xe9: {  	v37 =	vld [tilespmem:s16+$0x13A30]  }
0xea: {  	v23 =	vld [tilespmem:s16+$0x13A40]  }
0xeb: {  	v25 =	vld [tilespmem:s16+$0x13A50]  }
0xec: {  	v43 =	vld [tilespmem:s16+$0x13980]  }
0xed: {  	v45 =	vld [tilespmem:s16+$0x13990]  }
0xee: {  	v41 =	vld [tilespmem:s16+$0x139A0]  }
0xef: {  	v44 =	vld [tilespmem:s16+$0x139B0]  }
0xf0: {  	v27 =	vld [tilespmem:s16+$0x139C0]  }
0xf1: {  	v39 =	vadd.f32 v39, v29;
	v42 =	vadd.f32 v42, v57;
	v29 =	vld [tilespmem:s16+$0x139D0]  }
0xf2: {  	v38 =	vadd.f32 v38, v58;
	v40 =	vadd.f32 v40, v59;
	v57 =	vld [tilespmem:s16+$0x13900]  }
0xf3: {  	v30 =	vadd.f32 v30, v39;
	v32 =	vadd.f32 v32, v42;
	v58 =	vld [tilespmem:s16+$0x13910]  }
0xf4: {  	v54 =	vadd.f32 v54, v46;
	v33 =	vadd.f32 v33, v38;
	v59 =	vld [tilespmem:s16+$0x13920]  }
0xf5: {  	v55 =	vadd.f32 v55, v47;
	v56 =	vadd.f32 v56, v48;
	v46 =	vld [tilespmem:s16+$0x13930]  }
0xf6: {  	v38 =	vadd.f32 v52, v54;
	v4 =	vadd.f32 v4, v49;
	v48 =	vld [tilespmem:s16+$0x13880]  }
0xf7: {  	v39 =	vadd.f32 v53, v55;
	v49 =	vld [tilespmem:s16+$0x13890];
	v5 =	vadd.f32 v5, v56  }
0xf8: {  	v38 =	vadd.f32 v50, v38;
	v50 =	vld [tilespmem:s16+$0x13810];
	v4 =	vadd.f32 v6, v4  }
0xf9: {  	v36 =	vadd.f32 v36, v40;
	v6 =	vld [tilespmem:s16+$0x13800];
	v39 =	vadd.f32 v51, v39  }
0xfa: {  	v5 =	vadd.f32 v7, v5;
	v7 =	vld [tilespmem:s16+$0x13820];
	v4 =	vadd.f32 v8, v4  }
0xfb: {  	v8 =	vadd.f32 v26, v38;
	v26 =	vadd.f32 v28, v39;
	v28 =	vld [tilespmem:s16+$0x13830]  }
0xfc: {  	v5 =	vadd.f32 v60, v5;
	v4 =	vadd.f32 v61, v4;
	v61 =	vld [tilespmem:s16+$0x138A0]  }
0xfd: {  	v38 =	vadd.f32 v22, v8;
	v39 =	vadd.f32 v24, v26;
	v8 =	vld [tilespmem:s16+$0x138B0]  }
0xfe: {  	v47 =	vld [tilespmem:s16+$0x13940];
	v40 =	vadd.f32 v62, v5;
	v5 =	vadd.f32 v50, v32  }
0xff: {  	v52 =	vld [tilespmem:s16+$0x138C0];
	v42 =	vadd.f32 v63, v4;
	v4 =	vadd.f32 v6, v30  }
0x100: {  	v53 =	vld [tilespmem:s16+$0x138D0];
	v62 =	vadd.f32 v7, v33;
	v63 =	vadd.f32 v28, v36  }
0x101: {  	v54 =	vld [tilespmem:s16+$0x13840];
	v5 =	vadd.f32 v49, v5;
	v4 =	vadd.f32 v48, v4  }
0x102: {  	v55 =	vld [tilespmem:s16+$0x13850];
	v6 =	vadd.f32 v61, v62;
	v7 =	vadd.f32 v8, v63  }
0x103: {  	v56 =	vld [tilespmem:s16+$0x13860];
	v28 =	vadd.f32 v57, v4;
	v57 =	vadd.f32 v58, v5  }
0x104: {  	s17 =	simm.s32 $0xA00;
	v51 =	vld [tilespmem:s16+$0x13950];
	v58 =	vadd.f32 v59, v6;
	v59 =	vadd.f32 v46, v7  }
.LBB2_7:
0x105: {  	p1 =	sne.s32 s17, $0x5A00;
	v4 =	vld [tilespmem:s16+$0x13870];
	v5 =	vadd.f32 v43, v28;
	v6 =	vadd.f32 v45, v57  }
0x106: {  	v7 =	vld [tilespmem:s16+$0x138E0];
	v8 =	vadd.f32 v41, v58;
	v22 =	vadd.f32 v44, v59  }
0x107: {  	v24 =	vld [tilespmem:s16+$0x138F0];
	v5 =	vadd.f32 v31, v5;
	v6 =	vadd.f32 v34, v6  }
0x108: {  	v26 =	vld [tilespmem:s16+$0x13960];
	v8 =	vadd.f32 v35, v8;
	v22 =	vadd.f32 v37, v22  }
0x109: {  	v28 =	vadd.f32 v54, v38;
	v30 =	vadd.f32 v55, v39;
	v32 =	vld [tilespmem:s16+$0x13970]  }
0x10a: {  	v31 =	vadd.f32 v56, v40;
	v4 =	vadd.f32 v4, v42;
	v33 =	vld [tilespmem:s16+$0x139E0]  }
0x10b: {  	v28 =	vadd.f32 v52, v28;
	v30 =	vadd.f32 v53, v30;
	v36 =	vld [tilespmem:s16+$0x139F0]  }
0x10c: {  	v7 =	vadd.f32 v7, v31;
	v4 =	vadd.f32 v24, v4;
	v24 =	vld [tilespmem:s16+$0x13A60]  }
0x10d: {  	v28 =	vadd.f32 v47, v28;
	v30 =	vadd.f32 v51, v30;
	v41 =	vld [tilespmem:s16+$0x13A70];
	s16 =	sshra.s32 s17, $0x2  }
0x10e: {  	v7 =	vadd.f32 v26, v7;
	v31 =	vld [tilespmem:s16+$0x13A00];
	v4 =	vadd.f32 v32, v4  }
0x10f: {  	v26 =	vadd.f32 v27, v28;
	v27 =	vadd.f32 v29, v30;
	v34 =	vld [tilespmem:s16+$0x13A10]  }
0x110: {  	v7 =	vadd.f32 v33, v7;
	v35 =	vld [tilespmem:s16+$0x13A20];
	v4 =	vadd.f32 v36, v4  }
0x111: {  	v38 =	vadd.f32 v23, v26;
	v39 =	vadd.f32 v25, v27;
	v37 =	vld [tilespmem:s16+$0x13A30]  }
0x112: {  	v40 =	vadd.f32 v24, v7;
	v23 =	vld [tilespmem:s16+$0x13A40];
	v42 =	vadd.f32 v41, v4  }
0x113: {  	v25 =	vld [tilespmem:s16+$0x13A50]  }
0x114: {  	v43 =	vld [tilespmem:s16+$0x13980]  }
0x115: {  	v45 =	vld [tilespmem:s16+$0x13990]  }
0x116: {  	v41 =	vld [tilespmem:s16+$0x139A0]  }
0x117: {  	v44 =	vld [tilespmem:s16+$0x139B0]  }
0x118: {  	v27 =	vld [tilespmem:s16+$0x139C0]  }
0x119: {  	v29 =	vld [tilespmem:s16+$0x139D0]  }
0x11a: {  	v4 =	vld [tilespmem:s16+$0x13900]  }
0x11b: {  	v7 =	vld [tilespmem:s16+$0x13910]  }
0x11c: {  	v24 =	vld [tilespmem:s16+$0x13920]  }
0x11d: {  	v26 =	vld [tilespmem:s16+$0x13930]  }
0x11e: {  	v28 =	vld [tilespmem:s16+$0x13880]  }
0x11f: {  	v30 =	vld [tilespmem:s16+$0x13890]  }
0x120: {  	v32 =	vld [tilespmem:s16+$0x13800]  }
0x121: {  	v33 =	vld [tilespmem:s16+$0x13810]  }
0x122: {  	v36 =	vld [tilespmem:s16+$0x13820]  }
0x123: {  	v46 =	vld [tilespmem:s16+$0x13830]  }
0x124: {  	v48 =	vld [tilespmem:s16+$0x138A0]  }
0x125: {  	v49 =	vld [tilespmem:s16+$0x138B0]  }
0x126: {  	v47 =	vld [tilespmem:s16+$0x13940]  }
0x127: {  	v5 =	vadd.f32 v32, v5;
	v6 =	vadd.f32 v33, v6;
	v51 =	vld [tilespmem:s16+$0x13950]  }
.Ltmp2:
0x128: {  	v8 =	vadd.f32 v36, v8;
	v22 =	vadd.f32 v46, v22;
	v52 =	vld [tilespmem:s16+$0x138C0];
	(pc) =	sbr.rel @p1 .LBB2_7-.Ltmp2, $4  }
0x129: {  	v5 =	vadd.f32 v28, v5;
	v6 =	vadd.f32 v30, v6;
	v53 =	vld [tilespmem:s16+$0x138D0]  }
0x12a: {  	v8 =	vadd.f32 v48, v8;
	v54 =	vld [tilespmem:s16+$0x13840];
	v22 =	vadd.f32 v49, v22  }
0x12b: {  	v28 =	vadd.f32 v4, v5;
	v57 =	vadd.f32 v7, v6;
	v55 =	vld [tilespmem:s16+$0x13850]  }
0x12c: {  	s17 =	sadd.s32 $0xA00, s17;
	v58 =	vadd.f32 v24, v8;
	v56 =	vld [tilespmem:s16+$0x13860];
	v59 =	vadd.f32 v26, v22  }
0x12d: {  	v4 =	vld [tilespmem:s16+$0x13870]  }
0x12e: {  	v5 =	vld [tilespmem:s16+$0x138E0]  }
0x12f: {  	v6 =	vld [tilespmem:s16+$0x138F0]  }
0x130: {  	v7 =	vld [tilespmem:s16+$0x13960]  }
0x131: {  	v8 =	vld [tilespmem:s16+$0x13970]  }
0x132: {  	v60 =	vld [tilespmem:s16+$0x139E0]  }
0x133: {  	v61 =	vld [tilespmem:s16+$0x139F0]  }
0x134: {  	v62 =	vld [tilespmem:s16+$0x13A60]  }
0x135: {  	v63 =	vld [tilespmem:s16+$0x13A70];
	s16 =	sadd.s32 @!p0 $0x480, s15;
	s17 =	simm.s32 @!p0 $0x32;
	s18 =	simm.s32 @!p0 $0x11C00  }
0x136: {  	[tilespmem:s18], [sflag:$0x2] =	stream.indirect.gather @!p0 [hbm4b:s1+s17], $0x80, s16, s17, $0xb8;
	[tilespmem:$0x1E980] =	vst v63  }
0x137: {  	_ =	swait.ge [sflag:s31], $0x1900  }
0x138: {  	[sflag:s31] =	ssyncset.done $0x0  }
0x139: {  	s16 =	simm.s32 $0x0;
	[sflag:s31] =	ssyncadd.s32 $0xFFFFE700  }
0x13a: {  	v30 =	vld [tilespmem:s16+$0x15600]  }
0x13b: {  	v32 =	vld [tilespmem:s16+$0x15610]  }
0x13c: {  	v33 =	vld [tilespmem:s16+$0x15620]  }
0x13d: {  	v36 =	vld [tilespmem:s16+$0x15630]  }
0x13e: {  	v24 =	vld [tilespmem:s16+$0x15640]  }
0x13f: {  	v22 =	vld [tilespmem:s16+$0x15650]  }
0x140: {  	v48 =	vld [tilespmem:s16+$0x15580]  }
0x141: {  	v50 =	vld [tilespmem:s16+$0x15590]  }
0x142: {  	v46 =	vld [tilespmem:s16+$0x155A0]  }
0x143: {  	v49 =	vld [tilespmem:s16+$0x155B0]  }
0x144: {  	v26 =	vld [tilespmem:s16+$0x155C0]  }
0x145: {  	v43 =	vadd.f32 v43, v28;
	v45 =	vadd.f32 v45, v57;
	v28 =	vld [tilespmem:s16+$0x155D0]  }
0x146: {  	v41 =	vadd.f32 v41, v58;
	v44 =	vadd.f32 v44, v59;
	v57 =	vld [tilespmem:s16+$0x15500]  }
0x147: {  	v43 =	vadd.f32 v31, v43;
	v34 =	vadd.f32 v34, v45;
	v45 =	vld [tilespmem:s16+$0x15510]  }
0x148: {  	v31 =	vadd.f32 v54, v38;
	v37 =	vadd.f32 v37, v44;
	v44 =	vld [tilespmem:s16+$0x15520]  }
0x149: {  	v35 =	vadd.f32 v35, v41;
	v58 =	vadd.f32 v55, v39;
	v54 =	vld [tilespmem:s16+$0x15530]  }
0x14a: {  	v59 =	vadd.f32 v56, v40;
	v4 =	vadd.f32 v4, v42;
	v40 =	vld [tilespmem:s16+$0x15480]  }
0x14b: {  	v31 =	vadd.f32 v52, v31;
	v38 =	vadd.f32 v53, v58;
	v53 =	vld [tilespmem:s16+$0x15490]  }
0x14c: {  	v55 =	vld [tilespmem:s16+$0x15400];
	v5 =	vadd.f32 v5, v59;
	v4 =	vadd.f32 v6, v4  }
0x14d: {  	v56 =	vld [tilespmem:s16+$0x15410];
	v31 =	vadd.f32 v47, v31;
	v38 =	vadd.f32 v51, v38  }
0x14e: {  	v58 =	vld [tilespmem:s16+$0x15420];
	v5 =	vadd.f32 v7, v5;
	v4 =	vadd.f32 v8, v4  }
0x14f: {  	v59 =	vld [tilespmem:s16+$0x15430];
	v8 =	vadd.f32 v27, v31;
	v27 =	vadd.f32 v29, v38  }
0x150: {  	v5 =	vadd.f32 v60, v5;
	v4 =	vadd.f32 v61, v4;
	v61 =	vld [tilespmem:s16+$0x154A0]  }
0x151: {  	v23 =	vadd.f32 v23, v8;
	v25 =	vadd.f32 v25, v27;
	v8 =	vld [tilespmem:s16+$0x154B0]  }
0x152: {  	v39 =	vld [tilespmem:s16+$0x15450];
	v27 =	vadd.f32 v62, v5;
	v5 =	vadd.f32 v56, v34  }
0x153: {  	v31 =	vld [tilespmem:s16+$0x15540];
	v29 =	vadd.f32 v63, v4;
	v4 =	vadd.f32 v55, v43  }
0x154: {  	v38 =	vld [tilespmem:s16+$0x15440];
	v62 =	vadd.f32 v58, v35;
	v63 =	vadd.f32 v59, v37  }
0x155: {  	v34 =	vld [tilespmem:s16+$0x15550];
	v5 =	vadd.f32 v53, v5;
	v4 =	vadd.f32 v40, v4  }
0x156: {  	v35 =	vld [tilespmem:s16+$0x154C0];
	v6 =	vadd.f32 v61, v62;
	v7 =	vadd.f32 v8, v63  }
0x157: {  	v37 =	vld [tilespmem:s16+$0x154D0];
	v42 =	vadd.f32 v45, v5;
	v41 =	vadd.f32 v57, v4  }
0x158: {  	s17 =	simm.s32 $0xA00;
	v40 =	vld [tilespmem:s16+$0x15460];
	v43 =	vadd.f32 v44, v6;
	v44 =	vadd.f32 v54, v7  }
.LBB2_9:
0x159: {  	p1 =	sne.s32 s17, $0x5A00;
	v4 =	vld [tilespmem:s16+$0x15470];
	v5 =	vadd.f32 v48, v41;
	v6 =	vadd.f32 v50, v42  }
0x15a: {  	v7 =	vld [tilespmem:s16+$0x154E0];
	v8 =	vadd.f32 v46, v43;
	v41 =	vadd.f32 v49, v44  }
0x15b: {  	v42 =	vld [tilespmem:s16+$0x154F0];
	v5 =	vadd.f32 v30, v5;
	v6 =	vadd.f32 v32, v6  }
0x15c: {  	v32 =	vld [tilespmem:s16+$0x15560];
	v8 =	vadd.f32 v33, v8;
	v41 =	vadd.f32 v36, v41  }
0x15d: {  	v23 =	vadd.f32 v38, v23;
	v25 =	vadd.f32 v39, v25;
	v33 =	vld [tilespmem:s16+$0x15570]  }
0x15e: {  	v27 =	vadd.f32 v40, v27;
	v4 =	vadd.f32 v4, v29;
	v29 =	vld [tilespmem:s16+$0x155E0]  }
0x15f: {  	v23 =	vadd.f32 v35, v23;
	v25 =	vadd.f32 v37, v25;
	v35 =	vld [tilespmem:s16+$0x155F0]  }
0x160: {  	v7 =	vadd.f32 v7, v27;
	v4 =	vadd.f32 v42, v4;
	v27 =	vld [tilespmem:s16+$0x15660]  }
0x161: {  	v23 =	vadd.f32 v31, v23;
	v25 =	vadd.f32 v34, v25;
	v31 =	vld [tilespmem:s16+$0x15670];
	s16 =	sshra.s32 s17, $0x2  }
0x162: {  	v7 =	vadd.f32 v32, v7;
	v30 =	vld [tilespmem:s16+$0x15600];
	v4 =	vadd.f32 v33, v4  }
0x163: {  	v23 =	vadd.f32 v26, v23;
	v25 =	vadd.f32 v28, v25;
	v32 =	vld [tilespmem:s16+$0x15610]  }
0x164: {  	v7 =	vadd.f32 v29, v7;
	v33 =	vld [tilespmem:s16+$0x15620];
	v4 =	vadd.f32 v35, v4  }
0x165: {  	v23 =	vadd.f32 v24, v23;
	v25 =	vadd.f32 v22, v25;
	v36 =	vld [tilespmem:s16+$0x15630]  }
0x166: {  	v27 =	vadd.f32 v27, v7;
	v24 =	vld [tilespmem:s16+$0x15640];
	v29 =	vadd.f32 v31, v4  }
0x167: {  	v22 =	vld [tilespmem:s16+$0x15650]  }
0x168: {  	v48 =	vld [tilespmem:s16+$0x15580]  }
0x169: {  	v50 =	vld [tilespmem:s16+$0x15590]  }
0x16a: {  	v46 =	vld [tilespmem:s16+$0x155A0]  }
0x16b: {  	v49 =	vld [tilespmem:s16+$0x155B0]  }
0x16c: {  	v26 =	vld [tilespmem:s16+$0x155C0]  }
0x16d: {  	v28 =	vld [tilespmem:s16+$0x155D0]  }
0x16e: {  	v4 =	vld [tilespmem:s16+$0x15500]  }
0x16f: {  	v7 =	vld [tilespmem:s16+$0x15510]  }
0x170: {  	v43 =	vld [tilespmem:s16+$0x15520]  }
0x171: {  	v44 =	vld [tilespmem:s16+$0x15530]  }
0x172: {  	v37 =	vld [tilespmem:s16+$0x15480]  }
0x173: {  	v38 =	vld [tilespmem:s16+$0x15490]  }
0x174: {  	v34 =	vld [tilespmem:s16+$0x15400]  }
0x175: {  	v35 =	vld [tilespmem:s16+$0x15410]  }
0x176: {  	v39 =	vld [tilespmem:s16+$0x15420]  }
0x177: {  	v40 =	vld [tilespmem:s16+$0x15430]  }
0x178: {  	v42 =	vld [tilespmem:s16+$0x154A0]  }
0x179: {  	v45 =	vld [tilespmem:s16+$0x154B0]  }
0x17a: {  	v31 =	vld [tilespmem:s16+$0x15540]  }
0x17b: {  	v5 =	vadd.f32 v34, v5;
	v6 =	vadd.f32 v35, v6;
	v34 =	vld [tilespmem:s16+$0x15550]  }
.Ltmp3:
0x17c: {  	v8 =	vadd.f32 v39, v8;
	v39 =	vadd.f32 v40, v41;
	v35 =	vld [tilespmem:s16+$0x154C0];
	(pc) =	sbr.rel @p1 .LBB2_9-.Ltmp3, $4  }
0x17d: {  	v5 =	vadd.f32 v37, v5;
	v6 =	vadd.f32 v38, v6;
	v37 =	vld [tilespmem:s16+$0x154D0]  }
0x17e: {  	v8 =	vadd.f32 v42, v8;
	v38 =	vld [tilespmem:s16+$0x15440];
	v45 =	vadd.f32 v45, v39  }
0x17f: {  	v41 =	vadd.f32 v4, v5;
	v42 =	vadd.f32 v7, v6;
	v39 =	vld [tilespmem:s16+$0x15450]  }
0x180: {  	s17 =	sadd.s32 $0xA00, s17;
	v43 =	vadd.f32 v43, v8;
	v40 =	vld [tilespmem:s16+$0x15460];
	v44 =	vadd.f32 v44, v45  }
0x181: {  	v4 =	vld [tilespmem:s16+$0x15470];
	_ =	sdelay $0x1  }
0x182: {  	v23 =	vadd.f32 v38, v23;
	_ =	sdelay $0x1  }
0x183: {  	v23 =	vadd.f32 v35, v23  }
0x184: {  	v4 =	vadd.f32 v4, v29;
	v29 =	vld [tilespmem:$0x1FFB0]  }
0x185: {  	v23 =	vadd.f32 v31, v23;
	v31 =	vld [tilespmem:$0x1FFC0]  }
0x186: {  	v5 =	vadd.f32 v48, v41;
	v6 =	vadd.f32 v50, v42;
	_ =	sdelay $0x1  }
0x187: {  	v5 =	vadd.f32 v30, v5;
	v6 =	vadd.f32 v32, v6;
	_ =	sdelay $0x1  }
0x188: {  	v29 =	vmul.f32 v5, v29;
	v31 =	vmul.f32 v6, v31;
	_ =	sdelay $0x1  }
0x189: {  	v23 =	vadd.f32 v26, v23;
	v26 =	vadd.f32 v31, v29;
	v29 =	vld [tilespmem:$0x1FFD0]  }
0x18a: {  	v8 =	vadd.f32 v46, v43;
	_ =	sdelay $0x1  }
0x18b: {  	v8 =	vadd.f32 v33, v8;
	_ =	sdelay $0x1  }
0x18c: {  	v52 =	vmul.f32 v8, v14;
	v29 =	vmul.f32 v8, v29;
	v8 =	vadd.f32 v24, v23;
	v24 =	vld [tilespmem:$0x1FFE0]  }
0x18d: {  	v7 =	vld [tilespmem:s16+$0x154E0];
	v47 =	vadd.f32 v49, v44;
	_ =	sdelay $0x1  }
0x18e: {  	v48 =	vld [tilespmem:s16+$0x154F0];
	v30 =	vadd.f32 v36, v47  }
0x18f: {  	v50 =	vld [tilespmem:s16+$0x15570];
	v25 =	vadd.f32 v39, v25;
	v27 =	vadd.f32 v40, v27  }
0x190: {  	v49 =	vld [tilespmem:s16+$0x15560];
	v23 =	vadd.f32 v29, v26;
	v24 =	vmul.f32 v30, v24  }
0x191: {  	v25 =	vadd.f32 v37, v25;
	v7 =	vadd.f32 v7, v27;
	v27 =	vld [tilespmem:s16+$0x155E0]  }
0x192: {  	v5 =	vmul.f32 v5, v12;
	v6 =	vmul.f32 v6, v13;
	v23 =	vadd.f32 v24, v23;
	v24 =	vld [tilespmem:$0x1FFF0]  }
0x193: {  	v51 =	vld [tilespmem:s16+$0x155F0];
	v25 =	vadd.f32 v34, v25  }
0x194: {  	v4 =	vadd.f32 v48, v4;
	v31 =	vld [tilespmem:s16+$0x15660];
	v5 =	vadd.f32 v6, v5  }
0x195: {  	v7 =	vadd.f32 v49, v7;
	v25 =	vadd.f32 v28, v25  }
0x196: {  	v53 =	vmul.f32 v30, v15;
	v4 =	vadd.f32 v50, v4;
	v5 =	vadd.f32 v52, v5;
	v26 =	vld [tilespmem:s16+$0x15670]  }
0x197: {  	v7 =	vadd.f32 v27, v7;
	v22 =	vadd.f32 v22, v25;
	v24 =	vmul.f32 v8, v24  }
0x198: {  	v4 =	vadd.f32 v51, v4;
	v5 =	vadd.f32 v53, v5;
	v54 =	vmul.f32 v8, v16  }
0x199: {  	v7 =	vadd.f32 v31, v7;
	v8 =	vadd.f32 v24, v23;
	v23 =	vmul.f32 v22, v9  }
0x19a: {  	v55 =	vmul.f32 v22, v17;
	v5 =	vadd.f32 v54, v5  }
0x19b: {  	v4 =	vadd.f32 v26, v4;
	v22 =	vmul.f32 v7, v10;
	v8 =	vadd.f32 v23, v8  }
0x19c: {  	v56 =	vmul.f32 v7, v18;
	v5 =	vadd.f32 v55, v5  }
0x19d: {  	v57 =	vadd.f32 v22, v8;
	v8 =	vmul.f32 v4, v11  }
0x19e: {  	v5 =	vadd.f32 v56, v5;
	v4 =	vmul.f32 v4, v19  }
0x19f: {  	v58 =	vadd.f32 v8, v57  }
0x1a0: {  	v4 =	vadd.f32 v4, v5  }
0x1a1: {  	v5 =	vperm.xlane v58, v0  }
0x1a2: {  	v59 =	vperm.xlane v4, v0  }
0x1a3: {  	v5 =	vadd.f32 v5, v58  }
0x1a4: {  	v4 =	vadd.f32 v59, v4  }
0x1a5: {  	v6 =	vperm.xlane v5, v1  }
0x1a6: {  	v7 =	vperm.xlane v4, v1  }
0x1a7: {  	v5 =	vadd.f32 v6, v5  }
0x1a8: {  	v4 =	vadd.f32 v7, v4  }
0x1a9: {  	v6 =	vperm.xlane v5, v2  }
0x1aa: {  	v7 =	vperm.xlane v4, v2  }
0x1ab: {  	v5 =	vadd.f32 v6, v5  }
0x1ac: {  	v4 =	vadd.f32 v7, v4  }
0x1ad: {  	v6 =	vperm.xlane v5, v3  }
0x1ae: {  	v7 =	vperm.xlane v4, v3  }
0x1af: {  	s16 =	sshll.u32 s14, $0x1;
	v5 =	vadd.f32 v6, v5  }
0x1b0: {  	p1 =	slt.u32 s14, $0x8;
	s18 =	sand.u32 $0x6, s16;
	v4 =	vadd.f32 v7, v4  }
0x1b1: {  	p2 =	sne.s32 @!p1 s18, $0x0;
	v5 =	vmul.f32 $4.999999890e-03, v5  }
0x1b2: {  	p1 =	por p2, p1;
	v4 =	vmul.f32 $4.999999890e-03, v4  }
0x1b3: {  	s17 =	sshll.u32 s14, $0x8;
	s19 =	simm.s32 @!p1 $0x9;
	v5 =	vadd.f32 v5, v20  }
0x1b4: {  	s17 =	sand.u32 $0x400, s17;
	_ =	swait.ge @!p1 [sflag:s19], $0x400;
	v4 =	vadd.f32 v4, v21  }
0x1b5: {  	s17 =	sor.u32 $0x1E000, s17;
	s18 =	sshll.u32 s18, $0x7;
	[sflag:s19] =	ssyncset.done @!p1 $0x0;
	v5 =	vnsel vm0, $0x0, v5  }
0x1b6: {  	s18 =	sor.u32 s18, s17;
	[sflag:s19] =	ssyncadd.s32 @!p1 $0xFFFFFC00;
	v4 =	vsel vm1, v5, v4  }
0x1b7: {  	s20 =	simm.s32 @!p0 $0x13800;
	s19 =	simm.s32 @!p0 $0x32;
	[tilespmem:s18+$0x0] =	vst v4;
	s18 =	sadd.s32 @!p0 $0x500, s15  }
0x1b8: {  	[tilespmem:s20], [sflag:$0x3] =	stream.indirect.gather @!p0 [hbm4b:s1+s19], $0x80, s18, s19, $0xb8;
	[tilespmem:$0x1E980] =	vst v63  }
0x1b9: {  	_ =	swait.ge [sflag:s2], $0x1900  }
0x1ba: {  	[sflag:s2] =	ssyncset.done $0x0  }
0x1bb: {  	s18 =	simm.s32 $0x0;
	[sflag:s2] =	ssyncadd.s32 $0xFFFFE700  }
0x1bc: {  	v31 =	vld [tilespmem:s18+$0x17200]  }
0x1bd: {  	v34 =	vld [tilespmem:s18+$0x17210]  }
0x1be: {  	v35 =	vld [tilespmem:s18+$0x17220]  }
0x1bf: {  	v37 =	vld [tilespmem:s18+$0x17230]  }
0x1c0: {  	v23 =	vld [tilespmem:s18+$0x17240]  }
0x1c1: {  	v25 =	vld [tilespmem:s18+$0x17250]  }
0x1c2: {  	v28 =	vld [tilespmem:s18+$0x17180]  }
0x1c3: {  	v46 =	vld [tilespmem:s18+$0x17190]  }
0x1c4: {  	v42 =	vld [tilespmem:s18+$0x171A0]  }
0x1c5: {  	v43 =	vld [tilespmem:s18+$0x171B0]  }
0x1c6: {  	v27 =	vld [tilespmem:s18+$0x171C0]  }
0x1c7: {  	v29 =	vld [tilespmem:s18+$0x171D0]  }
0x1c8: {  	v4 =	vld [tilespmem:s18+$0x17100]  }
0x1c9: {  	v5 =	vld [tilespmem:s18+$0x17110]  }
0x1ca: {  	v6 =	vld [tilespmem:s18+$0x17120]  }
0x1cb: {  	v60 =	vld [tilespmem:s18+$0x17080]  }
0x1cc: {  	v8 =	vld [tilespmem:s18+$0x17090]  }
0x1cd: {  	v22 =	vld [tilespmem:s18+$0x17000]  }
0x1ce: {  	v24 =	vld [tilespmem:s18+$0x17010]  }
0x1cf: {  	v26 =	vld [tilespmem:s18+$0x17020]  }
0x1d0: {  	v30 =	vld [tilespmem:s18+$0x17030]  }
0x1d1: {  	v61 =	vld [tilespmem:s18+$0x170A0]  }
0x1d2: {  	v62 =	vld [tilespmem:s18+$0x170B0]  }
0x1d3: {  	v63 =	vld [tilespmem:s18+$0x17130]  }
0x1d4: {  	v39 =	vimm.f32 $0.0e+00;
	v45 =	vld [tilespmem:s18+$0x17140]  }
0x1d5: {  	v50 =	vld [tilespmem:s18+$0x17150];
	v22 =	vadd.f32 v22, v39;
	v24 =	vadd.f32 v24, v39  }
0x1d6: {  	v51 =	vld [tilespmem:s18+$0x170C0];
	v26 =	vadd.f32 v26, v39;
	v30 =	vadd.f32 v30, v39  }
0x1d7: {  	v52 =	vld [tilespmem:s18+$0x170D0];
	v7 =	vadd.f32 v60, v22;
	v8 =	vadd.f32 v8, v24  }
0x1d8: {  	v47 =	vimm.f32 $0.0e+00;
	v53 =	vld [tilespmem:s18+$0x17040];
	v22 =	vadd.f32 v61, v26;
	v24 =	vadd.f32 v62, v30  }
0x1d9: {  	v48 =	vimm.f32 $0.0e+00;
	v54 =	vld [tilespmem:s18+$0x17050];
	v56 =	vadd.f32 v4, v7;
	v57 =	vadd.f32 v5, v8  }
0x1da: {  	v49 =	vimm.f32 $0.0e+00;
	s19 =	simm.s32 $0xA00;
	v55 =	vld [tilespmem:s18+$0x17060];
	v58 =	vadd.f32 v6, v22;
	v59 =	vadd.f32 v63, v24  }
.LBB2_11:
0x1db: {  	p1 =	sne.s32 s19, $0x5A00;
	v4 =	vld [tilespmem:s18+$0x17070];
	v5 =	vadd.f32 v28, v56;
	v6 =	vadd.f32 v46, v57  }
0x1dc: {  	v7 =	vld [tilespmem:s18+$0x170E0];
	v8 =	vadd.f32 v42, v58;
	v22 =	vadd.f32 v43, v59  }
0x1dd: {  	v24 =	vld [tilespmem:s18+$0x170F0];
	v5 =	vadd.f32 v31, v5;
	v6 =	vadd.f32 v34, v6  }
0x1de: {  	v26 =	vld [tilespmem:s18+$0x17160];
	v8 =	vadd.f32 v35, v8;
	v22 =	vadd.f32 v37, v22  }
0x1df: {  	v28 =	vadd.f32 v53, v39;
	v30 =	vadd.f32 v54, v49;
	v32 =	vld [tilespmem:s18+$0x17170]  }
0x1e0: {  	v31 =	vadd.f32 v55, v47;
	v4 =	vadd.f32 v4, v48;
	v33 =	vld [tilespmem:s18+$0x171E0]  }
0x1e1: {  	v28 =	vadd.f32 v51, v28;
	v30 =	vadd.f32 v52, v30;
	v36 =	vld [tilespmem:s18+$0x171F0]  }
0x1e2: {  	v7 =	vadd.f32 v7, v31;
	v4 =	vadd.f32 v24, v4;
	v24 =	vld [tilespmem:s18+$0x17260]  }
0x1e3: {  	v28 =	vadd.f32 v45, v28;
	v30 =	vadd.f32 v50, v30;
	v38 =	vld [tilespmem:s18+$0x17270];
	s18 =	sshra.s32 s19, $0x2  }
0x1e4: {  	v7 =	vadd.f32 v26, v7;
	v31 =	vld [tilespmem:s18+$0x17200];
	v4 =	vadd.f32 v32, v4  }
0x1e5: {  	v26 =	vadd.f32 v27, v28;
	v27 =	vadd.f32 v29, v30;
	v34 =	vld [tilespmem:s18+$0x17210]  }
0x1e6: {  	v7 =	vadd.f32 v33, v7;
	v35 =	vld [tilespmem:s18+$0x17220];
	v4 =	vadd.f32 v36, v4  }
0x1e7: {  	v39 =	vadd.f32 v23, v26;
	v49 =	vadd.f32 v25, v27;
	v37 =	vld [tilespmem:s18+$0x17230]  }
0x1e8: {  	v47 =	vadd.f32 v24, v7;
	v23 =	vld [tilespmem:s18+$0x17240];
	v48 =	vadd.f32 v38, v4  }
0x1e9: {  	v25 =	vld [tilespmem:s18+$0x17250]  }
0x1ea: {  	v28 =	vld [tilespmem:s18+$0x17180]  }
0x1eb: {  	v46 =	vld [tilespmem:s18+$0x17190]  }
0x1ec: {  	v42 =	vld [tilespmem:s18+$0x171A0]  }
0x1ed: {  	v43 =	vld [tilespmem:s18+$0x171B0]  }
0x1ee: {  	v27 =	vld [tilespmem:s18+$0x171C0]  }
0x1ef: {  	v29 =	vld [tilespmem:s18+$0x171D0]  }
0x1f0: {  	v4 =	vld [tilespmem:s18+$0x17100]  }
0x1f1: {  	v7 =	vld [tilespmem:s18+$0x17110]  }
0x1f2: {  	v24 =	vld [tilespmem:s18+$0x17120]  }
0x1f3: {  	v26 =	vld [tilespmem:s18+$0x17130]  }
0x1f4: {  	v30 =	vld [tilespmem:s18+$0x17080]  }
0x1f5: {  	v32 =	vld [tilespmem:s18+$0x17090]  }
0x1f6: {  	v33 =	vld [tilespmem:s18+$0x17000]  }
0x1f7: {  	v36 =	vld [tilespmem:s18+$0x17010]  }
0x1f8: {  	v38 =	vld [tilespmem:s18+$0x17020]  }
0x1f9: {  	v40 =	vld [tilespmem:s18+$0x17030]  }
0x1fa: {  	v41 =	vld [tilespmem:s18+$0x170A0]  }
0x1fb: {  	v44 =	vld [tilespmem:s18+$0x170B0]  }
0x1fc: {  	v45 =	vld [tilespmem:s18+$0x17140]  }
0x1fd: {  	v5 =	vadd.f32 v33, v5;
	v6 =	vadd.f32 v36, v6;
	v50 =	vld [tilespmem:s18+$0x17150]  }
.Ltmp4:
0x1fe: {  	v8 =	vadd.f32 v38, v8;
	v22 =	vadd.f32 v40, v22;
	v51 =	vld [tilespmem:s18+$0x170C0];
	(pc) =	sbr.rel @p1 .LBB2_11-.Ltmp4, $4  }
0x1ff: {  	v5 =	vadd.f32 v30, v5;
	v6 =	vadd.f32 v32, v6;
	v52 =	vld [tilespmem:s18+$0x170D0]  }
0x200: {  	v8 =	vadd.f32 v41, v8;
	v53 =	vld [tilespmem:s18+$0x17040];
	v22 =	vadd.f32 v44, v22  }
0x201: {  	v56 =	vadd.f32 v4, v5;
	v57 =	vadd.f32 v7, v6;
	v54 =	vld [tilespmem:s18+$0x17050]  }
0x202: {  	s19 =	sadd.s32 $0xA00, s19;
	v58 =	vadd.f32 v24, v8;
	v55 =	vld [tilespmem:s18+$0x17060];
	v59 =	vadd.f32 v26, v22  }
0x203: {  	v4 =	vld [tilespmem:s18+$0x17070]  }
0x204: {  	v5 =	vld [tilespmem:s18+$0x170E0]  }
0x205: {  	v6 =	vld [tilespmem:s18+$0x170F0]  }
0x206: {  	v7 =	vld [tilespmem:s18+$0x17160]  }
0x207: {  	v8 =	vld [tilespmem:s18+$0x17170]  }
0x208: {  	v60 =	vld [tilespmem:s18+$0x171E0]  }
0x209: {  	v61 =	vld [tilespmem:s18+$0x171F0]  }
0x20a: {  	v62 =	vld [tilespmem:s18+$0x17260]  }
0x20b: {  	v63 =	vld [tilespmem:s18+$0x17270];
	s18 =	sadd.s32 @!p0 $0x580, s15;
	s19 =	simm.s32 @!p0 $0x32;
	s20 =	simm.s32 @!p0 $0x15400  }
0x20c: {  	[tilespmem:s20], [sflag:$0x4] =	stream.indirect.gather @!p0 [hbm4b:s1+s19], $0x80, s18, s19, $0xb8;
	[tilespmem:$0x1E980] =	vst v63  }
0x20d: {  	_ =	swait.ge [sflag:s0], $0x1900  }
0x20e: {  	[sflag:s0] =	ssyncset.done $0x0  }
0x20f: {  	s18 =	simm.s32 $0x0;
	[sflag:s0] =	ssyncadd.s32 $0xFFFFE700  }
0x210: {  	v30 =	vld [tilespmem:s18+$0x18E00]  }
0x211: {  	v32 =	vld [tilespmem:s18+$0x18E10]  }
0x212: {  	v33 =	vld [tilespmem:s18+$0x18E20]  }
0x213: {  	v36 =	vld [tilespmem:s18+$0x18E30]  }
0x214: {  	v22 =	vld [tilespmem:s18+$0x18E40]  }
0x215: {  	v24 =	vld [tilespmem:s18+$0x18E50]  }
0x216: {  	v40 =	vld [tilespmem:s18+$0x18D80]  }
0x217: {  	v44 =	vld [tilespmem:s18+$0x18D90]  }
0x218: {  	v38 =	vld [tilespmem:s18+$0x18DA0]  }
0x219: {  	v41 =	vld [tilespmem:s18+$0x18DB0]  }
0x21a: {  	v26 =	vld [tilespmem:s18+$0x18DC0]  }
0x21b: {  	v56 =	vadd.f32 v28, v56;
	v46 =	vadd.f32 v46, v57;
	v28 =	vld [tilespmem:s18+$0x18DD0]  }
0x21c: {  	v42 =	vadd.f32 v42, v58;
	v43 =	vadd.f32 v43, v59;
	v57 =	vld [tilespmem:s18+$0x18D00]  }
0x21d: {  	v31 =	vadd.f32 v31, v56;
	v34 =	vadd.f32 v34, v46;
	v56 =	vld [tilespmem:s18+$0x18D10]  }
0x21e: {  	v39 =	vadd.f32 v53, v39;
	v35 =	vadd.f32 v35, v42;
	v42 =	vld [tilespmem:s18+$0x18D20]  }
0x21f: {  	v37 =	vadd.f32 v37, v43;
	v43 =	vadd.f32 v54, v49;
	v59 =	vld [tilespmem:s18+$0x18D30]  }
0x220: {  	v49 =	vadd.f32 v55, v47;
	v4 =	vadd.f32 v4, v48;
	v53 =	vld [tilespmem:s18+$0x18C80]  }
0x221: {  	v39 =	vadd.f32 v51, v39;
	v43 =	vadd.f32 v52, v43;
	v54 =	vld [tilespmem:s18+$0x18C90]  }
0x222: {  	v52 =	vld [tilespmem:s18+$0x18C00];
	v5 =	vadd.f32 v5, v49;
	v4 =	vadd.f32 v6, v4  }
0x223: {  	v55 =	vld [tilespmem:s18+$0x18C10];
	v39 =	vadd.f32 v45, v39;
	v43 =	vadd.f32 v50, v43  }
0x224: {  	v58 =	vld [tilespmem:s18+$0x18C20];
	v5 =	vadd.f32 v7, v5;
	v4 =	vadd.f32 v8, v4  }
0x225: {  	v8 =	vadd.f32 v27, v39;
	v27 =	vadd.f32 v29, v43;
	v29 =	vld [tilespmem:s18+$0x18C30]  }
0x226: {  	v5 =	vadd.f32 v60, v5;
	v4 =	vadd.f32 v61, v4;
	v61 =	vld [tilespmem:s18+$0x18CA0]  }
0x227: {  	v46 =	vadd.f32 v23, v8;
	v47 =	vadd.f32 v25, v27;
	v8 =	vld [tilespmem:s18+$0x18CB0]  }
0x228: {  	v51 =	vld [tilespmem:s18+$0x18D50];
	v48 =	vadd.f32 v62, v5;
	v5 =	vadd.f32 v55, v34  }
0x229: {  	v50 =	vld [tilespmem:s18+$0x18D40];
	v49 =	vadd.f32 v63, v4;
	v4 =	vadd.f32 v52, v31  }
0x22a: {  	v62 =	vadd.f32 v58, v35;
	v55 =	vld [tilespmem:s18+$0x18C50];
	v63 =	vadd.f32 v29, v37  }
0x22b: {  	v52 =	vld [tilespmem:s18+$0x18CC0];
	v5 =	vadd.f32 v54, v5;
	v4 =	vadd.f32 v53, v4  }
0x22c: {  	v54 =	vld [tilespmem:s18+$0x18C40];
	v6 =	vadd.f32 v61, v62;
	v7 =	vadd.f32 v8, v63  }
0x22d: {  	v53 =	vld [tilespmem:s18+$0x18CD0];
	v29 =	vadd.f32 v57, v4;
	v57 =	vadd.f32 v56, v5  }
0x22e: {  	s19 =	simm.s32 $0xA00;
	v56 =	vld [tilespmem:s18+$0x18C60];
	v58 =	vadd.f32 v42, v6;
	v59 =	vadd.f32 v59, v7  }
.LBB2_13:
0x22f: {  	p1 =	sne.s32 s19, $0x5A00;
	v4 =	vld [tilespmem:s18+$0x18C70];
	v5 =	vadd.f32 v40, v29;
	v6 =	vadd.f32 v44, v57  }
0x230: {  	v7 =	vld [tilespmem:s18+$0x18CE0];
	v8 =	vadd.f32 v38, v58;
	v23 =	vadd.f32 v41, v59  }
0x231: {  	v25 =	vld [tilespmem:s18+$0x18CF0];
	v5 =	vadd.f32 v30, v5;
	v6 =	vadd.f32 v32, v6  }
0x232: {  	v27 =	vld [tilespmem:s18+$0x18D60];
	v8 =	vadd.f32 v33, v8;
	v23 =	vadd.f32 v36, v23  }
0x233: {  	v29 =	vadd.f32 v54, v46;
	v30 =	vadd.f32 v55, v47;
	v31 =	vld [tilespmem:s18+$0x18D70]  }
0x234: {  	v32 =	vadd.f32 v56, v48;
	v4 =	vadd.f32 v4, v49;
	v34 =	vld [tilespmem:s18+$0x18DE0]  }
0x235: {  	v29 =	vadd.f32 v52, v29;
	v30 =	vadd.f32 v53, v30;
	v35 =	vld [tilespmem:s18+$0x18DF0]  }
0x236: {  	v7 =	vadd.f32 v7, v32;
	v4 =	vadd.f32 v25, v4;
	v25 =	vld [tilespmem:s18+$0x18E60]  }
0x237: {  	v29 =	vadd.f32 v50, v29;
	v33 =	vadd.f32 v51, v30;
	v37 =	vld [tilespmem:s18+$0x18E70];
	s18 =	sshra.s32 s19, $0x2  }
0x238: {  	v7 =	vadd.f32 v27, v7;
	v30 =	vld [tilespmem:s18+$0x18E00];
	v4 =	vadd.f32 v31, v4  }
0x239: {  	v26 =	vadd.f32 v26, v29;
	v27 =	vadd.f32 v28, v33;
	v32 =	vld [tilespmem:s18+$0x18E10]  }
0x23a: {  	v7 =	vadd.f32 v34, v7;
	v33 =	vld [tilespmem:s18+$0x18E20];
	v4 =	vadd.f32 v35, v4  }
0x23b: {  	v46 =	vadd.f32 v22, v26;
	v47 =	vadd.f32 v24, v27;
	v36 =	vld [tilespmem:s18+$0x18E30]  }
0x23c: {  	v48 =	vadd.f32 v25, v7;
	v22 =	vld [tilespmem:s18+$0x18E40];
	v49 =	vadd.f32 v37, v4  }
0x23d: {  	v24 =	vld [tilespmem:s18+$0x18E50]  }
0x23e: {  	v40 =	vld [tilespmem:s18+$0x18D80]  }
0x23f: {  	v44 =	vld [tilespmem:s18+$0x18D90]  }
0x240: {  	v38 =	vld [tilespmem:s18+$0x18DA0]  }
0x241: {  	v41 =	vld [tilespmem:s18+$0x18DB0]  }
0x242: {  	v26 =	vld [tilespmem:s18+$0x18DC0]  }
0x243: {  	v28 =	vld [tilespmem:s18+$0x18DD0]  }
0x244: {  	v4 =	vld [tilespmem:s18+$0x18D00]  }
0x245: {  	v7 =	vld [tilespmem:s18+$0x18D10]  }
0x246: {  	v25 =	vld [tilespmem:s18+$0x18D20]  }
0x247: {  	v27 =	vld [tilespmem:s18+$0x18D30]  }
0x248: {  	v29 =	vld [tilespmem:s18+$0x18C80]  }
0x249: {  	v31 =	vld [tilespmem:s18+$0x18C90]  }
0x24a: {  	v34 =	vld [tilespmem:s18+$0x18C00]  }
0x24b: {  	v35 =	vld [tilespmem:s18+$0x18C10]  }
0x24c: {  	v37 =	vld [tilespmem:s18+$0x18C20]  }
0x24d: {  	v39 =	vld [tilespmem:s18+$0x18C30]  }
0x24e: {  	v42 =	vld [tilespmem:s18+$0x18CA0]  }
0x24f: {  	v43 =	vld [tilespmem:s18+$0x18CB0]  }
0x250: {  	v50 =	vld [tilespmem:s18+$0x18D40]  }
0x251: {  	v5 =	vadd.f32 v34, v5;
	v6 =	vadd.f32 v35, v6;
	v51 =	vld [tilespmem:s18+$0x18D50]  }
.Ltmp5:
0x252: {  	v8 =	vadd.f32 v37, v8;
	v23 =	vadd.f32 v39, v23;
	v52 =	vld [tilespmem:s18+$0x18CC0];
	(pc) =	sbr.rel @p1 .LBB2_13-.Ltmp5, $4  }
0x253: {  	v5 =	vadd.f32 v29, v5;
	v6 =	vadd.f32 v31, v6;
	v53 =	vld [tilespmem:s18+$0x18CD0]  }
0x254: {  	v8 =	vadd.f32 v42, v8;
	v54 =	vld [tilespmem:s18+$0x18C40];
	v23 =	vadd.f32 v43, v23  }
0x255: {  	v29 =	vadd.f32 v4, v5;
	v57 =	vadd.f32 v7, v6;
	v55 =	vld [tilespmem:s18+$0x18C50]  }
0x256: {  	s19 =	sadd.s32 $0xA00, s19;
	v58 =	vadd.f32 v25, v8;
	v56 =	vld [tilespmem:s18+$0x18C60];
	v59 =	vadd.f32 v27, v23  }
0x257: {  	v4 =	vld [tilespmem:s18+$0x18C70]  }
0x258: {  	v5 =	vld [tilespmem:s18+$0x18CE0]  }
0x259: {  	v6 =	vld [tilespmem:s18+$0x18CF0]  }
0x25a: {  	v7 =	vld [tilespmem:s18+$0x18D60]  }
0x25b: {  	v8 =	vld [tilespmem:s18+$0x18D70]  }
0x25c: {  	v60 =	vld [tilespmem:s18+$0x18DE0]  }
0x25d: {  	v61 =	vld [tilespmem:s18+$0x18DF0]  }
0x25e: {  	v62 =	vld [tilespmem:s18+$0x18E60]  }
0x25f: {  	v63 =	vld [tilespmem:s18+$0x18E70];
	s18 =	sadd.s32 @!p0 $0x600, s15;
	s19 =	simm.s32 @!p0 $0x32;
	s20 =	simm.s32 @!p0 $0x17000  }
0x260: {  	[tilespmem:s20], [sflag:$0x5] =	stream.indirect.gather @!p0 [hbm4b:s1+s19], $0x80, s18, s19, $0xb8;
	[tilespmem:$0x1E980] =	vst v63  }
0x261: {  	_ =	swait.ge [sflag:s3], $0x1900  }
0x262: {  	[sflag:s3] =	ssyncset.done $0x0  }
0x263: {  	s18 =	simm.s32 $0x0;
	[sflag:s3] =	ssyncadd.s32 $0xFFFFE700  }
0x264: {  	v31 =	vld [tilespmem:s18+$0x1AA00]  }
0x265: {  	v34 =	vld [tilespmem:s18+$0x1AA10]  }
0x266: {  	v35 =	vld [tilespmem:s18+$0x1AA20]  }
0x267: {  	v37 =	vld [tilespmem:s18+$0x1AA30]  }
0x268: {  	v23 =	vld [tilespmem:s18+$0x1AA40]  }
0x269: {  	v25 =	vld [tilespmem:s18+$0x1AA50]  }
0x26a: {  	v42 =	vld [tilespmem:s18+$0x1A980]  }
0x26b: {  	v45 =	vld [tilespmem:s18+$0x1A990]  }
0x26c: {  	v39 =	vld [tilespmem:s18+$0x1A9A0]  }
0x26d: {  	v43 =	vld [tilespmem:s18+$0x1A9B0]  }
0x26e: {  	v27 =	vld [tilespmem:s18+$0x1A9C0]  }
0x26f: {  	v40 =	vadd.f32 v40, v29;
	v44 =	vadd.f32 v44, v57;
	v29 =	vld [tilespmem:s18+$0x1A9D0]  }
0x270: {  	v38 =	vadd.f32 v38, v58;
	v41 =	vadd.f32 v41, v59;
	v57 =	vld [tilespmem:s18+$0x1A900]  }
0x271: {  	v30 =	vadd.f32 v30, v40;
	v32 =	vadd.f32 v32, v44;
	v58 =	vld [tilespmem:s18+$0x1A910]  }
0x272: {  	v54 =	vadd.f32 v54, v46;
	v33 =	vadd.f32 v33, v38;
	v59 =	vld [tilespmem:s18+$0x1A920]  }
0x273: {  	v55 =	vadd.f32 v55, v47;
	v56 =	vadd.f32 v56, v48;
	v46 =	vld [tilespmem:s18+$0x1A930]  }
0x274: {  	v38 =	vadd.f32 v52, v54;
	v4 =	vadd.f32 v4, v49;
	v48 =	vld [tilespmem:s18+$0x1A880]  }
0x275: {  	v40 =	vadd.f32 v53, v55;
	v49 =	vld [tilespmem:s18+$0x1A890];
	v5 =	vadd.f32 v5, v56  }
0x276: {  	v38 =	vadd.f32 v50, v38;
	v50 =	vld [tilespmem:s18+$0x1A810];
	v4 =	vadd.f32 v6, v4  }
0x277: {  	v36 =	vadd.f32 v36, v41;
	v6 =	vld [tilespmem:s18+$0x1A800];
	v40 =	vadd.f32 v51, v40  }
0x278: {  	v5 =	vadd.f32 v7, v5;
	v7 =	vld [tilespmem:s18+$0x1A820];
	v4 =	vadd.f32 v8, v4  }
0x279: {  	v8 =	vadd.f32 v26, v38;
	v26 =	vadd.f32 v28, v40;
	v28 =	vld [tilespmem:s18+$0x1A830]  }
0x27a: {  	v5 =	vadd.f32 v60, v5;
	v4 =	vadd.f32 v61, v4;
	v61 =	vld [tilespmem:s18+$0x1A8A0]  }
0x27b: {  	v38 =	vadd.f32 v22, v8;
	v40 =	vadd.f32 v24, v26;
	v8 =	vld [tilespmem:s18+$0x1A8B0]  }
0x27c: {  	v47 =	vld [tilespmem:s18+$0x1A940];
	v41 =	vadd.f32 v62, v5;
	v5 =	vadd.f32 v50, v32  }
0x27d: {  	v52 =	vld [tilespmem:s18+$0x1A8C0];
	v44 =	vadd.f32 v63, v4;
	v4 =	vadd.f32 v6, v30  }
0x27e: {  	v53 =	vld [tilespmem:s18+$0x1A8D0];
	v62 =	vadd.f32 v7, v33;
	v63 =	vadd.f32 v28, v36  }
0x27f: {  	v54 =	vld [tilespmem:s18+$0x1A840];
	v5 =	vadd.f32 v49, v5;
	v4 =	vadd.f32 v48, v4  }
0x280: {  	v55 =	vld [tilespmem:s18+$0x1A850];
	v6 =	vadd.f32 v61, v62;
	v7 =	vadd.f32 v8, v63  }
0x281: {  	v56 =	vld [tilespmem:s18+$0x1A860];
	v28 =	vadd.f32 v57, v4;
	v57 =	vadd.f32 v58, v5  }
0x282: {  	s19 =	simm.s32 $0xA00;
	v51 =	vld [tilespmem:s18+$0x1A950];
	v58 =	vadd.f32 v59, v6;
	v59 =	vadd.f32 v46, v7  }
.LBB2_15:
0x283: {  	p1 =	sne.s32 s19, $0x5A00;
	v4 =	vld [tilespmem:s18+$0x1A870];
	v5 =	vadd.f32 v42, v28;
	v6 =	vadd.f32 v45, v57  }
0x284: {  	v7 =	vld [tilespmem:s18+$0x1A8E0];
	v8 =	vadd.f32 v39, v58;
	v22 =	vadd.f32 v43, v59  }
0x285: {  	v24 =	vld [tilespmem:s18+$0x1A8F0];
	v5 =	vadd.f32 v31, v5;
	v6 =	vadd.f32 v34, v6  }
0x286: {  	v26 =	vld [tilespmem:s18+$0x1A960];
	v8 =	vadd.f32 v35, v8;
	v22 =	vadd.f32 v37, v22  }
0x287: {  	v28 =	vadd.f32 v54, v38;
	v30 =	vadd.f32 v55, v40;
	v32 =	vld [tilespmem:s18+$0x1A970]  }
0x288: {  	v31 =	vadd.f32 v56, v41;
	v4 =	vadd.f32 v4, v44;
	v33 =	vld [tilespmem:s18+$0x1A9E0]  }
0x289: {  	v28 =	vadd.f32 v52, v28;
	v30 =	vadd.f32 v53, v30;
	v36 =	vld [tilespmem:s18+$0x1A9F0]  }
0x28a: {  	v7 =	vadd.f32 v7, v31;
	v4 =	vadd.f32 v24, v4;
	v24 =	vld [tilespmem:s18+$0x1AA60]  }
0x28b: {  	v28 =	vadd.f32 v47, v28;
	v30 =	vadd.f32 v51, v30;
	v39 =	vld [tilespmem:s18+$0x1AA70];
	s18 =	sshra.s32 s19, $0x2  }
0x28c: {  	v7 =	vadd.f32 v26, v7;
	v31 =	vld [tilespmem:s18+$0x1AA00];
	v4 =	vadd.f32 v32, v4  }
0x28d: {  	v26 =	vadd.f32 v27, v28;
	v27 =	vadd.f32 v29, v30;
	v34 =	vld [tilespmem:s18+$0x1AA10]  }
0x28e: {  	v7 =	vadd.f32 v33, v7;
	v35 =	vld [tilespmem:s18+$0x1AA20];
	v4 =	vadd.f32 v36, v4  }
0x28f: {  	v38 =	vadd.f32 v23, v26;
	v40 =	vadd.f32 v25, v27;
	v37 =	vld [tilespmem:s18+$0x1AA30]  }
0x290: {  	v41 =	vadd.f32 v24, v7;
	v23 =	vld [tilespmem:s18+$0x1AA40];
	v44 =	vadd.f32 v39, v4  }
0x291: {  	v25 =	vld [tilespmem:s18+$0x1AA50]  }
0x292: {  	v42 =	vld [tilespmem:s18+$0x1A980]  }
0x293: {  	v45 =	vld [tilespmem:s18+$0x1A990]  }
0x294: {  	v39 =	vld [tilespmem:s18+$0x1A9A0]  }
0x295: {  	v43 =	vld [tilespmem:s18+$0x1A9B0]  }
0x296: {  	v27 =	vld [tilespmem:s18+$0x1A9C0]  }
0x297: {  	v29 =	vld [tilespmem:s18+$0x1A9D0]  }
0x298: {  	v4 =	vld [tilespmem:s18+$0x1A900]  }
0x299: {  	v7 =	vld [tilespmem:s18+$0x1A910]  }
0x29a: {  	v24 =	vld [tilespmem:s18+$0x1A920]  }
0x29b: {  	v26 =	vld [tilespmem:s18+$0x1A930]  }
0x29c: {  	v28 =	vld [tilespmem:s18+$0x1A880]  }
0x29d: {  	v30 =	vld [tilespmem:s18+$0x1A890]  }
0x29e: {  	v32 =	vld [tilespmem:s18+$0x1A800]  }
0x29f: {  	v33 =	vld [tilespmem:s18+$0x1A810]  }
0x2a0: {  	v36 =	vld [tilespmem:s18+$0x1A820]  }
0x2a1: {  	v46 =	vld [tilespmem:s18+$0x1A830]  }
0x2a2: {  	v48 =	vld [tilespmem:s18+$0x1A8A0]  }
0x2a3: {  	v49 =	vld [tilespmem:s18+$0x1A8B0]  }
0x2a4: {  	v47 =	vld [tilespmem:s18+$0x1A940]  }
0x2a5: {  	v5 =	vadd.f32 v32, v5;
	v6 =	vadd.f32 v33, v6;
	v51 =	vld [tilespmem:s18+$0x1A950]  }
.Ltmp6:
0x2a6: {  	v8 =	vadd.f32 v36, v8;
	v22 =	vadd.f32 v46, v22;
	v52 =	vld [tilespmem:s18+$0x1A8C0];
	(pc) =	sbr.rel @p1 .LBB2_15-.Ltmp6, $4  }
0x2a7: {  	v5 =	vadd.f32 v28, v5;
	v6 =	vadd.f32 v30, v6;
	v53 =	vld [tilespmem:s18+$0x1A8D0]  }
0x2a8: {  	v8 =	vadd.f32 v48, v8;
	v54 =	vld [tilespmem:s18+$0x1A840];
	v22 =	vadd.f32 v49, v22  }
0x2a9: {  	v28 =	vadd.f32 v4, v5;
	v57 =	vadd.f32 v7, v6;
	v55 =	vld [tilespmem:s18+$0x1A850]  }
0x2aa: {  	s19 =	sadd.s32 $0xA00, s19;
	v58 =	vadd.f32 v24, v8;
	v56 =	vld [tilespmem:s18+$0x1A860];
	v59 =	vadd.f32 v26, v22  }
0x2ab: {  	v4 =	vld [tilespmem:s18+$0x1A870]  }
0x2ac: {  	v5 =	vld [tilespmem:s18+$0x1A8E0]  }
0x2ad: {  	v6 =	vld [tilespmem:s18+$0x1A8F0]  }
0x2ae: {  	v7 =	vld [tilespmem:s18+$0x1A960]  }
0x2af: {  	v8 =	vld [tilespmem:s18+$0x1A970]  }
0x2b0: {  	v60 =	vld [tilespmem:s18+$0x1A9E0]  }
0x2b1: {  	v61 =	vld [tilespmem:s18+$0x1A9F0]  }
0x2b2: {  	v62 =	vld [tilespmem:s18+$0x1AA60]  }
0x2b3: {  	v63 =	vld [tilespmem:s18+$0x1AA70];
	s15 =	sadd.s32 @!p0 $0x680, s15;
	s18 =	simm.s32 @!p0 $0x32;
	s19 =	simm.s32 @!p0 $0x18C00  }
0x2b4: {  	[tilespmem:s19], [sflag:$0x6] =	stream.indirect.gather @!p0 [hbm4b:s1+s18], $0x80, s15, s18, $0xb8;
	[tilespmem:$0x1E980] =	vst v63  }
0x2b5: {  	_ =	swait.ge [sflag:s4], $0x1900  }
0x2b6: {  	[sflag:s4] =	ssyncset.done $0x0  }
0x2b7: {  	s15 =	simm.s32 $0x0;
	[sflag:s4] =	ssyncadd.s32 $0xFFFFE700  }
0x2b8: {  	v30 =	vld [tilespmem:s15+$0x1C600]  }
0x2b9: {  	v32 =	vld [tilespmem:s15+$0x1C610]  }
0x2ba: {  	v33 =	vld [tilespmem:s15+$0x1C620]  }
0x2bb: {  	v36 =	vld [tilespmem:s15+$0x1C630]  }
0x2bc: {  	v24 =	vld [tilespmem:s15+$0x1C640]  }
0x2bd: {  	v22 =	vld [tilespmem:s15+$0x1C650]  }
0x2be: {  	v48 =	vld [tilespmem:s15+$0x1C580]  }
0x2bf: {  	v50 =	vld [tilespmem:s15+$0x1C590]  }
0x2c0: {  	v46 =	vld [tilespmem:s15+$0x1C5A0]  }
0x2c1: {  	v49 =	vld [tilespmem:s15+$0x1C5B0]  }
0x2c2: {  	v26 =	vld [tilespmem:s15+$0x1C5C0]  }
0x2c3: {  	v42 =	vadd.f32 v42, v28;
	v45 =	vadd.f32 v45, v57;
	v28 =	vld [tilespmem:s15+$0x1C5D0]  }
0x2c4: {  	v39 =	vadd.f32 v39, v58;
	v43 =	vadd.f32 v43, v59;
	v57 =	vld [tilespmem:s15+$0x1C500]  }
0x2c5: {  	v42 =	vadd.f32 v31, v42;
	v34 =	vadd.f32 v34, v45;
	v45 =	vld [tilespmem:s15+$0x1C510]  }
0x2c6: {  	v31 =	vadd.f32 v54, v38;
	v37 =	vadd.f32 v37, v43;
	v43 =	vld [tilespmem:s15+$0x1C520]  }
0x2c7: {  	v35 =	vadd.f32 v35, v39;
	v58 =	vadd.f32 v55, v40;
	v54 =	vld [tilespmem:s15+$0x1C530]  }
0x2c8: {  	v59 =	vadd.f32 v56, v41;
	v4 =	vadd.f32 v4, v44;
	v40 =	vld [tilespmem:s15+$0x1C480]  }
0x2c9: {  	v31 =	vadd.f32 v52, v31;
	v38 =	vadd.f32 v53, v58;
	v53 =	vld [tilespmem:s15+$0x1C490]  }
0x2ca: {  	v55 =	vld [tilespmem:s15+$0x1C400];
	v5 =	vadd.f32 v5, v59;
	v4 =	vadd.f32 v6, v4  }
0x2cb: {  	v56 =	vld [tilespmem:s15+$0x1C410];
	v31 =	vadd.f32 v47, v31;
	v38 =	vadd.f32 v51, v38  }
0x2cc: {  	v58 =	vld [tilespmem:s15+$0x1C420];
	v5 =	vadd.f32 v7, v5;
	v4 =	vadd.f32 v8, v4  }
0x2cd: {  	v59 =	vld [tilespmem:s15+$0x1C430];
	v8 =	vadd.f32 v27, v31;
	v27 =	vadd.f32 v29, v38  }
0x2ce: {  	v5 =	vadd.f32 v60, v5;
	v4 =	vadd.f32 v61, v4;
	v61 =	vld [tilespmem:s15+$0x1C4A0]  }
0x2cf: {  	v23 =	vadd.f32 v23, v8;
	v25 =	vadd.f32 v25, v27;
	v8 =	vld [tilespmem:s15+$0x1C4B0]  }
0x2d0: {  	v39 =	vld [tilespmem:s15+$0x1C450];
	v27 =	vadd.f32 v62, v5;
	v5 =	vadd.f32 v56, v34  }
0x2d1: {  	v31 =	vld [tilespmem:s15+$0x1C540];
	v29 =	vadd.f32 v63, v4;
	v4 =	vadd.f32 v55, v42  }
0x2d2: {  	v38 =	vld [tilespmem:s15+$0x1C440];
	v62 =	vadd.f32 v58, v35;
	v63 =	vadd.f32 v59, v37  }
0x2d3: {  	v34 =	vld [tilespmem:s15+$0x1C550];
	v5 =	vadd.f32 v53, v5;
	v4 =	vadd.f32 v40, v4  }
0x2d4: {  	v35 =	vld [tilespmem:s15+$0x1C4C0];
	v6 =	vadd.f32 v61, v62;
	v7 =	vadd.f32 v8, v63  }
0x2d5: {  	v37 =	vld [tilespmem:s15+$0x1C4D0];
	v42 =	vadd.f32 v45, v5;
	v41 =	vadd.f32 v57, v4  }
0x2d6: {  	s18 =	simm.s32 $0xA00;
	v40 =	vld [tilespmem:s15+$0x1C460];
	v43 =	vadd.f32 v43, v6;
	v44 =	vadd.f32 v54, v7  }
.LBB2_17:
0x2d7: {  	p0 =	sne.s32 s18, $0x5A00;
	v4 =	vld [tilespmem:s15+$0x1C470];
	v5 =	vadd.f32 v48, v41;
	v6 =	vadd.f32 v50, v42  }
0x2d8: {  	v7 =	vld [tilespmem:s15+$0x1C4E0];
	v8 =	vadd.f32 v46, v43;
	v41 =	vadd.f32 v49, v44  }
0x2d9: {  	v42 =	vld [tilespmem:s15+$0x1C4F0];
	v5 =	vadd.f32 v30, v5;
	v6 =	vadd.f32 v32, v6  }
0x2da: {  	v32 =	vld [tilespmem:s15+$0x1C560];
	v8 =	vadd.f32 v33, v8;
	v41 =	vadd.f32 v36, v41  }
0x2db: {  	v23 =	vadd.f32 v38, v23;
	v25 =	vadd.f32 v39, v25;
	v33 =	vld [tilespmem:s15+$0x1C570]  }
0x2dc: {  	v27 =	vadd.f32 v40, v27;
	v4 =	vadd.f32 v4, v29;
	v29 =	vld [tilespmem:s15+$0x1C5E0]  }
0x2dd: {  	v23 =	vadd.f32 v35, v23;
	v25 =	vadd.f32 v37, v25;
	v35 =	vld [tilespmem:s15+$0x1C5F0]  }
0x2de: {  	v7 =	vadd.f32 v7, v27;
	v4 =	vadd.f32 v42, v4;
	v27 =	vld [tilespmem:s15+$0x1C660]  }
0x2df: {  	v23 =	vadd.f32 v31, v23;
	v25 =	vadd.f32 v34, v25;
	v31 =	vld [tilespmem:s15+$0x1C670];
	s15 =	sshra.s32 s18, $0x2  }
0x2e0: {  	v7 =	vadd.f32 v32, v7;
	v30 =	vld [tilespmem:s15+$0x1C600];
	v4 =	vadd.f32 v33, v4  }
0x2e1: {  	v23 =	vadd.f32 v26, v23;
	v25 =	vadd.f32 v28, v25;
	v32 =	vld [tilespmem:s15+$0x1C610]  }
0x2e2: {  	v7 =	vadd.f32 v29, v7;
	v33 =	vld [tilespmem:s15+$0x1C620];
	v4 =	vadd.f32 v35, v4  }
0x2e3: {  	v23 =	vadd.f32 v24, v23;
	v25 =	vadd.f32 v22, v25;
	v36 =	vld [tilespmem:s15+$0x1C630]  }
0x2e4: {  	v27 =	vadd.f32 v27, v7;
	v24 =	vld [tilespmem:s15+$0x1C640];
	v29 =	vadd.f32 v31, v4  }
0x2e5: {  	v22 =	vld [tilespmem:s15+$0x1C650]  }
0x2e6: {  	v48 =	vld [tilespmem:s15+$0x1C580]  }
0x2e7: {  	v50 =	vld [tilespmem:s15+$0x1C590]  }
0x2e8: {  	v46 =	vld [tilespmem:s15+$0x1C5A0]  }
0x2e9: {  	v49 =	vld [tilespmem:s15+$0x1C5B0]  }
0x2ea: {  	v26 =	vld [tilespmem:s15+$0x1C5C0]  }
0x2eb: {  	v28 =	vld [tilespmem:s15+$0x1C5D0]  }
0x2ec: {  	v4 =	vld [tilespmem:s15+$0x1C500]  }
0x2ed: {  	v7 =	vld [tilespmem:s15+$0x1C510]  }
0x2ee: {  	v43 =	vld [tilespmem:s15+$0x1C520]  }
0x2ef: {  	v44 =	vld [tilespmem:s15+$0x1C530]  }
0x2f0: {  	v37 =	vld [tilespmem:s15+$0x1C480]  }
0x2f1: {  	v38 =	vld [tilespmem:s15+$0x1C490]  }
0x2f2: {  	v34 =	vld [tilespmem:s15+$0x1C400]  }
0x2f3: {  	v35 =	vld [tilespmem:s15+$0x1C410]  }
0x2f4: {  	v39 =	vld [tilespmem:s15+$0x1C420]  }
0x2f5: {  	v40 =	vld [tilespmem:s15+$0x1C430]  }
0x2f6: {  	v42 =	vld [tilespmem:s15+$0x1C4A0]  }
0x2f7: {  	v45 =	vld [tilespmem:s15+$0x1C4B0]  }
0x2f8: {  	v31 =	vld [tilespmem:s15+$0x1C540]  }
0x2f9: {  	v5 =	vadd.f32 v34, v5;
	v6 =	vadd.f32 v35, v6;
	v34 =	vld [tilespmem:s15+$0x1C550]  }
.Ltmp7:
0x2fa: {  	v8 =	vadd.f32 v39, v8;
	v39 =	vadd.f32 v40, v41;
	v35 =	vld [tilespmem:s15+$0x1C4C0];
	(pc) =	sbr.rel @p0 .LBB2_17-.Ltmp7, $4  }
0x2fb: {  	v5 =	vadd.f32 v37, v5;
	v6 =	vadd.f32 v38, v6;
	v37 =	vld [tilespmem:s15+$0x1C4D0]  }
0x2fc: {  	v8 =	vadd.f32 v42, v8;
	v38 =	vld [tilespmem:s15+$0x1C440];
	v45 =	vadd.f32 v45, v39  }
0x2fd: {  	v41 =	vadd.f32 v4, v5;
	v42 =	vadd.f32 v7, v6;
	v39 =	vld [tilespmem:s15+$0x1C450]  }
0x2fe: {  	s18 =	sadd.s32 $0xA00, s18;
	v43 =	vadd.f32 v43, v8;
	v40 =	vld [tilespmem:s15+$0x1C460];
	v44 =	vadd.f32 v44, v45  }
0x2ff: {  	v4 =	vld [tilespmem:s15+$0x1C470];
	v5 =	vadd.f32 v48, v41  }
0x300: {  	v6 =	vadd.f32 v50, v42;
	v7 =	vld [tilespmem:s15+$0x1C4E0];
	v8 =	vadd.f32 v46, v43  }
0x301: {  	v47 =	vld [tilespmem:$0x1FFB0];
	v62 =	vadd.f32 v49, v44;
	v5 =	vadd.f32 v30, v5  }
0x302: {  	v48 =	vld [tilespmem:$0x1FFC0];
	v6 =	vadd.f32 v32, v6;
	v23 =	vadd.f32 v38, v23  }
0x303: {  	v63 =	vld [tilespmem:s15+$0x1C4F0];
	v8 =	vadd.f32 v33, v8;
	v43 =	vadd.f32 v36, v62  }
0x304: {  	v44 =	vld [tilespmem:s15+$0x1C560];
	v25 =	vadd.f32 v39, v25;
	v27 =	vadd.f32 v40, v27  }
0x305: {  	v51 =	vld [tilespmem:$0x1FFD0];
	v23 =	vadd.f32 v35, v23;
	v4 =	vadd.f32 v4, v29  }
0x306: {  	v45 =	vld [tilespmem:s15+$0x1C570];
	v25 =	vadd.f32 v37, v25;
	v29 =	vmul.f32 v5, v47;
	v5 =	vmul.f32 v5, v12  }
0x307: {  	v54 =	vld [tilespmem:$0x1FFE0];
	v7 =	vadd.f32 v7, v27;
	v23 =	vadd.f32 v31, v23;
	v31 =	vmul.f32 v6, v48  }
0x308: {  	v46 =	vld [tilespmem:s15+$0x1C5E0];
	v6 =	vmul.f32 v6, v13;
	v4 =	vadd.f32 v63, v4;
	v25 =	vadd.f32 v34, v25  }
0x309: {  	v57 =	vld [tilespmem:$0x1FFF0];
	v7 =	vadd.f32 v44, v7;
	v23 =	vadd.f32 v26, v23  }
0x30a: {  	v49 =	vld [tilespmem:s15+$0x1C5F0];
	v50 =	vadd.f32 v31, v29;
	v29 =	vmul.f32 v8, v51;
	v5 =	vadd.f32 v6, v5  }
0x30b: {  	v52 =	vld [tilespmem:s15+$0x1C660];
	v53 =	vmul.f32 v8, v14;
	v4 =	vadd.f32 v45, v4;
	v25 =	vadd.f32 v28, v25  }
0x30c: {  	v8 =	vadd.f32 v24, v23;
	v23 =	vadd.f32 v29, v50;
	v24 =	vmul.f32 v43, v54  }
0x30d: {  	v55 =	vld [tilespmem:s15+$0x1C670];
	v56 =	vmul.f32 v43, v15;
	v7 =	vadd.f32 v46, v7;
	v5 =	vadd.f32 v53, v5  }
0x30e: {  	v22 =	vadd.f32 v22, v25;
	v23 =	vadd.f32 v24, v23;
	v24 =	vmul.f32 v8, v57  }
0x30f: {  	v4 =	vadd.f32 v49, v4;
	v5 =	vadd.f32 v56, v5;
	v58 =	vmul.f32 v8, v16  }
0x310: {  	v7 =	vadd.f32 v52, v7;
	v8 =	vadd.f32 v24, v23;
	v23 =	vmul.f32 v22, v9  }
0x311: {  	v59 =	vmul.f32 v22, v17;
	v5 =	vadd.f32 v58, v5  }
0x312: {  	v4 =	vadd.f32 v55, v4;
	v22 =	vmul.f32 v7, v10;
	v8 =	vadd.f32 v23, v8  }
0x313: {  	v60 =	vmul.f32 v7, v18;
	v5 =	vadd.f32 v59, v5  }
0x314: {  	v61 =	vadd.f32 v22, v8;
	v8 =	vmul.f32 v4, v11  }
0x315: {  	v5 =	vadd.f32 v60, v5;
	v4 =	vmul.f32 v4, v19  }
0x316: {  	v62 =	vadd.f32 v8, v61  }
0x317: {  	v4 =	vadd.f32 v4, v5  }
0x318: {  	v5 =	vperm.xlane v62, v0  }
0x319: {  	v63 =	vperm.xlane v4, v0  }
0x31a: {  	v5 =	vadd.f32 v5, v62  }
0x31b: {  	v4 =	vadd.f32 v63, v4  }
0x31c: {  	v6 =	vperm.xlane v5, v1  }
0x31d: {  	v7 =	vperm.xlane v4, v1  }
0x31e: {  	v5 =	vadd.f32 v6, v5  }
0x31f: {  	v4 =	vadd.f32 v7, v4  }
0x320: {  	v6 =	vperm.xlane v5, v2  }
0x321: {  	v7 =	vperm.xlane v4, v2  }
0x322: {  	v5 =	vadd.f32 v6, v5  }
0x323: {  	v4 =	vadd.f32 v7, v4  }
0x324: {  	v6 =	vperm.xlane v5, v3  }
0x325: {  	v7 =	vperm.xlane v4, v3  }
0x326: {  	v5 =	vadd.f32 v6, v5  }
0x327: {  	v4 =	vadd.f32 v7, v4  }
0x328: {  	s15 =	sor.u32 $0x1, s16;
	v5 =	vmul.f32 $4.999999890e-03, v5  }
0x329: {  	s16 =	sand.u32 $0x7, s15;
	v4 =	vmul.f32 $4.999999890e-03, v4  }
0x32a: {  	p0 =	sne.s32 s16, $0x7;
	v5 =	vadd.f32 v5, v20  }
0x32b: {  	s15 =	sshll.u32 @!p0 s15, $0x7;
	v4 =	vadd.f32 v4, v21  }
0x32c: {  	s16 =	sshll.u32 s16, $0x7;
	s15 =	sadd.s32 @!p0 s15, s8;
	v5 =	vnsel vm0, $0x0, v5  }
0x32d: {  	s16 =	sadd.s32 s16, s17;
	s15 =	sshrl.u32 @!p0 s15, $0x3;
	v4 =	vsel vm1, v5, v4  }
0x32e: {  	s14 =	sadd.s32 $0x1, s14;
	s15 =	sadd.s32 @!p0 s6, s15;
	[tilespmem:s16+$0x0] =	vst v4;
	s16 =	simm.s32 @!p0 $0x0  }
0x32f: {  	[hbm4b:s15+s16] =	stream.linear.scatter @!p0 [tilespmem:s17], [sflag:$0x9], $0x400, $0x38;
	[tilespmem:$0x1E980] =	vst v63  }
0x330: {  	p0 =	sne.s32 s14, $0x40  }
.Ltmp8:
0x331: {  	_ = 	snop;
	(pc) =	sbr.rel @p0 .LBB2_2-.Ltmp8, $1  }
0x332: {  	_ =	sdelay $0x3  }
0x333: {  	s12 =	sadd.s32 $0x1, s12  }
0x334: {  	_ =	swait.ge [sflag:s11], $0x400;
	p0 =	sne.s32 s12, s9  }
.Ltmp9:
0x335: {  	[sflag:s11] =	ssyncset.done $0x0;
	(pc) =	sbr.rel @p0 .LBB2_1-.Ltmp9, $4  }
0x336: {  	[sflag:s11] =	ssyncadd.s32 $0xFFFFFC00  }
0x337: {  	_ =	swait.ge [sflag:s11], $0x400  }
0x338: {  	[sflag:s11] =	ssyncset.done $0x0  }
0x339: {  	[sflag:s11] =	ssyncadd.s32 $0xFFFFFC00  }
0x33a: {  	_ =	sfence.sel $0x180000  }
0x33b: {  	[bflag:$0x0] =	sbarrier.arrive $0xFFFF  }
0x33c: {  	_ =	strace $0x90000047  }
0x33d: {  	s0 =	stileid.u32;
	[bflag:$0x2] =	sbarrier.arrive $0xFFFF  }
0x33e: {  	p0 =	sne.s32 s0, $0x0;
	s0 =	rddreg [dreg:$0x4]  }
0x33f: {  	s0 =	sadd.s32 @!p0 $0x100000, s0  }
0x340: {  	[sflag:s0] =	ssyncadd.tile.s32 @!p0 $0x1;
	_ =	shalt  }
.Lfunc_end2:
_tile_overlayer_lowered:
.L_overlay_start_2:
0x341: {  	(tag) =	ssettag $0x2  }
0x342: {  	s0 =	rddreg [dreg:$0x0];
	s2 =	stileid.u32  }
0x343: {  	s1 =	rddreg [dreg:$0x1];
	p0 =	sne.s32 s2, $0x0  }
0x344: {  	s3 =	rddreg [dreg:$0x2];
	[bflag:$0x3] =	sbarrier.arrive $0xFFFF;
	s2 =	simm.s32 @!p0 $0x1C0A  }
0x345: {  	[timem:s3], [sflag:s2] =	dma.local @!p0 [hbm:s0], s1  }
0x346: {  	s0 =	simm.s32 @!p0 $0xA  }
0x347: {  	_ =	swait.ge @!p0 [sflag:s0], s1  }
0x348: {  	s1 =	ssub.s32 @!p0 $0x0, s1;
	[sflag:s0] =	ssyncset.done @!p0 $0x0  }
0x349: {  	[sflag:s0] =	ssyncadd.s32 @!p0 s1  }
0x34a: {  	[bflag:$0x3] =	sbarrier.arrive $0xFFFF  }
0x34b: {  	_ =	shalt  }

</sc_bundles>
